<compile_context>
chip_gen: v7x
topology: tpu7x:2x2x1
jax: 0.10.2.dev20260603
libtpu: 0.0.44.dev20260713+nightly
codegen_flags: <defaults>
</compile_context>

<pallas_src>
import jax
import jax.numpy as jnp
from jax import lax
from jax.experimental import pallas as pl
from jax.experimental.pallas import tpu as pltpu
from jax.experimental.pallas import tpu_sc as plsc

N, E, D, H, F = 10000, 320000, 128, 8, 16
HF = H * F
AT = 80
BN = 2000
GRID = N // BN

_DOT = dict(preferred_element_type=jnp.float32, precision=lax.Precision.HIGHEST)


def _ehf():
    r = lax.broadcasted_iota(jnp.int32, (H, HF), 1) // F
    c = lax.broadcasted_iota(jnp.int32, (H, HF), 0)
    return (r == c).astype(jnp.float32)


def _pre_body(x_ref, wp_ref, asrc_ref, atrg_ref, a_ref, st_ref, bm_ref):
    x = x_ref[...]
    proj = lax.dot_general(x, wp_ref[...], (((1,), (1,)), ((), ())), **_DOT)
    ehf = _ehf()
    ss = lax.dot_general(proj * asrc_ref[...], ehf, (((1,), (1,)), ((), ())), **_DOT)
    st = lax.dot_general(proj * atrg_ref[...], ehf, (((1,), (1,)), ((), ())), **_DOT)
    zpad = jnp.zeros((x.shape[0], 8), jnp.float32)
    u = lax.bitcast_convert_type(proj.astype(jnp.bfloat16), jnp.uint16)
    lo = u[:, :64].astype(jnp.uint32)
    hi = u[:, 64:].astype(jnp.uint32)
    p32 = lo | (hi << jnp.uint32(16))
    ssu = lax.bitcast_convert_type(ss, jnp.uint32)
    zpu = jnp.zeros((x.shape[0], 8), jnp.uint32)
    a_ref[...] = jnp.concatenate([p32, ssu, zpu], axis=1)
    st_ref[...] = jnp.concatenate([st, zpad], axis=1)
    bm = jnp.concatenate([jnp.max(ss, axis=0), jnp.max(st, axis=0),
                          jnp.full((112,), -1e30, jnp.float32)])
    bm_ref[...] = jnp.broadcast_to(bm.reshape(1, HF), (8, HF))


def _pre(x, W_proj, a_src128, a_trg128):
    return pl.pallas_call(
        _pre_body,
        grid=(GRID,),
        in_specs=[
            pl.BlockSpec((BN, D), lambda i: (i, 0)),
            pl.BlockSpec((HF, D), lambda i: (0, 0)),
            pl.BlockSpec((1, HF), lambda i: (0, 0)),
            pl.BlockSpec((1, HF), lambda i: (0, 0)),
        ],
        out_specs=[
            pl.BlockSpec((BN, AT), lambda i: (i, 0)),
            pl.BlockSpec((BN, 16), lambda i: (i, 0)),
            pl.BlockSpec((8, HF), lambda i: (i, 0)),
        ],
        out_shape=[
            jax.ShapeDtypeStruct((N, AT), jnp.uint32),
            jax.ShapeDtypeStruct((N, 16), jnp.float32),
            jax.ShapeDtypeStruct((GRID * 8, HF), jnp.float32),
        ],
    )(x, W_proj, a_src128, a_trg128)


def _post_body(acc_ref, x_ref, wsk_ref, bias_ref, out_ref):
    num = acc_ref[0, :, :HF] + acc_ref[1, :, :HF]
    den = acc_ref[0, :, HF:HF + H] + acc_ref[1, :, HF:HF + H]
    recip = 1.0 / (den + 1e-16)
    recip128 = lax.dot_general(recip, _ehf(), (((1,), (0,)), ((), ())), **_DOT)
    skip = lax.dot_general(x_ref[...], wsk_ref[...], (((1,), (1,)), ((), ())), **_DOT)
    o = num * recip128 + skip + bias_ref[...]
    out_ref[...] = jnp.where(o > 0, o, jnp.exp(jnp.minimum(o, 0.0)) - 1.0)


def _post(acc2, x, W_skip, bias128):
    return pl.pallas_call(
        _post_body,
        grid=(GRID,),
        in_specs=[
            pl.BlockSpec((2, BN, 136), lambda i: (0, i, 0)),
            pl.BlockSpec((BN, D), lambda i: (i, 0)),
            pl.BlockSpec((HF, D), lambda i: (0, 0)),
            pl.BlockSpec((1, HF), lambda i: (0, 0)),
        ],
        out_specs=pl.BlockSpec((BN, HF), lambda i: (i, 0)),
        out_shape=jax.ShapeDtypeStruct((N, HF), jnp.float32),
    )(acc2, x, W_skip, bias128)


NC, NS = 2, 16
NW = NC * NS
EPW = E // NW
K = 40
CB = 50
NCH = EPW // (K * CB)
NSUP = 12
NROW = E // K
RPW = EPW // K
AW = HF + H
NP = 10112
RPS = NP // NS
_SC_MESH = plsc.VectorSubcoreMesh(core_axis_name="c", subcore_axis_name="s")


def _edge_body(a_hbm, st_hbm, src_hbm, trg_hbm, p_hbm, cm_hbm, acc_hbm,
               acc_sh, cm_v, src_big, trg_big, p_big,
               ax0, ax1, ay0, ay1, stx0, stx1, sty0, sty1, out0, out1,
               sem_ax0, sem_ax1, sem_ay0, sem_ay1,
               sem_sx0, sem_sx1, sem_sy0, sem_sy1, sem_sc0, sem_sc1):
    cid = lax.axis_index("c")
    sid = lax.axis_index("s")
    zvec = jnp.zeros((16,), jnp.float32)

    def zrow(r, carry):
        for jj in range(HF // 16):
            out0[r, pl.ds(jj * 16, 16)] = zvec
        out0[r, pl.ds(AW - 16, 16)] = zvec
        return carry

    lax.fori_loop(0, K, zrow, 0)
    for jj in range(15):
        pltpu.async_copy(out0, acc_sh.at[pl.ds(sid * RPS + jj * K, K)], sem_sc0)
    pltpu.async_copy(out0.at[pl.ds(0, 32)],
                     acc_sh.at[pl.ds(sid * RPS + 600, 32)], sem_sc1)
    for jj in range(15):
        pltpu.make_async_copy(out0, acc_sh.at[pl.ds(sid * RPS + jj * K, K)],
                              sem_sc0).wait()
    pltpu.make_async_copy(out0.at[pl.ds(0, 32)],
                          acc_sh.at[pl.ds(sid * RPS + 600, 32)], sem_sc1).wait()
    pltpu.sync_copy(cm_hbm, cm_v)
    plsc.subcore_barrier()

    cvec = cm_v[0, :]
    mvec = cm_v[1, :]
    widx = jnp.arange(16, dtype=jnp.int32) + HF
    wmask = jnp.arange(16, dtype=jnp.int32) < H
    wrb = (cid * NS + sid) * RPW

    def issue(j, a_r, st_r, sa, ss_):
        pltpu.async_copy(a_hbm.at[src_big.at[j]], a_r, sa)
        pltpu.async_copy(st_hbm.at[trg_big.at[j]], st_r, ss_)

    def wait_g(a_r, st_r, sa, ss_):
        pltpu.make_async_copy(a_hbm.at[src_big.at[0]], a_r, sa).wait()
        pltpu.make_async_copy(st_hbm.at[trg_big.at[0]], st_r, ss_).wait()

    def scat(j, out_r, sc):
        pltpu.async_copy(out_r, acc_sh.at[trg_big.at[j]], sc, add=True)

    def wait_sc(out_r, sc):
        pltpu.make_async_copy(out_r, acc_sh.at[trg_big.at[0]], sc).wait()

    def compute(j, a_r, st_r, out_r):
        jv = jnp.full((16,), j, jnp.int32)

        @plsc.parallel_loop(0, K, unroll=4)
        def edge(e):
            ev = jnp.full((16,), e, jnp.int32)
            pe = plsc.load_gather(p_big, [jv, ev])
            ssv = plsc.bitcast(a_r[e, pl.ds(64, 16)], jnp.float32)
            s = ssv + st_r[e, pl.ds(0, 16)] + pe * cvec
            s = jnp.where(s > 0, s, 0.2 * s)
            w = jnp.exp(s - mvec)
            plsc.store_scatter(out_r, [ev, widx], w, mask=wmask)
            for t in range(4):
                v = a_r[e, pl.ds(16 * t, 16)]
                lov = plsc.bitcast(v << jnp.uint32(16), jnp.float32)
                hiv = plsc.bitcast(v & jnp.uint32(0xFFFF0000), jnp.float32)
                out_r[e, pl.ds(t * 16, 16)] = lov * w[t]
                out_r[e, pl.ds((4 + t) * 16, 16)] = hiv * w[4 + t]

    def chunk(c, carry):
        @pl.when(c > 0)
        def _():
            wait_sc(out0, sem_sc0)
            wait_sc(out1, sem_sc1)

        r0 = wrb + c * CB
        pltpu.sync_copy(src_hbm.at[pl.ds(r0, CB)], src_big)
        pltpu.sync_copy(trg_hbm.at[pl.ds(r0, CB)], trg_big)
        pltpu.sync_copy(p_hbm.at[pl.ds(r0, CB)], p_big)
        issue(0, ax0, stx0, sem_ax0, sem_sx0)
        issue(1, ax1, stx1, sem_ax1, sem_sx1)

        def sup(q, carry2):
            j0 = 4 * q
            issue(j0 + 2, ay0, sty0, sem_ay0, sem_sy0)
            issue(j0 + 3, ay1, sty1, sem_ay1, sem_sy1)
            wait_g(ax0, stx0, sem_ax0, sem_sx0)
            wait_g(ax1, stx1, sem_ax1, sem_sx1)

            @pl.when(q >= 1)
            def _():
                wait_sc(out0, sem_sc0)
                wait_sc(out1, sem_sc1)

            compute(j0, ax0, stx0, out0)
            scat(j0, out0, sem_sc0)
            compute(j0 + 1, ax1, stx1, out1)
            scat(j0 + 1, out1, sem_sc1)
            issue(j0 + 4, ax0, stx0, sem_ax0, sem_sx0)
            issue(j0 + 5, ax1, stx1, sem_ax1, sem_sx1)
            wait_g(ay0, sty0, sem_ay0, sem_sy0)
            wait_g(ay1, sty1, sem_ay1, sem_sy1)
            wait_sc(out0, sem_sc0)
            wait_sc(out1, sem_sc1)
            compute(j0 + 2, ay0, sty0, out0)
            scat(j0 + 2, out0, sem_sc0)
            compute(j0 + 3, ay1, sty1, out1)
            scat(j0 + 3, out1, sem_sc1)
            return carry2

        lax.fori_loop(0, NSUP, sup, 0)
        wait_g(ax0, stx0, sem_ax0, sem_sx0)
        wait_g(ax1, stx1, sem_ax1, sem_sx1)
        wait_sc(out0, sem_sc0)
        wait_sc(out1, sem_sc1)
        compute(CB - 2, ax0, stx0, out0)
        scat(CB - 2, out0, sem_sc0)
        compute(CB - 1, ax1, stx1, out1)
        scat(CB - 1, out1, sem_sc1)
        return carry

    lax.fori_loop(0, NCH, chunk, 0)
    wait_sc(out0, sem_sc0)
    wait_sc(out1, sem_sc1)
    plsc.subcore_barrier()
    for jj in range(15):
        r0 = sid * RPS + jj * K
        pltpu.async_copy(acc_sh.at[pl.ds(r0, K)], acc_hbm.at[cid, pl.ds(r0, K)],
                         sem_sc0)
    r0 = sid * RPS + 600
    pltpu.async_copy(acc_sh.at[pl.ds(r0, 32)], acc_hbm.at[cid, pl.ds(r0, 32)],
                     sem_sc1)
    for jj in range(15):
        r0 = sid * RPS + jj * K
        pltpu.make_async_copy(acc_sh.at[pl.ds(r0, K)],
                              acc_hbm.at[cid, pl.ds(r0, K)], sem_sc0).wait()
    r0 = sid * RPS + 600
    pltpu.make_async_copy(acc_sh.at[pl.ds(r0, 32)],
                          acc_hbm.at[cid, pl.ds(r0, 32)], sem_sc1).wait()


_edge_sc = pl.kernel(
    _edge_body,
    out_type=jax.ShapeDtypeStruct((NC, NP, AW), jnp.float32),
    mesh=_SC_MESH,
    scratch_types=[
        pltpu.VMEM_SHARED((NP, AW), jnp.float32),
        pltpu.VMEM((2, 16), jnp.float32),
        pltpu.VMEM((CB, K), jnp.int32),
        pltpu.VMEM((CB, K), jnp.int32),
        pltpu.VMEM((CB, K), jnp.float32),
        pltpu.VMEM((K, AT), jnp.uint32),
        pltpu.VMEM((K, AT), jnp.uint32),
        pltpu.VMEM((K, AT), jnp.uint32),
        pltpu.VMEM((K, AT), jnp.uint32),
        pltpu.VMEM((K, 16), jnp.float32),
        pltpu.VMEM((K, 16), jnp.float32),
        pltpu.VMEM((K, 16), jnp.float32),
        pltpu.VMEM((K, 16), jnp.float32),
        pltpu.VMEM((K, AW), jnp.float32),
        pltpu.VMEM((K, AW), jnp.float32),
        pltpu.SemaphoreType.DMA,
        pltpu.SemaphoreType.DMA,
        pltpu.SemaphoreType.DMA,
        pltpu.SemaphoreType.DMA,
        pltpu.SemaphoreType.DMA,
        pltpu.SemaphoreType.DMA,
        pltpu.SemaphoreType.DMA,
        pltpu.SemaphoreType.DMA,
        pltpu.SemaphoreType.DMA,
        pltpu.SemaphoreType.DMA,
    ],
    compiler_params=pltpu.CompilerParams(use_tc_tiling_on_sc=False,
                                         needs_layout_passes=False),
)


def kernel(x, edge_index, edge_prob, W_proj, W_tp, a_src, a_trg, a_tp, W_skip, bias):
    a_src128 = a_src.reshape(1, HF)
    a_trg128 = a_trg.reshape(1, HF)
    bias128 = bias.reshape(1, HF)
    a_arr, st_arr, bm = _pre(x, W_proj, a_src128, a_trg128)
    c = (W_tp[:, 0].reshape(H, F) * a_tp[0]).sum(-1)
    m = bm[:, :H].max(0) + bm[:, H:2 * H].max(0) + jnp.maximum(c, 0.0)
    src = edge_index[0]
    trg = edge_index[1]
    p = edge_prob[:, 0]
    cm = jnp.stack([
        jnp.concatenate([c, jnp.zeros((8,), jnp.float32)]),
        jnp.concatenate([m, jnp.full((8,), 1e9, jnp.float32)]),
    ])
    acc2 = _edge_sc(a_arr, st_arr, src.reshape(NROW, K), trg.reshape(NROW, K),
                    p.reshape(NROW, K), cm)
    out = _post(acc2, x, W_skip, bias128)
    return (out, edge_index, edge_prob)

# --- scband reference (transcript-rebuilt; emitter-appended) ---
"""Pipeline reference for scband-gat2-6631429505167 (READ-ONLY COPY).

The authoritative reference and input builder live on the scoring server;
editing this copy changes nothing except your own understanding.
"""

import jax, jax.numpy as jnp
import numpy as np

N = 10000
E = 320000
D = 128
H = 8
F = 16


def setup_inputs(seed: int = 0) -> dict:
    key = jax.random.key(seed)
    ks = jax.random.split(key, 9)
    x = jax.random.normal(ks[0], (N, D), dtype=jnp.float32)
    edge_index = jax.random.randint(ks[1], (2, E), 0, N, dtype=jnp.int32)
    edge_prob = jax.random.uniform(ks[2], (E, 1), dtype=jnp.float32)
    s = float(1.0 / np.sqrt(D))
    W_proj = jax.random.uniform(ks[3], (H * F, D), minval=-s, maxval=s, dtype=jnp.float32)
    W_tp = jax.random.uniform(ks[4], (H * F, 1), minval=-1.0, maxval=1.0, dtype=jnp.float32)
    a_src = jax.random.uniform(ks[5], (1, H, F), minval=-s, maxval=s, dtype=jnp.float32)
    a_trg = jax.random.uniform(ks[6], (1, H, F), minval=-s, maxval=s, dtype=jnp.float32)
    a_tp = jax.random.uniform(ks[7], (1, H, F), minval=-s, maxval=s, dtype=jnp.float32)
    W_skip = jax.random.uniform(ks[8], (H * F, D), minval=-s, maxval=s, dtype=jnp.float32)
    bias = jnp.zeros((H * F,), dtype=jnp.float32)
    return {"x": x, "edge_index": edge_index, "edge_prob": edge_prob,
            "W_proj": W_proj, "W_tp": W_tp, "a_src": a_src, "a_trg": a_trg,
            "a_tp": a_tp, "W_skip": W_skip, "bias": bias}


def reference(x, edge_index, edge_prob, W_proj, W_tp, a_src, a_trg, a_tp, W_skip, bias):
    # linear_proj (dropout_prob=0.0 -> identity dropouts)
    proj = (x @ W_proj.T).reshape(-1, H, F)                      # [N,H,F]
    tp = (edge_prob @ W_tp.T).reshape(-1, H, F)                  # [E,H,F]
    scores_source = (proj * a_src).sum(-1)                       # [N,H]
    scores_target = (proj * a_trg).sum(-1)                       # [N,H]
    src = edge_index[0]
    trg = edge_index[1]
    # lift (gather by edge endpoints)
    ss_lift = jnp.take(scores_source, src, axis=0)               # [E,H]
    st_lift = jnp.take(scores_target, trg, axis=0)               # [E,H]
    proj_lift = jnp.take(proj, src, axis=0)                      # [E,H,F]
    scores_tp = (tp * a_tp).sum(-1)                              # [E,H]
    scores = ss_lift + st_lift + scores_tp
    scores = jnp.where(scores > 0, scores, 0.2 * scores)         # LeakyReLU(0.2)
    # neighborhood-aware softmax (global max subtraction, as in torch code)
    scores = scores - scores.max()
    exp_scores = jnp.exp(scores)
    denom = jax.ops.segment_sum(exp_scores, trg, num_segments=N) # scatter-add [N,H]
    attn = exp_scores / (jnp.take(denom, trg, axis=0) + 1e-16)   # [E,H]
    weighted = proj_lift * attn[..., None]                       # [E,H,F]
    out = jax.ops.segment_sum(weighted, trg, num_segments=N)     # [N,H,F]
    # skip connection: out last dim F=16 != in dim 128 -> skip_proj path
    out = out + (x @ W_skip.T).reshape(-1, H, F)
    # concat heads + bias + ELU activation
    out = out.reshape(-1, H * F) + bias
    out = jax.nn.elu(out)
    return (out, edge_index, edge_prob)

if __name__ == "__main__":
    import jax
    _d = setup_inputs()
    print(jax.jit(kernel)(*tuple(_d.values())))

</pallas_src>

<mosaic_0001>
#map = affine_map<(d0, d1) -> (0, 0)>
#map1 = affine_map<(d0, d1) -> (0, 0, 0)>
module attributes {stable_mosaic.version = 14 : i64} {
  func.func @_edge_body(%arg0: i32, %arg1: i32, %arg2: memref<10000x80xi32, #tpu.memory_space<hbm>>, %arg3: memref<10000x16xf32, #tpu.memory_space<hbm>>, %arg4: memref<8000x40xi32, #tpu.memory_space<hbm>>, %arg5: memref<8000x40xi32, #tpu.memory_space<hbm>>, %arg6: memref<8000x40xf32, #tpu.memory_space<hbm>>, %arg7: memref<2x16xf32, #tpu.memory_space<hbm>>, %arg8: memref<2x10112x136xf32, #tpu.memory_space<hbm>>, %arg9: memref<10112x136xf32, #tpu.memory_space<vmem_shared>>, %arg10: memref<2x16xf32, #tpu.memory_space<vmem>>, %arg11: memref<50x40xi32, #tpu.memory_space<vmem>>, %arg12: memref<50x40xi32, #tpu.memory_space<vmem>>, %arg13: memref<50x40xf32, #tpu.memory_space<vmem>>, %arg14: memref<40x80xi32, #tpu.memory_space<vmem>>, %arg15: memref<40x80xi32, #tpu.memory_space<vmem>>, %arg16: memref<40x80xi32, #tpu.memory_space<vmem>>, %arg17: memref<40x80xi32, #tpu.memory_space<vmem>>, %arg18: memref<40x16xf32, #tpu.memory_space<vmem>>, %arg19: memref<40x16xf32, #tpu.memory_space<vmem>>, %arg20: memref<40x16xf32, #tpu.memory_space<vmem>>, %arg21: memref<40x16xf32, #tpu.memory_space<vmem>>, %arg22: memref<40x136xf32, #tpu.memory_space<vmem>>, %arg23: memref<40x136xf32, #tpu.memory_space<vmem>>, %arg24: memref<!tpu.dma_semaphore, #tpu.memory_space<semaphore_mem>>, %arg25: memref<!tpu.dma_semaphore, #tpu.memory_space<semaphore_mem>>, %arg26: memref<!tpu.dma_semaphore, #tpu.memory_space<semaphore_mem>>, %arg27: memref<!tpu.dma_semaphore, #tpu.memory_space<semaphore_mem>>, %arg28: memref<!tpu.dma_semaphore, #tpu.memory_space<semaphore_mem>>, %arg29: memref<!tpu.dma_semaphore, #tpu.memory_space<semaphore_mem>>, %arg30: memref<!tpu.dma_semaphore, #tpu.memory_space<semaphore_mem>>, %arg31: memref<!tpu.dma_semaphore, #tpu.memory_space<semaphore_mem>>, %arg32: memref<!tpu.dma_semaphore, #tpu.memory_space<semaphore_mem>>, %arg33: memref<!tpu.dma_semaphore, #tpu.memory_space<semaphore_mem>>) attributes {dimension_semantics = [#tpu.dimension_semantics<core_parallel>, #tpu.dimension_semantics<subcore_parallel>], iteration_bounds = array<i64: 2, 16>, scalar_prefetch = 0 : i64, scratch_operands = 25 : i64, tpu.core_type = #tpu.core_type<sc_vector_subcore>, window_params = [{transform_indices = #map}, {transform_indices = #map}, {transform_indices = #map}, {transform_indices = #map}, {transform_indices = #map}, {transform_indices = #map}, {transform_indices = #map1}]} {
    %broadcast_in_dim3A = arith.constant 0.000000e+00 : f32
    %broadcast_in_dim3A_0 = vector.broadcast %broadcast_in_dim3A : f32 to vector<16xf32>
    %scan3A = arith.constant 0 : i32
    %scan3A_1 = arith.constant 0 : i32
    %scan3A_2 = arith.constant 40 : i32
    %scan3A_3 = arith.addi %scan3A_1, %scan3A_2 : i32
    %scan3A_4 = arith.constant 1 : i32
    scf.for %scan3A_597 = %scan3A_1 to %scan3A_3 step %scan3A_4  : i32 {
      %swap3A = arith.index_cast %scan3A_597 : i32 to index
      %swap3A_598 = arith.constant 0 : index
      %swap3A_599 = tpu.vector_load %arg22[%swap3A, %swap3A_598] {strides = array<i32>} : memref<40x136xf32, #tpu.memory_space<vmem>>, vector<16xf32>,
      tpu.vector_store %arg22[%swap3A, %swap3A_598], %broadcast_in_dim3A_0 {strides = array<i32>} : memref<40x136xf32, #tpu.memory_space<vmem>>, vector<16xf32>,
      %swap3A_600 = arith.index_cast %scan3A_597 : i32 to index
      %swap3A_601 = arith.constant 16 : index
      %swap3A_602 = tpu.vector_load %arg22[%swap3A_600, %swap3A_601] {strides = array<i32>} : memref<40x136xf32, #tpu.memory_space<vmem>>, vector<16xf32>,
      tpu.vector_store %arg22[%swap3A_600, %swap3A_601], %broadcast_in_dim3A_0 {strides = array<i32>} : memref<40x136xf32, #tpu.memory_space<vmem>>, vector<16xf32>,
      %swap3A_603 = arith.index_cast %scan3A_597 : i32 to index
      %swap3A_604 = arith.constant 32 : index
      %swap3A_605 = tpu.vector_load %arg22[%swap3A_603, %swap3A_604] {strides = array<i32>} : memref<40x136xf32, #tpu.memory_space<vmem>>, vector<16xf32>,
      tpu.vector_store %arg22[%swap3A_603, %swap3A_604], %broadcast_in_dim3A_0 {strides = array<i32>} : memref<40x136xf32, #tpu.memory_space<vmem>>, vector<16xf32>,
      %swap3A_606 = arith.index_cast %scan3A_597 : i32 to index
      %swap3A_607 = arith.constant 48 : index
      %swap3A_608 = tpu.vector_load %arg22[%swap3A_606, %swap3A_607] {strides = array<i32>} : memref<40x136xf32, #tpu.memory_space<vmem>>, vector<16xf32>,
      tpu.vector_store %arg22[%swap3A_606, %swap3A_607], %broadcast_in_dim3A_0 {strides = array<i32>} : memref<40x136xf32, #tpu.memory_space<vmem>>, vector<16xf32>,
      %swap3A_609 = arith.index_cast %scan3A_597 : i32 to index
      %swap3A_610 = arith.constant 64 : index
      %swap3A_611 = tpu.vector_load %arg22[%swap3A_609, %swap3A_610] {strides = array<i32>} : memref<40x136xf32, #tpu.memory_space<vmem>>, vector<16xf32>,
      tpu.vector_store %arg22[%swap3A_609, %swap3A_610], %broadcast_in_dim3A_0 {strides = array<i32>} : memref<40x136xf32, #tpu.memory_space<vmem>>, vector<16xf32>,
      %swap3A_612 = arith.index_cast %scan3A_597 : i32 to index
      %swap3A_613 = arith.constant 80 : index
      %swap3A_614 = tpu.vector_load %arg22[%swap3A_612, %swap3A_613] {strides = array<i32>} : memref<40x136xf32, #tpu.memory_space<vmem>>, vector<16xf32>,
      tpu.vector_store %arg22[%swap3A_612, %swap3A_613], %broadcast_in_dim3A_0 {strides = array<i32>} : memref<40x136xf32, #tpu.memory_space<vmem>>, vector<16xf32>,
      %swap3A_615 = arith.index_cast %scan3A_597 : i32 to index
      %swap3A_616 = arith.constant 96 : index
      %swap3A_617 = tpu.vector_load %arg22[%swap3A_615, %swap3A_616] {strides = array<i32>} : memref<40x136xf32, #tpu.memory_space<vmem>>, vector<16xf32>,
      tpu.vector_store %arg22[%swap3A_615, %swap3A_616], %broadcast_in_dim3A_0 {strides = array<i32>} : memref<40x136xf32, #tpu.memory_space<vmem>>, vector<16xf32>,
      %swap3A_618 = arith.index_cast %scan3A_597 : i32 to index
      %swap3A_619 = arith.constant 112 : index
      %swap3A_620 = tpu.vector_load %arg22[%swap3A_618, %swap3A_619] {strides = array<i32>} : memref<40x136xf32, #tpu.memory_space<vmem>>, vector<16xf32>,
      tpu.vector_store %arg22[%swap3A_618, %swap3A_619], %broadcast_in_dim3A_0 {strides = array<i32>} : memref<40x136xf32, #tpu.memory_space<vmem>>, vector<16xf32>,
      %swap3A_621 = arith.index_cast %scan3A_597 : i32 to index
      %swap3A_622 = arith.constant 120 : index
      %swap3A_623 = tpu.vector_load %arg22[%swap3A_621, %swap3A_622] {strides = array<i32>} : memref<40x136xf32, #tpu.memory_space<vmem>>, vector<16xf32>,
      tpu.vector_store %arg22[%swap3A_621, %swap3A_622], %broadcast_in_dim3A_0 {strides = array<i32>} : memref<40x136xf32, #tpu.memory_space<vmem>>, vector<16xf32>,
    }
    %scan3A_5 = arith.constant 40 : i32
    %mul3A = arith.constant 632 : i32
    %mul3A_6 = arith.muli %arg1, %mul3A : i32
    %add3A = arith.constant 0 : i32
    %add3A_7 = arith.addi %mul3A_6, %add3A : i32
    %dma_start3A = arith.constant 0 : i32
    %dma_start3A_8 = tpu.memref_slice %arg9[%add3A_7, %dma_start3A] : memref<10112x136xf32, #tpu.memory_space<vmem_shared>> -> memref<40x136xf32, #tpu.memory_space<vmem_shared>>
    %dma_start3A_9 = arith.constant 0 : i32
    %dma_start3A_10 = tpu.memref_slice %arg9[%add3A_7, %dma_start3A_9] : memref<10112x136xf32, #tpu.memory_space<vmem_shared>> -> memref<40x136xf32, #tpu.memory_space<vmem_shared>>
    tpu.enqueue_dma source(%arg22 : memref<40x136xf32, #tpu.memory_space<vmem>>) target(%dma_start3A_10 : memref<40x136xf32, #tpu.memory_space<vmem_shared>>) target_semaphore(%arg32 : memref<!tpu.dma_semaphore, #tpu.memory_space<semaphore_mem>>)
    %mul3A_11 = arith.constant 632 : i32
    %mul3A_12 = arith.muli %arg1, %mul3A_11 : i32
    %add3A_13 = arith.constant 40 : i32
    %add3A_14 = arith.addi %mul3A_12, %add3A_13 : i32
    %dma_start3A_15 = arith.constant 0 : i32
    %dma_start3A_16 = tpu.memref_slice %arg9[%add3A_14, %dma_start3A_15] : memref<10112x136xf32, #tpu.memory_space<vmem_shared>> -> memref<40x136xf32, #tpu.memory_space<vmem_shared>>
    %dma_start3A_17 = arith.constant 0 : i32
    %dma_start3A_18 = tpu.memref_slice %arg9[%add3A_14, %dma_start3A_17] : memref<10112x136xf32, #tpu.memory_space<vmem_shared>> -> memref<40x136xf32, #tpu.memory_space<vmem_shared>>
    tpu.enqueue_dma source(%arg22 : memref<40x136xf32, #tpu.memory_space<vmem>>) target(%dma_start3A_18 : memref<40x136xf32, #tpu.memory_space<vmem_shared>>) target_semaphore(%arg32 : memref<!tpu.dma_semaphore, #tpu.memory_space<semaphore_mem>>)
    %mul3A_19 = arith.constant 632 : i32
    %mul3A_20 = arith.muli %arg1, %mul3A_19 : i32
    %add3A_21 = arith.constant 80 : i32
    %add3A_22 = arith.addi %mul3A_20, %add3A_21 : i32
    %dma_start3A_23 = arith.constant 0 : i32
    %dma_start3A_24 = tpu.memref_slice %arg9[%add3A_22, %dma_start3A_23] : memref<10112x136xf32, #tpu.memory_space<vmem_shared>> -> memref<40x136xf32, #tpu.memory_space<vmem_shared>>
    %dma_start3A_25 = arith.constant 0 : i32
    %dma_start3A_26 = tpu.memref_slice %arg9[%add3A_22, %dma_start3A_25] : memref<10112x136xf32, #tpu.memory_space<vmem_shared>> -> memref<40x136xf32, #tpu.memory_space<vmem_shared>>
    tpu.enqueue_dma source(%arg22 : memref<40x136xf32, #tpu.memory_space<vmem>>) target(%dma_start3A_26 : memref<40x136xf32, #tpu.memory_space<vmem_shared>>) target_semaphore(%arg32 : memref<!tpu.dma_semaphore, #tpu.memory_space<semaphore_mem>>)
    %mul3A_27 = arith.constant 632 : i32
    %mul3A_28 = arith.muli %arg1, %mul3A_27 : i32
    %add3A_29 = arith.constant 120 : i32
    %add3A_30 = arith.addi %mul3A_28, %add3A_29 : i32
    %dma_start3A_31 = arith.constant 0 : i32
    %dma_start3A_32 = tpu.memref_slice %arg9[%add3A_30, %dma_start3A_31] : memref<10112x136xf32, #tpu.memory_space<vmem_shared>> -> memref<40x136xf32, #tpu.memory_space<vmem_shared>>
    %dma_start3A_33 = arith.constant 0 : i32
    %dma_start3A_34 = tpu.memref_slice %arg9[%add3A_30, %dma_start3A_33] : memref<10112x136xf32, #tpu.memory_space<vmem_shared>> -> memref<40x136xf32, #tpu.memory_space<vmem_shared>>
    tpu.enqueue_dma source(%arg22 : memref<40x136xf32, #tpu.memory_space<vmem>>) target(%dma_start3A_34 : memref<40x136xf32, #tpu.memory_space<vmem_shared>>) target_semaphore(%arg32 : memref<!tpu.dma_semaphore, #tpu.memory_space<semaphore_mem>>)
    %mul3A_35 = arith.constant 632 : i32
    %mul3A_36 = arith.muli %arg1, %mul3A_35 : i32
    %add3A_37 = arith.constant 160 : i32
    %add3A_38 = arith.addi %mul3A_36, %add3A_37 : i32
    %dma_start3A_39 = arith.constant 0 : i32
    %dma_start3A_40 = tpu.memref_slice %arg9[%add3A_38, %dma_start3A_39] : memref<10112x136xf32, #tpu.memory_space<vmem_shared>> -> memref<40x136xf32, #tpu.memory_space<vmem_shared>>
    %dma_start3A_41 = arith.constant 0 : i32
    %dma_start3A_42 = tpu.memref_slice %arg9[%add3A_38, %dma_start3A_41] : memref<10112x136xf32, #tpu.memory_space<vmem_shared>> -> memref<40x136xf32, #tpu.memory_space<vmem_shared>>
    tpu.enqueue_dma source(%arg22 : memref<40x136xf32, #tpu.memory_space<vmem>>) target(%dma_start3A_42 : memref<40x136xf32, #tpu.memory_space<vmem_shared>>) target_semaphore(%arg32 : memref<!tpu.dma_semaphore, #tpu.memory_space<semaphore_mem>>)
    %mul3A_43 = arith.constant 632 : i32
    %mul3A_44 = arith.muli %arg1, %mul3A_43 : i32
    %add3A_45 = arith.constant 200 : i32
    %add3A_46 = arith.addi %mul3A_44, %add3A_45 : i32
    %dma_start3A_47 = arith.constant 0 : i32
    %dma_start3A_48 = tpu.memref_slice %arg9[%add3A_46, %dma_start3A_47] : memref<10112x136xf32, #tpu.memory_space<vmem_shared>> -> memref<40x136xf32, #tpu.memory_space<vmem_shared>>
    %dma_start3A_49 = arith.constant 0 : i32
    %dma_start3A_50 = tpu.memref_slice %arg9[%add3A_46, %dma_start3A_49] : memref<10112x136xf32, #tpu.memory_space<vmem_shared>> -> memref<40x136xf32, #tpu.memory_space<vmem_shared>>
    tpu.enqueue_dma source(%arg22 : memref<40x136xf32, #tpu.memory_space<vmem>>) target(%dma_start3A_50 : memref<40x136xf32, #tpu.memory_space<vmem_shared>>) target_semaphore(%arg32 : memref<!tpu.dma_semaphore, #tpu.memory_space<semaphore_mem>>)
    %mul3A_51 = arith.constant 632 : i32
    %mul3A_52 = arith.muli %arg1, %mul3A_51 : i32
    %add3A_53 = arith.constant 240 : i32
    %add3A_54 = arith.addi %mul3A_52, %add3A_53 : i32
    %dma_start3A_55 = arith.constant 0 : i32
    %dma_start3A_56 = tpu.memref_slice %arg9[%add3A_54, %dma_start3A_55] : memref<10112x136xf32, #tpu.memory_space<vmem_shared>> -> memref<40x136xf32, #tpu.memory_space<vmem_shared>>
    %dma_start3A_57 = arith.constant 0 : i32
    %dma_start3A_58 = tpu.memref_slice %arg9[%add3A_54, %dma_start3A_57] : memref<10112x136xf32, #tpu.memory_space<vmem_shared>> -> memref<40x136xf32, #tpu.memory_space<vmem_shared>>
    tpu.enqueue_dma source(%arg22 : memref<40x136xf32, #tpu.memory_space<vmem>>) target(%dma_start3A_58 : memref<40x136xf32, #tpu.memory_space<vmem_shared>>) target_semaphore(%arg32 : memref<!tpu.dma_semaphore, #tpu.memory_space<semaphore_mem>>)
    %mul3A_59 = arith.constant 632 : i32
    %mul3A_60 = arith.muli %arg1, %mul3A_59 : i32
    %add3A_61 = arith.constant 280 : i32
    %add3A_62 = arith.addi %mul3A_60, %add3A_61 : i32
    %dma_start3A_63 = arith.constant 0 : i32
    %dma_start3A_64 = tpu.memref_slice %arg9[%add3A_62, %dma_start3A_63] : memref<10112x136xf32, #tpu.memory_space<vmem_shared>> -> memref<40x136xf32, #tpu.memory_space<vmem_shared>>
    %dma_start3A_65 = arith.constant 0 : i32
    %dma_start3A_66 = tpu.memref_slice %arg9[%add3A_62, %dma_start3A_65] : memref<10112x136xf32, #tpu.memory_space<vmem_shared>> -> memref<40x136xf32, #tpu.memory_space<vmem_shared>>
    tpu.enqueue_dma source(%arg22 : memref<40x136xf32, #tpu.memory_space<vmem>>) target(%dma_start3A_66 : memref<40x136xf32, #tpu.memory_space<vmem_shared>>) target_semaphore(%arg32 : memref<!tpu.dma_semaphore, #tpu.memory_space<semaphore_mem>>)
    %mul3A_67 = arith.constant 632 : i32
    %mul3A_68 = arith.muli %arg1, %mul3A_67 : i32
    %add3A_69 = arith.constant 320 : i32
    %add3A_70 = arith.addi %mul3A_68, %add3A_69 : i32
    %dma_start3A_71 = arith.constant 0 : i32
    %dma_start3A_72 = tpu.memref_slice %arg9[%add3A_70, %dma_start3A_71] : memref<10112x136xf32, #tpu.memory_space<vmem_shared>> -> memref<40x136xf32, #tpu.memory_space<vmem_shared>>
    %dma_start3A_73 = arith.constant 0 : i32
    %dma_start3A_74 = tpu.memref_slice %arg9[%add3A_70, %dma_start3A_73] : memref<10112x136xf32, #tpu.memory_space<vmem_shared>> -> memref<40x136xf32, #tpu.memory_space<vmem_shared>>
    tpu.enqueue_dma source(%arg22 : memref<40x136xf32, #tpu.memory_space<vmem>>) target(%dma_start3A_74 : memref<40x136xf32, #tpu.memory_space<vmem_shared>>) target_semaphore(%arg32 : memref<!tpu.dma_semaphore, #tpu.memory_space<semaphore_mem>>)
    %mul3A_75 = arith.constant 632 : i32
    %mul3A_76 = arith.muli %arg1, %mul3A_75 : i32
    %add3A_77 = arith.constant 360 : i32
    %add3A_78 = arith.addi %mul3A_76, %add3A_77 : i32
    %dma_start3A_79 = arith.constant 0 : i32
    %dma_start3A_80 = tpu.memref_slice %arg9[%add3A_78, %dma_start3A_79] : memref<10112x136xf32, #tpu.memory_space<vmem_shared>> -> memref<40x136xf32, #tpu.memory_space<vmem_shared>>
    %dma_start3A_81 = arith.constant 0 : i32
    %dma_start3A_82 = tpu.memref_slice %arg9[%add3A_78, %dma_start3A_81] : memref<10112x136xf32, #tpu.memory_space<vmem_shared>> -> memref<40x136xf32, #tpu.memory_space<vmem_shared>>
    tpu.enqueue_dma source(%arg22 : memref<40x136xf32, #tpu.memory_space<vmem>>) target(%dma_start3A_82 : memref<40x136xf32, #tpu.memory_space<vmem_shared>>) target_semaphore(%arg32 : memref<!tpu.dma_semaphore, #tpu.memory_space<semaphore_mem>>)
    %mul3A_83 = arith.constant 632 : i32
    %mul3A_84 = arith.muli %arg1, %mul3A_83 : i32
    %add3A_85 = arith.constant 400 : i32
    %add3A_86 = arith.addi %mul3A_84, %add3A_85 : i32
    %dma_start3A_87 = arith.constant 0 : i32
    %dma_start3A_88 = tpu.memref_slice %arg9[%add3A_86, %dma_start3A_87] : memref<10112x136xf32, #tpu.memory_space<vmem_shared>> -> memref<40x136xf32, #tpu.memory_space<vmem_shared>>
    %dma_start3A_89 = arith.constant 0 : i32
    %dma_start3A_90 = tpu.memref_slice %arg9[%add3A_86, %dma_start3A_89] : memref<10112x136xf32, #tpu.memory_space<vmem_shared>> -> memref<40x136xf32, #tpu.memory_space<vmem_shared>>
    tpu.enqueue_dma source(%arg22 : memref<40x136xf32, #tpu.memory_space<vmem>>) target(%dma_start3A_90 : memref<40x136xf32, #tpu.memory_space<vmem_shared>>) target_semaphore(%arg32 : memref<!tpu.dma_semaphore, #tpu.memory_space<semaphore_mem>>)
    %mul3A_91 = arith.constant 632 : i32
    %mul3A_92 = arith.muli %arg1, %mul3A_91 : i32
    %add3A_93 = arith.constant 440 : i32
    %add3A_94 = arith.addi %mul3A_92, %add3A_93 : i32
    %dma_start3A_95 = arith.constant 0 : i32
    %dma_start3A_96 = tpu.memref_slice %arg9[%add3A_94, %dma_start3A_95] : memref<10112x136xf32, #tpu.memory_space<vmem_shared>> -> memref<40x136xf32, #tpu.memory_space<vmem_shared>>
    %dma_start3A_97 = arith.constant 0 : i32
    %dma_start3A_98 = tpu.memref_slice %arg9[%add3A_94, %dma_start3A_97] : memref<10112x136xf32, #tpu.memory_space<vmem_shared>> -> memref<40x136xf32, #tpu.memory_space<vmem_shared>>
    tpu.enqueue_dma source(%arg22 : memref<40x136xf32, #tpu.memory_space<vmem>>) target(%dma_start3A_98 : memref<40x136xf32, #tpu.memory_space<vmem_shared>>) target_semaphore(%arg32 : memref<!tpu.dma_semaphore, #tpu.memory_space<semaphore_mem>>)
    %mul3A_99 = arith.constant 632 : i32
    %mul3A_100 = arith.muli %arg1, %mul3A_99 : i32
    %add3A_101 = arith.constant 480 : i32
    %add3A_102 = arith.addi %mul3A_100, %add3A_101 : i32
    %dma_start3A_103 = arith.constant 0 : i32
    %dma_start3A_104 = tpu.memref_slice %arg9[%add3A_102, %dma_start3A_103] : memref<10112x136xf32, #tpu.memory_space<vmem_shared>> -> memref<40x136xf32, #tpu.memory_space<vmem_shared>>
    %dma_start3A_105 = arith.constant 0 : i32
    %dma_start3A_106 = tpu.memref_slice %arg9[%add3A_102, %dma_start3A_105] : memref<10112x136xf32, #tpu.memory_space<vmem_shared>> -> memref<40x136xf32, #tpu.memory_space<vmem_shared>>
    tpu.enqueue_dma source(%arg22 : memref<40x136xf32, #tpu.memory_space<vmem>>) target(%dma_start3A_106 : memref<40x136xf32, #tpu.memory_space<vmem_shared>>) target_semaphore(%arg32 : memref<!tpu.dma_semaphore, #tpu.memory_space<semaphore_mem>>)
    %mul3A_107 = arith.constant 632 : i32
    %mul3A_108 = arith.muli %arg1, %mul3A_107 : i32
    %add3A_109 = arith.constant 520 : i32
    %add3A_110 = arith.addi %mul3A_108, %add3A_109 : i32
    %dma_start3A_111 = arith.constant 0 : i32
    %dma_start3A_112 = tpu.memref_slice %arg9[%add3A_110, %dma_start3A_111] : memref<10112x136xf32, #tpu.memory_space<vmem_shared>> -> memref<40x136xf32, #tpu.memory_space<vmem_shared>>
    %dma_start3A_113 = arith.constant 0 : i32
    %dma_start3A_114 = tpu.memref_slice %arg9[%add3A_110, %dma_start3A_113] : memref<10112x136xf32, #tpu.memory_space<vmem_shared>> -> memref<40x136xf32, #tpu.memory_space<vmem_shared>>
    tpu.enqueue_dma source(%arg22 : memref<40x136xf32, #tpu.memory_space<vmem>>) target(%dma_start3A_114 : memref<40x136xf32, #tpu.memory_space<vmem_shared>>) target_semaphore(%arg32 : memref<!tpu.dma_semaphore, #tpu.memory_space<semaphore_mem>>)
    %mul3A_115 = arith.constant 632 : i32
    %mul3A_116 = arith.muli %arg1, %mul3A_115 : i32
    %add3A_117 = arith.constant 560 : i32
    %add3A_118 = arith.addi %mul3A_116, %add3A_117 : i32
    %dma_start3A_119 = arith.constant 0 : i32
    %dma_start3A_120 = tpu.memref_slice %arg9[%add3A_118, %dma_start3A_119] : memref<10112x136xf32, #tpu.memory_space<vmem_shared>> -> memref<40x136xf32, #tpu.memory_space<vmem_shared>>
    %dma_start3A_121 = arith.constant 0 : i32
    %dma_start3A_122 = tpu.memref_slice %arg9[%add3A_118, %dma_start3A_121] : memref<10112x136xf32, #tpu.memory_space<vmem_shared>> -> memref<40x136xf32, #tpu.memory_space<vmem_shared>>
    tpu.enqueue_dma source(%arg22 : memref<40x136xf32, #tpu.memory_space<vmem>>) target(%dma_start3A_122 : memref<40x136xf32, #tpu.memory_space<vmem_shared>>) target_semaphore(%arg32 : memref<!tpu.dma_semaphore, #tpu.memory_space<semaphore_mem>>)
    %mul3A_123 = arith.constant 632 : i32
    %mul3A_124 = arith.muli %arg1, %mul3A_123 : i32
    %add3A_125 = arith.constant 600 : i32
    %add3A_126 = arith.addi %mul3A_124, %add3A_125 : i32
    %dma_start3A_127 = arith.constant 0 : i32
    %dma_start3A_128 = arith.constant 0 : i32
    %dma_start3A_129 = tpu.memref_slice %arg22[%dma_start3A_127, %dma_start3A_128] : memref<40x136xf32, #tpu.memory_space<vmem>> -> memref<32x136xf32, #tpu.memory_space<vmem>>
    %dma_start3A_130 = arith.constant 0 : i32
    %dma_start3A_131 = tpu.memref_slice %arg9[%add3A_126, %dma_start3A_130] : memref<10112x136xf32, #tpu.memory_space<vmem_shared>> -> memref<32x136xf32, #tpu.memory_space<vmem_shared>>
    %dma_start3A_132 = arith.constant 0 : i32
    %dma_start3A_133 = tpu.memref_slice %arg9[%add3A_126, %dma_start3A_132] : memref<10112x136xf32, #tpu.memory_space<vmem_shared>> -> memref<32x136xf32, #tpu.memory_space<vmem_shared>>
    %dma_start3A_134 = arith.constant 0 : i32
    %dma_start3A_135 = arith.constant 0 : i32
    %dma_start3A_136 = tpu.memref_slice %arg22[%dma_start3A_134, %dma_start3A_135] : memref<40x136xf32, #tpu.memory_space<vmem>> -> memref<32x136xf32, #tpu.memory_space<vmem>>
    tpu.enqueue_dma source(%dma_start3A_136 : memref<32x136xf32, #tpu.memory_space<vmem>>) target(%dma_start3A_133 : memref<32x136xf32, #tpu.memory_space<vmem_shared>>) target_semaphore(%arg33 : memref<!tpu.dma_semaphore, #tpu.memory_space<semaphore_mem>>)
    %mul3A_137 = arith.constant 632 : i32
    %mul3A_138 = arith.muli %arg1, %mul3A_137 : i32
    %add3A_139 = arith.constant 0 : i32
    %add3A_140 = arith.addi %mul3A_138, %add3A_139 : i32
    %dma_wait3A = arith.constant 0 : i32
    %dma_wait3A_141 = tpu.memref_slice %arg9[%add3A_140, %dma_wait3A] : memref<10112x136xf32, #tpu.memory_space<vmem_shared>> -> memref<40x136xf32, #tpu.memory_space<vmem_shared>>
    %dma_wait3A_142 = arith.constant 0 : i32
    %dma_wait3A_143 = tpu.memref_slice %arg9[%add3A_140, %dma_wait3A_142] : memref<10112x136xf32, #tpu.memory_space<vmem_shared>> -> memref<40x136xf32, #tpu.memory_space<vmem_shared>>
    tpu.wait_dma2 semaphore(%arg32 : memref<!tpu.dma_semaphore, #tpu.memory_space<semaphore_mem>>) src(%arg22 : memref<40x136xf32, #tpu.memory_space<vmem>>) dst(%dma_wait3A_143 : memref<40x136xf32, #tpu.memory_space<vmem_shared>>)
    %mul3A_144 = arith.constant 632 : i32
    %mul3A_145 = arith.muli %arg1, %mul3A_144 : i32
    %add3A_146 = arith.constant 40 : i32
    %add3A_147 = arith.addi %mul3A_145, %add3A_146 : i32
    %dma_wait3A_148 = arith.constant 0 : i32
    %dma_wait3A_149 = tpu.memref_slice %arg9[%add3A_147, %dma_wait3A_148] : memref<10112x136xf32, #tpu.memory_space<vmem_shared>> -> memref<40x136xf32, #tpu.memory_space<vmem_shared>>
    %dma_wait3A_150 = arith.constant 0 : i32
    %dma_wait3A_151 = tpu.memref_slice %arg9[%add3A_147, %dma_wait3A_150] : memref<10112x136xf32, #tpu.memory_space<vmem_shared>> -> memref<40x136xf32, #tpu.memory_space<vmem_shared>>
    tpu.wait_dma2 semaphore(%arg32 : memref<!tpu.dma_semaphore, #tpu.memory_space<semaphore_mem>>) src(%arg22 : memref<40x136xf32, #tpu.memory_space<vmem>>) dst(%dma_wait3A_151 : memref<40x136xf32, #tpu.memory_space<vmem_shared>>)
    %mul3A_152 = arith.constant 632 : i32
    %mul3A_153 = arith.muli %arg1, %mul3A_152 : i32
    %add3A_154 = arith.constant 80 : i32
    %add3A_155 = arith.addi %mul3A_153, %add3A_154 : i32
    %dma_wait3A_156 = arith.constant 0 : i32
    %dma_wait3A_157 = tpu.memref_slice %arg9[%add3A_155, %dma_wait3A_156] : memref<10112x136xf32, #tpu.memory_space<vmem_shared>> -> memref<40x136xf32, #tpu.memory_space<vmem_shared>>
    %dma_wait3A_158 = arith.constant 0 : i32
    %dma_wait3A_159 = tpu.memref_slice %arg9[%add3A_155, %dma_wait3A_158] : memref<10112x136xf32, #tpu.memory_space<vmem_shared>> -> memref<40x136xf32, #tpu.memory_space<vmem_shared>>
    tpu.wait_dma2 semaphore(%arg32 : memref<!tpu.dma_semaphore, #tpu.memory_space<semaphore_mem>>) src(%arg22 : memref<40x136xf32, #tpu.memory_space<vmem>>) dst(%dma_wait3A_159 : memref<40x136xf32, #tpu.memory_space<vmem_shared>>)
    %mul3A_160 = arith.constant 632 : i32
    %mul3A_161 = arith.muli %arg1, %mul3A_160 : i32
    %add3A_162 = arith.constant 120 : i32
    %add3A_163 = arith.addi %mul3A_161, %add3A_162 : i32
    %dma_wait3A_164 = arith.constant 0 : i32
    %dma_wait3A_165 = tpu.memref_slice %arg9[%add3A_163, %dma_wait3A_164] : memref<10112x136xf32, #tpu.memory_space<vmem_shared>> -> memref<40x136xf32, #tpu.memory_space<vmem_shared>>
    %dma_wait3A_166 = arith.constant 0 : i32
    %dma_wait3A_167 = tpu.memref_slice %arg9[%add3A_163, %dma_wait3A_166] : memref<10112x136xf32, #tpu.memory_space<vmem_shared>> -> memref<40x136xf32, #tpu.memory_space<vmem_shared>>
    tpu.wait_dma2 semaphore(%arg32 : memref<!tpu.dma_semaphore, #tpu.memory_space<semaphore_mem>>) src(%arg22 : memref<40x136xf32, #tpu.memory_space<vmem>>) dst(%dma_wait3A_167 : memref<40x136xf32, #tpu.memory_space<vmem_shared>>)
    %mul3A_168 = arith.constant 632 : i32
    %mul3A_169 = arith.muli %arg1, %mul3A_168 : i32
    %add3A_170 = arith.constant 160 : i32
    %add3A_171 = arith.addi %mul3A_169, %add3A_170 : i32
    %dma_wait3A_172 = arith.constant 0 : i32
    %dma_wait3A_173 = tpu.memref_slice %arg9[%add3A_171, %dma_wait3A_172] : memref<10112x136xf32, #tpu.memory_space<vmem_shared>> -> memref<40x136xf32, #tpu.memory_space<vmem_shared>>
    %dma_wait3A_174 = arith.constant 0 : i32
    %dma_wait3A_175 = tpu.memref_slice %arg9[%add3A_171, %dma_wait3A_174] : memref<10112x136xf32, #tpu.memory_space<vmem_shared>> -> memref<40x136xf32, #tpu.memory_space<vmem_shared>>
    tpu.wait_dma2 semaphore(%arg32 : memref<!tpu.dma_semaphore, #tpu.memory_space<semaphore_mem>>) src(%arg22 : memref<40x136xf32, #tpu.memory_space<vmem>>) dst(%dma_wait3A_175 : memref<40x136xf32, #tpu.memory_space<vmem_shared>>)
    %mul3A_176 = arith.constant 632 : i32
    %mul3A_177 = arith.muli %arg1, %mul3A_176 : i32
    %add3A_178 = arith.constant 200 : i32
    %add3A_179 = arith.addi %mul3A_177, %add3A_178 : i32
    %dma_wait3A_180 = arith.constant 0 : i32
    %dma_wait3A_181 = tpu.memref_slice %arg9[%add3A_179, %dma_wait3A_180] : memref<10112x136xf32, #tpu.memory_space<vmem_shared>> -> memref<40x136xf32, #tpu.memory_space<vmem_shared>>
    %dma_wait3A_182 = arith.constant 0 : i32
    %dma_wait3A_183 = tpu.memref_slice %arg9[%add3A_179, %dma_wait3A_182] : memref<10112x136xf32, #tpu.memory_space<vmem_shared>> -> memref<40x136xf32, #tpu.memory_space<vmem_shared>>
    tpu.wait_dma2 semaphore(%arg32 : memref<!tpu.dma_semaphore, #tpu.memory_space<semaphore_mem>>) src(%arg22 : memref<40x136xf32, #tpu.memory_space<vmem>>) dst(%dma_wait3A_183 : memref<40x136xf32, #tpu.memory_space<vmem_shared>>)
    %mul3A_184 = arith.constant 632 : i32
    %mul3A_185 = arith.muli %arg1, %mul3A_184 : i32
    %add3A_186 = arith.constant 240 : i32
    %add3A_187 = arith.addi %mul3A_185, %add3A_186 : i32
    %dma_wait3A_188 = arith.constant 0 : i32
    %dma_wait3A_189 = tpu.memref_slice %arg9[%add3A_187, %dma_wait3A_188] : memref<10112x136xf32, #tpu.memory_space<vmem_shared>> -> memref<40x136xf32, #tpu.memory_space<vmem_shared>>
    %dma_wait3A_190 = arith.constant 0 : i32
    %dma_wait3A_191 = tpu.memref_slice %arg9[%add3A_187, %dma_wait3A_190] : memref<10112x136xf32, #tpu.memory_space<vmem_shared>> -> memref<40x136xf32, #tpu.memory_space<vmem_shared>>
    tpu.wait_dma2 semaphore(%arg32 : memref<!tpu.dma_semaphore, #tpu.memory_space<semaphore_mem>>) src(%arg22 : memref<40x136xf32, #tpu.memory_space<vmem>>) dst(%dma_wait3A_191 : memref<40x136xf32, #tpu.memory_space<vmem_shared>>)
    %mul3A_192 = arith.constant 632 : i32
    %mul3A_193 = arith.muli %arg1, %mul3A_192 : i32
    %add3A_194 = arith.constant 280 : i32
    %add3A_195 = arith.addi %mul3A_193, %add3A_194 : i32
    %dma_wait3A_196 = arith.constant 0 : i32
    %dma_wait3A_197 = tpu.memref_slice %arg9[%add3A_195, %dma_wait3A_196] : memref<10112x136xf32, #tpu.memory_space<vmem_shared>> -> memref<40x136xf32, #tpu.memory_space<vmem_shared>>
    %dma_wait3A_198 = arith.constant 0 : i32
    %dma_wait3A_199 = tpu.memref_slice %arg9[%add3A_195, %dma_wait3A_198] : memref<10112x136xf32, #tpu.memory_space<vmem_shared>> -> memref<40x136xf32, #tpu.memory_space<vmem_shared>>
    tpu.wait_dma2 semaphore(%arg32 : memref<!tpu.dma_semaphore, #tpu.memory_space<semaphore_mem>>) src(%arg22 : memref<40x136xf32, #tpu.memory_space<vmem>>) dst(%dma_wait3A_199 : memref<40x136xf32, #tpu.memory_space<vmem_shared>>)
    %mul3A_200 = arith.constant 632 : i32
    %mul3A_201 = arith.muli %arg1, %mul3A_200 : i32
    %add3A_202 = arith.constant 320 : i32
    %add3A_203 = arith.addi %mul3A_201, %add3A_202 : i32
    %dma_wait3A_204 = arith.constant 0 : i32
    %dma_wait3A_205 = tpu.memref_slice %arg9[%add3A_203, %dma_wait3A_204] : memref<10112x136xf32, #tpu.memory_space<vmem_shared>> -> memref<40x136xf32, #tpu.memory_space<vmem_shared>>
    %dma_wait3A_206 = arith.constant 0 : i32
    %dma_wait3A_207 = tpu.memref_slice %arg9[%add3A_203, %dma_wait3A_206] : memref<10112x136xf32, #tpu.memory_space<vmem_shared>> -> memref<40x136xf32, #tpu.memory_space<vmem_shared>>
    tpu.wait_dma2 semaphore(%arg32 : memref<!tpu.dma_semaphore, #tpu.memory_space<semaphore_mem>>) src(%arg22 : memref<40x136xf32, #tpu.memory_space<vmem>>) dst(%dma_wait3A_207 : memref<40x136xf32, #tpu.memory_space<vmem_shared>>)
    %mul3A_208 = arith.constant 632 : i32
    %mul3A_209 = arith.muli %arg1, %mul3A_208 : i32
    %add3A_210 = arith.constant 360 : i32
    %add3A_211 = arith.addi %mul3A_209, %add3A_210 : i32
    %dma_wait3A_212 = arith.constant 0 : i32
    %dma_wait3A_213 = tpu.memref_slice %arg9[%add3A_211, %dma_wait3A_212] : memref<10112x136xf32, #tpu.memory_space<vmem_shared>> -> memref<40x136xf32, #tpu.memory_space<vmem_shared>>
    %dma_wait3A_214 = arith.constant 0 : i32
    %dma_wait3A_215 = tpu.memref_slice %arg9[%add3A_211, %dma_wait3A_214] : memref<10112x136xf32, #tpu.memory_space<vmem_shared>> -> memref<40x136xf32, #tpu.memory_space<vmem_shared>>
    tpu.wait_dma2 semaphore(%arg32 : memref<!tpu.dma_semaphore, #tpu.memory_space<semaphore_mem>>) src(%arg22 : memref<40x136xf32, #tpu.memory_space<vmem>>) dst(%dma_wait3A_215 : memref<40x136xf32, #tpu.memory_space<vmem_shared>>)
    %mul3A_216 = arith.constant 632 : i32
    %mul3A_217 = arith.muli %arg1, %mul3A_216 : i32
    %add3A_218 = arith.constant 400 : i32
    %add3A_219 = arith.addi %mul3A_217, %add3A_218 : i32
    %dma_wait3A_220 = arith.constant 0 : i32
    %dma_wait3A_221 = tpu.memref_slice %arg9[%add3A_219, %dma_wait3A_220] : memref<10112x136xf32, #tpu.memory_space<vmem_shared>> -> memref<40x136xf32, #tpu.memory_space<vmem_shared>>
    %dma_wait3A_222 = arith.constant 0 : i32
    %dma_wait3A_223 = tpu.memref_slice %arg9[%add3A_219, %dma_wait3A_222] : memref<10112x136xf32, #tpu.memory_space<vmem_shared>> -> memref<40x136xf32, #tpu.memory_space<vmem_shared>>
    tpu.wait_dma2 semaphore(%arg32 : memref<!tpu.dma_semaphore, #tpu.memory_space<semaphore_mem>>) src(%arg22 : memref<40x136xf32, #tpu.memory_space<vmem>>) dst(%dma_wait3A_223 : memref<40x136xf32, #tpu.memory_space<vmem_shared>>)
    %mul3A_224 = arith.constant 632 : i32
    %mul3A_225 = arith.muli %arg1, %mul3A_224 : i32
    %add3A_226 = arith.constant 440 : i32
    %add3A_227 = arith.addi %mul3A_225, %add3A_226 : i32
    %dma_wait3A_228 = arith.constant 0 : i32
    %dma_wait3A_229 = tpu.memref_slice %arg9[%add3A_227, %dma_wait3A_228] : memref<10112x136xf32, #tpu.memory_space<vmem_shared>> -> memref<40x136xf32, #tpu.memory_space<vmem_shared>>
    %dma_wait3A_230 = arith.constant 0 : i32
    %dma_wait3A_231 = tpu.memref_slice %arg9[%add3A_227, %dma_wait3A_230] : memref<10112x136xf32, #tpu.memory_space<vmem_shared>> -> memref<40x136xf32, #tpu.memory_space<vmem_shared>>
    tpu.wait_dma2 semaphore(%arg32 : memref<!tpu.dma_semaphore, #tpu.memory_space<semaphore_mem>>) src(%arg22 : memref<40x136xf32, #tpu.memory_space<vmem>>) dst(%dma_wait3A_231 : memref<40x136xf32, #tpu.memory_space<vmem_shared>>)
    %mul3A_232 = arith.constant 632 : i32
    %mul3A_233 = arith.muli %arg1, %mul3A_232 : i32
    %add3A_234 = arith.constant 480 : i32
    %add3A_235 = arith.addi %mul3A_233, %add3A_234 : i32
    %dma_wait3A_236 = arith.constant 0 : i32
    %dma_wait3A_237 = tpu.memref_slice %arg9[%add3A_235, %dma_wait3A_236] : memref<10112x136xf32, #tpu.memory_space<vmem_shared>> -> memref<40x136xf32, #tpu.memory_space<vmem_shared>>
    %dma_wait3A_238 = arith.constant 0 : i32
    %dma_wait3A_239 = tpu.memref_slice %arg9[%add3A_235, %dma_wait3A_238] : memref<10112x136xf32, #tpu.memory_space<vmem_shared>> -> memref<40x136xf32, #tpu.memory_space<vmem_shared>>
    tpu.wait_dma2 semaphore(%arg32 : memref<!tpu.dma_semaphore, #tpu.memory_space<semaphore_mem>>) src(%arg22 : memref<40x136xf32, #tpu.memory_space<vmem>>) dst(%dma_wait3A_239 : memref<40x136xf32, #tpu.memory_space<vmem_shared>>)
    %mul3A_240 = arith.constant 632 : i32
    %mul3A_241 = arith.muli %arg1, %mul3A_240 : i32
    %add3A_242 = arith.constant 520 : i32
    %add3A_243 = arith.addi %mul3A_241, %add3A_242 : i32
    %dma_wait3A_244 = arith.constant 0 : i32
    %dma_wait3A_245 = tpu.memref_slice %arg9[%add3A_243, %dma_wait3A_244] : memref<10112x136xf32, #tpu.memory_space<vmem_shared>> -> memref<40x136xf32, #tpu.memory_space<vmem_shared>>
    %dma_wait3A_246 = arith.constant 0 : i32
    %dma_wait3A_247 = tpu.memref_slice %arg9[%add3A_243, %dma_wait3A_246] : memref<10112x136xf32, #tpu.memory_space<vmem_shared>> -> memref<40x136xf32, #tpu.memory_space<vmem_shared>>
    tpu.wait_dma2 semaphore(%arg32 : memref<!tpu.dma_semaphore, #tpu.memory_space<semaphore_mem>>) src(%arg22 : memref<40x136xf32, #tpu.memory_space<vmem>>) dst(%dma_wait3A_247 : memref<40x136xf32, #tpu.memory_space<vmem_shared>>)
    %mul3A_248 = arith.constant 632 : i32
    %mul3A_249 = arith.muli %arg1, %mul3A_248 : i32
    %add3A_250 = arith.constant 560 : i32
    %add3A_251 = arith.addi %mul3A_249, %add3A_250 : i32
    %dma_wait3A_252 = arith.constant 0 : i32
    %dma_wait3A_253 = tpu.memref_slice %arg9[%add3A_251, %dma_wait3A_252] : memref<10112x136xf32, #tpu.memory_space<vmem_shared>> -> memref<40x136xf32, #tpu.memory_space<vmem_shared>>
    %dma_wait3A_254 = arith.constant 0 : i32
    %dma_wait3A_255 = tpu.memref_slice %arg9[%add3A_251, %dma_wait3A_254] : memref<10112x136xf32, #tpu.memory_space<vmem_shared>> -> memref<40x136xf32, #tpu.memory_space<vmem_shared>>
    tpu.wait_dma2 semaphore(%arg32 : memref<!tpu.dma_semaphore, #tpu.memory_space<semaphore_mem>>) src(%arg22 : memref<40x136xf32, #tpu.memory_space<vmem>>) dst(%dma_wait3A_255 : memref<40x136xf32, #tpu.memory_space<vmem_shared>>)
    %mul3A_256 = arith.constant 632 : i32
    %mul3A_257 = arith.muli %arg1, %mul3A_256 : i32
    %add3A_258 = arith.constant 600 : i32
    %add3A_259 = arith.addi %mul3A_257, %add3A_258 : i32
    %dma_wait3A_260 = arith.constant 0 : i32
    %dma_wait3A_261 = arith.constant 0 : i32
    %dma_wait3A_262 = tpu.memref_slice %arg22[%dma_wait3A_260, %dma_wait3A_261] : memref<40x136xf32, #tpu.memory_space<vmem>> -> memref<32x136xf32, #tpu.memory_space<vmem>>
    %dma_wait3A_263 = arith.constant 0 : i32
    %dma_wait3A_264 = tpu.memref_slice %arg9[%add3A_259, %dma_wait3A_263] : memref<10112x136xf32, #tpu.memory_space<vmem_shared>> -> memref<32x136xf32, #tpu.memory_space<vmem_shared>>
    %dma_wait3A_265 = arith.constant 0 : i32
    %dma_wait3A_266 = tpu.memref_slice %arg9[%add3A_259, %dma_wait3A_265] : memref<10112x136xf32, #tpu.memory_space<vmem_shared>> -> memref<32x136xf32, #tpu.memory_space<vmem_shared>>
    %dma_wait3A_267 = arith.constant 0 : i32
    %dma_wait3A_268 = arith.constant 0 : i32
    %dma_wait3A_269 = tpu.memref_slice %arg22[%dma_wait3A_267, %dma_wait3A_268] : memref<40x136xf32, #tpu.memory_space<vmem>> -> memref<32x136xf32, #tpu.memory_space<vmem>>
    tpu.wait_dma2 semaphore(%arg33 : memref<!tpu.dma_semaphore, #tpu.memory_space<semaphore_mem>>) src(%dma_wait3A_269 : memref<32x136xf32, #tpu.memory_space<vmem>>) dst(%dma_wait3A_266 : memref<32x136xf32, #tpu.memory_space<vmem_shared>>)
    "tpu.region"() ({
      %run_scoped3A = tpu.sem_alloc : memref<!tpu.dma_semaphore, #tpu.memory_space<semaphore_mem>>
      tpu.enqueue_dma source(%arg7 : memref<2x16xf32, #tpu.memory_space<hbm>>) target(%arg10 : memref<2x16xf32, #tpu.memory_space<vmem>>) target_semaphore(%run_scoped3A : memref<!tpu.dma_semaphore, #tpu.memory_space<semaphore_mem>>)
      tpu.wait_dma2 semaphore(%run_scoped3A : memref<!tpu.dma_semaphore, #tpu.memory_space<semaphore_mem>>) src(%arg7 : memref<2x16xf32, #tpu.memory_space<hbm>>) dst(%arg10 : memref<2x16xf32, #tpu.memory_space<vmem>>)
      tpu.yield
    }) : () -> ()
    %barrier3A = arith.constant 0 : index
    tpu.barrier barrier_id(%barrier3A)
    %get3A = arith.constant 0 : i32
    %get3A_270 = arith.index_cast %get3A : i32 to index
    %get3A_271 = arith.constant 0 : index
    %get3A_272 = tpu.vector_load %arg10[%get3A_270, %get3A_271] {strides = array<i32>} : memref<2x16xf32, #tpu.memory_space<vmem>>, vector<16xf32>,
    %get3A_273 = arith.constant 1 : i32
    %get3A_274 = arith.index_cast %get3A_273 : i32 to index
    %get3A_275 = arith.constant 0 : index
    %get3A_276 = tpu.vector_load %arg10[%get3A_274, %get3A_275] {strides = array<i32>} : memref<2x16xf32, #tpu.memory_space<vmem>>, vector<16xf32>,
    %iota3A = tpu.iota {dimensions = array<i32: 0>} : vector<16xi32>
    %add3A_277 = arith.constant 128 : i32
    %add3A_278 = vector.broadcast %add3A_277 : i32 to vector<16xi32>
    %add3A_279 = arith.addi %iota3A, %add3A_278 : vector<16xi32>
    %iota3A_280 = tpu.iota {dimensions = array<i32: 0>} : vector<16xi32>
    %lt3A = arith.constant 8 : i32
    %lt3A_281 = vector.broadcast %lt3A : i32 to vector<16xi32>
    %lt3A_282 = arith.cmpi slt, %iota3A_280, %lt3A_281 : vector<16xi32>
    %mul3A_283 = arith.constant 16 : i32
    %mul3A_284 = arith.muli %arg0, %mul3A_283 : i32
    %add3A_285 = arith.addi %mul3A_284, %arg1 : i32
    %mul3A_286 = arith.constant 250 : i32
    %mul3A_287 = arith.muli %add3A_285, %mul3A_286 : i32
    %scan3A_288 = arith.constant 0 : i32
    %scan3A_289 = arith.constant 0 : i32
    %scan3A_290 = arith.constant 5 : i32
    %scan3A_291 = arith.addi %scan3A_289, %scan3A_290 : i32
    %scan3A_292 = arith.constant 1 : i32
    scf.for %scan3A_597 = %scan3A_289 to %scan3A_291 step %scan3A_292  : i32 {
      %gt3A = arith.constant 0 : i32
      %gt3A_598 = arith.cmpi sgt, %scan3A_597, %gt3A : i32
      %convert_element_type3A = arith.extui %gt3A_598 : i1 to i32
      %cond3A = arith.constant 0 : i32
      %cond3A_599 = arith.cmpi ne, %convert_element_type3A, %cond3A : i32
      scf.if %cond3A_599 {
        %dma_wait3A_702 = arith.constant 0 : i32
        %dma_wait3A_703 = arith.constant 0 : i32
        %dma_wait3A_704 = tpu.memref_slice %arg12[%dma_wait3A_702, %dma_wait3A_703] : memref<50x40xi32, #tpu.memory_space<vmem>> -> memref<1x40xi32, #tpu.memory_space<vmem>>
        %dma_wait3A_705 = tpu.memref_squeeze %dma_wait3A_704 : memref<1x40xi32, #tpu.memory_space<vmem>> -> memref<40xi32, #tpu.memory_space<vmem>>
        %dma_wait3A_706 = arith.constant 0 : i32
        %dma_wait3A_707 = arith.constant 0 : i32
        %dma_wait3A_708 = tpu.memref_slice %arg9[%dma_wait3A_706, %dma_wait3A_707] : memref<10112x136xf32, #tpu.memory_space<vmem_shared>> -> memref<10112x136xf32, #tpu.memory_space<vmem_shared>>
        tpu.wait_indirect_dma semaphore(%arg32 : memref<!tpu.dma_semaphore, #tpu.memory_space<semaphore_mem>>) src(%arg22 : memref<40x136xf32, #tpu.memory_space<vmem>>) dst(%dma_wait3A_708 : memref<10112x136xf32, #tpu.memory_space<vmem_shared>>)
        %dma_wait3A_709 = arith.constant 0 : i32
        %dma_wait3A_710 = arith.constant 0 : i32
        %dma_wait3A_711 = tpu.memref_slice %arg12[%dma_wait3A_709, %dma_wait3A_710] : memref<50x40xi32, #tpu.memory_space<vmem>> -> memref<1x40xi32, #tpu.memory_space<vmem>>
        %dma_wait3A_712 = tpu.memref_squeeze %dma_wait3A_711 : memref<1x40xi32, #tpu.memory_space<vmem>> -> memref<40xi32, #tpu.memory_space<vmem>>
        %dma_wait3A_713 = arith.constant 0 : i32
        %dma_wait3A_714 = arith.constant 0 : i32
        %dma_wait3A_715 = tpu.memref_slice %arg9[%dma_wait3A_713, %dma_wait3A_714] : memref<10112x136xf32, #tpu.memory_space<vmem_shared>> -> memref<10112x136xf32, #tpu.memory_space<vmem_shared>>
        tpu.wait_indirect_dma semaphore(%arg33 : memref<!tpu.dma_semaphore, #tpu.memory_space<semaphore_mem>>) src(%arg23 : memref<40x136xf32, #tpu.memory_space<vmem>>) dst(%dma_wait3A_715 : memref<10112x136xf32, #tpu.memory_space<vmem_shared>>)
      } else {
      }
      %mul3A_600 = arith.constant 50 : i32
      %mul3A_601 = arith.muli %scan3A_597, %mul3A_600 : i32
      %add3A_602 = arith.addi %mul3A_287, %mul3A_601 : i32
      "tpu.region"() ({
        %run_scoped3A = tpu.sem_alloc : memref<!tpu.dma_semaphore, #tpu.memory_space<semaphore_mem>>
        %dma_start3A_702 = arith.constant 0 : i32
        %dma_start3A_703 = tpu.memref_slice %arg4[%add3A_602, %dma_start3A_702] : memref<8000x40xi32, #tpu.memory_space<hbm>> -> memref<50x40xi32, #tpu.memory_space<hbm>>
        %dma_start3A_704 = arith.constant 0 : i32
        %dma_start3A_705 = tpu.memref_slice %arg4[%add3A_602, %dma_start3A_704] : memref<8000x40xi32, #tpu.memory_space<hbm>> -> memref<50x40xi32, #tpu.memory_space<hbm>>
        tpu.enqueue_dma source(%dma_start3A_705 : memref<50x40xi32, #tpu.memory_space<hbm>>) target(%arg11 : memref<50x40xi32, #tpu.memory_space<vmem>>) target_semaphore(%run_scoped3A : memref<!tpu.dma_semaphore, #tpu.memory_space<semaphore_mem>>)
        %dma_wait3A_706 = arith.constant 0 : i32
        %dma_wait3A_707 = tpu.memref_slice %arg4[%add3A_602, %dma_wait3A_706] : memref<8000x40xi32, #tpu.memory_space<hbm>> -> memref<50x40xi32, #tpu.memory_space<hbm>>
        %dma_wait3A_708 = arith.constant 0 : i32
        %dma_wait3A_709 = tpu.memref_slice %arg4[%add3A_602, %dma_wait3A_708] : memref<8000x40xi32, #tpu.memory_space<hbm>> -> memref<50x40xi32, #tpu.memory_space<hbm>>
        tpu.wait_dma2 semaphore(%run_scoped3A : memref<!tpu.dma_semaphore, #tpu.memory_space<semaphore_mem>>) src(%dma_wait3A_709 : memref<50x40xi32, #tpu.memory_space<hbm>>) dst(%arg11 : memref<50x40xi32, #tpu.memory_space<vmem>>)
        tpu.yield
      }) : () -> ()
      "tpu.region"() ({
        %run_scoped3A = tpu.sem_alloc : memref<!tpu.dma_semaphore, #tpu.memory_space<semaphore_mem>>
        %dma_start3A_702 = arith.constant 0 : i32
        %dma_start3A_703 = tpu.memref_slice %arg5[%add3A_602, %dma_start3A_702] : memref<8000x40xi32, #tpu.memory_space<hbm>> -> memref<50x40xi32, #tpu.memory_space<hbm>>
        %dma_start3A_704 = arith.constant 0 : i32
        %dma_start3A_705 = tpu.memref_slice %arg5[%add3A_602, %dma_start3A_704] : memref<8000x40xi32, #tpu.memory_space<hbm>> -> memref<50x40xi32, #tpu.memory_space<hbm>>
        tpu.enqueue_dma source(%dma_start3A_705 : memref<50x40xi32, #tpu.memory_space<hbm>>) target(%arg12 : memref<50x40xi32, #tpu.memory_space<vmem>>) target_semaphore(%run_scoped3A : memref<!tpu.dma_semaphore, #tpu.memory_space<semaphore_mem>>)
        %dma_wait3A_706 = arith.constant 0 : i32
        %dma_wait3A_707 = tpu.memref_slice %arg5[%add3A_602, %dma_wait3A_706] : memref<8000x40xi32, #tpu.memory_space<hbm>> -> memref<50x40xi32, #tpu.memory_space<hbm>>
        %dma_wait3A_708 = arith.constant 0 : i32
        %dma_wait3A_709 = tpu.memref_slice %arg5[%add3A_602, %dma_wait3A_708] : memref<8000x40xi32, #tpu.memory_space<hbm>> -> memref<50x40xi32, #tpu.memory_space<hbm>>
        tpu.wait_dma2 semaphore(%run_scoped3A : memref<!tpu.dma_semaphore, #tpu.memory_space<semaphore_mem>>) src(%dma_wait3A_709 : memref<50x40xi32, #tpu.memory_space<hbm>>) dst(%arg12 : memref<50x40xi32, #tpu.memory_space<vmem>>)
        tpu.yield
      }) : () -> ()
      "tpu.region"() ({
        %run_scoped3A = tpu.sem_alloc : memref<!tpu.dma_semaphore, #tpu.memory_space<semaphore_mem>>
        %dma_start3A_702 = arith.constant 0 : i32
        %dma_start3A_703 = tpu.memref_slice %arg6[%add3A_602, %dma_start3A_702] : memref<8000x40xf32, #tpu.memory_space<hbm>> -> memref<50x40xf32, #tpu.memory_space<hbm>>
        %dma_start3A_704 = arith.constant 0 : i32
        %dma_start3A_705 = tpu.memref_slice %arg6[%add3A_602, %dma_start3A_704] : memref<8000x40xf32, #tpu.memory_space<hbm>> -> memref<50x40xf32, #tpu.memory_space<hbm>>
        tpu.enqueue_dma source(%dma_start3A_705 : memref<50x40xf32, #tpu.memory_space<hbm>>) target(%arg13 : memref<50x40xf32, #tpu.memory_space<vmem>>) target_semaphore(%run_scoped3A : memref<!tpu.dma_semaphore, #tpu.memory_space<semaphore_mem>>)
        %dma_wait3A_706 = arith.constant 0 : i32
        %dma_wait3A_707 = tpu.memref_slice %arg6[%add3A_602, %dma_wait3A_706] : memref<8000x40xf32, #tpu.memory_space<hbm>> -> memref<50x40xf32, #tpu.memory_space<hbm>>
        %dma_wait3A_708 = arith.constant 0 : i32
        %dma_wait3A_709 = tpu.memref_slice %arg6[%add3A_602, %dma_wait3A_708] : memref<8000x40xf32, #tpu.memory_space<hbm>> -> memref<50x40xf32, #tpu.memory_space<hbm>>
        tpu.wait_dma2 semaphore(%run_scoped3A : memref<!tpu.dma_semaphore, #tpu.memory_space<semaphore_mem>>) src(%dma_wait3A_709 : memref<50x40xf32, #tpu.memory_space<hbm>>) dst(%arg13 : memref<50x40xf32, #tpu.memory_space<vmem>>)
        tpu.yield
      }) : () -> ()
      %dma_start3A_603 = arith.constant 0 : i32
      %dma_start3A_604 = arith.constant 0 : i32
      %dma_start3A_605 = tpu.memref_slice %arg11[%dma_start3A_603, %dma_start3A_604] : memref<50x40xi32, #tpu.memory_space<vmem>> -> memref<1x40xi32, #tpu.memory_space<vmem>>
      %dma_start3A_606 = tpu.memref_squeeze %dma_start3A_605 : memref<1x40xi32, #tpu.memory_space<vmem>> -> memref<40xi32, #tpu.memory_space<vmem>>
      %dma_start3A_607 = arith.constant 0 : i32
      %dma_start3A_608 = arith.constant 0 : i32
      %dma_start3A_609 = tpu.memref_slice %arg2[%dma_start3A_607, %dma_start3A_608] : memref<10000x80xi32, #tpu.memory_space<hbm>> -> memref<10000x80xi32, #tpu.memory_space<hbm>>
      tpu.enqueue_indirect_dma source(%dma_start3A_609 : memref<10000x80xi32, #tpu.memory_space<hbm>>) target(%arg14 : memref<40x80xi32, #tpu.memory_space<vmem>>) offsets(%dma_start3A_606 : memref<40xi32, #tpu.memory_space<vmem>>) semaphore(%arg24 : memref<!tpu.dma_semaphore, #tpu.memory_space<semaphore_mem>>)
      %dma_start3A_610 = arith.constant 0 : i32
      %dma_start3A_611 = arith.constant 0 : i32
      %dma_start3A_612 = tpu.memref_slice %arg12[%dma_start3A_610, %dma_start3A_611] : memref<50x40xi32, #tpu.memory_space<vmem>> -> memref<1x40xi32, #tpu.memory_space<vmem>>
      %dma_start3A_613 = tpu.memref_squeeze %dma_start3A_612 : memref<1x40xi32, #tpu.memory_space<vmem>> -> memref<40xi32, #tpu.memory_space<vmem>>
      %dma_start3A_614 = arith.constant 0 : i32
      %dma_start3A_615 = arith.constant 0 : i32
      %dma_start3A_616 = tpu.memref_slice %arg3[%dma_start3A_614, %dma_start3A_615] : memref<10000x16xf32, #tpu.memory_space<hbm>> -> memref<10000x16xf32, #tpu.memory_space<hbm>>
      tpu.enqueue_indirect_dma source(%dma_start3A_616 : memref<10000x16xf32, #tpu.memory_space<hbm>>) target(%arg18 : memref<40x16xf32, #tpu.memory_space<vmem>>) offsets(%dma_start3A_613 : memref<40xi32, #tpu.memory_space<vmem>>) semaphore(%arg28 : memref<!tpu.dma_semaphore, #tpu.memory_space<semaphore_mem>>)
      %dma_start3A_617 = arith.constant 1 : i32
      %dma_start3A_618 = arith.constant 0 : i32
      %dma_start3A_619 = tpu.memref_slice %arg11[%dma_start3A_617, %dma_start3A_618] : memref<50x40xi32, #tpu.memory_space<vmem>> -> memref<1x40xi32, #tpu.memory_space<vmem>>
      %dma_start3A_620 = tpu.memref_squeeze %dma_start3A_619 : memref<1x40xi32, #tpu.memory_space<vmem>> -> memref<40xi32, #tpu.memory_space<vmem>>
      %dma_start3A_621 = arith.constant 0 : i32
      %dma_start3A_622 = arith.constant 0 : i32
      %dma_start3A_623 = tpu.memref_slice %arg2[%dma_start3A_621, %dma_start3A_622] : memref<10000x80xi32, #tpu.memory_space<hbm>> -> memref<10000x80xi32, #tpu.memory_space<hbm>>
      tpu.enqueue_indirect_dma source(%dma_start3A_623 : memref<10000x80xi32, #tpu.memory_space<hbm>>) target(%arg15 : memref<40x80xi32, #tpu.memory_space<vmem>>) offsets(%dma_start3A_620 : memref<40xi32, #tpu.memory_space<vmem>>) semaphore(%arg25 : memref<!tpu.dma_semaphore, #tpu.memory_space<semaphore_mem>>)
      %dma_start3A_624 = arith.constant 1 : i32
      %dma_start3A_625 = arith.constant 0 : i32
      %dma_start3A_626 = tpu.memref_slice %arg12[%dma_start3A_624, %dma_start3A_625] : memref<50x40xi32, #tpu.memory_space<vmem>> -> memref<1x40xi32, #tpu.memory_space<vmem>>
      %dma_start3A_627 = tpu.memref_squeeze %dma_start3A_626 : memref<1x40xi32, #tpu.memory_space<vmem>> -> memref<40xi32, #tpu.memory_space<vmem>>
      %dma_start3A_628 = arith.constant 0 : i32
      %dma_start3A_629 = arith.constant 0 : i32
      %dma_start3A_630 = tpu.memref_slice %arg3[%dma_start3A_628, %dma_start3A_629] : memref<10000x16xf32, #tpu.memory_space<hbm>> -> memref<10000x16xf32, #tpu.memory_space<hbm>>
      tpu.enqueue_indirect_dma source(%dma_start3A_630 : memref<10000x16xf32, #tpu.memory_space<hbm>>) target(%arg19 : memref<40x16xf32, #tpu.memory_space<vmem>>) offsets(%dma_start3A_627 : memref<40xi32, #tpu.memory_space<vmem>>) semaphore(%arg29 : memref<!tpu.dma_semaphore, #tpu.memory_space<semaphore_mem>>)
      %scan3A_631 = arith.constant 0 : i32
      %scan3A_632 = arith.constant 0 : i32
      %scan3A_633 = arith.constant 12 : i32
      %scan3A_634 = arith.addi %scan3A_632, %scan3A_633 : i32
      %scan3A_635 = arith.constant 1 : i32
      scf.for %scan3A_702 = %scan3A_632 to %scan3A_634 step %scan3A_635  : i32 {
        %mul3A_703 = arith.constant 4 : i32
        %mul3A_704 = arith.muli %mul3A_703, %scan3A_702 : i32
        %add3A_705 = arith.constant 2 : i32
        %add3A_706 = arith.addi %mul3A_704, %add3A_705 : i32
        %dma_start3A_707 = arith.constant 0 : i32
        %dma_start3A_708 = tpu.memref_slice %arg11[%add3A_706, %dma_start3A_707] : memref<50x40xi32, #tpu.memory_space<vmem>> -> memref<1x40xi32, #tpu.memory_space<vmem>>
        %dma_start3A_709 = tpu.memref_squeeze %dma_start3A_708 : memref<1x40xi32, #tpu.memory_space<vmem>> -> memref<40xi32, #tpu.memory_space<vmem>>
        %dma_start3A_710 = arith.constant 0 : i32
        %dma_start3A_711 = arith.constant 0 : i32
        %dma_start3A_712 = tpu.memref_slice %arg2[%dma_start3A_710, %dma_start3A_711] : memref<10000x80xi32, #tpu.memory_space<hbm>> -> memref<10000x80xi32, #tpu.memory_space<hbm>>
        tpu.enqueue_indirect_dma source(%dma_start3A_712 : memref<10000x80xi32, #tpu.memory_space<hbm>>) target(%arg16 : memref<40x80xi32, #tpu.memory_space<vmem>>) offsets(%dma_start3A_709 : memref<40xi32, #tpu.memory_space<vmem>>) semaphore(%arg26 : memref<!tpu.dma_semaphore, #tpu.memory_space<semaphore_mem>>)
        %dma_start3A_713 = arith.constant 0 : i32
        %dma_start3A_714 = tpu.memref_slice %arg12[%add3A_706, %dma_start3A_713] : memref<50x40xi32, #tpu.memory_space<vmem>> -> memref<1x40xi32, #tpu.memory_space<vmem>>
        %dma_start3A_715 = tpu.memref_squeeze %dma_start3A_714 : memref<1x40xi32, #tpu.memory_space<vmem>> -> memref<40xi32, #tpu.memory_space<vmem>>
        %dma_start3A_716 = arith.constant 0 : i32
        %dma_start3A_717 = arith.constant 0 : i32
        %dma_start3A_718 = tpu.memref_slice %arg3[%dma_start3A_716, %dma_start3A_717] : memref<10000x16xf32, #tpu.memory_space<hbm>> -> memref<10000x16xf32, #tpu.memory_space<hbm>>
        tpu.enqueue_indirect_dma source(%dma_start3A_718 : memref<10000x16xf32, #tpu.memory_space<hbm>>) target(%arg20 : memref<40x16xf32, #tpu.memory_space<vmem>>) offsets(%dma_start3A_715 : memref<40xi32, #tpu.memory_space<vmem>>) semaphore(%arg30 : memref<!tpu.dma_semaphore, #tpu.memory_space<semaphore_mem>>)
        %add3A_719 = arith.constant 3 : i32
        %add3A_720 = arith.addi %mul3A_704, %add3A_719 : i32
        %dma_start3A_721 = arith.constant 0 : i32
        %dma_start3A_722 = tpu.memref_slice %arg11[%add3A_720, %dma_start3A_721] : memref<50x40xi32, #tpu.memory_space<vmem>> -> memref<1x40xi32, #tpu.memory_space<vmem>>
        %dma_start3A_723 = tpu.memref_squeeze %dma_start3A_722 : memref<1x40xi32, #tpu.memory_space<vmem>> -> memref<40xi32, #tpu.memory_space<vmem>>
        %dma_start3A_724 = arith.constant 0 : i32
        %dma_start3A_725 = arith.constant 0 : i32
        %dma_start3A_726 = tpu.memref_slice %arg2[%dma_start3A_724, %dma_start3A_725] : memref<10000x80xi32, #tpu.memory_space<hbm>> -> memref<10000x80xi32, #tpu.memory_space<hbm>>
        tpu.enqueue_indirect_dma source(%dma_start3A_726 : memref<10000x80xi32, #tpu.memory_space<hbm>>) target(%arg17 : memref<40x80xi32, #tpu.memory_space<vmem>>) offsets(%dma_start3A_723 : memref<40xi32, #tpu.memory_space<vmem>>) semaphore(%arg27 : memref<!tpu.dma_semaphore, #tpu.memory_space<semaphore_mem>>)
        %dma_start3A_727 = arith.constant 0 : i32
        %dma_start3A_728 = tpu.memref_slice %arg12[%add3A_720, %dma_start3A_727] : memref<50x40xi32, #tpu.memory_space<vmem>> -> memref<1x40xi32, #tpu.memory_space<vmem>>
        %dma_start3A_729 = tpu.memref_squeeze %dma_start3A_728 : memref<1x40xi32, #tpu.memory_space<vmem>> -> memref<40xi32, #tpu.memory_space<vmem>>
        %dma_start3A_730 = arith.constant 0 : i32
        %dma_start3A_731 = arith.constant 0 : i32
        %dma_start3A_732 = tpu.memref_slice %arg3[%dma_start3A_730, %dma_start3A_731] : memref<10000x16xf32, #tpu.memory_space<hbm>> -> memref<10000x16xf32, #tpu.memory_space<hbm>>
        tpu.enqueue_indirect_dma source(%dma_start3A_732 : memref<10000x16xf32, #tpu.memory_space<hbm>>) target(%arg21 : memref<40x16xf32, #tpu.memory_space<vmem>>) offsets(%dma_start3A_729 : memref<40xi32, #tpu.memory_space<vmem>>) semaphore(%arg31 : memref<!tpu.dma_semaphore, #tpu.memory_space<semaphore_mem>>)
        %dma_wait3A_733 = arith.constant 0 : i32
        %dma_wait3A_734 = arith.constant 0 : i32
        %dma_wait3A_735 = tpu.memref_slice %arg11[%dma_wait3A_733, %dma_wait3A_734] : memref<50x40xi32, #tpu.memory_space<vmem>> -> memref<1x40xi32, #tpu.memory_space<vmem>>
        %dma_wait3A_736 = tpu.memref_squeeze %dma_wait3A_735 : memref<1x40xi32, #tpu.memory_space<vmem>> -> memref<40xi32, #tpu.memory_space<vmem>>
        %dma_wait3A_737 = arith.constant 0 : i32
        %dma_wait3A_738 = arith.constant 0 : i32
        %dma_wait3A_739 = tpu.memref_slice %arg2[%dma_wait3A_737, %dma_wait3A_738] : memref<10000x80xi32, #tpu.memory_space<hbm>> -> memref<10000x80xi32, #tpu.memory_space<hbm>>
        tpu.wait_indirect_dma semaphore(%arg24 : memref<!tpu.dma_semaphore, #tpu.memory_space<semaphore_mem>>) src(%dma_wait3A_739 : memref<10000x80xi32, #tpu.memory_space<hbm>>) dst(%arg14 : memref<40x80xi32, #tpu.memory_space<vmem>>)
        %dma_wait3A_740 = arith.constant 0 : i32
        %dma_wait3A_741 = arith.constant 0 : i32
        %dma_wait3A_742 = tpu.memref_slice %arg12[%dma_wait3A_740, %dma_wait3A_741] : memref<50x40xi32, #tpu.memory_space<vmem>> -> memref<1x40xi32, #tpu.memory_space<vmem>>
        %dma_wait3A_743 = tpu.memref_squeeze %dma_wait3A_742 : memref<1x40xi32, #tpu.memory_space<vmem>> -> memref<40xi32, #tpu.memory_space<vmem>>
        %dma_wait3A_744 = arith.constant 0 : i32
        %dma_wait3A_745 = arith.constant 0 : i32
        %dma_wait3A_746 = tpu.memref_slice %arg3[%dma_wait3A_744, %dma_wait3A_745] : memref<10000x16xf32, #tpu.memory_space<hbm>> -> memref<10000x16xf32, #tpu.memory_space<hbm>>
        tpu.wait_indirect_dma semaphore(%arg28 : memref<!tpu.dma_semaphore, #tpu.memory_space<semaphore_mem>>) src(%dma_wait3A_746 : memref<10000x16xf32, #tpu.memory_space<hbm>>) dst(%arg18 : memref<40x16xf32, #tpu.memory_space<vmem>>)
        %dma_wait3A_747 = arith.constant 0 : i32
        %dma_wait3A_748 = arith.constant 0 : i32
        %dma_wait3A_749 = tpu.memref_slice %arg11[%dma_wait3A_747, %dma_wait3A_748] : memref<50x40xi32, #tpu.memory_space<vmem>> -> memref<1x40xi32, #tpu.memory_space<vmem>>
        %dma_wait3A_750 = tpu.memref_squeeze %dma_wait3A_749 : memref<1x40xi32, #tpu.memory_space<vmem>> -> memref<40xi32, #tpu.memory_space<vmem>>
        %dma_wait3A_751 = arith.constant 0 : i32
        %dma_wait3A_752 = arith.constant 0 : i32
        %dma_wait3A_753 = tpu.memref_slice %arg2[%dma_wait3A_751, %dma_wait3A_752] : memref<10000x80xi32, #tpu.memory_space<hbm>> -> memref<10000x80xi32, #tpu.memory_space<hbm>>
        tpu.wait_indirect_dma semaphore(%arg25 : memref<!tpu.dma_semaphore, #tpu.memory_space<semaphore_mem>>) src(%dma_wait3A_753 : memref<10000x80xi32, #tpu.memory_space<hbm>>) dst(%arg15 : memref<40x80xi32, #tpu.memory_space<vmem>>)
        %dma_wait3A_754 = arith.constant 0 : i32
        %dma_wait3A_755 = arith.constant 0 : i32
        %dma_wait3A_756 = tpu.memref_slice %arg12[%dma_wait3A_754, %dma_wait3A_755] : memref<50x40xi32, #tpu.memory_space<vmem>> -> memref<1x40xi32, #tpu.memory_space<vmem>>
        %dma_wait3A_757 = tpu.memref_squeeze %dma_wait3A_756 : memref<1x40xi32, #tpu.memory_space<vmem>> -> memref<40xi32, #tpu.memory_space<vmem>>
        %dma_wait3A_758 = arith.constant 0 : i32
        %dma_wait3A_759 = arith.constant 0 : i32
        %dma_wait3A_760 = tpu.memref_slice %arg3[%dma_wait3A_758, %dma_wait3A_759] : memref<10000x16xf32, #tpu.memory_space<hbm>> -> memref<10000x16xf32, #tpu.memory_space<hbm>>
        tpu.wait_indirect_dma semaphore(%arg29 : memref<!tpu.dma_semaphore, #tpu.memory_space<semaphore_mem>>) src(%dma_wait3A_760 : memref<10000x16xf32, #tpu.memory_space<hbm>>) dst(%arg19 : memref<40x16xf32, #tpu.memory_space<vmem>>)
        %ge3A = arith.constant 1 : i32
        %ge3A_761 = arith.cmpi sge, %scan3A_702, %ge3A : i32
        %convert_element_type3A_762 = arith.extui %ge3A_761 : i1 to i32
        %cond3A_763 = arith.constant 0 : i32
        %cond3A_764 = arith.cmpi ne, %convert_element_type3A_762, %cond3A_763 : i32
        scf.if %cond3A_764 {
          %dma_wait3A_887 = arith.constant 0 : i32
          %dma_wait3A_888 = arith.constant 0 : i32
          %dma_wait3A_889 = tpu.memref_slice %arg12[%dma_wait3A_887, %dma_wait3A_888] : memref<50x40xi32, #tpu.memory_space<vmem>> -> memref<1x40xi32, #tpu.memory_space<vmem>>
          %dma_wait3A_890 = tpu.memref_squeeze %dma_wait3A_889 : memref<1x40xi32, #tpu.memory_space<vmem>> -> memref<40xi32, #tpu.memory_space<vmem>>
          %dma_wait3A_891 = arith.constant 0 : i32
          %dma_wait3A_892 = arith.constant 0 : i32
          %dma_wait3A_893 = tpu.memref_slice %arg9[%dma_wait3A_891, %dma_wait3A_892] : memref<10112x136xf32, #tpu.memory_space<vmem_shared>> -> memref<10112x136xf32, #tpu.memory_space<vmem_shared>>
          tpu.wait_indirect_dma semaphore(%arg32 : memref<!tpu.dma_semaphore, #tpu.memory_space<semaphore_mem>>) src(%arg22 : memref<40x136xf32, #tpu.memory_space<vmem>>) dst(%dma_wait3A_893 : memref<10112x136xf32, #tpu.memory_space<vmem_shared>>)
          %dma_wait3A_894 = arith.constant 0 : i32
          %dma_wait3A_895 = arith.constant 0 : i32
          %dma_wait3A_896 = tpu.memref_slice %arg12[%dma_wait3A_894, %dma_wait3A_895] : memref<50x40xi32, #tpu.memory_space<vmem>> -> memref<1x40xi32, #tpu.memory_space<vmem>>
          %dma_wait3A_897 = tpu.memref_squeeze %dma_wait3A_896 : memref<1x40xi32, #tpu.memory_space<vmem>> -> memref<40xi32, #tpu.memory_space<vmem>>
          %dma_wait3A_898 = arith.constant 0 : i32
          %dma_wait3A_899 = arith.constant 0 : i32
          %dma_wait3A_900 = tpu.memref_slice %arg9[%dma_wait3A_898, %dma_wait3A_899] : memref<10112x136xf32, #tpu.memory_space<vmem_shared>> -> memref<10112x136xf32, #tpu.memory_space<vmem_shared>>
          tpu.wait_indirect_dma semaphore(%arg33 : memref<!tpu.dma_semaphore, #tpu.memory_space<semaphore_mem>>) src(%arg23 : memref<40x136xf32, #tpu.memory_space<vmem>>) dst(%dma_wait3A_900 : memref<10112x136xf32, #tpu.memory_space<vmem_shared>>)
        } else {
        }
        %broadcast_in_dim3A_765 = vector.broadcast %mul3A_704 : i32 to vector<16xi32>
        %parallel_loop3A_766 = arith.constant 0 : i32
        %parallel_loop3A_767 = arith.constant 40 : i32
        %parallel_loop3A_768 = arith.constant 1 : i32
        scf.for %parallel_loop3A_887 = %parallel_loop3A_766 to %parallel_loop3A_767 step %parallel_loop3A_768  : i32 {
          %parallel_loop3A_888 = vector.broadcast %parallel_loop3A_887 : i32 to vector<16xi32>
          %parallel_loop3A_889 = tpu.vector_load_idx %arg13[%broadcast_in_dim3A_765, %parallel_loop3A_888] : memref<50x40xf32, #tpu.memory_space<vmem>>[vector<16xi32>, vector<16xi32>], vector<16xf32>,
          %parallel_loop3A_890 = arith.index_cast %parallel_loop3A_887 : i32 to index
          %parallel_loop3A_891 = arith.constant 64 : index
          %parallel_loop3A_892 = tpu.vector_load %arg14[%parallel_loop3A_890, %parallel_loop3A_891] {strides = array<i32>} : memref<40x80xi32, #tpu.memory_space<vmem>>, vector<16xi32>,
          %parallel_loop3A_893 = vector.bitcast %parallel_loop3A_892 : vector<16xi32> to vector<16xf32>
          %parallel_loop3A_894 = arith.index_cast %parallel_loop3A_887 : i32 to index
          %parallel_loop3A_895 = arith.constant 0 : index
          %parallel_loop3A_896 = tpu.vector_load %arg18[%parallel_loop3A_894, %parallel_loop3A_895] {strides = array<i32>} : memref<40x16xf32, #tpu.memory_space<vmem>>, vector<16xf32>,
          %parallel_loop3A_897 = arith.addf %parallel_loop3A_893, %parallel_loop3A_896 : vector<16xf32>
          %parallel_loop3A_898 = arith.mulf %parallel_loop3A_889, %get3A_272 : vector<16xf32>
          %parallel_loop3A_899 = arith.addf %parallel_loop3A_897, %parallel_loop3A_898 : vector<16xf32>
          %parallel_loop3A_900 = arith.constant 0.000000e+00 : f32
          %parallel_loop3A_901 = vector.broadcast %parallel_loop3A_900 : f32 to vector<16xf32>
          %parallel_loop3A_902 = arith.cmpf ogt, %parallel_loop3A_899, %parallel_loop3A_901 : vector<16xf32>
          %parallel_loop3A_903 = arith.constant 2.000000e-01 : f32
          %parallel_loop3A_904 = vector.broadcast %parallel_loop3A_903 : f32 to vector<16xf32>
          %parallel_loop3A_905 = arith.mulf %parallel_loop3A_904, %parallel_loop3A_899 : vector<16xf32>
          %parallel_loop3A_906 = arith.select %parallel_loop3A_902, %parallel_loop3A_899, %parallel_loop3A_905 : vector<16xi1>, vector<16xf32>
          %parallel_loop3A_907 = arith.subf %parallel_loop3A_906, %get3A_276 : vector<16xf32>
          %parallel_loop3A_908 = math.exp %parallel_loop3A_907 : vector<16xf32>
          tpu.vector_store_idx %arg22[%parallel_loop3A_888, %add3A_279], %parallel_loop3A_908 masked %lt3A_282 : memref<40x136xf32, #tpu.memory_space<vmem>>[vector<16xi32>, vector<16xi32>], vector<16xf32>, vector<16xi1>
          %parallel_loop3A_909 = arith.index_cast %parallel_loop3A_887 : i32 to index
          %parallel_loop3A_910 = arith.constant 0 : index
          %parallel_loop3A_911 = tpu.vector_load %arg14[%parallel_loop3A_909, %parallel_loop3A_910] {strides = array<i32>} : memref<40x80xi32, #tpu.memory_space<vmem>>, vector<16xi32>,
          %parallel_loop3A_912 = arith.constant 16 : i32
          %parallel_loop3A_913 = vector.broadcast %parallel_loop3A_912 : i32 to vector<16xi32>
          %parallel_loop3A_914 = arith.shli %parallel_loop3A_911, %parallel_loop3A_913 : vector<16xi32>
          %parallel_loop3A_915 = vector.bitcast %parallel_loop3A_914 : vector<16xi32> to vector<16xf32>
          %parallel_loop3A_916 = arith.constant -65536 : i32
          %parallel_loop3A_917 = vector.broadcast %parallel_loop3A_916 : i32 to vector<16xi32>
          %parallel_loop3A_918 = arith.andi %parallel_loop3A_911, %parallel_loop3A_917 : vector<16xi32>
          %parallel_loop3A_919 = vector.bitcast %parallel_loop3A_918 : vector<16xi32> to vector<16xf32>
          %parallel_loop3A_920 = vector.extract_strided_slice %parallel_loop3A_908 {offsets = [0], sizes = [1], strides = [1]} : vector<16xf32> to vector<1xf32>
          %parallel_loop3A_921 = vector.extract %parallel_loop3A_920[0] : f32 from vector<1xf32>
          %parallel_loop3A_922 = vector.broadcast %parallel_loop3A_921 : f32 to vector<16xf32>
          %parallel_loop3A_923 = arith.mulf %parallel_loop3A_915, %parallel_loop3A_922 : vector<16xf32>
          %parallel_loop3A_924 = arith.index_cast %parallel_loop3A_887 : i32 to index
          %parallel_loop3A_925 = arith.constant 0 : index
          %parallel_loop3A_926 = tpu.vector_load %arg22[%parallel_loop3A_924, %parallel_loop3A_925] {strides = array<i32>} : memref<40x136xf32, #tpu.memory_space<vmem>>, vector<16xf32>,
          tpu.vector_store %arg22[%parallel_loop3A_924, %parallel_loop3A_925], %parallel_loop3A_923 {strides = array<i32>} : memref<40x136xf32, #tpu.memory_space<vmem>>, vector<16xf32>,
          %parallel_loop3A_927 = vector.extract_strided_slice %parallel_loop3A_908 {offsets = [4], sizes = [1], strides = [1]} : vector<16xf32> to vector<1xf32>
          %parallel_loop3A_928 = vector.extract %parallel_loop3A_927[0] : f32 from vector<1xf32>
          %parallel_loop3A_929 = vector.broadcast %parallel_loop3A_928 : f32 to vector<16xf32>
          %parallel_loop3A_930 = arith.mulf %parallel_loop3A_919, %parallel_loop3A_929 : vector<16xf32>
          %parallel_loop3A_931 = arith.index_cast %parallel_loop3A_887 : i32 to index
          %parallel_loop3A_932 = arith.constant 64 : index
          %parallel_loop3A_933 = tpu.vector_load %arg22[%parallel_loop3A_931, %parallel_loop3A_932] {strides = array<i32>} : memref<40x136xf32, #tpu.memory_space<vmem>>, vector<16xf32>,
          tpu.vector_store %arg22[%parallel_loop3A_931, %parallel_loop3A_932], %parallel_loop3A_930 {strides = array<i32>} : memref<40x136xf32, #tpu.memory_space<vmem>>, vector<16xf32>,
          %parallel_loop3A_934 = arith.index_cast %parallel_loop3A_887 : i32 to index
          %parallel_loop3A_935 = arith.constant 16 : index
          %parallel_loop3A_936 = tpu.vector_load %arg14[%parallel_loop3A_934, %parallel_loop3A_935] {strides = array<i32>} : memref<40x80xi32, #tpu.memory_space<vmem>>, vector<16xi32>,
          %parallel_loop3A_937 = arith.constant 16 : i32
          %parallel_loop3A_938 = vector.broadcast %parallel_loop3A_937 : i32 to vector<16xi32>
          %parallel_loop3A_939 = arith.shli %parallel_loop3A_936, %parallel_loop3A_938 : vector<16xi32>
          %parallel_loop3A_940 = vector.bitcast %parallel_loop3A_939 : vector<16xi32> to vector<16xf32>
          %parallel_loop3A_941 = arith.constant -65536 : i32
          %parallel_loop3A_942 = vector.broadcast %parallel_loop3A_941 : i32 to vector<16xi32>
          %parallel_loop3A_943 = arith.andi %parallel_loop3A_936, %parallel_loop3A_942 : vector<16xi32>
          %parallel_loop3A_944 = vector.bitcast %parallel_loop3A_943 : vector<16xi32> to vector<16xf32>
          %parallel_loop3A_945 = vector.extract_strided_slice %parallel_loop3A_908 {offsets = [1], sizes = [1], strides = [1]} : vector<16xf32> to vector<1xf32>
          %parallel_loop3A_946 = vector.extract %parallel_loop3A_945[0] : f32 from vector<1xf32>
          %parallel_loop3A_947 = vector.broadcast %parallel_loop3A_946 : f32 to vector<16xf32>
          %parallel_loop3A_948 = arith.mulf %parallel_loop3A_940, %parallel_loop3A_947 : vector<16xf32>
          %parallel_loop3A_949 = arith.index_cast %parallel_loop3A_887 : i32 to index
          %parallel_loop3A_950 = arith.constant 16 : index
          %parallel_loop3A_951 = tpu.vector_load %arg22[%parallel_loop3A_949, %parallel_loop3A_950] {strides = array<i32>} : memref<40x136xf32, #tpu.memory_space<vmem>>, vector<16xf32>,
          tpu.vector_store %arg22[%parallel_loop3A_949, %parallel_loop3A_950], %parallel_loop3A_948 {strides = array<i32>} : memref<40x136xf32, #tpu.memory_space<vmem>>, vector<16xf32>,
          %parallel_loop3A_952 = vector.extract_strided_slice %parallel_loop3A_908 {offsets = [5], sizes = [1], strides = [1]} : vector<16xf32> to vector<1xf32>
          %parallel_loop3A_953 = vector.extract %parallel_loop3A_952[0] : f32 from vector<1xf32>
          %parallel_loop3A_954 = vector.broadcast %parallel_loop3A_953 : f32 to vector<16xf32>
          %parallel_loop3A_955 = arith.mulf %parallel_loop3A_944, %parallel_loop3A_954 : vector<16xf32>
          %parallel_loop3A_956 = arith.index_cast %parallel_loop3A_887 : i32 to index
          %parallel_loop3A_957 = arith.constant 80 : index
          %parallel_loop3A_958 = tpu.vector_load %arg22[%parallel_loop3A_956, %parallel_loop3A_957] {strides = array<i32>} : memref<40x136xf32, #tpu.memory_space<vmem>>, vector<16xf32>,
          tpu.vector_store %arg22[%parallel_loop3A_956, %parallel_loop3A_957], %parallel_loop3A_955 {strides = array<i32>} : memref<40x136xf32, #tpu.memory_space<vmem>>, vector<16xf32>,
          %parallel_loop3A_959 = arith.index_cast %parallel_loop3A_887 : i32 to index
          %parallel_loop3A_960 = arith.constant 32 : index
          %parallel_loop3A_961 = tpu.vector_load %arg14[%parallel_loop3A_959, %parallel_loop3A_960] {strides = array<i32>} : memref<40x80xi32, #tpu.memory_space<vmem>>, vector<16xi32>,
          %parallel_loop3A_962 = arith.constant 16 : i32
          %parallel_loop3A_963 = vector.broadcast %parallel_loop3A_962 : i32 to vector<16xi32>
          %parallel_loop3A_964 = arith.shli %parallel_loop3A_961, %parallel_loop3A_963 : vector<16xi32>
          %parallel_loop3A_965 = vector.bitcast %parallel_loop3A_964 : vector<16xi32> to vector<16xf32>
          %parallel_loop3A_966 = arith.constant -65536 : i32
          %parallel_loop3A_967 = vector.broadcast %parallel_loop3A_966 : i32 to vector<16xi32>
          %parallel_loop3A_968 = arith.andi %parallel_loop3A_961, %parallel_loop3A_967 : vector<16xi32>
          %parallel_loop3A_969 = vector.bitcast %parallel_loop3A_968 : vector<16xi32> to vector<16xf32>
          %parallel_loop3A_970 = vector.extract_strided_slice %parallel_loop3A_908 {offsets = [2], sizes = [1], strides = [1]} : vector<16xf32> to vector<1xf32>
          %parallel_loop3A_971 = vector.extract %parallel_loop3A_970[0] : f32 from vector<1xf32>
          %parallel_loop3A_972 = vector.broadcast %parallel_loop3A_971 : f32 to vector<16xf32>
          %parallel_loop3A_973 = arith.mulf %parallel_loop3A_965, %parallel_loop3A_972 : vector<16xf32>
          %parallel_loop3A_974 = arith.index_cast %parallel_loop3A_887 : i32 to index
          %parallel_loop3A_975 = arith.constant 32 : index
          %parallel_loop3A_976 = tpu.vector_load %arg22[%parallel_loop3A_974, %parallel_loop3A_975] {strides = array<i32>} : memref<40x136xf32, #tpu.memory_space<vmem>>, vector<16xf32>,
          tpu.vector_store %arg22[%parallel_loop3A_974, %parallel_loop3A_975], %parallel_loop3A_973 {strides = array<i32>} : memref<40x136xf32, #tpu.memory_space<vmem>>, vector<16xf32>,
          %parallel_loop3A_977 = vector.extract_strided_slice %parallel_loop3A_908 {offsets = [6], sizes = [1], strides = [1]} : vector<16xf32> to vector<1xf32>
          %parallel_loop3A_978 = vector.extract %parallel_loop3A_977[0] : f32 from vector<1xf32>
          %parallel_loop3A_979 = vector.broadcast %parallel_loop3A_978 : f32 to vector<16xf32>
          %parallel_loop3A_980 = arith.mulf %parallel_loop3A_969, %parallel_loop3A_979 : vector<16xf32>
          %parallel_loop3A_981 = arith.index_cast %parallel_loop3A_887 : i32 to index
          %parallel_loop3A_982 = arith.constant 96 : index
          %parallel_loop3A_983 = tpu.vector_load %arg22[%parallel_loop3A_981, %parallel_loop3A_982] {strides = array<i32>} : memref<40x136xf32, #tpu.memory_space<vmem>>, vector<16xf32>,
          tpu.vector_store %arg22[%parallel_loop3A_981, %parallel_loop3A_982], %parallel_loop3A_980 {strides = array<i32>} : memref<40x136xf32, #tpu.memory_space<vmem>>, vector<16xf32>,
          %parallel_loop3A_984 = arith.index_cast %parallel_loop3A_887 : i32 to index
          %parallel_loop3A_985 = arith.constant 48 : index
          %parallel_loop3A_986 = tpu.vector_load %arg14[%parallel_loop3A_984, %parallel_loop3A_985] {strides = array<i32>} : memref<40x80xi32, #tpu.memory_space<vmem>>, vector<16xi32>,
          %parallel_loop3A_987 = arith.constant 16 : i32
          %parallel_loop3A_988 = vector.broadcast %parallel_loop3A_987 : i32 to vector<16xi32>
          %parallel_loop3A_989 = arith.shli %parallel_loop3A_986, %parallel_loop3A_988 : vector<16xi32>
          %parallel_loop3A_990 = vector.bitcast %parallel_loop3A_989 : vector<16xi32> to vector<16xf32>
          %parallel_loop3A_991 = arith.constant -65536 : i32
          %parallel_loop3A_992 = vector.broadcast %parallel_loop3A_991 : i32 to vector<16xi32>
          %parallel_loop3A_993 = arith.andi %parallel_loop3A_986, %parallel_loop3A_992 : vector<16xi32>
          %parallel_loop3A_994 = vector.bitcast %parallel_loop3A_993 : vector<16xi32> to vector<16xf32>
          %parallel_loop3A_995 = vector.extract_strided_slice %parallel_loop3A_908 {offsets = [3], sizes = [1], strides = [1]} : vector<16xf32> to vector<1xf32>
          %parallel_loop3A_996 = vector.extract %parallel_loop3A_995[0] : f32 from vector<1xf32>
          %parallel_loop3A_997 = vector.broadcast %parallel_loop3A_996 : f32 to vector<16xf32>
          %parallel_loop3A_998 = arith.mulf %parallel_loop3A_990, %parallel_loop3A_997 : vector<16xf32>
          %parallel_loop3A_999 = arith.index_cast %parallel_loop3A_887 : i32 to index
          %parallel_loop3A_1000 = arith.constant 48 : index
          %parallel_loop3A_1001 = tpu.vector_load %arg22[%parallel_loop3A_999, %parallel_loop3A_1000] {strides = array<i32>} : memref<40x136xf32, #tpu.memory_space<vmem>>, vector<16xf32>,
          tpu.vector_store %arg22[%parallel_loop3A_999, %parallel_loop3A_1000], %parallel_loop3A_998 {strides = array<i32>} : memref<40x136xf32, #tpu.memory_space<vmem>>, vector<16xf32>,
          %parallel_loop3A_1002 = vector.extract_strided_slice %parallel_loop3A_908 {offsets = [7], sizes = [1], strides = [1]} : vector<16xf32> to vector<1xf32>
          %parallel_loop3A_1003 = vector.extract %parallel_loop3A_1002[0] : f32 from vector<1xf32>
          %parallel_loop3A_1004 = vector.broadcast %parallel_loop3A_1003 : f32 to vector<16xf32>
          %parallel_loop3A_1005 = arith.mulf %parallel_loop3A_994, %parallel_loop3A_1004 : vector<16xf32>
          %parallel_loop3A_1006 = arith.index_cast %parallel_loop3A_887 : i32 to index
          %parallel_loop3A_1007 = arith.constant 112 : index
          %parallel_loop3A_1008 = tpu.vector_load %arg22[%parallel_loop3A_1006, %parallel_loop3A_1007] {strides = array<i32>} : memref<40x136xf32, #tpu.memory_space<vmem>>, vector<16xf32>,
          tpu.vector_store %arg22[%parallel_loop3A_1006, %parallel_loop3A_1007], %parallel_loop3A_1005 {strides = array<i32>} : memref<40x136xf32, #tpu.memory_space<vmem>>, vector<16xf32>,
        } {sc.loop_unroll_factor = 4 : i64, sc.parallel_access}
        %dma_start3A_769 = arith.constant 0 : i32
        %dma_start3A_770 = tpu.memref_slice %arg12[%mul3A_704, %dma_start3A_769] : memref<50x40xi32, #tpu.memory_space<vmem>> -> memref<1x40xi32, #tpu.memory_space<vmem>>
        %dma_start3A_771 = tpu.memref_squeeze %dma_start3A_770 : memref<1x40xi32, #tpu.memory_space<vmem>> -> memref<40xi32, #tpu.memory_space<vmem>>
        %dma_start3A_772 = arith.constant 0 : i32
        %dma_start3A_773 = arith.constant 0 : i32
        %dma_start3A_774 = tpu.memref_slice %arg9[%dma_start3A_772, %dma_start3A_773] : memref<10112x136xf32, #tpu.memory_space<vmem_shared>> -> memref<10112x136xf32, #tpu.memory_space<vmem_shared>>
        tpu.enqueue_indirect_dma source(%arg22 : memref<40x136xf32, #tpu.memory_space<vmem>>) target(%dma_start3A_774 : memref<10112x136xf32, #tpu.memory_space<vmem_shared>>) offsets(%dma_start3A_771 : memref<40xi32, #tpu.memory_space<vmem>>) semaphore(%arg32 : memref<!tpu.dma_semaphore, #tpu.memory_space<semaphore_mem>>) {add = true}
        %add3A_775 = arith.constant 1 : i32
        %add3A_776 = arith.addi %mul3A_704, %add3A_775 : i32
        %broadcast_in_dim3A_777 = vector.broadcast %add3A_776 : i32 to vector<16xi32>
        %parallel_loop3A_778 = arith.constant 0 : i32
        %parallel_loop3A_779 = arith.constant 40 : i32
        %parallel_loop3A_780 = arith.constant 1 : i32
        scf.for %parallel_loop3A_887 = %parallel_loop3A_778 to %parallel_loop3A_779 step %parallel_loop3A_780  : i32 {
          %parallel_loop3A_888 = vector.broadcast %parallel_loop3A_887 : i32 to vector<16xi32>
          %parallel_loop3A_889 = tpu.vector_load_idx %arg13[%broadcast_in_dim3A_777, %parallel_loop3A_888] : memref<50x40xf32, #tpu.memory_space<vmem>>[vector<16xi32>, vector<16xi32>], vector<16xf32>,
          %parallel_loop3A_890 = arith.index_cast %parallel_loop3A_887 : i32 to index
          %parallel_loop3A_891 = arith.constant 64 : index
          %parallel_loop3A_892 = tpu.vector_load %arg15[%parallel_loop3A_890, %parallel_loop3A_891] {strides = array<i32>} : memref<40x80xi32, #tpu.memory_space<vmem>>, vector<16xi32>,
          %parallel_loop3A_893 = vector.bitcast %parallel_loop3A_892 : vector<16xi32> to vector<16xf32>
          %parallel_loop3A_894 = arith.index_cast %parallel_loop3A_887 : i32 to index
          %parallel_loop3A_895 = arith.constant 0 : index
          %parallel_loop3A_896 = tpu.vector_load %arg19[%parallel_loop3A_894, %parallel_loop3A_895] {strides = array<i32>} : memref<40x16xf32, #tpu.memory_space<vmem>>, vector<16xf32>,
          %parallel_loop3A_897 = arith.addf %parallel_loop3A_893, %parallel_loop3A_896 : vector<16xf32>
          %parallel_loop3A_898 = arith.mulf %parallel_loop3A_889, %get3A_272 : vector<16xf32>
          %parallel_loop3A_899 = arith.addf %parallel_loop3A_897, %parallel_loop3A_898 : vector<16xf32>
          %parallel_loop3A_900 = arith.constant 0.000000e+00 : f32
          %parallel_loop3A_901 = vector.broadcast %parallel_loop3A_900 : f32 to vector<16xf32>
          %parallel_loop3A_902 = arith.cmpf ogt, %parallel_loop3A_899, %parallel_loop3A_901 : vector<16xf32>
          %parallel_loop3A_903 = arith.constant 2.000000e-01 : f32
          %parallel_loop3A_904 = vector.broadcast %parallel_loop3A_903 : f32 to vector<16xf32>
          %parallel_loop3A_905 = arith.mulf %parallel_loop3A_904, %parallel_loop3A_899 : vector<16xf32>
          %parallel_loop3A_906 = arith.select %parallel_loop3A_902, %parallel_loop3A_899, %parallel_loop3A_905 : vector<16xi1>, vector<16xf32>
          %parallel_loop3A_907 = arith.subf %parallel_loop3A_906, %get3A_276 : vector<16xf32>
          %parallel_loop3A_908 = math.exp %parallel_loop3A_907 : vector<16xf32>
          tpu.vector_store_idx %arg23[%parallel_loop3A_888, %add3A_279], %parallel_loop3A_908 masked %lt3A_282 : memref<40x136xf32, #tpu.memory_space<vmem>>[vector<16xi32>, vector<16xi32>], vector<16xf32>, vector<16xi1>
          %parallel_loop3A_909 = arith.index_cast %parallel_loop3A_887 : i32 to index
          %parallel_loop3A_910 = arith.constant 0 : index
          %parallel_loop3A_911 = tpu.vector_load %arg15[%parallel_loop3A_909, %parallel_loop3A_910] {strides = array<i32>} : memref<40x80xi32, #tpu.memory_space<vmem>>, vector<16xi32>,
          %parallel_loop3A_912 = arith.constant 16 : i32
          %parallel_loop3A_913 = vector.broadcast %parallel_loop3A_912 : i32 to vector<16xi32>
          %parallel_loop3A_914 = arith.shli %parallel_loop3A_911, %parallel_loop3A_913 : vector<16xi32>
          %parallel_loop3A_915 = vector.bitcast %parallel_loop3A_914 : vector<16xi32> to vector<16xf32>
          %parallel_loop3A_916 = arith.constant -65536 : i32
          %parallel_loop3A_917 = vector.broadcast %parallel_loop3A_916 : i32 to vector<16xi32>
          %parallel_loop3A_918 = arith.andi %parallel_loop3A_911, %parallel_loop3A_917 : vector<16xi32>
          %parallel_loop3A_919 = vector.bitcast %parallel_loop3A_918 : vector<16xi32> to vector<16xf32>
          %parallel_loop3A_920 = vector.extract_strided_slice %parallel_loop3A_908 {offsets = [0], sizes = [1], strides = [1]} : vector<16xf32> to vector<1xf32>
          %parallel_loop3A_921 = vector.extract %parallel_loop3A_920[0] : f32 from vector<1xf32>
          %parallel_loop3A_922 = vector.broadcast %parallel_loop3A_921 : f32 to vector<16xf32>
          %parallel_loop3A_923 = arith.mulf %parallel_loop3A_915, %parallel_loop3A_922 : vector<16xf32>
          %parallel_loop3A_924 = arith.index_cast %parallel_loop3A_887 : i32 to index
          %parallel_loop3A_925 = arith.constant 0 : index
          %parallel_loop3A_926 = tpu.vector_load %arg23[%parallel_loop3A_924, %parallel_loop3A_925] {strides = array<i32>} : memref<40x136xf32, #tpu.memory_space<vmem>>, vector<16xf32>,
          tpu.vector_store %arg23[%parallel_loop3A_924, %parallel_loop3A_925], %parallel_loop3A_923 {strides = array<i32>} : memref<40x136xf32, #tpu.memory_space<vmem>>, vector<16xf32>,
          %parallel_loop3A_927 = vector.extract_strided_slice %parallel_loop3A_908 {offsets = [4], sizes = [1], strides = [1]} : vector<16xf32> to vector<1xf32>
          %parallel_loop3A_928 = vector.extract %parallel_loop3A_927[0] : f32 from vector<1xf32>
          %parallel_loop3A_929 = vector.broadcast %parallel_loop3A_928 : f32 to vector<16xf32>
          %parallel_loop3A_930 = arith.mulf %parallel_loop3A_919, %parallel_loop3A_929 : vector<16xf32>
          %parallel_loop3A_931 = arith.index_cast %parallel_loop3A_887 : i32 to index
          %parallel_loop3A_932 = arith.constant 64 : index
          %parallel_loop3A_933 = tpu.vector_load %arg23[%parallel_loop3A_931, %parallel_loop3A_932] {strides = array<i32>} : memref<40x136xf32, #tpu.memory_space<vmem>>, vector<16xf32>,
          tpu.vector_store %arg23[%parallel_loop3A_931, %parallel_loop3A_932], %parallel_loop3A_930 {strides = array<i32>} : memref<40x136xf32, #tpu.memory_space<vmem>>, vector<16xf32>,
          %parallel_loop3A_934 = arith.index_cast %parallel_loop3A_887 : i32 to index
          %parallel_loop3A_935 = arith.constant 16 : index
          %parallel_loop3A_936 = tpu.vector_load %arg15[%parallel_loop3A_934, %parallel_loop3A_935] {strides = array<i32>} : memref<40x80xi32, #tpu.memory_space<vmem>>, vector<16xi32>,
          %parallel_loop3A_937 = arith.constant 16 : i32
          %parallel_loop3A_938 = vector.broadcast %parallel_loop3A_937 : i32 to vector<16xi32>
          %parallel_loop3A_939 = arith.shli %parallel_loop3A_936, %parallel_loop3A_938 : vector<16xi32>
          %parallel_loop3A_940 = vector.bitcast %parallel_loop3A_939 : vector<16xi32> to vector<16xf32>
          %parallel_loop3A_941 = arith.constant -65536 : i32
          %parallel_loop3A_942 = vector.broadcast %parallel_loop3A_941 : i32 to vector<16xi32>
          %parallel_loop3A_943 = arith.andi %parallel_loop3A_936, %parallel_loop3A_942 : vector<16xi32>
          %parallel_loop3A_944 = vector.bitcast %parallel_loop3A_943 : vector<16xi32> to vector<16xf32>
          %parallel_loop3A_945 = vector.extract_strided_slice %parallel_loop3A_908 {offsets = [1], sizes = [1], strides = [1]} : vector<16xf32> to vector<1xf32>
          %parallel_loop3A_946 = vector.extract %parallel_loop3A_945[0] : f32 from vector<1xf32>
          %parallel_loop3A_947 = vector.broadcast %parallel_loop3A_946 : f32 to vector<16xf32>
          %parallel_loop3A_948 = arith.mulf %parallel_loop3A_940, %parallel_loop3A_947 : vector<16xf32>
          %parallel_loop3A_949 = arith.index_cast %parallel_loop3A_887 : i32 to index
          %parallel_loop3A_950 = arith.constant 16 : index
          %parallel_loop3A_951 = tpu.vector_load %arg23[%parallel_loop3A_949, %parallel_loop3A_950] {strides = array<i32>} : memref<40x136xf32, #tpu.memory_space<vmem>>, vector<16xf32>,
          tpu.vector_store %arg23[%parallel_loop3A_949, %parallel_loop3A_950], %parallel_loop3A_948 {strides = array<i32>} : memref<40x136xf32, #tpu.memory_space<vmem>>, vector<16xf32>,
          %parallel_loop3A_952 = vector.extract_strided_slice %parallel_loop3A_908 {offsets = [5], sizes = [1], strides = [1]} : vector<16xf32> to vector<1xf32>
          %parallel_loop3A_953 = vector.extract %parallel_loop3A_952[0] : f32 from vector<1xf32>
          %parallel_loop3A_954 = vector.broadcast %parallel_loop3A_953 : f32 to vector<16xf32>
          %parallel_loop3A_955 = arith.mulf %parallel_loop3A_944, %parallel_loop3A_954 : vector<16xf32>
          %parallel_loop3A_956 = arith.index_cast %parallel_loop3A_887 : i32 to index
          %parallel_loop3A_957 = arith.constant 80 : index
          %parallel_loop3A_958 = tpu.vector_load %arg23[%parallel_loop3A_956, %parallel_loop3A_957] {strides = array<i32>} : memref<40x136xf32, #tpu.memory_space<vmem>>, vector<16xf32>,
          tpu.vector_store %arg23[%parallel_loop3A_956, %parallel_loop3A_957], %parallel_loop3A_955 {strides = array<i32>} : memref<40x136xf32, #tpu.memory_space<vmem>>, vector<16xf32>,
          %parallel_loop3A_959 = arith.index_cast %parallel_loop3A_887 : i32 to index
          %parallel_loop3A_960 = arith.constant 32 : index
          %parallel_loop3A_961 = tpu.vector_load %arg15[%parallel_loop3A_959, %parallel_loop3A_960] {strides = array<i32>} : memref<40x80xi32, #tpu.memory_space<vmem>>, vector<16xi32>,
          %parallel_loop3A_962 = arith.constant 16 : i32
          %parallel_loop3A_963 = vector.broadcast %parallel_loop3A_962 : i32 to vector<16xi32>
          %parallel_loop3A_964 = arith.shli %parallel_loop3A_961, %parallel_loop3A_963 : vector<16xi32>
          %parallel_loop3A_965 = vector.bitcast %parallel_loop3A_964 : vector<16xi32> to vector<16xf32>
          %parallel_loop3A_966 = arith.constant -65536 : i32
          %parallel_loop3A_967 = vector.broadcast %parallel_loop3A_966 : i32 to vector<16xi32>
          %parallel_loop3A_968 = arith.andi %parallel_loop3A_961, %parallel_loop3A_967 : vector<16xi32>
          %parallel_loop3A_969 = vector.bitcast %parallel_loop3A_968 : vector<16xi32> to vector<16xf32>
          %parallel_loop3A_970 = vector.extract_strided_slice %parallel_loop3A_908 {offsets = [2], sizes = [1], strides = [1]} : vector<16xf32> to vector<1xf32>
          %parallel_loop3A_971 = vector.extract %parallel_loop3A_970[0] : f32 from vector<1xf32>
          %parallel_loop3A_972 = vector.broadcast %parallel_loop3A_971 : f32 to vector<16xf32>
          %parallel_loop3A_973 = arith.mulf %parallel_loop3A_965, %parallel_loop3A_972 : vector<16xf32>
          %parallel_loop3A_974 = arith.index_cast %parallel_loop3A_887 : i32 to index
          %parallel_loop3A_975 = arith.constant 32 : index
          %parallel_loop3A_976 = tpu.vector_load %arg23[%parallel_loop3A_974, %parallel_loop3A_975] {strides = array<i32>} : memref<40x136xf32, #tpu.memory_space<vmem>>, vector<16xf32>,
          tpu.vector_store %arg23[%parallel_loop3A_974, %parallel_loop3A_975], %parallel_loop3A_973 {strides = array<i32>} : memref<40x136xf32, #tpu.memory_space<vmem>>, vector<16xf32>,
          %parallel_loop3A_977 = vector.extract_strided_slice %parallel_loop3A_908 {offsets = [6], sizes = [1], strides = [1]} : vector<16xf32> to vector<1xf32>
          %parallel_loop3A_978 = vector.extract %parallel_loop3A_977[0] : f32 from vector<1xf32>
          %parallel_loop3A_979 = vector.broadcast %parallel_loop3A_978 : f32 to vector<16xf32>
          %parallel_loop3A_980 = arith.mulf %parallel_loop3A_969, %parallel_loop3A_979 : vector<16xf32>
          %parallel_loop3A_981 = arith.index_cast %parallel_loop3A_887 : i32 to index
          %parallel_loop3A_982 = arith.constant 96 : index
          %parallel_loop3A_983 = tpu.vector_load %arg23[%parallel_loop3A_981, %parallel_loop3A_982] {strides = array<i32>} : memref<40x136xf32, #tpu.memory_space<vmem>>, vector<16xf32>,
          tpu.vector_store %arg23[%parallel_loop3A_981, %parallel_loop3A_982], %parallel_loop3A_980 {strides = array<i32>} : memref<40x136xf32, #tpu.memory_space<vmem>>, vector<16xf32>,
          %parallel_loop3A_984 = arith.index_cast %parallel_loop3A_887 : i32 to index
          %parallel_loop3A_985 = arith.constant 48 : index
          %parallel_loop3A_986 = tpu.vector_load %arg15[%parallel_loop3A_984, %parallel_loop3A_985] {strides = array<i32>} : memref<40x80xi32, #tpu.memory_space<vmem>>, vector<16xi32>,
          %parallel_loop3A_987 = arith.constant 16 : i32
          %parallel_loop3A_988 = vector.broadcast %parallel_loop3A_987 : i32 to vector<16xi32>
          %parallel_loop3A_989 = arith.shli %parallel_loop3A_986, %parallel_loop3A_988 : vector<16xi32>
          %parallel_loop3A_990 = vector.bitcast %parallel_loop3A_989 : vector<16xi32> to vector<16xf32>
          %parallel_loop3A_991 = arith.constant -65536 : i32
          %parallel_loop3A_992 = vector.broadcast %parallel_loop3A_991 : i32 to vector<16xi32>
          %parallel_loop3A_993 = arith.andi %parallel_loop3A_986, %parallel_loop3A_992 : vector<16xi32>
          %parallel_loop3A_994 = vector.bitcast %parallel_loop3A_993 : vector<16xi32> to vector<16xf32>
          %parallel_loop3A_995 = vector.extract_strided_slice %parallel_loop3A_908 {offsets = [3], sizes = [1], strides = [1]} : vector<16xf32> to vector<1xf32>
          %parallel_loop3A_996 = vector.extract %parallel_loop3A_995[0] : f32 from vector<1xf32>
          %parallel_loop3A_997 = vector.broadcast %parallel_loop3A_996 : f32 to vector<16xf32>
          %parallel_loop3A_998 = arith.mulf %parallel_loop3A_990, %parallel_loop3A_997 : vector<16xf32>
          %parallel_loop3A_999 = arith.index_cast %parallel_loop3A_887 : i32 to index
          %parallel_loop3A_1000 = arith.constant 48 : index
          %parallel_loop3A_1001 = tpu.vector_load %arg23[%parallel_loop3A_999, %parallel_loop3A_1000] {strides = array<i32>} : memref<40x136xf32, #tpu.memory_space<vmem>>, vector<16xf32>,
          tpu.vector_store %arg23[%parallel_loop3A_999, %parallel_loop3A_1000], %parallel_loop3A_998 {strides = array<i32>} : memref<40x136xf32, #tpu.memory_space<vmem>>, vector<16xf32>,
          %parallel_loop3A_1002 = vector.extract_strided_slice %parallel_loop3A_908 {offsets = [7], sizes = [1], strides = [1]} : vector<16xf32> to vector<1xf32>
          %parallel_loop3A_1003 = vector.extract %parallel_loop3A_1002[0] : f32 from vector<1xf32>
          %parallel_loop3A_1004 = vector.broadcast %parallel_loop3A_1003 : f32 to vector<16xf32>
          %parallel_loop3A_1005 = arith.mulf %parallel_loop3A_994, %parallel_loop3A_1004 : vector<16xf32>
          %parallel_loop3A_1006 = arith.index_cast %parallel_loop3A_887 : i32 to index
          %parallel_loop3A_1007 = arith.constant 112 : index
          %parallel_loop3A_1008 = tpu.vector_load %arg23[%parallel_loop3A_1006, %parallel_loop3A_1007] {strides = array<i32>} : memref<40x136xf32, #tpu.memory_space<vmem>>, vector<16xf32>,
          tpu.vector_store %arg23[%parallel_loop3A_1006, %parallel_loop3A_1007], %parallel_loop3A_1005 {strides = array<i32>} : memref<40x136xf32, #tpu.memory_space<vmem>>, vector<16xf32>,
        } {sc.loop_unroll_factor = 4 : i64, sc.parallel_access}
        %add3A_781 = arith.constant 1 : i32
        %add3A_782 = arith.addi %mul3A_704, %add3A_781 : i32
        %dma_start3A_783 = arith.constant 0 : i32
        %dma_start3A_784 = tpu.memref_slice %arg12[%add3A_782, %dma_start3A_783] : memref<50x40xi32, #tpu.memory_space<vmem>> -> memref<1x40xi32, #tpu.memory_space<vmem>>
        %dma_start3A_785 = tpu.memref_squeeze %dma_start3A_784 : memref<1x40xi32, #tpu.memory_space<vmem>> -> memref<40xi32, #tpu.memory_space<vmem>>
        %dma_start3A_786 = arith.constant 0 : i32
        %dma_start3A_787 = arith.constant 0 : i32
        %dma_start3A_788 = tpu.memref_slice %arg9[%dma_start3A_786, %dma_start3A_787] : memref<10112x136xf32, #tpu.memory_space<vmem_shared>> -> memref<10112x136xf32, #tpu.memory_space<vmem_shared>>
        tpu.enqueue_indirect_dma source(%arg23 : memref<40x136xf32, #tpu.memory_space<vmem>>) target(%dma_start3A_788 : memref<10112x136xf32, #tpu.memory_space<vmem_shared>>) offsets(%dma_start3A_785 : memref<40xi32, #tpu.memory_space<vmem>>) semaphore(%arg33 : memref<!tpu.dma_semaphore, #tpu.memory_space<semaphore_mem>>) {add = true}
        %add3A_789 = arith.constant 4 : i32
        %add3A_790 = arith.addi %mul3A_704, %add3A_789 : i32
        %dma_start3A_791 = arith.constant 0 : i32
        %dma_start3A_792 = tpu.memref_slice %arg11[%add3A_790, %dma_start3A_791] : memref<50x40xi32, #tpu.memory_space<vmem>> -> memref<1x40xi32, #tpu.memory_space<vmem>>
        %dma_start3A_793 = tpu.memref_squeeze %dma_start3A_792 : memref<1x40xi32, #tpu.memory_space<vmem>> -> memref<40xi32, #tpu.memory_space<vmem>>
        %dma_start3A_794 = arith.constant 0 : i32
        %dma_start3A_795 = arith.constant 0 : i32
        %dma_start3A_796 = tpu.memref_slice %arg2[%dma_start3A_794, %dma_start3A_795] : memref<10000x80xi32, #tpu.memory_space<hbm>> -> memref<10000x80xi32, #tpu.memory_space<hbm>>
        tpu.enqueue_indirect_dma source(%dma_start3A_796 : memref<10000x80xi32, #tpu.memory_space<hbm>>) target(%arg14 : memref<40x80xi32, #tpu.memory_space<vmem>>) offsets(%dma_start3A_793 : memref<40xi32, #tpu.memory_space<vmem>>) semaphore(%arg24 : memref<!tpu.dma_semaphore, #tpu.memory_space<semaphore_mem>>)
        %dma_start3A_797 = arith.constant 0 : i32
        %dma_start3A_798 = tpu.memref_slice %arg12[%add3A_790, %dma_start3A_797] : memref<50x40xi32, #tpu.memory_space<vmem>> -> memref<1x40xi32, #tpu.memory_space<vmem>>
        %dma_start3A_799 = tpu.memref_squeeze %dma_start3A_798 : memref<1x40xi32, #tpu.memory_space<vmem>> -> memref<40xi32, #tpu.memory_space<vmem>>
        %dma_start3A_800 = arith.constant 0 : i32
        %dma_start3A_801 = arith.constant 0 : i32
        %dma_start3A_802 = tpu.memref_slice %arg3[%dma_start3A_800, %dma_start3A_801] : memref<10000x16xf32, #tpu.memory_space<hbm>> -> memref<10000x16xf32, #tpu.memory_space<hbm>>
        tpu.enqueue_indirect_dma source(%dma_start3A_802 : memref<10000x16xf32, #tpu.memory_space<hbm>>) target(%arg18 : memref<40x16xf32, #tpu.memory_space<vmem>>) offsets(%dma_start3A_799 : memref<40xi32, #tpu.memory_space<vmem>>) semaphore(%arg28 : memref<!tpu.dma_semaphore, #tpu.memory_space<semaphore_mem>>)
        %add3A_803 = arith.constant 5 : i32
        %add3A_804 = arith.addi %mul3A_704, %add3A_803 : i32
        %dma_start3A_805 = arith.constant 0 : i32
        %dma_start3A_806 = tpu.memref_slice %arg11[%add3A_804, %dma_start3A_805] : memref<50x40xi32, #tpu.memory_space<vmem>> -> memref<1x40xi32, #tpu.memory_space<vmem>>
        %dma_start3A_807 = tpu.memref_squeeze %dma_start3A_806 : memref<1x40xi32, #tpu.memory_space<vmem>> -> memref<40xi32, #tpu.memory_space<vmem>>
        %dma_start3A_808 = arith.constant 0 : i32
        %dma_start3A_809 = arith.constant 0 : i32
        %dma_start3A_810 = tpu.memref_slice %arg2[%dma_start3A_808, %dma_start3A_809] : memref<10000x80xi32, #tpu.memory_space<hbm>> -> memref<10000x80xi32, #tpu.memory_space<hbm>>
        tpu.enqueue_indirect_dma source(%dma_start3A_810 : memref<10000x80xi32, #tpu.memory_space<hbm>>) target(%arg15 : memref<40x80xi32, #tpu.memory_space<vmem>>) offsets(%dma_start3A_807 : memref<40xi32, #tpu.memory_space<vmem>>) semaphore(%arg25 : memref<!tpu.dma_semaphore, #tpu.memory_space<semaphore_mem>>)
        %dma_start3A_811 = arith.constant 0 : i32
        %dma_start3A_812 = tpu.memref_slice %arg12[%add3A_804, %dma_start3A_811] : memref<50x40xi32, #tpu.memory_space<vmem>> -> memref<1x40xi32, #tpu.memory_space<vmem>>
        %dma_start3A_813 = tpu.memref_squeeze %dma_start3A_812 : memref<1x40xi32, #tpu.memory_space<vmem>> -> memref<40xi32, #tpu.memory_space<vmem>>
        %dma_start3A_814 = arith.constant 0 : i32
        %dma_start3A_815 = arith.constant 0 : i32
        %dma_start3A_816 = tpu.memref_slice %arg3[%dma_start3A_814, %dma_start3A_815] : memref<10000x16xf32, #tpu.memory_space<hbm>> -> memref<10000x16xf32, #tpu.memory_space<hbm>>
        tpu.enqueue_indirect_dma source(%dma_start3A_816 : memref<10000x16xf32, #tpu.memory_space<hbm>>) target(%arg19 : memref<40x16xf32, #tpu.memory_space<vmem>>) offsets(%dma_start3A_813 : memref<40xi32, #tpu.memory_space<vmem>>) semaphore(%arg29 : memref<!tpu.dma_semaphore, #tpu.memory_space<semaphore_mem>>)
        %dma_wait3A_817 = arith.constant 0 : i32
        %dma_wait3A_818 = arith.constant 0 : i32
        %dma_wait3A_819 = tpu.memref_slice %arg11[%dma_wait3A_817, %dma_wait3A_818] : memref<50x40xi32, #tpu.memory_space<vmem>> -> memref<1x40xi32, #tpu.memory_space<vmem>>
        %dma_wait3A_820 = tpu.memref_squeeze %dma_wait3A_819 : memref<1x40xi32, #tpu.memory_space<vmem>> -> memref<40xi32, #tpu.memory_space<vmem>>
        %dma_wait3A_821 = arith.constant 0 : i32
        %dma_wait3A_822 = arith.constant 0 : i32
        %dma_wait3A_823 = tpu.memref_slice %arg2[%dma_wait3A_821, %dma_wait3A_822] : memref<10000x80xi32, #tpu.memory_space<hbm>> -> memref<10000x80xi32, #tpu.memory_space<hbm>>
        tpu.wait_indirect_dma semaphore(%arg26 : memref<!tpu.dma_semaphore, #tpu.memory_space<semaphore_mem>>) src(%dma_wait3A_823 : memref<10000x80xi32, #tpu.memory_space<hbm>>) dst(%arg16 : memref<40x80xi32, #tpu.memory_space<vmem>>)
        %dma_wait3A_824 = arith.constant 0 : i32
        %dma_wait3A_825 = arith.constant 0 : i32
        %dma_wait3A_826 = tpu.memref_slice %arg12[%dma_wait3A_824, %dma_wait3A_825] : memref<50x40xi32, #tpu.memory_space<vmem>> -> memref<1x40xi32, #tpu.memory_space<vmem>>
        %dma_wait3A_827 = tpu.memref_squeeze %dma_wait3A_826 : memref<1x40xi32, #tpu.memory_space<vmem>> -> memref<40xi32, #tpu.memory_space<vmem>>
        %dma_wait3A_828 = arith.constant 0 : i32
        %dma_wait3A_829 = arith.constant 0 : i32
        %dma_wait3A_830 = tpu.memref_slice %arg3[%dma_wait3A_828, %dma_wait3A_829] : memref<10000x16xf32, #tpu.memory_space<hbm>> -> memref<10000x16xf32, #tpu.memory_space<hbm>>
        tpu.wait_indirect_dma semaphore(%arg30 : memref<!tpu.dma_semaphore, #tpu.memory_space<semaphore_mem>>) src(%dma_wait3A_830 : memref<10000x16xf32, #tpu.memory_space<hbm>>) dst(%arg20 : memref<40x16xf32, #tpu.memory_space<vmem>>)
        %dma_wait3A_831 = arith.constant 0 : i32
        %dma_wait3A_832 = arith.constant 0 : i32
        %dma_wait3A_833 = tpu.memref_slice %arg11[%dma_wait3A_831, %dma_wait3A_832] : memref<50x40xi32, #tpu.memory_space<vmem>> -> memref<1x40xi32, #tpu.memory_space<vmem>>
        %dma_wait3A_834 = tpu.memref_squeeze %dma_wait3A_833 : memref<1x40xi32, #tpu.memory_space<vmem>> -> memref<40xi32, #tpu.memory_space<vmem>>
        %dma_wait3A_835 = arith.constant 0 : i32
        %dma_wait3A_836 = arith.constant 0 : i32
        %dma_wait3A_837 = tpu.memref_slice %arg2[%dma_wait3A_835, %dma_wait3A_836] : memref<10000x80xi32, #tpu.memory_space<hbm>> -> memref<10000x80xi32, #tpu.memory_space<hbm>>
        tpu.wait_indirect_dma semaphore(%arg27 : memref<!tpu.dma_semaphore, #tpu.memory_space<semaphore_mem>>) src(%dma_wait3A_837 : memref<10000x80xi32, #tpu.memory_space<hbm>>) dst(%arg17 : memref<40x80xi32, #tpu.memory_space<vmem>>)
        %dma_wait3A_838 = arith.constant 0 : i32
        %dma_wait3A_839 = arith.constant 0 : i32
        %dma_wait3A_840 = tpu.memref_slice %arg12[%dma_wait3A_838, %dma_wait3A_839] : memref<50x40xi32, #tpu.memory_space<vmem>> -> memref<1x40xi32, #tpu.memory_space<vmem>>
        %dma_wait3A_841 = tpu.memref_squeeze %dma_wait3A_840 : memref<1x40xi32, #tpu.memory_space<vmem>> -> memref<40xi32, #tpu.memory_space<vmem>>
        %dma_wait3A_842 = arith.constant 0 : i32
        %dma_wait3A_843 = arith.constant 0 : i32
        %dma_wait3A_844 = tpu.memref_slice %arg3[%dma_wait3A_842, %dma_wait3A_843] : memref<10000x16xf32, #tpu.memory_space<hbm>> -> memref<10000x16xf32, #tpu.memory_space<hbm>>
        tpu.wait_indirect_dma semaphore(%arg31 : memref<!tpu.dma_semaphore, #tpu.memory_space<semaphore_mem>>) src(%dma_wait3A_844 : memref<10000x16xf32, #tpu.memory_space<hbm>>) dst(%arg21 : memref<40x16xf32, #tpu.memory_space<vmem>>)
        %dma_wait3A_845 = arith.constant 0 : i32
        %dma_wait3A_846 = arith.constant 0 : i32
        %dma_wait3A_847 = tpu.memref_slice %arg12[%dma_wait3A_845, %dma_wait3A_846] : memref<50x40xi32, #tpu.memory_space<vmem>> -> memref<1x40xi32, #tpu.memory_space<vmem>>
        %dma_wait3A_848 = tpu.memref_squeeze %dma_wait3A_847 : memref<1x40xi32, #tpu.memory_space<vmem>> -> memref<40xi32, #tpu.memory_space<vmem>>
        %dma_wait3A_849 = arith.constant 0 : i32
        %dma_wait3A_850 = arith.constant 0 : i32
        %dma_wait3A_851 = tpu.memref_slice %arg9[%dma_wait3A_849, %dma_wait3A_850] : memref<10112x136xf32, #tpu.memory_space<vmem_shared>> -> memref<10112x136xf32, #tpu.memory_space<vmem_shared>>
        tpu.wait_indirect_dma semaphore(%arg32 : memref<!tpu.dma_semaphore, #tpu.memory_space<semaphore_mem>>) src(%arg22 : memref<40x136xf32, #tpu.memory_space<vmem>>) dst(%dma_wait3A_851 : memref<10112x136xf32, #tpu.memory_space<vmem_shared>>)
        %dma_wait3A_852 = arith.constant 0 : i32
        %dma_wait3A_853 = arith.constant 0 : i32
        %dma_wait3A_854 = tpu.memref_slice %arg12[%dma_wait3A_852, %dma_wait3A_853] : memref<50x40xi32, #tpu.memory_space<vmem>> -> memref<1x40xi32, #tpu.memory_space<vmem>>
        %dma_wait3A_855 = tpu.memref_squeeze %dma_wait3A_854 : memref<1x40xi32, #tpu.memory_space<vmem>> -> memref<40xi32, #tpu.memory_space<vmem>>
        %dma_wait3A_856 = arith.constant 0 : i32
        %dma_wait3A_857 = arith.constant 0 : i32
        %dma_wait3A_858 = tpu.memref_slice %arg9[%dma_wait3A_856, %dma_wait3A_857] : memref<10112x136xf32, #tpu.memory_space<vmem_shared>> -> memref<10112x136xf32, #tpu.memory_space<vmem_shared>>
        tpu.wait_indirect_dma semaphore(%arg33 : memref<!tpu.dma_semaphore, #tpu.memory_space<semaphore_mem>>) src(%arg23 : memref<40x136xf32, #tpu.memory_space<vmem>>) dst(%dma_wait3A_858 : memref<10112x136xf32, #tpu.memory_space<vmem_shared>>)
        %add3A_859 = arith.constant 2 : i32
        %add3A_860 = arith.addi %mul3A_704, %add3A_859 : i32
        %broadcast_in_dim3A_861 = vector.broadcast %add3A_860 : i32 to vector<16xi32>
        %parallel_loop3A_862 = arith.constant 0 : i32
        %parallel_loop3A_863 = arith.constant 40 : i32
        %parallel_loop3A_864 = arith.constant 1 : i32
        scf.for %parallel_loop3A_887 = %parallel_loop3A_862 to %parallel_loop3A_863 step %parallel_loop3A_864  : i32 {
          %parallel_loop3A_888 = vector.broadcast %parallel_loop3A_887 : i32 to vector<16xi32>
          %parallel_loop3A_889 = tpu.vector_load_idx %arg13[%broadcast_in_dim3A_861, %parallel_loop3A_888] : memref<50x40xf32, #tpu.memory_space<vmem>>[vector<16xi32>, vector<16xi32>], vector<16xf32>,
          %parallel_loop3A_890 = arith.index_cast %parallel_loop3A_887 : i32 to index
          %parallel_loop3A_891 = arith.constant 64 : index
          %parallel_loop3A_892 = tpu.vector_load %arg16[%parallel_loop3A_890, %parallel_loop3A_891] {strides = array<i32>} : memref<40x80xi32, #tpu.memory_space<vmem>>, vector<16xi32>,
          %parallel_loop3A_893 = vector.bitcast %parallel_loop3A_892 : vector<16xi32> to vector<16xf32>
          %parallel_loop3A_894 = arith.index_cast %parallel_loop3A_887 : i32 to index
          %parallel_loop3A_895 = arith.constant 0 : index
          %parallel_loop3A_896 = tpu.vector_load %arg20[%parallel_loop3A_894, %parallel_loop3A_895] {strides = array<i32>} : memref<40x16xf32, #tpu.memory_space<vmem>>, vector<16xf32>,
          %parallel_loop3A_897 = arith.addf %parallel_loop3A_893, %parallel_loop3A_896 : vector<16xf32>
          %parallel_loop3A_898 = arith.mulf %parallel_loop3A_889, %get3A_272 : vector<16xf32>
          %parallel_loop3A_899 = arith.addf %parallel_loop3A_897, %parallel_loop3A_898 : vector<16xf32>
          %parallel_loop3A_900 = arith.constant 0.000000e+00 : f32
          %parallel_loop3A_901 = vector.broadcast %parallel_loop3A_900 : f32 to vector<16xf32>
          %parallel_loop3A_902 = arith.cmpf ogt, %parallel_loop3A_899, %parallel_loop3A_901 : vector<16xf32>
          %parallel_loop3A_903 = arith.constant 2.000000e-01 : f32
          %parallel_loop3A_904 = vector.broadcast %parallel_loop3A_903 : f32 to vector<16xf32>
          %parallel_loop3A_905 = arith.mulf %parallel_loop3A_904, %parallel_loop3A_899 : vector<16xf32>
          %parallel_loop3A_906 = arith.select %parallel_loop3A_902, %parallel_loop3A_899, %parallel_loop3A_905 : vector<16xi1>, vector<16xf32>
          %parallel_loop3A_907 = arith.subf %parallel_loop3A_906, %get3A_276 : vector<16xf32>
          %parallel_loop3A_908 = math.exp %parallel_loop3A_907 : vector<16xf32>
          tpu.vector_store_idx %arg22[%parallel_loop3A_888, %add3A_279], %parallel_loop3A_908 masked %lt3A_282 : memref<40x136xf32, #tpu.memory_space<vmem>>[vector<16xi32>, vector<16xi32>], vector<16xf32>, vector<16xi1>
          %parallel_loop3A_909 = arith.index_cast %parallel_loop3A_887 : i32 to index
          %parallel_loop3A_910 = arith.constant 0 : index
          %parallel_loop3A_911 = tpu.vector_load %arg16[%parallel_loop3A_909, %parallel_loop3A_910] {strides = array<i32>} : memref<40x80xi32, #tpu.memory_space<vmem>>, vector<16xi32>,
          %parallel_loop3A_912 = arith.constant 16 : i32
          %parallel_loop3A_913 = vector.broadcast %parallel_loop3A_912 : i32 to vector<16xi32>
          %parallel_loop3A_914 = arith.shli %parallel_loop3A_911, %parallel_loop3A_913 : vector<16xi32>
          %parallel_loop3A_915 = vector.bitcast %parallel_loop3A_914 : vector<16xi32> to vector<16xf32>
          %parallel_loop3A_916 = arith.constant -65536 : i32
          %parallel_loop3A_917 = vector.broadcast %parallel_loop3A_916 : i32 to vector<16xi32>
          %parallel_loop3A_918 = arith.andi %parallel_loop3A_911, %parallel_loop3A_917 : vector<16xi32>
          %parallel_loop3A_919 = vector.bitcast %parallel_loop3A_918 : vector<16xi32> to vector<16xf32>
          %parallel_loop3A_920 = vector.extract_strided_slice %parallel_loop3A_908 {offsets = [0], sizes = [1], strides = [1]} : vector<16xf32> to vector<1xf32>
          %parallel_loop3A_921 = vector.extract %parallel_loop3A_920[0] : f32 from vector<1xf32>
          %parallel_loop3A_922 = vector.broadcast %parallel_loop3A_921 : f32 to vector<16xf32>
          %parallel_loop3A_923 = arith.mulf %parallel_loop3A_915, %parallel_loop3A_922 : vector<16xf32>
          %parallel_loop3A_924 = arith.index_cast %parallel_loop3A_887 : i32 to index
          %parallel_loop3A_925 = arith.constant 0 : index
          %parallel_loop3A_926 = tpu.vector_load %arg22[%parallel_loop3A_924, %parallel_loop3A_925] {strides = array<i32>} : memref<40x136xf32, #tpu.memory_space<vmem>>, vector<16xf32>,
          tpu.vector_store %arg22[%parallel_loop3A_924, %parallel_loop3A_925], %parallel_loop3A_923 {strides = array<i32>} : memref<40x136xf32, #tpu.memory_space<vmem>>, vector<16xf32>,
          %parallel_loop3A_927 = vector.extract_strided_slice %parallel_loop3A_908 {offsets = [4], sizes = [1], strides = [1]} : vector<16xf32> to vector<1xf32>
          %parallel_loop3A_928 = vector.extract %parallel_loop3A_927[0] : f32 from vector<1xf32>
          %parallel_loop3A_929 = vector.broadcast %parallel_loop3A_928 : f32 to vector<16xf32>
          %parallel_loop3A_930 = arith.mulf %parallel_loop3A_919, %parallel_loop3A_929 : vector<16xf32>
          %parallel_loop3A_931 = arith.index_cast %parallel_loop3A_887 : i32 to index
          %parallel_loop3A_932 = arith.constant 64 : index
          %parallel_loop3A_933 = tpu.vector_load %arg22[%parallel_loop3A_931, %parallel_loop3A_932] {strides = array<i32>} : memref<40x136xf32, #tpu.memory_space<vmem>>, vector<16xf32>,
          tpu.vector_store %arg22[%parallel_loop3A_931, %parallel_loop3A_932], %parallel_loop3A_930 {strides = array<i32>} : memref<40x136xf32, #tpu.memory_space<vmem>>, vector<16xf32>,
          %parallel_loop3A_934 = arith.index_cast %parallel_loop3A_887 : i32 to index
          %parallel_loop3A_935 = arith.constant 16 : index
          %parallel_loop3A_936 = tpu.vector_load %arg16[%parallel_loop3A_934, %parallel_loop3A_935] {strides = array<i32>} : memref<40x80xi32, #tpu.memory_space<vmem>>, vector<16xi32>,
          %parallel_loop3A_937 = arith.constant 16 : i32
          %parallel_loop3A_938 = vector.broadcast %parallel_loop3A_937 : i32 to vector<16xi32>
          %parallel_loop3A_939 = arith.shli %parallel_loop3A_936, %parallel_loop3A_938 : vector<16xi32>
          %parallel_loop3A_940 = vector.bitcast %parallel_loop3A_939 : vector<16xi32> to vector<16xf32>
          %parallel_loop3A_941 = arith.constant -65536 : i32
          %parallel_loop3A_942 = vector.broadcast %parallel_loop3A_941 : i32 to vector<16xi32>
          %parallel_loop3A_943 = arith.andi %parallel_loop3A_936, %parallel_loop3A_942 : vector<16xi32>
          %parallel_loop3A_944 = vector.bitcast %parallel_loop3A_943 : vector<16xi32> to vector<16xf32>
          %parallel_loop3A_945 = vector.extract_strided_slice %parallel_loop3A_908 {offsets = [1], sizes = [1], strides = [1]} : vector<16xf32> to vector<1xf32>
          %parallel_loop3A_946 = vector.extract %parallel_loop3A_945[0] : f32 from vector<1xf32>
          %parallel_loop3A_947 = vector.broadcast %parallel_loop3A_946 : f32 to vector<16xf32>
          %parallel_loop3A_948 = arith.mulf %parallel_loop3A_940, %parallel_loop3A_947 : vector<16xf32>
          %parallel_loop3A_949 = arith.index_cast %parallel_loop3A_887 : i32 to index
          %parallel_loop3A_950 = arith.constant 16 : index
          %parallel_loop3A_951 = tpu.vector_load %arg22[%parallel_loop3A_949, %parallel_loop3A_950] {strides = array<i32>} : memref<40x136xf32, #tpu.memory_space<vmem>>, vector<16xf32>,
          tpu.vector_store %arg22[%parallel_loop3A_949, %parallel_loop3A_950], %parallel_loop3A_948 {strides = array<i32>} : memref<40x136xf32, #tpu.memory_space<vmem>>, vector<16xf32>,
          %parallel_loop3A_952 = vector.extract_strided_slice %parallel_loop3A_908 {offsets = [5], sizes = [1], strides = [1]} : vector<16xf32> to vector<1xf32>
          %parallel_loop3A_953 = vector.extract %parallel_loop3A_952[0] : f32 from vector<1xf32>
          %parallel_loop3A_954 = vector.broadcast %parallel_loop3A_953 : f32 to vector<16xf32>
          %parallel_loop3A_955 = arith.mulf %parallel_loop3A_944, %parallel_loop3A_954 : vector<16xf32>
          %parallel_loop3A_956 = arith.index_cast %parallel_loop3A_887 : i32 to index
          %parallel_loop3A_957 = arith.constant 80 : index
          %parallel_loop3A_958 = tpu.vector_load %arg22[%parallel_loop3A_956, %parallel_loop3A_957] {strides = array<i32>} : memref<40x136xf32, #tpu.memory_space<vmem>>, vector<16xf32>,
          tpu.vector_store %arg22[%parallel_loop3A_956, %parallel_loop3A_957], %parallel_loop3A_955 {strides = array<i32>} : memref<40x136xf32, #tpu.memory_space<vmem>>, vector<16xf32>,
          %parallel_loop3A_959 = arith.index_cast %parallel_loop3A_887 : i32 to index
          %parallel_loop3A_960 = arith.constant 32 : index
          %parallel_loop3A_961 = tpu.vector_load %arg16[%parallel_loop3A_959, %parallel_loop3A_960] {strides = array<i32>} : memref<40x80xi32, #tpu.memory_space<vmem>>, vector<16xi32>,
          %parallel_loop3A_962 = arith.constant 16 : i32
          %parallel_loop3A_963 = vector.broadcast %parallel_loop3A_962 : i32 to vector<16xi32>
          %parallel_loop3A_964 = arith.shli %parallel_loop3A_961, %parallel_loop3A_963 : vector<16xi32>
          %parallel_loop3A_965 = vector.bitcast %parallel_loop3A_964 : vector<16xi32> to vector<16xf32>
          %parallel_loop3A_966 = arith.constant -65536 : i32
          %parallel_loop3A_967 = vector.broadcast %parallel_loop3A_966 : i32 to vector<16xi32>
          %parallel_loop3A_968 = arith.andi %parallel_loop3A_961, %parallel_loop3A_967 : vector<16xi32>
          %parallel_loop3A_969 = vector.bitcast %parallel_loop3A_968 : vector<16xi32> to vector<16xf32>
          %parallel_loop3A_970 = vector.extract_strided_slice %parallel_loop3A_908 {offsets = [2], sizes = [1], strides = [1]} : vector<16xf32> to vector<1xf32>
          %parallel_loop3A_971 = vector.extract %parallel_loop3A_970[0] : f32 from vector<1xf32>
          %parallel_loop3A_972 = vector.broadcast %parallel_loop3A_971 : f32 to vector<16xf32>
          %parallel_loop3A_973 = arith.mulf %parallel_loop3A_965, %parallel_loop3A_972 : vector<16xf32>
          %parallel_loop3A_974 = arith.index_cast %parallel_loop3A_887 : i32 to index
          %parallel_loop3A_975 = arith.constant 32 : index
          %parallel_loop3A_976 = tpu.vector_load %arg22[%parallel_loop3A_974, %parallel_loop3A_975] {strides = array<i32>} : memref<40x136xf32, #tpu.memory_space<vmem>>, vector<16xf32>,
          tpu.vector_store %arg22[%parallel_loop3A_974, %parallel_loop3A_975], %parallel_loop3A_973 {strides = array<i32>} : memref<40x136xf32, #tpu.memory_space<vmem>>, vector<16xf32>,
          %parallel_loop3A_977 = vector.extract_strided_slice %parallel_loop3A_908 {offsets = [6], sizes = [1], strides = [1]} : vector<16xf32> to vector<1xf32>
          %parallel_loop3A_978 = vector.extract %parallel_loop3A_977[0] : f32 from vector<1xf32>
          %parallel_loop3A_979 = vector.broadcast %parallel_loop3A_978 : f32 to vector<16xf32>
          %parallel_loop3A_980 = arith.mulf %parallel_loop3A_969, %parallel_loop3A_979 : vector<16xf32>
          %parallel_loop3A_981 = arith.index_cast %parallel_loop3A_887 : i32 to index
          %parallel_loop3A_982 = arith.constant 96 : index
          %parallel_loop3A_983 = tpu.vector_load %arg22[%parallel_loop3A_981, %parallel_loop3A_982] {strides = array<i32>} : memref<40x136xf32, #tpu.memory_space<vmem>>, vector<16xf32>,
          tpu.vector_store %arg22[%parallel_loop3A_981, %parallel_loop3A_982], %parallel_loop3A_980 {strides = array<i32>} : memref<40x136xf32, #tpu.memory_space<vmem>>, vector<16xf32>,
          %parallel_loop3A_984 = arith.index_cast %parallel_loop3A_887 : i32 to index
          %parallel_loop3A_985 = arith.constant 48 : index
          %parallel_loop3A_986 = tpu.vector_load %arg16[%parallel_loop3A_984, %parallel_loop3A_985] {strides = array<i32>} : memref<40x80xi32, #tpu.memory_space<vmem>>, vector<16xi32>,
          %parallel_loop3A_987 = arith.constant 16 : i32
          %parallel_loop3A_988 = vector.broadcast %parallel_loop3A_987 : i32 to vector<16xi32>
          %parallel_loop3A_989 = arith.shli %parallel_loop3A_986, %parallel_loop3A_988 : vector<16xi32>
          %parallel_loop3A_990 = vector.bitcast %parallel_loop3A_989 : vector<16xi32> to vector<16xf32>
          %parallel_loop3A_991 = arith.constant -65536 : i32
          %parallel_loop3A_992 = vector.broadcast %parallel_loop3A_991 : i32 to vector<16xi32>
          %parallel_loop3A_993 = arith.andi %parallel_loop3A_986, %parallel_loop3A_992 : vector<16xi32>
          %parallel_loop3A_994 = vector.bitcast %parallel_loop3A_993 : vector<16xi32> to vector<16xf32>
          %parallel_loop3A_995 = vector.extract_strided_slice %parallel_loop3A_908 {offsets = [3], sizes = [1], strides = [1]} : vector<16xf32> to vector<1xf32>
          %parallel_loop3A_996 = vector.extract %parallel_loop3A_995[0] : f32 from vector<1xf32>
          %parallel_loop3A_997 = vector.broadcast %parallel_loop3A_996 : f32 to vector<16xf32>
          %parallel_loop3A_998 = arith.mulf %parallel_loop3A_990, %parallel_loop3A_997 : vector<16xf32>
          %parallel_loop3A_999 = arith.index_cast %parallel_loop3A_887 : i32 to index
          %parallel_loop3A_1000 = arith.constant 48 : index
          %parallel_loop3A_1001 = tpu.vector_load %arg22[%parallel_loop3A_999, %parallel_loop3A_1000] {strides = array<i32>} : memref<40x136xf32, #tpu.memory_space<vmem>>, vector<16xf32>,
          tpu.vector_store %arg22[%parallel_loop3A_999, %parallel_loop3A_1000], %parallel_loop3A_998 {strides = array<i32>} : memref<40x136xf32, #tpu.memory_space<vmem>>, vector<16xf32>,
          %parallel_loop3A_1002 = vector.extract_strided_slice %parallel_loop3A_908 {offsets = [7], sizes = [1], strides = [1]} : vector<16xf32> to vector<1xf32>
          %parallel_loop3A_1003 = vector.extract %parallel_loop3A_1002[0] : f32 from vector<1xf32>
          %parallel_loop3A_1004 = vector.broadcast %parallel_loop3A_1003 : f32 to vector<16xf32>
          %parallel_loop3A_1005 = arith.mulf %parallel_loop3A_994, %parallel_loop3A_1004 : vector<16xf32>
          %parallel_loop3A_1006 = arith.index_cast %parallel_loop3A_887 : i32 to index
          %parallel_loop3A_1007 = arith.constant 112 : index
          %parallel_loop3A_1008 = tpu.vector_load %arg22[%parallel_loop3A_1006, %parallel_loop3A_1007] {strides = array<i32>} : memref<40x136xf32, #tpu.memory_space<vmem>>, vector<16xf32>,
          tpu.vector_store %arg22[%parallel_loop3A_1006, %parallel_loop3A_1007], %parallel_loop3A_1005 {strides = array<i32>} : memref<40x136xf32, #tpu.memory_space<vmem>>, vector<16xf32>,
        } {sc.loop_unroll_factor = 4 : i64, sc.parallel_access}
        %add3A_865 = arith.constant 2 : i32
        %add3A_866 = arith.addi %mul3A_704, %add3A_865 : i32
        %dma_start3A_867 = arith.constant 0 : i32
        %dma_start3A_868 = tpu.memref_slice %arg12[%add3A_866, %dma_start3A_867] : memref<50x40xi32, #tpu.memory_space<vmem>> -> memref<1x40xi32, #tpu.memory_space<vmem>>
        %dma_start3A_869 = tpu.memref_squeeze %dma_start3A_868 : memref<1x40xi32, #tpu.memory_space<vmem>> -> memref<40xi32, #tpu.memory_space<vmem>>
        %dma_start3A_870 = arith.constant 0 : i32
        %dma_start3A_871 = arith.constant 0 : i32
        %dma_start3A_872 = tpu.memref_slice %arg9[%dma_start3A_870, %dma_start3A_871] : memref<10112x136xf32, #tpu.memory_space<vmem_shared>> -> memref<10112x136xf32, #tpu.memory_space<vmem_shared>>
        tpu.enqueue_indirect_dma source(%arg22 : memref<40x136xf32, #tpu.memory_space<vmem>>) target(%dma_start3A_872 : memref<10112x136xf32, #tpu.memory_space<vmem_shared>>) offsets(%dma_start3A_869 : memref<40xi32, #tpu.memory_space<vmem>>) semaphore(%arg32 : memref<!tpu.dma_semaphore, #tpu.memory_space<semaphore_mem>>) {add = true}
        %add3A_873 = arith.constant 3 : i32
        %add3A_874 = arith.addi %mul3A_704, %add3A_873 : i32
        %broadcast_in_dim3A_875 = vector.broadcast %add3A_874 : i32 to vector<16xi32>
        %parallel_loop3A_876 = arith.constant 0 : i32
        %parallel_loop3A_877 = arith.constant 40 : i32
        %parallel_loop3A_878 = arith.constant 1 : i32
        scf.for %parallel_loop3A_887 = %parallel_loop3A_876 to %parallel_loop3A_877 step %parallel_loop3A_878  : i32 {
          %parallel_loop3A_888 = vector.broadcast %parallel_loop3A_887 : i32 to vector<16xi32>
          %parallel_loop3A_889 = tpu.vector_load_idx %arg13[%broadcast_in_dim3A_875, %parallel_loop3A_888] : memref<50x40xf32, #tpu.memory_space<vmem>>[vector<16xi32>, vector<16xi32>], vector<16xf32>,
          %parallel_loop3A_890 = arith.index_cast %parallel_loop3A_887 : i32 to index
          %parallel_loop3A_891 = arith.constant 64 : index
          %parallel_loop3A_892 = tpu.vector_load %arg17[%parallel_loop3A_890, %parallel_loop3A_891] {strides = array<i32>} : memref<40x80xi32, #tpu.memory_space<vmem>>, vector<16xi32>,
          %parallel_loop3A_893 = vector.bitcast %parallel_loop3A_892 : vector<16xi32> to vector<16xf32>
          %parallel_loop3A_894 = arith.index_cast %parallel_loop3A_887 : i32 to index
          %parallel_loop3A_895 = arith.constant 0 : index
          %parallel_loop3A_896 = tpu.vector_load %arg21[%parallel_loop3A_894, %parallel_loop3A_895] {strides = array<i32>} : memref<40x16xf32, #tpu.memory_space<vmem>>, vector<16xf32>,
          %parallel_loop3A_897 = arith.addf %parallel_loop3A_893, %parallel_loop3A_896 : vector<16xf32>
          %parallel_loop3A_898 = arith.mulf %parallel_loop3A_889, %get3A_272 : vector<16xf32>
          %parallel_loop3A_899 = arith.addf %parallel_loop3A_897, %parallel_loop3A_898 : vector<16xf32>
          %parallel_loop3A_900 = arith.constant 0.000000e+00 : f32
          %parallel_loop3A_901 = vector.broadcast %parallel_loop3A_900 : f32 to vector<16xf32>
          %parallel_loop3A_902 = arith.cmpf ogt, %parallel_loop3A_899, %parallel_loop3A_901 : vector<16xf32>
          %parallel_loop3A_903 = arith.constant 2.000000e-01 : f32
          %parallel_loop3A_904 = vector.broadcast %parallel_loop3A_903 : f32 to vector<16xf32>
          %parallel_loop3A_905 = arith.mulf %parallel_loop3A_904, %parallel_loop3A_899 : vector<16xf32>
          %parallel_loop3A_906 = arith.select %parallel_loop3A_902, %parallel_loop3A_899, %parallel_loop3A_905 : vector<16xi1>, vector<16xf32>
          %parallel_loop3A_907 = arith.subf %parallel_loop3A_906, %get3A_276 : vector<16xf32>
          %parallel_loop3A_908 = math.exp %parallel_loop3A_907 : vector<16xf32>
          tpu.vector_store_idx %arg23[%parallel_loop3A_888, %add3A_279], %parallel_loop3A_908 masked %lt3A_282 : memref<40x136xf32, #tpu.memory_space<vmem>>[vector<16xi32>, vector<16xi32>], vector<16xf32>, vector<16xi1>
          %parallel_loop3A_909 = arith.index_cast %parallel_loop3A_887 : i32 to index
          %parallel_loop3A_910 = arith.constant 0 : index
          %parallel_loop3A_911 = tpu.vector_load %arg17[%parallel_loop3A_909, %parallel_loop3A_910] {strides = array<i32>} : memref<40x80xi32, #tpu.memory_space<vmem>>, vector<16xi32>,
          %parallel_loop3A_912 = arith.constant 16 : i32
          %parallel_loop3A_913 = vector.broadcast %parallel_loop3A_912 : i32 to vector<16xi32>
          %parallel_loop3A_914 = arith.shli %parallel_loop3A_911, %parallel_loop3A_913 : vector<16xi32>
          %parallel_loop3A_915 = vector.bitcast %parallel_loop3A_914 : vector<16xi32> to vector<16xf32>
          %parallel_loop3A_916 = arith.constant -65536 : i32
          %parallel_loop3A_917 = vector.broadcast %parallel_loop3A_916 : i32 to vector<16xi32>
          %parallel_loop3A_918 = arith.andi %parallel_loop3A_911, %parallel_loop3A_917 : vector<16xi32>
          %parallel_loop3A_919 = vector.bitcast %parallel_loop3A_918 : vector<16xi32> to vector<16xf32>
          %parallel_loop3A_920 = vector.extract_strided_slice %parallel_loop3A_908 {offsets = [0], sizes = [1], strides = [1]} : vector<16xf32> to vector<1xf32>
          %parallel_loop3A_921 = vector.extract %parallel_loop3A_920[0] : f32 from vector<1xf32>
          %parallel_loop3A_922 = vector.broadcast %parallel_loop3A_921 : f32 to vector<16xf32>
          %parallel_loop3A_923 = arith.mulf %parallel_loop3A_915, %parallel_loop3A_922 : vector<16xf32>
          %parallel_loop3A_924 = arith.index_cast %parallel_loop3A_887 : i32 to index
          %parallel_loop3A_925 = arith.constant 0 : index
          %parallel_loop3A_926 = tpu.vector_load %arg23[%parallel_loop3A_924, %parallel_loop3A_925] {strides = array<i32>} : memref<40x136xf32, #tpu.memory_space<vmem>>, vector<16xf32>,
          tpu.vector_store %arg23[%parallel_loop3A_924, %parallel_loop3A_925], %parallel_loop3A_923 {strides = array<i32>} : memref<40x136xf32, #tpu.memory_space<vmem>>, vector<16xf32>,
          %parallel_loop3A_927 = vector.extract_strided_slice %parallel_loop3A_908 {offsets = [4], sizes = [1], strides = [1]} : vector<16xf32> to vector<1xf32>
          %parallel_loop3A_928 = vector.extract %parallel_loop3A_927[0] : f32 from vector<1xf32>
          %parallel_loop3A_929 = vector.broadcast %parallel_loop3A_928 : f32 to vector<16xf32>
          %parallel_loop3A_930 = arith.mulf %parallel_loop3A_919, %parallel_loop3A_929 : vector<16xf32>
          %parallel_loop3A_931 = arith.index_cast %parallel_loop3A_887 : i32 to index
          %parallel_loop3A_932 = arith.constant 64 : index
          %parallel_loop3A_933 = tpu.vector_load %arg23[%parallel_loop3A_931, %parallel_loop3A_932] {strides = array<i32>} : memref<40x136xf32, #tpu.memory_space<vmem>>, vector<16xf32>,
          tpu.vector_store %arg23[%parallel_loop3A_931, %parallel_loop3A_932], %parallel_loop3A_930 {strides = array<i32>} : memref<40x136xf32, #tpu.memory_space<vmem>>, vector<16xf32>,
          %parallel_loop3A_934 = arith.index_cast %parallel_loop3A_887 : i32 to index
          %parallel_loop3A_935 = arith.constant 16 : index
          %parallel_loop3A_936 = tpu.vector_load %arg17[%parallel_loop3A_934, %parallel_loop3A_935] {strides = array<i32>} : memref<40x80xi32, #tpu.memory_space<vmem>>, vector<16xi32>,
          %parallel_loop3A_937 = arith.constant 16 : i32
          %parallel_loop3A_938 = vector.broadcast %parallel_loop3A_937 : i32 to vector<16xi32>
          %parallel_loop3A_939 = arith.shli %parallel_loop3A_936, %parallel_loop3A_938 : vector<16xi32>
          %parallel_loop3A_940 = vector.bitcast %parallel_loop3A_939 : vector<16xi32> to vector<16xf32>
          %parallel_loop3A_941 = arith.constant -65536 : i32
          %parallel_loop3A_942 = vector.broadcast %parallel_loop3A_941 : i32 to vector<16xi32>
          %parallel_loop3A_943 = arith.andi %parallel_loop3A_936, %parallel_loop3A_942 : vector<16xi32>
          %parallel_loop3A_944 = vector.bitcast %parallel_loop3A_943 : vector<16xi32> to vector<16xf32>
          %parallel_loop3A_945 = vector.extract_strided_slice %parallel_loop3A_908 {offsets = [1], sizes = [1], strides = [1]} : vector<16xf32> to vector<1xf32>
          %parallel_loop3A_946 = vector.extract %parallel_loop3A_945[0] : f32 from vector<1xf32>
          %parallel_loop3A_947 = vector.broadcast %parallel_loop3A_946 : f32 to vector<16xf32>
          %parallel_loop3A_948 = arith.mulf %parallel_loop3A_940, %parallel_loop3A_947 : vector<16xf32>
          %parallel_loop3A_949 = arith.index_cast %parallel_loop3A_887 : i32 to index
          %parallel_loop3A_950 = arith.constant 16 : index
          %parallel_loop3A_951 = tpu.vector_load %arg23[%parallel_loop3A_949, %parallel_loop3A_950] {strides = array<i32>} : memref<40x136xf32, #tpu.memory_space<vmem>>, vector<16xf32>,
          tpu.vector_store %arg23[%parallel_loop3A_949, %parallel_loop3A_950], %parallel_loop3A_948 {strides = array<i32>} : memref<40x136xf32, #tpu.memory_space<vmem>>, vector<16xf32>,
          %parallel_loop3A_952 = vector.extract_strided_slice %parallel_loop3A_908 {offsets = [5], sizes = [1], strides = [1]} : vector<16xf32> to vector<1xf32>
          %parallel_loop3A_953 = vector.extract %parallel_loop3A_952[0] : f32 from vector<1xf32>
          %parallel_loop3A_954 = vector.broadcast %parallel_loop3A_953 : f32 to vector<16xf32>
          %parallel_loop3A_955 = arith.mulf %parallel_loop3A_944, %parallel_loop3A_954 : vector<16xf32>
          %parallel_loop3A_956 = arith.index_cast %parallel_loop3A_887 : i32 to index
          %parallel_loop3A_957 = arith.constant 80 : index
          %parallel_loop3A_958 = tpu.vector_load %arg23[%parallel_loop3A_956, %parallel_loop3A_957] {strides = array<i32>} : memref<40x136xf32, #tpu.memory_space<vmem>>, vector<16xf32>,
          tpu.vector_store %arg23[%parallel_loop3A_956, %parallel_loop3A_957], %parallel_loop3A_955 {strides = array<i32>} : memref<40x136xf32, #tpu.memory_space<vmem>>, vector<16xf32>,
          %parallel_loop3A_959 = arith.index_cast %parallel_loop3A_887 : i32 to index
          %parallel_loop3A_960 = arith.constant 32 : index
          %parallel_loop3A_961 = tpu.vector_load %arg17[%parallel_loop3A_959, %parallel_loop3A_960] {strides = array<i32>} : memref<40x80xi32, #tpu.memory_space<vmem>>, vector<16xi32>,
          %parallel_loop3A_962 = arith.constant 16 : i32
          %parallel_loop3A_963 = vector.broadcast %parallel_loop3A_962 : i32 to vector<16xi32>
          %parallel_loop3A_964 = arith.shli %parallel_loop3A_961, %parallel_loop3A_963 : vector<16xi32>
          %parallel_loop3A_965 = vector.bitcast %parallel_loop3A_964 : vector<16xi32> to vector<16xf32>
          %parallel_loop3A_966 = arith.constant -65536 : i32
          %parallel_loop3A_967 = vector.broadcast %parallel_loop3A_966 : i32 to vector<16xi32>
          %parallel_loop3A_968 = arith.andi %parallel_loop3A_961, %parallel_loop3A_967 : vector<16xi32>
          %parallel_loop3A_969 = vector.bitcast %parallel_loop3A_968 : vector<16xi32> to vector<16xf32>
          %parallel_loop3A_970 = vector.extract_strided_slice %parallel_loop3A_908 {offsets = [2], sizes = [1], strides = [1]} : vector<16xf32> to vector<1xf32>
          %parallel_loop3A_971 = vector.extract %parallel_loop3A_970[0] : f32 from vector<1xf32>
          %parallel_loop3A_972 = vector.broadcast %parallel_loop3A_971 : f32 to vector<16xf32>
          %parallel_loop3A_973 = arith.mulf %parallel_loop3A_965, %parallel_loop3A_972 : vector<16xf32>
          %parallel_loop3A_974 = arith.index_cast %parallel_loop3A_887 : i32 to index
          %parallel_loop3A_975 = arith.constant 32 : index
          %parallel_loop3A_976 = tpu.vector_load %arg23[%parallel_loop3A_974, %parallel_loop3A_975] {strides = array<i32>} : memref<40x136xf32, #tpu.memory_space<vmem>>, vector<16xf32>,
          tpu.vector_store %arg23[%parallel_loop3A_974, %parallel_loop3A_975], %parallel_loop3A_973 {strides = array<i32>} : memref<40x136xf32, #tpu.memory_space<vmem>>, vector<16xf32>,
          %parallel_loop3A_977 = vector.extract_strided_slice %parallel_loop3A_908 {offsets = [6], sizes = [1], strides = [1]} : vector<16xf32> to vector<1xf32>
          %parallel_loop3A_978 = vector.extract %parallel_loop3A_977[0] : f32 from vector<1xf32>
          %parallel_loop3A_979 = vector.broadcast %parallel_loop3A_978 : f32 to vector<16xf32>
          %parallel_loop3A_980 = arith.mulf %parallel_loop3A_969, %parallel_loop3A_979 : vector<16xf32>
          %parallel_loop3A_981 = arith.index_cast %parallel_loop3A_887 : i32 to index
          %parallel_loop3A_982 = arith.constant 96 : index
          %parallel_loop3A_983 = tpu.vector_load %arg23[%parallel_loop3A_981, %parallel_loop3A_982] {strides = array<i32>} : memref<40x136xf32, #tpu.memory_space<vmem>>, vector<16xf32>,
          tpu.vector_store %arg23[%parallel_loop3A_981, %parallel_loop3A_982], %parallel_loop3A_980 {strides = array<i32>} : memref<40x136xf32, #tpu.memory_space<vmem>>, vector<16xf32>,
          %parallel_loop3A_984 = arith.index_cast %parallel_loop3A_887 : i32 to index
          %parallel_loop3A_985 = arith.constant 48 : index
          %parallel_loop3A_986 = tpu.vector_load %arg17[%parallel_loop3A_984, %parallel_loop3A_985] {strides = array<i32>} : memref<40x80xi32, #tpu.memory_space<vmem>>, vector<16xi32>,
          %parallel_loop3A_987 = arith.constant 16 : i32
          %parallel_loop3A_988 = vector.broadcast %parallel_loop3A_987 : i32 to vector<16xi32>
          %parallel_loop3A_989 = arith.shli %parallel_loop3A_986, %parallel_loop3A_988 : vector<16xi32>
          %parallel_loop3A_990 = vector.bitcast %parallel_loop3A_989 : vector<16xi32> to vector<16xf32>
          %parallel_loop3A_991 = arith.constant -65536 : i32
          %parallel_loop3A_992 = vector.broadcast %parallel_loop3A_991 : i32 to vector<16xi32>
          %parallel_loop3A_993 = arith.andi %parallel_loop3A_986, %parallel_loop3A_992 : vector<16xi32>
          %parallel_loop3A_994 = vector.bitcast %parallel_loop3A_993 : vector<16xi32> to vector<16xf32>
          %parallel_loop3A_995 = vector.extract_strided_slice %parallel_loop3A_908 {offsets = [3], sizes = [1], strides = [1]} : vector<16xf32> to vector<1xf32>
          %parallel_loop3A_996 = vector.extract %parallel_loop3A_995[0] : f32 from vector<1xf32>
          %parallel_loop3A_997 = vector.broadcast %parallel_loop3A_996 : f32 to vector<16xf32>
          %parallel_loop3A_998 = arith.mulf %parallel_loop3A_990, %parallel_loop3A_997 : vector<16xf32>
          %parallel_loop3A_999 = arith.index_cast %parallel_loop3A_887 : i32 to index
          %parallel_loop3A_1000 = arith.constant 48 : index
          %parallel_loop3A_1001 = tpu.vector_load %arg23[%parallel_loop3A_999, %parallel_loop3A_1000] {strides = array<i32>} : memref<40x136xf32, #tpu.memory_space<vmem>>, vector<16xf32>,
          tpu.vector_store %arg23[%parallel_loop3A_999, %parallel_loop3A_1000], %parallel_loop3A_998 {strides = array<i32>} : memref<40x136xf32, #tpu.memory_space<vmem>>, vector<16xf32>,
          %parallel_loop3A_1002 = vector.extract_strided_slice %parallel_loop3A_908 {offsets = [7], sizes = [1], strides = [1]} : vector<16xf32> to vector<1xf32>
          %parallel_loop3A_1003 = vector.extract %parallel_loop3A_1002[0] : f32 from vector<1xf32>
          %parallel_loop3A_1004 = vector.broadcast %parallel_loop3A_1003 : f32 to vector<16xf32>
          %parallel_loop3A_1005 = arith.mulf %parallel_loop3A_994, %parallel_loop3A_1004 : vector<16xf32>
          %parallel_loop3A_1006 = arith.index_cast %parallel_loop3A_887 : i32 to index
          %parallel_loop3A_1007 = arith.constant 112 : index
          %parallel_loop3A_1008 = tpu.vector_load %arg23[%parallel_loop3A_1006, %parallel_loop3A_1007] {strides = array<i32>} : memref<40x136xf32, #tpu.memory_space<vmem>>, vector<16xf32>,
          tpu.vector_store %arg23[%parallel_loop3A_1006, %parallel_loop3A_1007], %parallel_loop3A_1005 {strides = array<i32>} : memref<40x136xf32, #tpu.memory_space<vmem>>, vector<16xf32>,
        } {sc.loop_unroll_factor = 4 : i64, sc.parallel_access}
        %add3A_879 = arith.constant 3 : i32
        %add3A_880 = arith.addi %mul3A_704, %add3A_879 : i32
        %dma_start3A_881 = arith.constant 0 : i32
        %dma_start3A_882 = tpu.memref_slice %arg12[%add3A_880, %dma_start3A_881] : memref<50x40xi32, #tpu.memory_space<vmem>> -> memref<1x40xi32, #tpu.memory_space<vmem>>
        %dma_start3A_883 = tpu.memref_squeeze %dma_start3A_882 : memref<1x40xi32, #tpu.memory_space<vmem>> -> memref<40xi32, #tpu.memory_space<vmem>>
        %dma_start3A_884 = arith.constant 0 : i32
        %dma_start3A_885 = arith.constant 0 : i32
        %dma_start3A_886 = tpu.memref_slice %arg9[%dma_start3A_884, %dma_start3A_885] : memref<10112x136xf32, #tpu.memory_space<vmem_shared>> -> memref<10112x136xf32, #tpu.memory_space<vmem_shared>>
        tpu.enqueue_indirect_dma source(%arg23 : memref<40x136xf32, #tpu.memory_space<vmem>>) target(%dma_start3A_886 : memref<10112x136xf32, #tpu.memory_space<vmem_shared>>) offsets(%dma_start3A_883 : memref<40xi32, #tpu.memory_space<vmem>>) semaphore(%arg33 : memref<!tpu.dma_semaphore, #tpu.memory_space<semaphore_mem>>) {add = true}
      }
      %scan3A_636 = arith.constant 12 : i32
      %dma_wait3A_637 = arith.constant 0 : i32
      %dma_wait3A_638 = arith.constant 0 : i32
      %dma_wait3A_639 = tpu.memref_slice %arg11[%dma_wait3A_637, %dma_wait3A_638] : memref<50x40xi32, #tpu.memory_space<vmem>> -> memref<1x40xi32, #tpu.memory_space<vmem>>
      %dma_wait3A_640 = tpu.memref_squeeze %dma_wait3A_639 : memref<1x40xi32, #tpu.memory_space<vmem>> -> memref<40xi32, #tpu.memory_space<vmem>>
      %dma_wait3A_641 = arith.constant 0 : i32
      %dma_wait3A_642 = arith.constant 0 : i32
      %dma_wait3A_643 = tpu.memref_slice %arg2[%dma_wait3A_641, %dma_wait3A_642] : memref<10000x80xi32, #tpu.memory_space<hbm>> -> memref<10000x80xi32, #tpu.memory_space<hbm>>
      tpu.wait_indirect_dma semaphore(%arg24 : memref<!tpu.dma_semaphore, #tpu.memory_space<semaphore_mem>>) src(%dma_wait3A_643 : memref<10000x80xi32, #tpu.memory_space<hbm>>) dst(%arg14 : memref<40x80xi32, #tpu.memory_space<vmem>>)
      %dma_wait3A_644 = arith.constant 0 : i32
      %dma_wait3A_645 = arith.constant 0 : i32
      %dma_wait3A_646 = tpu.memref_slice %arg12[%dma_wait3A_644, %dma_wait3A_645] : memref<50x40xi32, #tpu.memory_space<vmem>> -> memref<1x40xi32, #tpu.memory_space<vmem>>
      %dma_wait3A_647 = tpu.memref_squeeze %dma_wait3A_646 : memref<1x40xi32, #tpu.memory_space<vmem>> -> memref<40xi32, #tpu.memory_space<vmem>>
      %dma_wait3A_648 = arith.constant 0 : i32
      %dma_wait3A_649 = arith.constant 0 : i32
      %dma_wait3A_650 = tpu.memref_slice %arg3[%dma_wait3A_648, %dma_wait3A_649] : memref<10000x16xf32, #tpu.memory_space<hbm>> -> memref<10000x16xf32, #tpu.memory_space<hbm>>
      tpu.wait_indirect_dma semaphore(%arg28 : memref<!tpu.dma_semaphore, #tpu.memory_space<semaphore_mem>>) src(%dma_wait3A_650 : memref<10000x16xf32, #tpu.memory_space<hbm>>) dst(%arg18 : memref<40x16xf32, #tpu.memory_space<vmem>>)
      %dma_wait3A_651 = arith.constant 0 : i32
      %dma_wait3A_652 = arith.constant 0 : i32
      %dma_wait3A_653 = tpu.memref_slice %arg11[%dma_wait3A_651, %dma_wait3A_652] : memref<50x40xi32, #tpu.memory_space<vmem>> -> memref<1x40xi32, #tpu.memory_space<vmem>>
      %dma_wait3A_654 = tpu.memref_squeeze %dma_wait3A_653 : memref<1x40xi32, #tpu.memory_space<vmem>> -> memref<40xi32, #tpu.memory_space<vmem>>
      %dma_wait3A_655 = arith.constant 0 : i32
      %dma_wait3A_656 = arith.constant 0 : i32
      %dma_wait3A_657 = tpu.memref_slice %arg2[%dma_wait3A_655, %dma_wait3A_656] : memref<10000x80xi32, #tpu.memory_space<hbm>> -> memref<10000x80xi32, #tpu.memory_space<hbm>>
      tpu.wait_indirect_dma semaphore(%arg25 : memref<!tpu.dma_semaphore, #tpu.memory_space<semaphore_mem>>) src(%dma_wait3A_657 : memref<10000x80xi32, #tpu.memory_space<hbm>>) dst(%arg15 : memref<40x80xi32, #tpu.memory_space<vmem>>)
      %dma_wait3A_658 = arith.constant 0 : i32
      %dma_wait3A_659 = arith.constant 0 : i32
      %dma_wait3A_660 = tpu.memref_slice %arg12[%dma_wait3A_658, %dma_wait3A_659] : memref<50x40xi32, #tpu.memory_space<vmem>> -> memref<1x40xi32, #tpu.memory_space<vmem>>
      %dma_wait3A_661 = tpu.memref_squeeze %dma_wait3A_660 : memref<1x40xi32, #tpu.memory_space<vmem>> -> memref<40xi32, #tpu.memory_space<vmem>>
      %dma_wait3A_662 = arith.constant 0 : i32
      %dma_wait3A_663 = arith.constant 0 : i32
      %dma_wait3A_664 = tpu.memref_slice %arg3[%dma_wait3A_662, %dma_wait3A_663] : memref<10000x16xf32, #tpu.memory_space<hbm>> -> memref<10000x16xf32, #tpu.memory_space<hbm>>
      tpu.wait_indirect_dma semaphore(%arg29 : memref<!tpu.dma_semaphore, #tpu.memory_space<semaphore_mem>>) src(%dma_wait3A_664 : memref<10000x16xf32, #tpu.memory_space<hbm>>) dst(%arg19 : memref<40x16xf32, #tpu.memory_space<vmem>>)
      %dma_wait3A_665 = arith.constant 0 : i32
      %dma_wait3A_666 = arith.constant 0 : i32
      %dma_wait3A_667 = tpu.memref_slice %arg12[%dma_wait3A_665, %dma_wait3A_666] : memref<50x40xi32, #tpu.memory_space<vmem>> -> memref<1x40xi32, #tpu.memory_space<vmem>>
      %dma_wait3A_668 = tpu.memref_squeeze %dma_wait3A_667 : memref<1x40xi32, #tpu.memory_space<vmem>> -> memref<40xi32, #tpu.memory_space<vmem>>
      %dma_wait3A_669 = arith.constant 0 : i32
      %dma_wait3A_670 = arith.constant 0 : i32
      %dma_wait3A_671 = tpu.memref_slice %arg9[%dma_wait3A_669, %dma_wait3A_670] : memref<10112x136xf32, #tpu.memory_space<vmem_shared>> -> memref<10112x136xf32, #tpu.memory_space<vmem_shared>>
      tpu.wait_indirect_dma semaphore(%arg32 : memref<!tpu.dma_semaphore, #tpu.memory_space<semaphore_mem>>) src(%arg22 : memref<40x136xf32, #tpu.memory_space<vmem>>) dst(%dma_wait3A_671 : memref<10112x136xf32, #tpu.memory_space<vmem_shared>>)
      %dma_wait3A_672 = arith.constant 0 : i32
      %dma_wait3A_673 = arith.constant 0 : i32
      %dma_wait3A_674 = tpu.memref_slice %arg12[%dma_wait3A_672, %dma_wait3A_673] : memref<50x40xi32, #tpu.memory_space<vmem>> -> memref<1x40xi32, #tpu.memory_space<vmem>>
      %dma_wait3A_675 = tpu.memref_squeeze %dma_wait3A_674 : memref<1x40xi32, #tpu.memory_space<vmem>> -> memref<40xi32, #tpu.memory_space<vmem>>
      %dma_wait3A_676 = arith.constant 0 : i32
      %dma_wait3A_677 = arith.constant 0 : i32
      %dma_wait3A_678 = tpu.memref_slice %arg9[%dma_wait3A_676, %dma_wait3A_677] : memref<10112x136xf32, #tpu.memory_space<vmem_shared>> -> memref<10112x136xf32, #tpu.memory_space<vmem_shared>>
      tpu.wait_indirect_dma semaphore(%arg33 : memref<!tpu.dma_semaphore, #tpu.memory_space<semaphore_mem>>) src(%arg23 : memref<40x136xf32, #tpu.memory_space<vmem>>) dst(%dma_wait3A_678 : memref<10112x136xf32, #tpu.memory_space<vmem_shared>>)
      %broadcast_in_dim3A_679 = arith.constant 48 : i32
      %broadcast_in_dim3A_680 = vector.broadcast %broadcast_in_dim3A_679 : i32 to vector<16xi32>
      %parallel_loop3A = arith.constant 0 : i32
      %parallel_loop3A_681 = arith.constant 40 : i32
      %parallel_loop3A_682 = arith.constant 1 : i32
      scf.for %parallel_loop3A_702 = %parallel_loop3A to %parallel_loop3A_681 step %parallel_loop3A_682  : i32 {
        %parallel_loop3A_703 = vector.broadcast %parallel_loop3A_702 : i32 to vector<16xi32>
        %parallel_loop3A_704 = tpu.vector_load_idx %arg13[%broadcast_in_dim3A_680, %parallel_loop3A_703] : memref<50x40xf32, #tpu.memory_space<vmem>>[vector<16xi32>, vector<16xi32>], vector<16xf32>,
        %parallel_loop3A_705 = arith.index_cast %parallel_loop3A_702 : i32 to index
        %parallel_loop3A_706 = arith.constant 64 : index
        %parallel_loop3A_707 = tpu.vector_load %arg14[%parallel_loop3A_705, %parallel_loop3A_706] {strides = array<i32>} : memref<40x80xi32, #tpu.memory_space<vmem>>, vector<16xi32>,
        %parallel_loop3A_708 = vector.bitcast %parallel_loop3A_707 : vector<16xi32> to vector<16xf32>
        %parallel_loop3A_709 = arith.index_cast %parallel_loop3A_702 : i32 to index
        %parallel_loop3A_710 = arith.constant 0 : index
        %parallel_loop3A_711 = tpu.vector_load %arg18[%parallel_loop3A_709, %parallel_loop3A_710] {strides = array<i32>} : memref<40x16xf32, #tpu.memory_space<vmem>>, vector<16xf32>,
        %parallel_loop3A_712 = arith.addf %parallel_loop3A_708, %parallel_loop3A_711 : vector<16xf32>
        %parallel_loop3A_713 = arith.mulf %parallel_loop3A_704, %get3A_272 : vector<16xf32>
        %parallel_loop3A_714 = arith.addf %parallel_loop3A_712, %parallel_loop3A_713 : vector<16xf32>
        %parallel_loop3A_715 = arith.constant 0.000000e+00 : f32
        %parallel_loop3A_716 = vector.broadcast %parallel_loop3A_715 : f32 to vector<16xf32>
        %parallel_loop3A_717 = arith.cmpf ogt, %parallel_loop3A_714, %parallel_loop3A_716 : vector<16xf32>
        %parallel_loop3A_718 = arith.constant 2.000000e-01 : f32
        %parallel_loop3A_719 = vector.broadcast %parallel_loop3A_718 : f32 to vector<16xf32>
        %parallel_loop3A_720 = arith.mulf %parallel_loop3A_719, %parallel_loop3A_714 : vector<16xf32>
        %parallel_loop3A_721 = arith.select %parallel_loop3A_717, %parallel_loop3A_714, %parallel_loop3A_720 : vector<16xi1>, vector<16xf32>
        %parallel_loop3A_722 = arith.subf %parallel_loop3A_721, %get3A_276 : vector<16xf32>
        %parallel_loop3A_723 = math.exp %parallel_loop3A_722 : vector<16xf32>
        tpu.vector_store_idx %arg22[%parallel_loop3A_703, %add3A_279], %parallel_loop3A_723 masked %lt3A_282 : memref<40x136xf32, #tpu.memory_space<vmem>>[vector<16xi32>, vector<16xi32>], vector<16xf32>, vector<16xi1>
        %parallel_loop3A_724 = arith.index_cast %parallel_loop3A_702 : i32 to index
        %parallel_loop3A_725 = arith.constant 0 : index
        %parallel_loop3A_726 = tpu.vector_load %arg14[%parallel_loop3A_724, %parallel_loop3A_725] {strides = array<i32>} : memref<40x80xi32, #tpu.memory_space<vmem>>, vector<16xi32>,
        %parallel_loop3A_727 = arith.constant 16 : i32
        %parallel_loop3A_728 = vector.broadcast %parallel_loop3A_727 : i32 to vector<16xi32>
        %parallel_loop3A_729 = arith.shli %parallel_loop3A_726, %parallel_loop3A_728 : vector<16xi32>
        %parallel_loop3A_730 = vector.bitcast %parallel_loop3A_729 : vector<16xi32> to vector<16xf32>
        %parallel_loop3A_731 = arith.constant -65536 : i32
        %parallel_loop3A_732 = vector.broadcast %parallel_loop3A_731 : i32 to vector<16xi32>
        %parallel_loop3A_733 = arith.andi %parallel_loop3A_726, %parallel_loop3A_732 : vector<16xi32>
        %parallel_loop3A_734 = vector.bitcast %parallel_loop3A_733 : vector<16xi32> to vector<16xf32>
        %parallel_loop3A_735 = vector.extract_strided_slice %parallel_loop3A_723 {offsets = [0], sizes = [1], strides = [1]} : vector<16xf32> to vector<1xf32>
        %parallel_loop3A_736 = vector.extract %parallel_loop3A_735[0] : f32 from vector<1xf32>
        %parallel_loop3A_737 = vector.broadcast %parallel_loop3A_736 : f32 to vector<16xf32>
        %parallel_loop3A_738 = arith.mulf %parallel_loop3A_730, %parallel_loop3A_737 : vector<16xf32>
        %parallel_loop3A_739 = arith.index_cast %parallel_loop3A_702 : i32 to index
        %parallel_loop3A_740 = arith.constant 0 : index
        %parallel_loop3A_741 = tpu.vector_load %arg22[%parallel_loop3A_739, %parallel_loop3A_740] {strides = array<i32>} : memref<40x136xf32, #tpu.memory_space<vmem>>, vector<16xf32>,
        tpu.vector_store %arg22[%parallel_loop3A_739, %parallel_loop3A_740], %parallel_loop3A_738 {strides = array<i32>} : memref<40x136xf32, #tpu.memory_space<vmem>>, vector<16xf32>,
        %parallel_loop3A_742 = vector.extract_strided_slice %parallel_loop3A_723 {offsets = [4], sizes = [1], strides = [1]} : vector<16xf32> to vector<1xf32>
        %parallel_loop3A_743 = vector.extract %parallel_loop3A_742[0] : f32 from vector<1xf32>
        %parallel_loop3A_744 = vector.broadcast %parallel_loop3A_743 : f32 to vector<16xf32>
        %parallel_loop3A_745 = arith.mulf %parallel_loop3A_734, %parallel_loop3A_744 : vector<16xf32>
        %parallel_loop3A_746 = arith.index_cast %parallel_loop3A_702 : i32 to index
        %parallel_loop3A_747 = arith.constant 64 : index
        %parallel_loop3A_748 = tpu.vector_load %arg22[%parallel_loop3A_746, %parallel_loop3A_747] {strides = array<i32>} : memref<40x136xf32, #tpu.memory_space<vmem>>, vector<16xf32>,
        tpu.vector_store %arg22[%parallel_loop3A_746, %parallel_loop3A_747], %parallel_loop3A_745 {strides = array<i32>} : memref<40x136xf32, #tpu.memory_space<vmem>>, vector<16xf32>,
        %parallel_loop3A_749 = arith.index_cast %parallel_loop3A_702 : i32 to index
        %parallel_loop3A_750 = arith.constant 16 : index
        %parallel_loop3A_751 = tpu.vector_load %arg14[%parallel_loop3A_749, %parallel_loop3A_750] {strides = array<i32>} : memref<40x80xi32, #tpu.memory_space<vmem>>, vector<16xi32>,
        %parallel_loop3A_752 = arith.constant 16 : i32
        %parallel_loop3A_753 = vector.broadcast %parallel_loop3A_752 : i32 to vector<16xi32>
        %parallel_loop3A_754 = arith.shli %parallel_loop3A_751, %parallel_loop3A_753 : vector<16xi32>
        %parallel_loop3A_755 = vector.bitcast %parallel_loop3A_754 : vector<16xi32> to vector<16xf32>
        %parallel_loop3A_756 = arith.constant -65536 : i32
        %parallel_loop3A_757 = vector.broadcast %parallel_loop3A_756 : i32 to vector<16xi32>
        %parallel_loop3A_758 = arith.andi %parallel_loop3A_751, %parallel_loop3A_757 : vector<16xi32>
        %parallel_loop3A_759 = vector.bitcast %parallel_loop3A_758 : vector<16xi32> to vector<16xf32>
        %parallel_loop3A_760 = vector.extract_strided_slice %parallel_loop3A_723 {offsets = [1], sizes = [1], strides = [1]} : vector<16xf32> to vector<1xf32>
        %parallel_loop3A_761 = vector.extract %parallel_loop3A_760[0] : f32 from vector<1xf32>
        %parallel_loop3A_762 = vector.broadcast %parallel_loop3A_761 : f32 to vector<16xf32>
        %parallel_loop3A_763 = arith.mulf %parallel_loop3A_755, %parallel_loop3A_762 : vector<16xf32>
        %parallel_loop3A_764 = arith.index_cast %parallel_loop3A_702 : i32 to index
        %parallel_loop3A_765 = arith.constant 16 : index
        %parallel_loop3A_766 = tpu.vector_load %arg22[%parallel_loop3A_764, %parallel_loop3A_765] {strides = array<i32>} : memref<40x136xf32, #tpu.memory_space<vmem>>, vector<16xf32>,
        tpu.vector_store %arg22[%parallel_loop3A_764, %parallel_loop3A_765], %parallel_loop3A_763 {strides = array<i32>} : memref<40x136xf32, #tpu.memory_space<vmem>>, vector<16xf32>,
        %parallel_loop3A_767 = vector.extract_strided_slice %parallel_loop3A_723 {offsets = [5], sizes = [1], strides = [1]} : vector<16xf32> to vector<1xf32>
        %parallel_loop3A_768 = vector.extract %parallel_loop3A_767[0] : f32 from vector<1xf32>
        %parallel_loop3A_769 = vector.broadcast %parallel_loop3A_768 : f32 to vector<16xf32>
        %parallel_loop3A_770 = arith.mulf %parallel_loop3A_759, %parallel_loop3A_769 : vector<16xf32>
        %parallel_loop3A_771 = arith.index_cast %parallel_loop3A_702 : i32 to index
        %parallel_loop3A_772 = arith.constant 80 : index
        %parallel_loop3A_773 = tpu.vector_load %arg22[%parallel_loop3A_771, %parallel_loop3A_772] {strides = array<i32>} : memref<40x136xf32, #tpu.memory_space<vmem>>, vector<16xf32>,
        tpu.vector_store %arg22[%parallel_loop3A_771, %parallel_loop3A_772], %parallel_loop3A_770 {strides = array<i32>} : memref<40x136xf32, #tpu.memory_space<vmem>>, vector<16xf32>,
        %parallel_loop3A_774 = arith.index_cast %parallel_loop3A_702 : i32 to index
        %parallel_loop3A_775 = arith.constant 32 : index
        %parallel_loop3A_776 = tpu.vector_load %arg14[%parallel_loop3A_774, %parallel_loop3A_775] {strides = array<i32>} : memref<40x80xi32, #tpu.memory_space<vmem>>, vector<16xi32>,
        %parallel_loop3A_777 = arith.constant 16 : i32
        %parallel_loop3A_778 = vector.broadcast %parallel_loop3A_777 : i32 to vector<16xi32>
        %parallel_loop3A_779 = arith.shli %parallel_loop3A_776, %parallel_loop3A_778 : vector<16xi32>
        %parallel_loop3A_780 = vector.bitcast %parallel_loop3A_779 : vector<16xi32> to vector<16xf32>
        %parallel_loop3A_781 = arith.constant -65536 : i32
        %parallel_loop3A_782 = vector.broadcast %parallel_loop3A_781 : i32 to vector<16xi32>
        %parallel_loop3A_783 = arith.andi %parallel_loop3A_776, %parallel_loop3A_782 : vector<16xi32>
        %parallel_loop3A_784 = vector.bitcast %parallel_loop3A_783 : vector<16xi32> to vector<16xf32>
        %parallel_loop3A_785 = vector.extract_strided_slice %parallel_loop3A_723 {offsets = [2], sizes = [1], strides = [1]} : vector<16xf32> to vector<1xf32>
        %parallel_loop3A_786 = vector.extract %parallel_loop3A_785[0] : f32 from vector<1xf32>
        %parallel_loop3A_787 = vector.broadcast %parallel_loop3A_786 : f32 to vector<16xf32>
        %parallel_loop3A_788 = arith.mulf %parallel_loop3A_780, %parallel_loop3A_787 : vector<16xf32>
        %parallel_loop3A_789 = arith.index_cast %parallel_loop3A_702 : i32 to index
        %parallel_loop3A_790 = arith.constant 32 : index
        %parallel_loop3A_791 = tpu.vector_load %arg22[%parallel_loop3A_789, %parallel_loop3A_790] {strides = array<i32>} : memref<40x136xf32, #tpu.memory_space<vmem>>, vector<16xf32>,
        tpu.vector_store %arg22[%parallel_loop3A_789, %parallel_loop3A_790], %parallel_loop3A_788 {strides = array<i32>} : memref<40x136xf32, #tpu.memory_space<vmem>>, vector<16xf32>,
        %parallel_loop3A_792 = vector.extract_strided_slice %parallel_loop3A_723 {offsets = [6], sizes = [1], strides = [1]} : vector<16xf32> to vector<1xf32>
        %parallel_loop3A_793 = vector.extract %parallel_loop3A_792[0] : f32 from vector<1xf32>
        %parallel_loop3A_794 = vector.broadcast %parallel_loop3A_793 : f32 to vector<16xf32>
        %parallel_loop3A_795 = arith.mulf %parallel_loop3A_784, %parallel_loop3A_794 : vector<16xf32>
        %parallel_loop3A_796 = arith.index_cast %parallel_loop3A_702 : i32 to index
        %parallel_loop3A_797 = arith.constant 96 : index
        %parallel_loop3A_798 = tpu.vector_load %arg22[%parallel_loop3A_796, %parallel_loop3A_797] {strides = array<i32>} : memref<40x136xf32, #tpu.memory_space<vmem>>, vector<16xf32>,
        tpu.vector_store %arg22[%parallel_loop3A_796, %parallel_loop3A_797], %parallel_loop3A_795 {strides = array<i32>} : memref<40x136xf32, #tpu.memory_space<vmem>>, vector<16xf32>,
        %parallel_loop3A_799 = arith.index_cast %parallel_loop3A_702 : i32 to index
        %parallel_loop3A_800 = arith.constant 48 : index
        %parallel_loop3A_801 = tpu.vector_load %arg14[%parallel_loop3A_799, %parallel_loop3A_800] {strides = array<i32>} : memref<40x80xi32, #tpu.memory_space<vmem>>, vector<16xi32>,
        %parallel_loop3A_802 = arith.constant 16 : i32
        %parallel_loop3A_803 = vector.broadcast %parallel_loop3A_802 : i32 to vector<16xi32>
        %parallel_loop3A_804 = arith.shli %parallel_loop3A_801, %parallel_loop3A_803 : vector<16xi32>
        %parallel_loop3A_805 = vector.bitcast %parallel_loop3A_804 : vector<16xi32> to vector<16xf32>
        %parallel_loop3A_806 = arith.constant -65536 : i32
        %parallel_loop3A_807 = vector.broadcast %parallel_loop3A_806 : i32 to vector<16xi32>
        %parallel_loop3A_808 = arith.andi %parallel_loop3A_801, %parallel_loop3A_807 : vector<16xi32>
        %parallel_loop3A_809 = vector.bitcast %parallel_loop3A_808 : vector<16xi32> to vector<16xf32>
        %parallel_loop3A_810 = vector.extract_strided_slice %parallel_loop3A_723 {offsets = [3], sizes = [1], strides = [1]} : vector<16xf32> to vector<1xf32>
        %parallel_loop3A_811 = vector.extract %parallel_loop3A_810[0] : f32 from vector<1xf32>
        %parallel_loop3A_812 = vector.broadcast %parallel_loop3A_811 : f32 to vector<16xf32>
        %parallel_loop3A_813 = arith.mulf %parallel_loop3A_805, %parallel_loop3A_812 : vector<16xf32>
        %parallel_loop3A_814 = arith.index_cast %parallel_loop3A_702 : i32 to index
        %parallel_loop3A_815 = arith.constant 48 : index
        %parallel_loop3A_816 = tpu.vector_load %arg22[%parallel_loop3A_814, %parallel_loop3A_815] {strides = array<i32>} : memref<40x136xf32, #tpu.memory_space<vmem>>, vector<16xf32>,
        tpu.vector_store %arg22[%parallel_loop3A_814, %parallel_loop3A_815], %parallel_loop3A_813 {strides = array<i32>} : memref<40x136xf32, #tpu.memory_space<vmem>>, vector<16xf32>,
        %parallel_loop3A_817 = vector.extract_strided_slice %parallel_loop3A_723 {offsets = [7], sizes = [1], strides = [1]} : vector<16xf32> to vector<1xf32>
        %parallel_loop3A_818 = vector.extract %parallel_loop3A_817[0] : f32 from vector<1xf32>
        %parallel_loop3A_819 = vector.broadcast %parallel_loop3A_818 : f32 to vector<16xf32>
        %parallel_loop3A_820 = arith.mulf %parallel_loop3A_809, %parallel_loop3A_819 : vector<16xf32>
        %parallel_loop3A_821 = arith.index_cast %parallel_loop3A_702 : i32 to index
        %parallel_loop3A_822 = arith.constant 112 : index
        %parallel_loop3A_823 = tpu.vector_load %arg22[%parallel_loop3A_821, %parallel_loop3A_822] {strides = array<i32>} : memref<40x136xf32, #tpu.memory_space<vmem>>, vector<16xf32>,
        tpu.vector_store %arg22[%parallel_loop3A_821, %parallel_loop3A_822], %parallel_loop3A_820 {strides = array<i32>} : memref<40x136xf32, #tpu.memory_space<vmem>>, vector<16xf32>,
      } {sc.loop_unroll_factor = 4 : i64, sc.parallel_access}
      %dma_start3A_683 = arith.constant 48 : i32
      %dma_start3A_684 = arith.constant 0 : i32
      %dma_start3A_685 = tpu.memref_slice %arg12[%dma_start3A_683, %dma_start3A_684] : memref<50x40xi32, #tpu.memory_space<vmem>> -> memref<1x40xi32, #tpu.memory_space<vmem>>
      %dma_start3A_686 = tpu.memref_squeeze %dma_start3A_685 : memref<1x40xi32, #tpu.memory_space<vmem>> -> memref<40xi32, #tpu.memory_space<vmem>>
      %dma_start3A_687 = arith.constant 0 : i32
      %dma_start3A_688 = arith.constant 0 : i32
      %dma_start3A_689 = tpu.memref_slice %arg9[%dma_start3A_687, %dma_start3A_688] : memref<10112x136xf32, #tpu.memory_space<vmem_shared>> -> memref<10112x136xf32, #tpu.memory_space<vmem_shared>>
      tpu.enqueue_indirect_dma source(%arg22 : memref<40x136xf32, #tpu.memory_space<vmem>>) target(%dma_start3A_689 : memref<10112x136xf32, #tpu.memory_space<vmem_shared>>) offsets(%dma_start3A_686 : memref<40xi32, #tpu.memory_space<vmem>>) semaphore(%arg32 : memref<!tpu.dma_semaphore, #tpu.memory_space<semaphore_mem>>) {add = true}
      %broadcast_in_dim3A_690 = arith.constant 49 : i32
      %broadcast_in_dim3A_691 = vector.broadcast %broadcast_in_dim3A_690 : i32 to vector<16xi32>
      %parallel_loop3A_692 = arith.constant 0 : i32
      %parallel_loop3A_693 = arith.constant 40 : i32
      %parallel_loop3A_694 = arith.constant 1 : i32
      scf.for %parallel_loop3A_702 = %parallel_loop3A_692 to %parallel_loop3A_693 step %parallel_loop3A_694  : i32 {
        %parallel_loop3A_703 = vector.broadcast %parallel_loop3A_702 : i32 to vector<16xi32>
        %parallel_loop3A_704 = tpu.vector_load_idx %arg13[%broadcast_in_dim3A_691, %parallel_loop3A_703] : memref<50x40xf32, #tpu.memory_space<vmem>>[vector<16xi32>, vector<16xi32>], vector<16xf32>,
        %parallel_loop3A_705 = arith.index_cast %parallel_loop3A_702 : i32 to index
        %parallel_loop3A_706 = arith.constant 64 : index
        %parallel_loop3A_707 = tpu.vector_load %arg15[%parallel_loop3A_705, %parallel_loop3A_706] {strides = array<i32>} : memref<40x80xi32, #tpu.memory_space<vmem>>, vector<16xi32>,
        %parallel_loop3A_708 = vector.bitcast %parallel_loop3A_707 : vector<16xi32> to vector<16xf32>
        %parallel_loop3A_709 = arith.index_cast %parallel_loop3A_702 : i32 to index
        %parallel_loop3A_710 = arith.constant 0 : index
        %parallel_loop3A_711 = tpu.vector_load %arg19[%parallel_loop3A_709, %parallel_loop3A_710] {strides = array<i32>} : memref<40x16xf32, #tpu.memory_space<vmem>>, vector<16xf32>,
        %parallel_loop3A_712 = arith.addf %parallel_loop3A_708, %parallel_loop3A_711 : vector<16xf32>
        %parallel_loop3A_713 = arith.mulf %parallel_loop3A_704, %get3A_272 : vector<16xf32>
        %parallel_loop3A_714 = arith.addf %parallel_loop3A_712, %parallel_loop3A_713 : vector<16xf32>
        %parallel_loop3A_715 = arith.constant 0.000000e+00 : f32
        %parallel_loop3A_716 = vector.broadcast %parallel_loop3A_715 : f32 to vector<16xf32>
        %parallel_loop3A_717 = arith.cmpf ogt, %parallel_loop3A_714, %parallel_loop3A_716 : vector<16xf32>
        %parallel_loop3A_718 = arith.constant 2.000000e-01 : f32
        %parallel_loop3A_719 = vector.broadcast %parallel_loop3A_718 : f32 to vector<16xf32>
        %parallel_loop3A_720 = arith.mulf %parallel_loop3A_719, %parallel_loop3A_714 : vector<16xf32>
        %parallel_loop3A_721 = arith.select %parallel_loop3A_717, %parallel_loop3A_714, %parallel_loop3A_720 : vector<16xi1>, vector<16xf32>
        %parallel_loop3A_722 = arith.subf %parallel_loop3A_721, %get3A_276 : vector<16xf32>
        %parallel_loop3A_723 = math.exp %parallel_loop3A_722 : vector<16xf32>
        tpu.vector_store_idx %arg23[%parallel_loop3A_703, %add3A_279], %parallel_loop3A_723 masked %lt3A_282 : memref<40x136xf32, #tpu.memory_space<vmem>>[vector<16xi32>, vector<16xi32>], vector<16xf32>, vector<16xi1>
        %parallel_loop3A_724 = arith.index_cast %parallel_loop3A_702 : i32 to index
        %parallel_loop3A_725 = arith.constant 0 : index
        %parallel_loop3A_726 = tpu.vector_load %arg15[%parallel_loop3A_724, %parallel_loop3A_725] {strides = array<i32>} : memref<40x80xi32, #tpu.memory_space<vmem>>, vector<16xi32>,
        %parallel_loop3A_727 = arith.constant 16 : i32
        %parallel_loop3A_728 = vector.broadcast %parallel_loop3A_727 : i32 to vector<16xi32>
        %parallel_loop3A_729 = arith.shli %parallel_loop3A_726, %parallel_loop3A_728 : vector<16xi32>
        %parallel_loop3A_730 = vector.bitcast %parallel_loop3A_729 : vector<16xi32> to vector<16xf32>
        %parallel_loop3A_731 = arith.constant -65536 : i32
        %parallel_loop3A_732 = vector.broadcast %parallel_loop3A_731 : i32 to vector<16xi32>
        %parallel_loop3A_733 = arith.andi %parallel_loop3A_726, %parallel_loop3A_732 : vector<16xi32>
        %parallel_loop3A_734 = vector.bitcast %parallel_loop3A_733 : vector<16xi32> to vector<16xf32>
        %parallel_loop3A_735 = vector.extract_strided_slice %parallel_loop3A_723 {offsets = [0], sizes = [1], strides = [1]} : vector<16xf32> to vector<1xf32>
        %parallel_loop3A_736 = vector.extract %parallel_loop3A_735[0] : f32 from vector<1xf32>
        %parallel_loop3A_737 = vector.broadcast %parallel_loop3A_736 : f32 to vector<16xf32>
        %parallel_loop3A_738 = arith.mulf %parallel_loop3A_730, %parallel_loop3A_737 : vector<16xf32>
        %parallel_loop3A_739 = arith.index_cast %parallel_loop3A_702 : i32 to index
        %parallel_loop3A_740 = arith.constant 0 : index
        %parallel_loop3A_741 = tpu.vector_load %arg23[%parallel_loop3A_739, %parallel_loop3A_740] {strides = array<i32>} : memref<40x136xf32, #tpu.memory_space<vmem>>, vector<16xf32>,
        tpu.vector_store %arg23[%parallel_loop3A_739, %parallel_loop3A_740], %parallel_loop3A_738 {strides = array<i32>} : memref<40x136xf32, #tpu.memory_space<vmem>>, vector<16xf32>,
        %parallel_loop3A_742 = vector.extract_strided_slice %parallel_loop3A_723 {offsets = [4], sizes = [1], strides = [1]} : vector<16xf32> to vector<1xf32>
        %parallel_loop3A_743 = vector.extract %parallel_loop3A_742[0] : f32 from vector<1xf32>
        %parallel_loop3A_744 = vector.broadcast %parallel_loop3A_743 : f32 to vector<16xf32>
        %parallel_loop3A_745 = arith.mulf %parallel_loop3A_734, %parallel_loop3A_744 : vector<16xf32>
        %parallel_loop3A_746 = arith.index_cast %parallel_loop3A_702 : i32 to index
        %parallel_loop3A_747 = arith.constant 64 : index
        %parallel_loop3A_748 = tpu.vector_load %arg23[%parallel_loop3A_746, %parallel_loop3A_747] {strides = array<i32>} : memref<40x136xf32, #tpu.memory_space<vmem>>, vector<16xf32>,
        tpu.vector_store %arg23[%parallel_loop3A_746, %parallel_loop3A_747], %parallel_loop3A_745 {strides = array<i32>} : memref<40x136xf32, #tpu.memory_space<vmem>>, vector<16xf32>,
        %parallel_loop3A_749 = arith.index_cast %parallel_loop3A_702 : i32 to index
        %parallel_loop3A_750 = arith.constant 16 : index
        %parallel_loop3A_751 = tpu.vector_load %arg15[%parallel_loop3A_749, %parallel_loop3A_750] {strides = array<i32>} : memref<40x80xi32, #tpu.memory_space<vmem>>, vector<16xi32>,
        %parallel_loop3A_752 = arith.constant 16 : i32
        %parallel_loop3A_753 = vector.broadcast %parallel_loop3A_752 : i32 to vector<16xi32>
        %parallel_loop3A_754 = arith.shli %parallel_loop3A_751, %parallel_loop3A_753 : vector<16xi32>
        %parallel_loop3A_755 = vector.bitcast %parallel_loop3A_754 : vector<16xi32> to vector<16xf32>
        %parallel_loop3A_756 = arith.constant -65536 : i32
        %parallel_loop3A_757 = vector.broadcast %parallel_loop3A_756 : i32 to vector<16xi32>
        %parallel_loop3A_758 = arith.andi %parallel_loop3A_751, %parallel_loop3A_757 : vector<16xi32>
        %parallel_loop3A_759 = vector.bitcast %parallel_loop3A_758 : vector<16xi32> to vector<16xf32>
        %parallel_loop3A_760 = vector.extract_strided_slice %parallel_loop3A_723 {offsets = [1], sizes = [1], strides = [1]} : vector<16xf32> to vector<1xf32>
        %parallel_loop3A_761 = vector.extract %parallel_loop3A_760[0] : f32 from vector<1xf32>
        %parallel_loop3A_762 = vector.broadcast %parallel_loop3A_761 : f32 to vector<16xf32>
        %parallel_loop3A_763 = arith.mulf %parallel_loop3A_755, %parallel_loop3A_762 : vector<16xf32>
        %parallel_loop3A_764 = arith.index_cast %parallel_loop3A_702 : i32 to index
        %parallel_loop3A_765 = arith.constant 16 : index
        %parallel_loop3A_766 = tpu.vector_load %arg23[%parallel_loop3A_764, %parallel_loop3A_765] {strides = array<i32>} : memref<40x136xf32, #tpu.memory_space<vmem>>, vector<16xf32>,
        tpu.vector_store %arg23[%parallel_loop3A_764, %parallel_loop3A_765], %parallel_loop3A_763 {strides = array<i32>} : memref<40x136xf32, #tpu.memory_space<vmem>>, vector<16xf32>,
        %parallel_loop3A_767 = vector.extract_strided_slice %parallel_loop3A_723 {offsets = [5], sizes = [1], strides = [1]} : vector<16xf32> to vector<1xf32>
        %parallel_loop3A_768 = vector.extract %parallel_loop3A_767[0] : f32 from vector<1xf32>
        %parallel_loop3A_769 = vector.broadcast %parallel_loop3A_768 : f32 to vector<16xf32>
        %parallel_loop3A_770 = arith.mulf %parallel_loop3A_759, %parallel_loop3A_769 : vector<16xf32>
        %parallel_loop3A_771 = arith.index_cast %parallel_loop3A_702 : i32 to index
        %parallel_loop3A_772 = arith.constant 80 : index
        %parallel_loop3A_773 = tpu.vector_load %arg23[%parallel_loop3A_771, %parallel_loop3A_772] {strides = array<i32>} : memref<40x136xf32, #tpu.memory_space<vmem>>, vector<16xf32>,
        tpu.vector_store %arg23[%parallel_loop3A_771, %parallel_loop3A_772], %parallel_loop3A_770 {strides = array<i32>} : memref<40x136xf32, #tpu.memory_space<vmem>>, vector<16xf32>,
        %parallel_loop3A_774 = arith.index_cast %parallel_loop3A_702 : i32 to index
        %parallel_loop3A_775 = arith.constant 32 : index
        %parallel_loop3A_776 = tpu.vector_load %arg15[%parallel_loop3A_774, %parallel_loop3A_775] {strides = array<i32>} : memref<40x80xi32, #tpu.memory_space<vmem>>, vector<16xi32>,
        %parallel_loop3A_777 = arith.constant 16 : i32
        %parallel_loop3A_778 = vector.broadcast %parallel_loop3A_777 : i32 to vector<16xi32>
        %parallel_loop3A_779 = arith.shli %parallel_loop3A_776, %parallel_loop3A_778 : vector<16xi32>
        %parallel_loop3A_780 = vector.bitcast %parallel_loop3A_779 : vector<16xi32> to vector<16xf32>
        %parallel_loop3A_781 = arith.constant -65536 : i32
        %parallel_loop3A_782 = vector.broadcast %parallel_loop3A_781 : i32 to vector<16xi32>
        %parallel_loop3A_783 = arith.andi %parallel_loop3A_776, %parallel_loop3A_782 : vector<16xi32>
        %parallel_loop3A_784 = vector.bitcast %parallel_loop3A_783 : vector<16xi32> to vector<16xf32>
        %parallel_loop3A_785 = vector.extract_strided_slice %parallel_loop3A_723 {offsets = [2], sizes = [1], strides = [1]} : vector<16xf32> to vector<1xf32>
        %parallel_loop3A_786 = vector.extract %parallel_loop3A_785[0] : f32 from vector<1xf32>
        %parallel_loop3A_787 = vector.broadcast %parallel_loop3A_786 : f32 to vector<16xf32>
        %parallel_loop3A_788 = arith.mulf %parallel_loop3A_780, %parallel_loop3A_787 : vector<16xf32>
        %parallel_loop3A_789 = arith.index_cast %parallel_loop3A_702 : i32 to index
        %parallel_loop3A_790 = arith.constant 32 : index
        %parallel_loop3A_791 = tpu.vector_load %arg23[%parallel_loop3A_789, %parallel_loop3A_790] {strides = array<i32>} : memref<40x136xf32, #tpu.memory_space<vmem>>, vector<16xf32>,
        tpu.vector_store %arg23[%parallel_loop3A_789, %parallel_loop3A_790], %parallel_loop3A_788 {strides = array<i32>} : memref<40x136xf32, #tpu.memory_space<vmem>>, vector<16xf32>,
        %parallel_loop3A_792 = vector.extract_strided_slice %parallel_loop3A_723 {offsets = [6], sizes = [1], strides = [1]} : vector<16xf32> to vector<1xf32>
        %parallel_loop3A_793 = vector.extract %parallel_loop3A_792[0] : f32 from vector<1xf32>
        %parallel_loop3A_794 = vector.broadcast %parallel_loop3A_793 : f32 to vector<16xf32>
        %parallel_loop3A_795 = arith.mulf %parallel_loop3A_784, %parallel_loop3A_794 : vector<16xf32>
        %parallel_loop3A_796 = arith.index_cast %parallel_loop3A_702 : i32 to index
        %parallel_loop3A_797 = arith.constant 96 : index
        %parallel_loop3A_798 = tpu.vector_load %arg23[%parallel_loop3A_796, %parallel_loop3A_797] {strides = array<i32>} : memref<40x136xf32, #tpu.memory_space<vmem>>, vector<16xf32>,
        tpu.vector_store %arg23[%parallel_loop3A_796, %parallel_loop3A_797], %parallel_loop3A_795 {strides = array<i32>} : memref<40x136xf32, #tpu.memory_space<vmem>>, vector<16xf32>,
        %parallel_loop3A_799 = arith.index_cast %parallel_loop3A_702 : i32 to index
        %parallel_loop3A_800 = arith.constant 48 : index
        %parallel_loop3A_801 = tpu.vector_load %arg15[%parallel_loop3A_799, %parallel_loop3A_800] {strides = array<i32>} : memref<40x80xi32, #tpu.memory_space<vmem>>, vector<16xi32>,
        %parallel_loop3A_802 = arith.constant 16 : i32
        %parallel_loop3A_803 = vector.broadcast %parallel_loop3A_802 : i32 to vector<16xi32>
        %parallel_loop3A_804 = arith.shli %parallel_loop3A_801, %parallel_loop3A_803 : vector<16xi32>
        %parallel_loop3A_805 = vector.bitcast %parallel_loop3A_804 : vector<16xi32> to vector<16xf32>
        %parallel_loop3A_806 = arith.constant -65536 : i32
        %parallel_loop3A_807 = vector.broadcast %parallel_loop3A_806 : i32 to vector<16xi32>
        %parallel_loop3A_808 = arith.andi %parallel_loop3A_801, %parallel_loop3A_807 : vector<16xi32>
        %parallel_loop3A_809 = vector.bitcast %parallel_loop3A_808 : vector<16xi32> to vector<16xf32>
        %parallel_loop3A_810 = vector.extract_strided_slice %parallel_loop3A_723 {offsets = [3], sizes = [1], strides = [1]} : vector<16xf32> to vector<1xf32>
        %parallel_loop3A_811 = vector.extract %parallel_loop3A_810[0] : f32 from vector<1xf32>
        %parallel_loop3A_812 = vector.broadcast %parallel_loop3A_811 : f32 to vector<16xf32>
        %parallel_loop3A_813 = arith.mulf %parallel_loop3A_805, %parallel_loop3A_812 : vector<16xf32>
        %parallel_loop3A_814 = arith.index_cast %parallel_loop3A_702 : i32 to index
        %parallel_loop3A_815 = arith.constant 48 : index
        %parallel_loop3A_816 = tpu.vector_load %arg23[%parallel_loop3A_814, %parallel_loop3A_815] {strides = array<i32>} : memref<40x136xf32, #tpu.memory_space<vmem>>, vector<16xf32>,
        tpu.vector_store %arg23[%parallel_loop3A_814, %parallel_loop3A_815], %parallel_loop3A_813 {strides = array<i32>} : memref<40x136xf32, #tpu.memory_space<vmem>>, vector<16xf32>,
        %parallel_loop3A_817 = vector.extract_strided_slice %parallel_loop3A_723 {offsets = [7], sizes = [1], strides = [1]} : vector<16xf32> to vector<1xf32>
        %parallel_loop3A_818 = vector.extract %parallel_loop3A_817[0] : f32 from vector<1xf32>
        %parallel_loop3A_819 = vector.broadcast %parallel_loop3A_818 : f32 to vector<16xf32>
        %parallel_loop3A_820 = arith.mulf %parallel_loop3A_809, %parallel_loop3A_819 : vector<16xf32>
        %parallel_loop3A_821 = arith.index_cast %parallel_loop3A_702 : i32 to index
        %parallel_loop3A_822 = arith.constant 112 : index
        %parallel_loop3A_823 = tpu.vector_load %arg23[%parallel_loop3A_821, %parallel_loop3A_822] {strides = array<i32>} : memref<40x136xf32, #tpu.memory_space<vmem>>, vector<16xf32>,
        tpu.vector_store %arg23[%parallel_loop3A_821, %parallel_loop3A_822], %parallel_loop3A_820 {strides = array<i32>} : memref<40x136xf32, #tpu.memory_space<vmem>>, vector<16xf32>,
      } {sc.loop_unroll_factor = 4 : i64, sc.parallel_access}
      %dma_start3A_695 = arith.constant 49 : i32
      %dma_start3A_696 = arith.constant 0 : i32
      %dma_start3A_697 = tpu.memref_slice %arg12[%dma_start3A_695, %dma_start3A_696] : memref<50x40xi32, #tpu.memory_space<vmem>> -> memref<1x40xi32, #tpu.memory_space<vmem>>
      %dma_start3A_698 = tpu.memref_squeeze %dma_start3A_697 : memref<1x40xi32, #tpu.memory_space<vmem>> -> memref<40xi32, #tpu.memory_space<vmem>>
      %dma_start3A_699 = arith.constant 0 : i32
      %dma_start3A_700 = arith.constant 0 : i32
      %dma_start3A_701 = tpu.memref_slice %arg9[%dma_start3A_699, %dma_start3A_700] : memref<10112x136xf32, #tpu.memory_space<vmem_shared>> -> memref<10112x136xf32, #tpu.memory_space<vmem_shared>>
      tpu.enqueue_indirect_dma source(%arg23 : memref<40x136xf32, #tpu.memory_space<vmem>>) target(%dma_start3A_701 : memref<10112x136xf32, #tpu.memory_space<vmem_shared>>) offsets(%dma_start3A_698 : memref<40xi32, #tpu.memory_space<vmem>>) semaphore(%arg33 : memref<!tpu.dma_semaphore, #tpu.memory_space<semaphore_mem>>) {add = true}
    }
    %scan3A_293 = arith.constant 5 : i32
    %dma_wait3A_294 = arith.constant 0 : i32
    %dma_wait3A_295 = arith.constant 0 : i32
    %dma_wait3A_296 = tpu.memref_slice %arg12[%dma_wait3A_294, %dma_wait3A_295] : memref<50x40xi32, #tpu.memory_space<vmem>> -> memref<1x40xi32, #tpu.memory_space<vmem>>
    %dma_wait3A_297 = tpu.memref_squeeze %dma_wait3A_296 : memref<1x40xi32, #tpu.memory_space<vmem>> -> memref<40xi32, #tpu.memory_space<vmem>>
    %dma_wait3A_298 = arith.constant 0 : i32
    %dma_wait3A_299 = arith.constant 0 : i32
    %dma_wait3A_300 = tpu.memref_slice %arg9[%dma_wait3A_298, %dma_wait3A_299] : memref<10112x136xf32, #tpu.memory_space<vmem_shared>> -> memref<10112x136xf32, #tpu.memory_space<vmem_shared>>
    tpu.wait_indirect_dma semaphore(%arg32 : memref<!tpu.dma_semaphore, #tpu.memory_space<semaphore_mem>>) src(%arg22 : memref<40x136xf32, #tpu.memory_space<vmem>>) dst(%dma_wait3A_300 : memref<10112x136xf32, #tpu.memory_space<vmem_shared>>)
    %dma_wait3A_301 = arith.constant 0 : i32
    %dma_wait3A_302 = arith.constant 0 : i32
    %dma_wait3A_303 = tpu.memref_slice %arg12[%dma_wait3A_301, %dma_wait3A_302] : memref<50x40xi32, #tpu.memory_space<vmem>> -> memref<1x40xi32, #tpu.memory_space<vmem>>
    %dma_wait3A_304 = tpu.memref_squeeze %dma_wait3A_303 : memref<1x40xi32, #tpu.memory_space<vmem>> -> memref<40xi32, #tpu.memory_space<vmem>>
    %dma_wait3A_305 = arith.constant 0 : i32
    %dma_wait3A_306 = arith.constant 0 : i32
    %dma_wait3A_307 = tpu.memref_slice %arg9[%dma_wait3A_305, %dma_wait3A_306] : memref<10112x136xf32, #tpu.memory_space<vmem_shared>> -> memref<10112x136xf32, #tpu.memory_space<vmem_shared>>
    tpu.wait_indirect_dma semaphore(%arg33 : memref<!tpu.dma_semaphore, #tpu.memory_space<semaphore_mem>>) src(%arg23 : memref<40x136xf32, #tpu.memory_space<vmem>>) dst(%dma_wait3A_307 : memref<10112x136xf32, #tpu.memory_space<vmem_shared>>)
    %barrier3A_308 = arith.constant 0 : index
    tpu.barrier barrier_id(%barrier3A_308)
    %mul3A_309 = arith.constant 632 : i32
    %mul3A_310 = arith.muli %arg1, %mul3A_309 : i32
    %add3A_311 = arith.constant 0 : i32
    %add3A_312 = arith.addi %mul3A_310, %add3A_311 : i32
    %dma_start3A_313 = arith.constant 0 : i32
    %dma_start3A_314 = tpu.memref_slice %arg8[%arg0, %add3A_312, %dma_start3A_313] : memref<2x10112x136xf32, #tpu.memory_space<hbm>> -> memref<1x40x136xf32, #tpu.memory_space<hbm>>
    %dma_start3A_315 = tpu.memref_squeeze %dma_start3A_314 : memref<1x40x136xf32, #tpu.memory_space<hbm>> -> memref<40x136xf32, #tpu.memory_space<hbm>>
    %dma_start3A_316 = arith.constant 0 : i32
    %dma_start3A_317 = tpu.memref_slice %arg9[%add3A_312, %dma_start3A_316] : memref<10112x136xf32, #tpu.memory_space<vmem_shared>> -> memref<40x136xf32, #tpu.memory_space<vmem_shared>>
    tpu.enqueue_dma source(%dma_start3A_317 : memref<40x136xf32, #tpu.memory_space<vmem_shared>>) target(%dma_start3A_315 : memref<40x136xf32, #tpu.memory_space<hbm>>) target_semaphore(%arg32 : memref<!tpu.dma_semaphore, #tpu.memory_space<semaphore_mem>>)
    %mul3A_318 = arith.constant 632 : i32
    %mul3A_319 = arith.muli %arg1, %mul3A_318 : i32
    %add3A_320 = arith.constant 40 : i32
    %add3A_321 = arith.addi %mul3A_319, %add3A_320 : i32
    %dma_start3A_322 = arith.constant 0 : i32
    %dma_start3A_323 = tpu.memref_slice %arg8[%arg0, %add3A_321, %dma_start3A_322] : memref<2x10112x136xf32, #tpu.memory_space<hbm>> -> memref<1x40x136xf32, #tpu.memory_space<hbm>>
    %dma_start3A_324 = tpu.memref_squeeze %dma_start3A_323 : memref<1x40x136xf32, #tpu.memory_space<hbm>> -> memref<40x136xf32, #tpu.memory_space<hbm>>
    %dma_start3A_325 = arith.constant 0 : i32
    %dma_start3A_326 = tpu.memref_slice %arg9[%add3A_321, %dma_start3A_325] : memref<10112x136xf32, #tpu.memory_space<vmem_shared>> -> memref<40x136xf32, #tpu.memory_space<vmem_shared>>
    tpu.enqueue_dma source(%dma_start3A_326 : memref<40x136xf32, #tpu.memory_space<vmem_shared>>) target(%dma_start3A_324 : memref<40x136xf32, #tpu.memory_space<hbm>>) target_semaphore(%arg32 : memref<!tpu.dma_semaphore, #tpu.memory_space<semaphore_mem>>)
    %mul3A_327 = arith.constant 632 : i32
    %mul3A_328 = arith.muli %arg1, %mul3A_327 : i32
    %add3A_329 = arith.constant 80 : i32
    %add3A_330 = arith.addi %mul3A_328, %add3A_329 : i32
    %dma_start3A_331 = arith.constant 0 : i32
    %dma_start3A_332 = tpu.memref_slice %arg8[%arg0, %add3A_330, %dma_start3A_331] : memref<2x10112x136xf32, #tpu.memory_space<hbm>> -> memref<1x40x136xf32, #tpu.memory_space<hbm>>
    %dma_start3A_333 = tpu.memref_squeeze %dma_start3A_332 : memref<1x40x136xf32, #tpu.memory_space<hbm>> -> memref<40x136xf32, #tpu.memory_space<hbm>>
    %dma_start3A_334 = arith.constant 0 : i32
    %dma_start3A_335 = tpu.memref_slice %arg9[%add3A_330, %dma_start3A_334] : memref<10112x136xf32, #tpu.memory_space<vmem_shared>> -> memref<40x136xf32, #tpu.memory_space<vmem_shared>>
    tpu.enqueue_dma source(%dma_start3A_335 : memref<40x136xf32, #tpu.memory_space<vmem_shared>>) target(%dma_start3A_333 : memref<40x136xf32, #tpu.memory_space<hbm>>) target_semaphore(%arg32 : memref<!tpu.dma_semaphore, #tpu.memory_space<semaphore_mem>>)
    %mul3A_336 = arith.constant 632 : i32
    %mul3A_337 = arith.muli %arg1, %mul3A_336 : i32
    %add3A_338 = arith.constant 120 : i32
    %add3A_339 = arith.addi %mul3A_337, %add3A_338 : i32
    %dma_start3A_340 = arith.constant 0 : i32
    %dma_start3A_341 = tpu.memref_slice %arg8[%arg0, %add3A_339, %dma_start3A_340] : memref<2x10112x136xf32, #tpu.memory_space<hbm>> -> memref<1x40x136xf32, #tpu.memory_space<hbm>>
    %dma_start3A_342 = tpu.memref_squeeze %dma_start3A_341 : memref<1x40x136xf32, #tpu.memory_space<hbm>> -> memref<40x136xf32, #tpu.memory_space<hbm>>
    %dma_start3A_343 = arith.constant 0 : i32
    %dma_start3A_344 = tpu.memref_slice %arg9[%add3A_339, %dma_start3A_343] : memref<10112x136xf32, #tpu.memory_space<vmem_shared>> -> memref<40x136xf32, #tpu.memory_space<vmem_shared>>
    tpu.enqueue_dma source(%dma_start3A_344 : memref<40x136xf32, #tpu.memory_space<vmem_shared>>) target(%dma_start3A_342 : memref<40x136xf32, #tpu.memory_space<hbm>>) target_semaphore(%arg32 : memref<!tpu.dma_semaphore, #tpu.memory_space<semaphore_mem>>)
    %mul3A_345 = arith.constant 632 : i32
    %mul3A_346 = arith.muli %arg1, %mul3A_345 : i32
    %add3A_347 = arith.constant 160 : i32
    %add3A_348 = arith.addi %mul3A_346, %add3A_347 : i32
    %dma_start3A_349 = arith.constant 0 : i32
    %dma_start3A_350 = tpu.memref_slice %arg8[%arg0, %add3A_348, %dma_start3A_349] : memref<2x10112x136xf32, #tpu.memory_space<hbm>> -> memref<1x40x136xf32, #tpu.memory_space<hbm>>
    %dma_start3A_351 = tpu.memref_squeeze %dma_start3A_350 : memref<1x40x136xf32, #tpu.memory_space<hbm>> -> memref<40x136xf32, #tpu.memory_space<hbm>>
    %dma_start3A_352 = arith.constant 0 : i32
    %dma_start3A_353 = tpu.memref_slice %arg9[%add3A_348, %dma_start3A_352] : memref<10112x136xf32, #tpu.memory_space<vmem_shared>> -> memref<40x136xf32, #tpu.memory_space<vmem_shared>>
    tpu.enqueue_dma source(%dma_start3A_353 : memref<40x136xf32, #tpu.memory_space<vmem_shared>>) target(%dma_start3A_351 : memref<40x136xf32, #tpu.memory_space<hbm>>) target_semaphore(%arg32 : memref<!tpu.dma_semaphore, #tpu.memory_space<semaphore_mem>>)
    %mul3A_354 = arith.constant 632 : i32
    %mul3A_355 = arith.muli %arg1, %mul3A_354 : i32
    %add3A_356 = arith.constant 200 : i32
    %add3A_357 = arith.addi %mul3A_355, %add3A_356 : i32
    %dma_start3A_358 = arith.constant 0 : i32
    %dma_start3A_359 = tpu.memref_slice %arg8[%arg0, %add3A_357, %dma_start3A_358] : memref<2x10112x136xf32, #tpu.memory_space<hbm>> -> memref<1x40x136xf32, #tpu.memory_space<hbm>>
    %dma_start3A_360 = tpu.memref_squeeze %dma_start3A_359 : memref<1x40x136xf32, #tpu.memory_space<hbm>> -> memref<40x136xf32, #tpu.memory_space<hbm>>
    %dma_start3A_361 = arith.constant 0 : i32
    %dma_start3A_362 = tpu.memref_slice %arg9[%add3A_357, %dma_start3A_361] : memref<10112x136xf32, #tpu.memory_space<vmem_shared>> -> memref<40x136xf32, #tpu.memory_space<vmem_shared>>
    tpu.enqueue_dma source(%dma_start3A_362 : memref<40x136xf32, #tpu.memory_space<vmem_shared>>) target(%dma_start3A_360 : memref<40x136xf32, #tpu.memory_space<hbm>>) target_semaphore(%arg32 : memref<!tpu.dma_semaphore, #tpu.memory_space<semaphore_mem>>)
    %mul3A_363 = arith.constant 632 : i32
    %mul3A_364 = arith.muli %arg1, %mul3A_363 : i32
    %add3A_365 = arith.constant 240 : i32
    %add3A_366 = arith.addi %mul3A_364, %add3A_365 : i32
    %dma_start3A_367 = arith.constant 0 : i32
    %dma_start3A_368 = tpu.memref_slice %arg8[%arg0, %add3A_366, %dma_start3A_367] : memref<2x10112x136xf32, #tpu.memory_space<hbm>> -> memref<1x40x136xf32, #tpu.memory_space<hbm>>
    %dma_start3A_369 = tpu.memref_squeeze %dma_start3A_368 : memref<1x40x136xf32, #tpu.memory_space<hbm>> -> memref<40x136xf32, #tpu.memory_space<hbm>>
    %dma_start3A_370 = arith.constant 0 : i32
    %dma_start3A_371 = tpu.memref_slice %arg9[%add3A_366, %dma_start3A_370] : memref<10112x136xf32, #tpu.memory_space<vmem_shared>> -> memref<40x136xf32, #tpu.memory_space<vmem_shared>>
    tpu.enqueue_dma source(%dma_start3A_371 : memref<40x136xf32, #tpu.memory_space<vmem_shared>>) target(%dma_start3A_369 : memref<40x136xf32, #tpu.memory_space<hbm>>) target_semaphore(%arg32 : memref<!tpu.dma_semaphore, #tpu.memory_space<semaphore_mem>>)
    %mul3A_372 = arith.constant 632 : i32
    %mul3A_373 = arith.muli %arg1, %mul3A_372 : i32
    %add3A_374 = arith.constant 280 : i32
    %add3A_375 = arith.addi %mul3A_373, %add3A_374 : i32
    %dma_start3A_376 = arith.constant 0 : i32
    %dma_start3A_377 = tpu.memref_slice %arg8[%arg0, %add3A_375, %dma_start3A_376] : memref<2x10112x136xf32, #tpu.memory_space<hbm>> -> memref<1x40x136xf32, #tpu.memory_space<hbm>>
    %dma_start3A_378 = tpu.memref_squeeze %dma_start3A_377 : memref<1x40x136xf32, #tpu.memory_space<hbm>> -> memref<40x136xf32, #tpu.memory_space<hbm>>
    %dma_start3A_379 = arith.constant 0 : i32
    %dma_start3A_380 = tpu.memref_slice %arg9[%add3A_375, %dma_start3A_379] : memref<10112x136xf32, #tpu.memory_space<vmem_shared>> -> memref<40x136xf32, #tpu.memory_space<vmem_shared>>
    tpu.enqueue_dma source(%dma_start3A_380 : memref<40x136xf32, #tpu.memory_space<vmem_shared>>) target(%dma_start3A_378 : memref<40x136xf32, #tpu.memory_space<hbm>>) target_semaphore(%arg32 : memref<!tpu.dma_semaphore, #tpu.memory_space<semaphore_mem>>)
    %mul3A_381 = arith.constant 632 : i32
    %mul3A_382 = arith.muli %arg1, %mul3A_381 : i32
    %add3A_383 = arith.constant 320 : i32
    %add3A_384 = arith.addi %mul3A_382, %add3A_383 : i32
    %dma_start3A_385 = arith.constant 0 : i32
    %dma_start3A_386 = tpu.memref_slice %arg8[%arg0, %add3A_384, %dma_start3A_385] : memref<2x10112x136xf32, #tpu.memory_space<hbm>> -> memref<1x40x136xf32, #tpu.memory_space<hbm>>
    %dma_start3A_387 = tpu.memref_squeeze %dma_start3A_386 : memref<1x40x136xf32, #tpu.memory_space<hbm>> -> memref<40x136xf32, #tpu.memory_space<hbm>>
    %dma_start3A_388 = arith.constant 0 : i32
    %dma_start3A_389 = tpu.memref_slice %arg9[%add3A_384, %dma_start3A_388] : memref<10112x136xf32, #tpu.memory_space<vmem_shared>> -> memref<40x136xf32, #tpu.memory_space<vmem_shared>>
    tpu.enqueue_dma source(%dma_start3A_389 : memref<40x136xf32, #tpu.memory_space<vmem_shared>>) target(%dma_start3A_387 : memref<40x136xf32, #tpu.memory_space<hbm>>) target_semaphore(%arg32 : memref<!tpu.dma_semaphore, #tpu.memory_space<semaphore_mem>>)
    %mul3A_390 = arith.constant 632 : i32
    %mul3A_391 = arith.muli %arg1, %mul3A_390 : i32
    %add3A_392 = arith.constant 360 : i32
    %add3A_393 = arith.addi %mul3A_391, %add3A_392 : i32
    %dma_start3A_394 = arith.constant 0 : i32
    %dma_start3A_395 = tpu.memref_slice %arg8[%arg0, %add3A_393, %dma_start3A_394] : memref<2x10112x136xf32, #tpu.memory_space<hbm>> -> memref<1x40x136xf32, #tpu.memory_space<hbm>>
    %dma_start3A_396 = tpu.memref_squeeze %dma_start3A_395 : memref<1x40x136xf32, #tpu.memory_space<hbm>> -> memref<40x136xf32, #tpu.memory_space<hbm>>
    %dma_start3A_397 = arith.constant 0 : i32
    %dma_start3A_398 = tpu.memref_slice %arg9[%add3A_393, %dma_start3A_397] : memref<10112x136xf32, #tpu.memory_space<vmem_shared>> -> memref<40x136xf32, #tpu.memory_space<vmem_shared>>
    tpu.enqueue_dma source(%dma_start3A_398 : memref<40x136xf32, #tpu.memory_space<vmem_shared>>) target(%dma_start3A_396 : memref<40x136xf32, #tpu.memory_space<hbm>>) target_semaphore(%arg32 : memref<!tpu.dma_semaphore, #tpu.memory_space<semaphore_mem>>)
    %mul3A_399 = arith.constant 632 : i32
    %mul3A_400 = arith.muli %arg1, %mul3A_399 : i32
    %add3A_401 = arith.constant 400 : i32
    %add3A_402 = arith.addi %mul3A_400, %add3A_401 : i32
    %dma_start3A_403 = arith.constant 0 : i32
    %dma_start3A_404 = tpu.memref_slice %arg8[%arg0, %add3A_402, %dma_start3A_403] : memref<2x10112x136xf32, #tpu.memory_space<hbm>> -> memref<1x40x136xf32, #tpu.memory_space<hbm>>
    %dma_start3A_405 = tpu.memref_squeeze %dma_start3A_404 : memref<1x40x136xf32, #tpu.memory_space<hbm>> -> memref<40x136xf32, #tpu.memory_space<hbm>>
    %dma_start3A_406 = arith.constant 0 : i32
    %dma_start3A_407 = tpu.memref_slice %arg9[%add3A_402, %dma_start3A_406] : memref<10112x136xf32, #tpu.memory_space<vmem_shared>> -> memref<40x136xf32, #tpu.memory_space<vmem_shared>>
    tpu.enqueue_dma source(%dma_start3A_407 : memref<40x136xf32, #tpu.memory_space<vmem_shared>>) target(%dma_start3A_405 : memref<40x136xf32, #tpu.memory_space<hbm>>) target_semaphore(%arg32 : memref<!tpu.dma_semaphore, #tpu.memory_space<semaphore_mem>>)
    %mul3A_408 = arith.constant 632 : i32
    %mul3A_409 = arith.muli %arg1, %mul3A_408 : i32
    %add3A_410 = arith.constant 440 : i32
    %add3A_411 = arith.addi %mul3A_409, %add3A_410 : i32
    %dma_start3A_412 = arith.constant 0 : i32
    %dma_start3A_413 = tpu.memref_slice %arg8[%arg0, %add3A_411, %dma_start3A_412] : memref<2x10112x136xf32, #tpu.memory_space<hbm>> -> memref<1x40x136xf32, #tpu.memory_space<hbm>>
    %dma_start3A_414 = tpu.memref_squeeze %dma_start3A_413 : memref<1x40x136xf32, #tpu.memory_space<hbm>> -> memref<40x136xf32, #tpu.memory_space<hbm>>
    %dma_start3A_415 = arith.constant 0 : i32
    %dma_start3A_416 = tpu.memref_slice %arg9[%add3A_411, %dma_start3A_415] : memref<10112x136xf32, #tpu.memory_space<vmem_shared>> -> memref<40x136xf32, #tpu.memory_space<vmem_shared>>
    tpu.enqueue_dma source(%dma_start3A_416 : memref<40x136xf32, #tpu.memory_space<vmem_shared>>) target(%dma_start3A_414 : memref<40x136xf32, #tpu.memory_space<hbm>>) target_semaphore(%arg32 : memref<!tpu.dma_semaphore, #tpu.memory_space<semaphore_mem>>)
    %mul3A_417 = arith.constant 632 : i32
    %mul3A_418 = arith.muli %arg1, %mul3A_417 : i32
    %add3A_419 = arith.constant 480 : i32
    %add3A_420 = arith.addi %mul3A_418, %add3A_419 : i32
    %dma_start3A_421 = arith.constant 0 : i32
    %dma_start3A_422 = tpu.memref_slice %arg8[%arg0, %add3A_420, %dma_start3A_421] : memref<2x10112x136xf32, #tpu.memory_space<hbm>> -> memref<1x40x136xf32, #tpu.memory_space<hbm>>
    %dma_start3A_423 = tpu.memref_squeeze %dma_start3A_422 : memref<1x40x136xf32, #tpu.memory_space<hbm>> -> memref<40x136xf32, #tpu.memory_space<hbm>>
    %dma_start3A_424 = arith.constant 0 : i32
    %dma_start3A_425 = tpu.memref_slice %arg9[%add3A_420, %dma_start3A_424] : memref<10112x136xf32, #tpu.memory_space<vmem_shared>> -> memref<40x136xf32, #tpu.memory_space<vmem_shared>>
    tpu.enqueue_dma source(%dma_start3A_425 : memref<40x136xf32, #tpu.memory_space<vmem_shared>>) target(%dma_start3A_423 : memref<40x136xf32, #tpu.memory_space<hbm>>) target_semaphore(%arg32 : memref<!tpu.dma_semaphore, #tpu.memory_space<semaphore_mem>>)
    %mul3A_426 = arith.constant 632 : i32
    %mul3A_427 = arith.muli %arg1, %mul3A_426 : i32
    %add3A_428 = arith.constant 520 : i32
    %add3A_429 = arith.addi %mul3A_427, %add3A_428 : i32
    %dma_start3A_430 = arith.constant 0 : i32
    %dma_start3A_431 = tpu.memref_slice %arg8[%arg0, %add3A_429, %dma_start3A_430] : memref<2x10112x136xf32, #tpu.memory_space<hbm>> -> memref<1x40x136xf32, #tpu.memory_space<hbm>>
    %dma_start3A_432 = tpu.memref_squeeze %dma_start3A_431 : memref<1x40x136xf32, #tpu.memory_space<hbm>> -> memref<40x136xf32, #tpu.memory_space<hbm>>
    %dma_start3A_433 = arith.constant 0 : i32
    %dma_start3A_434 = tpu.memref_slice %arg9[%add3A_429, %dma_start3A_433] : memref<10112x136xf32, #tpu.memory_space<vmem_shared>> -> memref<40x136xf32, #tpu.memory_space<vmem_shared>>
    tpu.enqueue_dma source(%dma_start3A_434 : memref<40x136xf32, #tpu.memory_space<vmem_shared>>) target(%dma_start3A_432 : memref<40x136xf32, #tpu.memory_space<hbm>>) target_semaphore(%arg32 : memref<!tpu.dma_semaphore, #tpu.memory_space<semaphore_mem>>)
    %mul3A_435 = arith.constant 632 : i32
    %mul3A_436 = arith.muli %arg1, %mul3A_435 : i32
    %add3A_437 = arith.constant 560 : i32
    %add3A_438 = arith.addi %mul3A_436, %add3A_437 : i32
    %dma_start3A_439 = arith.constant 0 : i32
    %dma_start3A_440 = tpu.memref_slice %arg8[%arg0, %add3A_438, %dma_start3A_439] : memref<2x10112x136xf32, #tpu.memory_space<hbm>> -> memref<1x40x136xf32, #tpu.memory_space<hbm>>
    %dma_start3A_441 = tpu.memref_squeeze %dma_start3A_440 : memref<1x40x136xf32, #tpu.memory_space<hbm>> -> memref<40x136xf32, #tpu.memory_space<hbm>>
    %dma_start3A_442 = arith.constant 0 : i32
    %dma_start3A_443 = tpu.memref_slice %arg9[%add3A_438, %dma_start3A_442] : memref<10112x136xf32, #tpu.memory_space<vmem_shared>> -> memref<40x136xf32, #tpu.memory_space<vmem_shared>>
    tpu.enqueue_dma source(%dma_start3A_443 : memref<40x136xf32, #tpu.memory_space<vmem_shared>>) target(%dma_start3A_441 : memref<40x136xf32, #tpu.memory_space<hbm>>) target_semaphore(%arg32 : memref<!tpu.dma_semaphore, #tpu.memory_space<semaphore_mem>>)
    %mul3A_444 = arith.constant 632 : i32
    %mul3A_445 = arith.muli %arg1, %mul3A_444 : i32
    %add3A_446 = arith.constant 600 : i32
    %add3A_447 = arith.addi %mul3A_445, %add3A_446 : i32
    %dma_start3A_448 = arith.constant 0 : i32
    %dma_start3A_449 = tpu.memref_slice %arg8[%arg0, %add3A_447, %dma_start3A_448] : memref<2x10112x136xf32, #tpu.memory_space<hbm>> -> memref<1x32x136xf32, #tpu.memory_space<hbm>>
    %dma_start3A_450 = tpu.memref_squeeze %dma_start3A_449 : memref<1x32x136xf32, #tpu.memory_space<hbm>> -> memref<32x136xf32, #tpu.memory_space<hbm>>
    %dma_start3A_451 = arith.constant 0 : i32
    %dma_start3A_452 = tpu.memref_slice %arg9[%add3A_447, %dma_start3A_451] : memref<10112x136xf32, #tpu.memory_space<vmem_shared>> -> memref<32x136xf32, #tpu.memory_space<vmem_shared>>
    tpu.enqueue_dma source(%dma_start3A_452 : memref<32x136xf32, #tpu.memory_space<vmem_shared>>) target(%dma_start3A_450 : memref<32x136xf32, #tpu.memory_space<hbm>>) target_semaphore(%arg33 : memref<!tpu.dma_semaphore, #tpu.memory_space<semaphore_mem>>)
    %mul3A_453 = arith.constant 632 : i32
    %mul3A_454 = arith.muli %arg1, %mul3A_453 : i32
    %add3A_455 = arith.constant 0 : i32
    %add3A_456 = arith.addi %mul3A_454, %add3A_455 : i32
    %dma_wait3A_457 = arith.constant 0 : i32
    %dma_wait3A_458 = tpu.memref_slice %arg8[%arg0, %add3A_456, %dma_wait3A_457] : memref<2x10112x136xf32, #tpu.memory_space<hbm>> -> memref<1x40x136xf32, #tpu.memory_space<hbm>>
    %dma_wait3A_459 = tpu.memref_squeeze %dma_wait3A_458 : memref<1x40x136xf32, #tpu.memory_space<hbm>> -> memref<40x136xf32, #tpu.memory_space<hbm>>
    %dma_wait3A_460 = arith.constant 0 : i32
    %dma_wait3A_461 = tpu.memref_slice %arg9[%add3A_456, %dma_wait3A_460] : memref<10112x136xf32, #tpu.memory_space<vmem_shared>> -> memref<40x136xf32, #tpu.memory_space<vmem_shared>>
    tpu.wait_dma2 semaphore(%arg32 : memref<!tpu.dma_semaphore, #tpu.memory_space<semaphore_mem>>) src(%dma_wait3A_461 : memref<40x136xf32, #tpu.memory_space<vmem_shared>>) dst(%dma_wait3A_459 : memref<40x136xf32, #tpu.memory_space<hbm>>)
    %mul3A_462 = arith.constant 632 : i32
    %mul3A_463 = arith.muli %arg1, %mul3A_462 : i32
    %add3A_464 = arith.constant 40 : i32
    %add3A_465 = arith.addi %mul3A_463, %add3A_464 : i32
    %dma_wait3A_466 = arith.constant 0 : i32
    %dma_wait3A_467 = tpu.memref_slice %arg8[%arg0, %add3A_465, %dma_wait3A_466] : memref<2x10112x136xf32, #tpu.memory_space<hbm>> -> memref<1x40x136xf32, #tpu.memory_space<hbm>>
    %dma_wait3A_468 = tpu.memref_squeeze %dma_wait3A_467 : memref<1x40x136xf32, #tpu.memory_space<hbm>> -> memref<40x136xf32, #tpu.memory_space<hbm>>
    %dma_wait3A_469 = arith.constant 0 : i32
    %dma_wait3A_470 = tpu.memref_slice %arg9[%add3A_465, %dma_wait3A_469] : memref<10112x136xf32, #tpu.memory_space<vmem_shared>> -> memref<40x136xf32, #tpu.memory_space<vmem_shared>>
    tpu.wait_dma2 semaphore(%arg32 : memref<!tpu.dma_semaphore, #tpu.memory_space<semaphore_mem>>) src(%dma_wait3A_470 : memref<40x136xf32, #tpu.memory_space<vmem_shared>>) dst(%dma_wait3A_468 : memref<40x136xf32, #tpu.memory_space<hbm>>)
    %mul3A_471 = arith.constant 632 : i32
    %mul3A_472 = arith.muli %arg1, %mul3A_471 : i32
    %add3A_473 = arith.constant 80 : i32
    %add3A_474 = arith.addi %mul3A_472, %add3A_473 : i32
    %dma_wait3A_475 = arith.constant 0 : i32
    %dma_wait3A_476 = tpu.memref_slice %arg8[%arg0, %add3A_474, %dma_wait3A_475] : memref<2x10112x136xf32, #tpu.memory_space<hbm>> -> memref<1x40x136xf32, #tpu.memory_space<hbm>>
    %dma_wait3A_477 = tpu.memref_squeeze %dma_wait3A_476 : memref<1x40x136xf32, #tpu.memory_space<hbm>> -> memref<40x136xf32, #tpu.memory_space<hbm>>
    %dma_wait3A_478 = arith.constant 0 : i32
    %dma_wait3A_479 = tpu.memref_slice %arg9[%add3A_474, %dma_wait3A_478] : memref<10112x136xf32, #tpu.memory_space<vmem_shared>> -> memref<40x136xf32, #tpu.memory_space<vmem_shared>>
    tpu.wait_dma2 semaphore(%arg32 : memref<!tpu.dma_semaphore, #tpu.memory_space<semaphore_mem>>) src(%dma_wait3A_479 : memref<40x136xf32, #tpu.memory_space<vmem_shared>>) dst(%dma_wait3A_477 : memref<40x136xf32, #tpu.memory_space<hbm>>)
    %mul3A_480 = arith.constant 632 : i32
    %mul3A_481 = arith.muli %arg1, %mul3A_480 : i32
    %add3A_482 = arith.constant 120 : i32
    %add3A_483 = arith.addi %mul3A_481, %add3A_482 : i32
    %dma_wait3A_484 = arith.constant 0 : i32
    %dma_wait3A_485 = tpu.memref_slice %arg8[%arg0, %add3A_483, %dma_wait3A_484] : memref<2x10112x136xf32, #tpu.memory_space<hbm>> -> memref<1x40x136xf32, #tpu.memory_space<hbm>>
    %dma_wait3A_486 = tpu.memref_squeeze %dma_wait3A_485 : memref<1x40x136xf32, #tpu.memory_space<hbm>> -> memref<40x136xf32, #tpu.memory_space<hbm>>
    %dma_wait3A_487 = arith.constant 0 : i32
    %dma_wait3A_488 = tpu.memref_slice %arg9[%add3A_483, %dma_wait3A_487] : memref<10112x136xf32, #tpu.memory_space<vmem_shared>> -> memref<40x136xf32, #tpu.memory_space<vmem_shared>>
    tpu.wait_dma2 semaphore(%arg32 : memref<!tpu.dma_semaphore, #tpu.memory_space<semaphore_mem>>) src(%dma_wait3A_488 : memref<40x136xf32, #tpu.memory_space<vmem_shared>>) dst(%dma_wait3A_486 : memref<40x136xf32, #tpu.memory_space<hbm>>)
    %mul3A_489 = arith.constant 632 : i32
    %mul3A_490 = arith.muli %arg1, %mul3A_489 : i32
    %add3A_491 = arith.constant 160 : i32
    %add3A_492 = arith.addi %mul3A_490, %add3A_491 : i32
    %dma_wait3A_493 = arith.constant 0 : i32
    %dma_wait3A_494 = tpu.memref_slice %arg8[%arg0, %add3A_492, %dma_wait3A_493] : memref<2x10112x136xf32, #tpu.memory_space<hbm>> -> memref<1x40x136xf32, #tpu.memory_space<hbm>>
    %dma_wait3A_495 = tpu.memref_squeeze %dma_wait3A_494 : memref<1x40x136xf32, #tpu.memory_space<hbm>> -> memref<40x136xf32, #tpu.memory_space<hbm>>
    %dma_wait3A_496 = arith.constant 0 : i32
    %dma_wait3A_497 = tpu.memref_slice %arg9[%add3A_492, %dma_wait3A_496] : memref<10112x136xf32, #tpu.memory_space<vmem_shared>> -> memref<40x136xf32, #tpu.memory_space<vmem_shared>>
    tpu.wait_dma2 semaphore(%arg32 : memref<!tpu.dma_semaphore, #tpu.memory_space<semaphore_mem>>) src(%dma_wait3A_497 : memref<40x136xf32, #tpu.memory_space<vmem_shared>>) dst(%dma_wait3A_495 : memref<40x136xf32, #tpu.memory_space<hbm>>)
    %mul3A_498 = arith.constant 632 : i32
    %mul3A_499 = arith.muli %arg1, %mul3A_498 : i32
    %add3A_500 = arith.constant 200 : i32
    %add3A_501 = arith.addi %mul3A_499, %add3A_500 : i32
    %dma_wait3A_502 = arith.constant 0 : i32
    %dma_wait3A_503 = tpu.memref_slice %arg8[%arg0, %add3A_501, %dma_wait3A_502] : memref<2x10112x136xf32, #tpu.memory_space<hbm>> -> memref<1x40x136xf32, #tpu.memory_space<hbm>>
    %dma_wait3A_504 = tpu.memref_squeeze %dma_wait3A_503 : memref<1x40x136xf32, #tpu.memory_space<hbm>> -> memref<40x136xf32, #tpu.memory_space<hbm>>
    %dma_wait3A_505 = arith.constant 0 : i32
    %dma_wait3A_506 = tpu.memref_slice %arg9[%add3A_501, %dma_wait3A_505] : memref<10112x136xf32, #tpu.memory_space<vmem_shared>> -> memref<40x136xf32, #tpu.memory_space<vmem_shared>>
    tpu.wait_dma2 semaphore(%arg32 : memref<!tpu.dma_semaphore, #tpu.memory_space<semaphore_mem>>) src(%dma_wait3A_506 : memref<40x136xf32, #tpu.memory_space<vmem_shared>>) dst(%dma_wait3A_504 : memref<40x136xf32, #tpu.memory_space<hbm>>)
    %mul3A_507 = arith.constant 632 : i32
    %mul3A_508 = arith.muli %arg1, %mul3A_507 : i32
    %add3A_509 = arith.constant 240 : i32
    %add3A_510 = arith.addi %mul3A_508, %add3A_509 : i32
    %dma_wait3A_511 = arith.constant 0 : i32
    %dma_wait3A_512 = tpu.memref_slice %arg8[%arg0, %add3A_510, %dma_wait3A_511] : memref<2x10112x136xf32, #tpu.memory_space<hbm>> -> memref<1x40x136xf32, #tpu.memory_space<hbm>>
    %dma_wait3A_513 = tpu.memref_squeeze %dma_wait3A_512 : memref<1x40x136xf32, #tpu.memory_space<hbm>> -> memref<40x136xf32, #tpu.memory_space<hbm>>
    %dma_wait3A_514 = arith.constant 0 : i32
    %dma_wait3A_515 = tpu.memref_slice %arg9[%add3A_510, %dma_wait3A_514] : memref<10112x136xf32, #tpu.memory_space<vmem_shared>> -> memref<40x136xf32, #tpu.memory_space<vmem_shared>>
    tpu.wait_dma2 semaphore(%arg32 : memref<!tpu.dma_semaphore, #tpu.memory_space<semaphore_mem>>) src(%dma_wait3A_515 : memref<40x136xf32, #tpu.memory_space<vmem_shared>>) dst(%dma_wait3A_513 : memref<40x136xf32, #tpu.memory_space<hbm>>)
    %mul3A_516 = arith.constant 632 : i32
    %mul3A_517 = arith.muli %arg1, %mul3A_516 : i32
    %add3A_518 = arith.constant 280 : i32
    %add3A_519 = arith.addi %mul3A_517, %add3A_518 : i32
    %dma_wait3A_520 = arith.constant 0 : i32
    %dma_wait3A_521 = tpu.memref_slice %arg8[%arg0, %add3A_519, %dma_wait3A_520] : memref<2x10112x136xf32, #tpu.memory_space<hbm>> -> memref<1x40x136xf32, #tpu.memory_space<hbm>>
    %dma_wait3A_522 = tpu.memref_squeeze %dma_wait3A_521 : memref<1x40x136xf32, #tpu.memory_space<hbm>> -> memref<40x136xf32, #tpu.memory_space<hbm>>
    %dma_wait3A_523 = arith.constant 0 : i32
    %dma_wait3A_524 = tpu.memref_slice %arg9[%add3A_519, %dma_wait3A_523] : memref<10112x136xf32, #tpu.memory_space<vmem_shared>> -> memref<40x136xf32, #tpu.memory_space<vmem_shared>>
    tpu.wait_dma2 semaphore(%arg32 : memref<!tpu.dma_semaphore, #tpu.memory_space<semaphore_mem>>) src(%dma_wait3A_524 : memref<40x136xf32, #tpu.memory_space<vmem_shared>>) dst(%dma_wait3A_522 : memref<40x136xf32, #tpu.memory_space<hbm>>)
    %mul3A_525 = arith.constant 632 : i32
    %mul3A_526 = arith.muli %arg1, %mul3A_525 : i32
    %add3A_527 = arith.constant 320 : i32
    %add3A_528 = arith.addi %mul3A_526, %add3A_527 : i32
    %dma_wait3A_529 = arith.constant 0 : i32
    %dma_wait3A_530 = tpu.memref_slice %arg8[%arg0, %add3A_528, %dma_wait3A_529] : memref<2x10112x136xf32, #tpu.memory_space<hbm>> -> memref<1x40x136xf32, #tpu.memory_space<hbm>>
    %dma_wait3A_531 = tpu.memref_squeeze %dma_wait3A_530 : memref<1x40x136xf32, #tpu.memory_space<hbm>> -> memref<40x136xf32, #tpu.memory_space<hbm>>
    %dma_wait3A_532 = arith.constant 0 : i32
    %dma_wait3A_533 = tpu.memref_slice %arg9[%add3A_528, %dma_wait3A_532] : memref<10112x136xf32, #tpu.memory_space<vmem_shared>> -> memref<40x136xf32, #tpu.memory_space<vmem_shared>>
    tpu.wait_dma2 semaphore(%arg32 : memref<!tpu.dma_semaphore, #tpu.memory_space<semaphore_mem>>) src(%dma_wait3A_533 : memref<40x136xf32, #tpu.memory_space<vmem_shared>>) dst(%dma_wait3A_531 : memref<40x136xf32, #tpu.memory_space<hbm>>)
    %mul3A_534 = arith.constant 632 : i32
    %mul3A_535 = arith.muli %arg1, %mul3A_534 : i32
    %add3A_536 = arith.constant 360 : i32
    %add3A_537 = arith.addi %mul3A_535, %add3A_536 : i32
    %dma_wait3A_538 = arith.constant 0 : i32
    %dma_wait3A_539 = tpu.memref_slice %arg8[%arg0, %add3A_537, %dma_wait3A_538] : memref<2x10112x136xf32, #tpu.memory_space<hbm>> -> memref<1x40x136xf32, #tpu.memory_space<hbm>>
    %dma_wait3A_540 = tpu.memref_squeeze %dma_wait3A_539 : memref<1x40x136xf32, #tpu.memory_space<hbm>> -> memref<40x136xf32, #tpu.memory_space<hbm>>
    %dma_wait3A_541 = arith.constant 0 : i32
    %dma_wait3A_542 = tpu.memref_slice %arg9[%add3A_537, %dma_wait3A_541] : memref<10112x136xf32, #tpu.memory_space<vmem_shared>> -> memref<40x136xf32, #tpu.memory_space<vmem_shared>>
    tpu.wait_dma2 semaphore(%arg32 : memref<!tpu.dma_semaphore, #tpu.memory_space<semaphore_mem>>) src(%dma_wait3A_542 : memref<40x136xf32, #tpu.memory_space<vmem_shared>>) dst(%dma_wait3A_540 : memref<40x136xf32, #tpu.memory_space<hbm>>)
    %mul3A_543 = arith.constant 632 : i32
    %mul3A_544 = arith.muli %arg1, %mul3A_543 : i32
    %add3A_545 = arith.constant 400 : i32
    %add3A_546 = arith.addi %mul3A_544, %add3A_545 : i32
    %dma_wait3A_547 = arith.constant 0 : i32
    %dma_wait3A_548 = tpu.memref_slice %arg8[%arg0, %add3A_546, %dma_wait3A_547] : memref<2x10112x136xf32, #tpu.memory_space<hbm>> -> memref<1x40x136xf32, #tpu.memory_space<hbm>>
    %dma_wait3A_549 = tpu.memref_squeeze %dma_wait3A_548 : memref<1x40x136xf32, #tpu.memory_space<hbm>> -> memref<40x136xf32, #tpu.memory_space<hbm>>
    %dma_wait3A_550 = arith.constant 0 : i32
    %dma_wait3A_551 = tpu.memref_slice %arg9[%add3A_546, %dma_wait3A_550] : memref<10112x136xf32, #tpu.memory_space<vmem_shared>> -> memref<40x136xf32, #tpu.memory_space<vmem_shared>>
    tpu.wait_dma2 semaphore(%arg32 : memref<!tpu.dma_semaphore, #tpu.memory_space<semaphore_mem>>) src(%dma_wait3A_551 : memref<40x136xf32, #tpu.memory_space<vmem_shared>>) dst(%dma_wait3A_549 : memref<40x136xf32, #tpu.memory_space<hbm>>)
    %mul3A_552 = arith.constant 632 : i32
    %mul3A_553 = arith.muli %arg1, %mul3A_552 : i32
    %add3A_554 = arith.constant 440 : i32
    %add3A_555 = arith.addi %mul3A_553, %add3A_554 : i32
    %dma_wait3A_556 = arith.constant 0 : i32
    %dma_wait3A_557 = tpu.memref_slice %arg8[%arg0, %add3A_555, %dma_wait3A_556] : memref<2x10112x136xf32, #tpu.memory_space<hbm>> -> memref<1x40x136xf32, #tpu.memory_space<hbm>>
    %dma_wait3A_558 = tpu.memref_squeeze %dma_wait3A_557 : memref<1x40x136xf32, #tpu.memory_space<hbm>> -> memref<40x136xf32, #tpu.memory_space<hbm>>
    %dma_wait3A_559 = arith.constant 0 : i32
    %dma_wait3A_560 = tpu.memref_slice %arg9[%add3A_555, %dma_wait3A_559] : memref<10112x136xf32, #tpu.memory_space<vmem_shared>> -> memref<40x136xf32, #tpu.memory_space<vmem_shared>>
    tpu.wait_dma2 semaphore(%arg32 : memref<!tpu.dma_semaphore, #tpu.memory_space<semaphore_mem>>) src(%dma_wait3A_560 : memref<40x136xf32, #tpu.memory_space<vmem_shared>>) dst(%dma_wait3A_558 : memref<40x136xf32, #tpu.memory_space<hbm>>)
    %mul3A_561 = arith.constant 632 : i32
    %mul3A_562 = arith.muli %arg1, %mul3A_561 : i32
    %add3A_563 = arith.constant 480 : i32
    %add3A_564 = arith.addi %mul3A_562, %add3A_563 : i32
    %dma_wait3A_565 = arith.constant 0 : i32
    %dma_wait3A_566 = tpu.memref_slice %arg8[%arg0, %add3A_564, %dma_wait3A_565] : memref<2x10112x136xf32, #tpu.memory_space<hbm>> -> memref<1x40x136xf32, #tpu.memory_space<hbm>>
    %dma_wait3A_567 = tpu.memref_squeeze %dma_wait3A_566 : memref<1x40x136xf32, #tpu.memory_space<hbm>> -> memref<40x136xf32, #tpu.memory_space<hbm>>
    %dma_wait3A_568 = arith.constant 0 : i32
    %dma_wait3A_569 = tpu.memref_slice %arg9[%add3A_564, %dma_wait3A_568] : memref<10112x136xf32, #tpu.memory_space<vmem_shared>> -> memref<40x136xf32, #tpu.memory_space<vmem_shared>>
    tpu.wait_dma2 semaphore(%arg32 : memref<!tpu.dma_semaphore, #tpu.memory_space<semaphore_mem>>) src(%dma_wait3A_569 : memref<40x136xf32, #tpu.memory_space<vmem_shared>>) dst(%dma_wait3A_567 : memref<40x136xf32, #tpu.memory_space<hbm>>)
    %mul3A_570 = arith.constant 632 : i32
    %mul3A_571 = arith.muli %arg1, %mul3A_570 : i32
    %add3A_572 = arith.constant 520 : i32
    %add3A_573 = arith.addi %mul3A_571, %add3A_572 : i32
    %dma_wait3A_574 = arith.constant 0 : i32
    %dma_wait3A_575 = tpu.memref_slice %arg8[%arg0, %add3A_573, %dma_wait3A_574] : memref<2x10112x136xf32, #tpu.memory_space<hbm>> -> memref<1x40x136xf32, #tpu.memory_space<hbm>>
    %dma_wait3A_576 = tpu.memref_squeeze %dma_wait3A_575 : memref<1x40x136xf32, #tpu.memory_space<hbm>> -> memref<40x136xf32, #tpu.memory_space<hbm>>
    %dma_wait3A_577 = arith.constant 0 : i32
    %dma_wait3A_578 = tpu.memref_slice %arg9[%add3A_573, %dma_wait3A_577] : memref<10112x136xf32, #tpu.memory_space<vmem_shared>> -> memref<40x136xf32, #tpu.memory_space<vmem_shared>>
    tpu.wait_dma2 semaphore(%arg32 : memref<!tpu.dma_semaphore, #tpu.memory_space<semaphore_mem>>) src(%dma_wait3A_578 : memref<40x136xf32, #tpu.memory_space<vmem_shared>>) dst(%dma_wait3A_576 : memref<40x136xf32, #tpu.memory_space<hbm>>)
    %mul3A_579 = arith.constant 632 : i32
    %mul3A_580 = arith.muli %arg1, %mul3A_579 : i32
    %add3A_581 = arith.constant 560 : i32
    %add3A_582 = arith.addi %mul3A_580, %add3A_581 : i32
    %dma_wait3A_583 = arith.constant 0 : i32
    %dma_wait3A_584 = tpu.memref_slice %arg8[%arg0, %add3A_582, %dma_wait3A_583] : memref<2x10112x136xf32, #tpu.memory_space<hbm>> -> memref<1x40x136xf32, #tpu.memory_space<hbm>>
    %dma_wait3A_585 = tpu.memref_squeeze %dma_wait3A_584 : memref<1x40x136xf32, #tpu.memory_space<hbm>> -> memref<40x136xf32, #tpu.memory_space<hbm>>
    %dma_wait3A_586 = arith.constant 0 : i32
    %dma_wait3A_587 = tpu.memref_slice %arg9[%add3A_582, %dma_wait3A_586] : memref<10112x136xf32, #tpu.memory_space<vmem_shared>> -> memref<40x136xf32, #tpu.memory_space<vmem_shared>>
    tpu.wait_dma2 semaphore(%arg32 : memref<!tpu.dma_semaphore, #tpu.memory_space<semaphore_mem>>) src(%dma_wait3A_587 : memref<40x136xf32, #tpu.memory_space<vmem_shared>>) dst(%dma_wait3A_585 : memref<40x136xf32, #tpu.memory_space<hbm>>)
    %mul3A_588 = arith.constant 632 : i32
    %mul3A_589 = arith.muli %arg1, %mul3A_588 : i32
    %add3A_590 = arith.constant 600 : i32
    %add3A_591 = arith.addi %mul3A_589, %add3A_590 : i32
    %dma_wait3A_592 = arith.constant 0 : i32
    %dma_wait3A_593 = tpu.memref_slice %arg8[%arg0, %add3A_591, %dma_wait3A_592] : memref<2x10112x136xf32, #tpu.memory_space<hbm>> -> memref<1x32x136xf32, #tpu.memory_space<hbm>>
    %dma_wait3A_594 = tpu.memref_squeeze %dma_wait3A_593 : memref<1x32x136xf32, #tpu.memory_space<hbm>> -> memref<32x136xf32, #tpu.memory_space<hbm>>
    %dma_wait3A_595 = arith.constant 0 : i32
    %dma_wait3A_596 = tpu.memref_slice %arg9[%add3A_591, %dma_wait3A_595] : memref<10112x136xf32, #tpu.memory_space<vmem_shared>> -> memref<32x136xf32, #tpu.memory_space<vmem_shared>>
    tpu.wait_dma2 semaphore(%arg33 : memref<!tpu.dma_semaphore, #tpu.memory_space<semaphore_mem>>) src(%dma_wait3A_596 : memref<32x136xf32, #tpu.memory_space<vmem_shared>>) dst(%dma_wait3A_594 : memref<32x136xf32, #tpu.memory_space<hbm>>)
    return
  }
}

module attributes {stable_mosaic.version = 14 : i64} {
  func.func @_pre_body(%arg0: i32, %arg1: memref<2000x128xf32, #tpu.memory_space<vmem>>, %arg2: memref<128x128xf32, #tpu.memory_space<vmem>>, %arg3: memref<1x128xf32, #tpu.memory_space<vmem>>, %arg4: memref<1x128xf32, #tpu.memory_space<vmem>>, %arg5: memref<2000x80xi32, #tpu.memory_space<vmem>>, %arg6: memref<2000x16xf32, #tpu.memory_space<vmem>>, %arg7: memref<8x128xf32, #tpu.memory_space<vmem>>) attributes {dimension_semantics = [#tpu.dimension_semantics<arbitrary>], iteration_bounds = array<i64: 5>, scalar_prefetch = 0 : i64, scratch_operands = 0 : i64, tpu.core_type = #tpu.core_type<tc>, window_params = [{transform_indices = @transform_0, window_bounds = array<i64: 2000, 128>}, {pipeline_mode = #tpu.pipeline_mode<synchronous>, transform_indices = @transform_1, window_bounds = array<i64: 128, 128>}, {pipeline_mode = #tpu.pipeline_mode<synchronous>, transform_indices = @transform_2, window_bounds = array<i64: 1, 128>}, {pipeline_mode = #tpu.pipeline_mode<synchronous>, transform_indices = @transform_3, window_bounds = array<i64: 1, 128>}, {transform_indices = @transform_4, window_bounds = array<i64: 2000, 80>}, {transform_indices = @transform_5, window_bounds = array<i64: 2000, 16>}, {transform_indices = @transform_6, window_bounds = array<i64: 8, 128>}]} {
    %get3A = arith.constant 0 : index
    %get3A_0 = arith.constant 0 : index
    %get3A_1 = vector.load %arg1[%get3A, %get3A_0] : memref<2000x128xf32, #tpu.memory_space<vmem>>, vector<2000x128xf32>
    %get3A_2 = arith.constant 0 : index
    %get3A_3 = arith.constant 0 : index
    %get3A_4 = vector.load %arg2[%get3A_2, %get3A_3] : memref<128x128xf32, #tpu.memory_space<vmem>>, vector<128x128xf32>
    %dot_general3A = arith.constant dense<0.000000e+00> : vector<2000x128xf32>
    %dot_general3A_5 = tpu.matmul %get3A_1, %get3A_4, %dot_general3A {dimension_numbers = #tpu.dot_dimension_numbers<[1], [1], [0], [0], [0, 0, 1, 0], [], []>, precision = #tpu.contract_precision<fp32>, transpose_lhs_hint = false} : vector<2000x128xf32>, vector<128x128xf32>, vector<2000x128xf32> -> vector<2000x128xf32>
    %iota3A = tpu.iota {dimensions = array<i32: 1>} : vector<8x128xi32>
    %jit3A = arith.constant 16 : i32
    %div3A = vector.broadcast %jit3A : i32 to vector<8x128xi32>
    %div3A_6 = arith.divsi %iota3A, %div3A : vector<8x128xi32>
    %sign3A = arith.constant 0 : i32
    %sign3A_7 = vector.broadcast %sign3A : i32 to vector<8x128xi32>
    %sign3A_8 = arith.cmpi sgt, %iota3A, %sign3A_7 : vector<8x128xi32>
    %sign3A_9 = arith.extui %sign3A_8 : vector<8x128xi1> to vector<8x128xi32>
    %sign3A_10 = arith.constant 0 : i32
    %sign3A_11 = vector.broadcast %sign3A_10 : i32 to vector<8x128xi32>
    %sign3A_12 = arith.cmpi slt, %iota3A, %sign3A_11 : vector<8x128xi32>
    %sign3A_13 = arith.extui %sign3A_12 : vector<8x128xi1> to vector<8x128xi32>
    %sign3A_14 = arith.subi %sign3A_9, %sign3A_13 : vector<8x128xi32>
    %sign3A_15 = arith.constant 0 : i32
    %sign3A_16 = arith.cmpi sgt, %jit3A, %sign3A_15 : i32
    %sign3A_17 = arith.extui %sign3A_16 : i1 to i32
    %sign3A_18 = arith.constant 0 : i32
    %sign3A_19 = arith.cmpi slt, %jit3A, %sign3A_18 : i32
    %sign3A_20 = arith.extui %sign3A_19 : i1 to i32
    %sign3A_21 = arith.subi %sign3A_17, %sign3A_20 : i32
    %ne3A = vector.broadcast %sign3A_21 : i32 to vector<8x128xi32>
    %ne3A_22 = arith.cmpi ne, %sign3A_14, %ne3A : vector<8x128xi32>
    %rem3A = vector.broadcast %jit3A : i32 to vector<8x128xi32>
    %rem3A_23 = arith.remsi %iota3A, %rem3A : vector<8x128xi32>
    %ne3A_24 = arith.constant 0 : i32
    %ne3A_25 = vector.broadcast %ne3A_24 : i32 to vector<8x128xi32>
    %ne3A_26 = arith.cmpi ne, %rem3A_23, %ne3A_25 : vector<8x128xi32>
    %and3A = arith.andi %ne3A_22, %ne3A_26 : vector<8x128xi1>
    %sub3A = arith.constant 1 : i32
    %sub3A_27 = vector.broadcast %sub3A : i32 to vector<8x128xi32>
    %sub3A_28 = arith.subi %div3A_6, %sub3A_27 : vector<8x128xi32>
    %select_n3A = arith.select %and3A, %sub3A_28, %div3A_6 : vector<8x128xi1>, vector<8x128xi32>
    %iota3A_29 = tpu.iota {dimensions = array<i32: 0>} : vector<8x128xi32>
    %eq3A = arith.cmpi eq, %select_n3A, %iota3A_29 : vector<8x128xi32>
    %convert_element_type3A = arith.extui %eq3A : vector<8x128xi1> to vector<8x128xi32>
    %convert_element_type3A_30 = arith.sitofp %convert_element_type3A : vector<8x128xi32> to vector<8x128xf32>
    %get3A_31 = arith.constant 0 : index
    %get3A_32 = arith.constant 0 : index
    %get3A_33 = vector.load %arg3[%get3A_31, %get3A_32] : memref<1x128xf32, #tpu.memory_space<vmem>>, vector<1x128xf32>
    %mul3A = vector.broadcast %get3A_33 : vector<1x128xf32> to vector<2000x128xf32>
    %mul3A_34 = arith.mulf %dot_general3A_5, %mul3A : vector<2000x128xf32>
    %dot_general3A_35 = arith.constant dense<0.000000e+00> : vector<2000x8xf32>
    %dot_general3A_36 = tpu.matmul %mul3A_34, %convert_element_type3A_30, %dot_general3A_35 {dimension_numbers = #tpu.dot_dimension_numbers<[1], [1], [0], [0], [0, 0, 1, 0], [], []>, precision = #tpu.contract_precision<fp32>, transpose_lhs_hint = false} : vector<2000x128xf32>, vector<8x128xf32>, vector<2000x8xf32> -> vector<2000x8xf32>
    %get3A_37 = arith.constant 0 : index
    %get3A_38 = arith.constant 0 : index
    %get3A_39 = vector.load %arg4[%get3A_37, %get3A_38] : memref<1x128xf32, #tpu.memory_space<vmem>>, vector<1x128xf32>
    %mul3A_40 = vector.broadcast %get3A_39 : vector<1x128xf32> to vector<2000x128xf32>
    %mul3A_41 = arith.mulf %dot_general3A_5, %mul3A_40 : vector<2000x128xf32>
    %dot_general3A_42 = arith.constant dense<0.000000e+00> : vector<2000x8xf32>
    %dot_general3A_43 = tpu.matmul %mul3A_41, %convert_element_type3A_30, %dot_general3A_42 {dimension_numbers = #tpu.dot_dimension_numbers<[1], [1], [0], [0], [0, 0, 1, 0], [], []>, precision = #tpu.contract_precision<fp32>, transpose_lhs_hint = false} : vector<2000x128xf32>, vector<8x128xf32>, vector<2000x8xf32> -> vector<2000x8xf32>
    %broadcast_in_dim3A = arith.constant 0.000000e+00 : f32
    %broadcast_in_dim3A_44 = vector.broadcast %broadcast_in_dim3A : f32 to vector<2000x8xf32>
    %convert_element_type3A_45 = arith.truncf %dot_general3A_5 : vector<2000x128xf32> to vector<2000x128xbf16>
    %bitcast_convert_type3A = tpu.bitcast %convert_element_type3A_45 : vector<2000x128xbf16> -> vector<2000x128xi16>
    %slice3A = vector.extract_strided_slice %bitcast_convert_type3A {offsets = [0, 0], sizes = [2000, 64], strides = [1, 1]} : vector<2000x128xi16> to vector<2000x64xi16>
    %convert_element_type3A_46 = arith.extui %slice3A : vector<2000x64xi16> to vector<2000x64xi32>
    %slice3A_47 = vector.extract_strided_slice %bitcast_convert_type3A {offsets = [0, 64], sizes = [2000, 64], strides = [1, 1]} : vector<2000x128xi16> to vector<2000x64xi16>
    %convert_element_type3A_48 = arith.extui %slice3A_47 : vector<2000x64xi16> to vector<2000x64xi32>
    %shift_left3A = arith.constant 16 : i32
    %shift_left3A_49 = vector.broadcast %shift_left3A : i32 to vector<2000x64xi32>
    %shift_left3A_50 = arith.shli %convert_element_type3A_48, %shift_left3A_49 : vector<2000x64xi32>
    %or3A = arith.ori %convert_element_type3A_46, %shift_left3A_50 : vector<2000x64xi32>
    %bitcast_convert_type3A_51 = tpu.bitcast %dot_general3A_36 : vector<2000x8xf32> -> vector<2000x8xi32>
    %broadcast_in_dim3A_52 = arith.constant 0 : i32
    %broadcast_in_dim3A_53 = vector.broadcast %broadcast_in_dim3A_52 : i32 to vector<2000x8xi32>
    %concatenate3A = tpu.concatenate %or3A, %bitcast_convert_type3A_51, %broadcast_in_dim3A_53 in 1 : vector<2000x64xi32>, vector<2000x8xi32>, vector<2000x8xi32> -> vector<2000x80xi32>
    %swap3A = arith.constant 0 : index
    %swap3A_54 = arith.constant 0 : index
    %swap3A_55 = vector.load %arg5[%swap3A, %swap3A_54] : memref<2000x80xi32, #tpu.memory_space<vmem>>, vector<2000x80xi32>
    tpu.vector_store %arg5[%swap3A, %swap3A_54], %concatenate3A {strides = array<i32>} : memref<2000x80xi32, #tpu.memory_space<vmem>>, vector<2000x80xi32>,
    %concatenate3A_56 = tpu.concatenate %dot_general3A_43, %broadcast_in_dim3A_44 in 1 : vector<2000x8xf32>, vector<2000x8xf32> -> vector<2000x16xf32>
    %swap3A_57 = arith.constant 0 : index
    %swap3A_58 = arith.constant 0 : index
    %swap3A_59 = vector.load %arg6[%swap3A_57, %swap3A_58] : memref<2000x16xf32, #tpu.memory_space<vmem>>, vector<2000x16xf32>
    tpu.vector_store %arg6[%swap3A_57, %swap3A_58], %concatenate3A_56 {strides = array<i32>} : memref<2000x16xf32, #tpu.memory_space<vmem>>, vector<2000x16xf32>,
    %reduce_max3A = arith.constant dense<0xFF800000> : vector<8xf32>
    %reduce_max3A_60 = vector.multi_reduction <maximumf>, %dot_general3A_36, %reduce_max3A [0] : vector<2000x8xf32> to vector<8xf32>
    %reduce_max3A_61 = arith.constant dense<0xFF800000> : vector<8xf32>
    %reduce_max3A_62 = vector.multi_reduction <maximumf>, %dot_general3A_43, %reduce_max3A_61 [0] : vector<2000x8xf32> to vector<8xf32>
    %broadcast_in_dim3A_63 = arith.constant -1.000000e+30 : f32
    %broadcast_in_dim3A_64 = vector.broadcast %broadcast_in_dim3A_63 : f32 to vector<112xf32>
    %concatenate3A_65 = tpu.concatenate %reduce_max3A_60, %reduce_max3A_62, %broadcast_in_dim3A_64 in 0 : vector<8xf32>, vector<8xf32>, vector<112xf32> -> vector<128xf32>
    %reshape3A = vector.shape_cast %concatenate3A_65 : vector<128xf32> to vector<1x128xf32>
    %broadcast_in_dim3A_66 = vector.shape_cast %reshape3A : vector<1x128xf32> to vector<1x128xf32>
    %broadcast_in_dim3A_67 = vector.broadcast %broadcast_in_dim3A_66 : vector<1x128xf32> to vector<8x128xf32>
    %swap3A_68 = arith.constant 0 : index
    %swap3A_69 = arith.constant 0 : index
    %swap3A_70 = vector.load %arg7[%swap3A_68, %swap3A_69] : memref<8x128xf32, #tpu.memory_space<vmem>>, vector<8x128xf32>
    tpu.vector_store %arg7[%swap3A_68, %swap3A_69], %broadcast_in_dim3A_67 {strides = array<i32>} : memref<8x128xf32, #tpu.memory_space<vmem>>, vector<8x128xf32>,
    return
  }
  func.func @transform_0(%arg0: i32) -> (i32, i32) {
    %c0_i32 = arith.constant 0 : i32
    %c0_i32_0 = arith.constant 0 : i32
    return %arg0, %c0_i32 : i32, i32
  }
  func.func @transform_1(%arg0: i32) -> (i32, i32) {
    %c0_i32 = arith.constant 0 : i32
    %c0_i32_0 = arith.constant 0 : i32
    %c0_i32_1 = arith.constant 0 : i32
    return %c0_i32, %c0_i32_0 : i32, i32
  }
  func.func @transform_2(%arg0: i32) -> (i32, i32) {
    %c0_i32 = arith.constant 0 : i32
    %c0_i32_0 = arith.constant 0 : i32
    %c0_i32_1 = arith.constant 0 : i32
    return %c0_i32, %c0_i32_0 : i32, i32
  }
  func.func @transform_3(%arg0: i32) -> (i32, i32) {
    %c0_i32 = arith.constant 0 : i32
    %c0_i32_0 = arith.constant 0 : i32
    %c0_i32_1 = arith.constant 0 : i32
    return %c0_i32, %c0_i32_0 : i32, i32
  }
  func.func @transform_4(%arg0: i32) -> (i32, i32) {
    %c0_i32 = arith.constant 0 : i32
    %c0_i32_0 = arith.constant 0 : i32
    return %arg0, %c0_i32 : i32, i32
  }
  func.func @transform_5(%arg0: i32) -> (i32, i32) {
    %c0_i32 = arith.constant 0 : i32
    %c0_i32_0 = arith.constant 0 : i32
    return %arg0, %c0_i32 : i32, i32
  }
  func.func @transform_6(%arg0: i32) -> (i32, i32) {
    %c0_i32 = arith.constant 0 : i32
    %c0_i32_0 = arith.constant 0 : i32
    return %arg0, %c0_i32 : i32, i32
  }
}

module attributes {stable_mosaic.version = 14 : i64} {
  func.func @_post_body(%arg0: i32, %arg1: memref<2x2000x136xf32, #tpu.memory_space<vmem>>, %arg2: memref<2000x128xf32, #tpu.memory_space<vmem>>, %arg3: memref<128x128xf32, #tpu.memory_space<vmem>>, %arg4: memref<1x128xf32, #tpu.memory_space<vmem>>, %arg5: memref<2000x128xf32, #tpu.memory_space<vmem>>) attributes {dimension_semantics = [#tpu.dimension_semantics<arbitrary>], iteration_bounds = array<i64: 5>, scalar_prefetch = 0 : i64, scratch_operands = 0 : i64, tpu.core_type = #tpu.core_type<tc>, window_params = [{transform_indices = @transform_0, window_bounds = array<i64: 2, 2000, 136>}, {transform_indices = @transform_1, window_bounds = array<i64: 2000, 128>}, {pipeline_mode = #tpu.pipeline_mode<synchronous>, transform_indices = @transform_2, window_bounds = array<i64: 128, 128>}, {pipeline_mode = #tpu.pipeline_mode<synchronous>, transform_indices = @transform_3, window_bounds = array<i64: 1, 128>}, {transform_indices = @transform_4, window_bounds = array<i64: 2000, 128>}]} {
    %get3A = arith.constant 0 : index
    %get3A_0 = arith.constant 0 : index
    %get3A_1 = arith.constant 0 : index
    %get3A_2 = vector.load %arg1[%get3A, %get3A_0, %get3A_1] : memref<2x2000x136xf32, #tpu.memory_space<vmem>>, vector<1x2000x128xf32>
    %get3A_3 = vector.shape_cast %get3A_2 : vector<1x2000x128xf32> to vector<2000x128xf32>
    %get3A_4 = arith.constant 1 : index
    %get3A_5 = arith.constant 0 : index
    %get3A_6 = arith.constant 0 : index
    %get3A_7 = vector.load %arg1[%get3A_4, %get3A_5, %get3A_6] : memref<2x2000x136xf32, #tpu.memory_space<vmem>>, vector<1x2000x128xf32>
    %get3A_8 = vector.shape_cast %get3A_7 : vector<1x2000x128xf32> to vector<2000x128xf32>
    %add3A = arith.addf %get3A_3, %get3A_8 : vector<2000x128xf32>
    %get3A_9 = arith.constant 0 : index
    %get3A_10 = arith.constant 0 : index
    %get3A_11 = arith.constant 128 : index
    %get3A_12 = vector.load %arg1[%get3A_9, %get3A_10, %get3A_11] : memref<2x2000x136xf32, #tpu.memory_space<vmem>>, vector<1x2000x8xf32>
    %get3A_13 = vector.shape_cast %get3A_12 : vector<1x2000x8xf32> to vector<2000x8xf32>
    %get3A_14 = arith.constant 1 : index
    %get3A_15 = arith.constant 0 : index
    %get3A_16 = arith.constant 128 : index
    %get3A_17 = vector.load %arg1[%get3A_14, %get3A_15, %get3A_16] : memref<2x2000x136xf32, #tpu.memory_space<vmem>>, vector<1x2000x8xf32>
    %get3A_18 = vector.shape_cast %get3A_17 : vector<1x2000x8xf32> to vector<2000x8xf32>
    %add3A_19 = arith.addf %get3A_13, %get3A_18 : vector<2000x8xf32>
    %add3A_20 = arith.constant 1.000000e-16 : f32
    %add3A_21 = vector.broadcast %add3A_20 : f32 to vector<2000x8xf32>
    %add3A_22 = arith.addf %add3A_19, %add3A_21 : vector<2000x8xf32>
    %div3A = arith.constant 1.000000e+00 : f32
    %div3A_23 = vector.broadcast %div3A : f32 to vector<2000x8xf32>
    %div3A_24 = arith.divf %div3A_23, %add3A_22 : vector<2000x8xf32>
    %iota3A = tpu.iota {dimensions = array<i32: 1>} : vector<8x128xi32>
    %jit3A = arith.constant 16 : i32
    %div3A_25 = vector.broadcast %jit3A : i32 to vector<8x128xi32>
    %div3A_26 = arith.divsi %iota3A, %div3A_25 : vector<8x128xi32>
    %sign3A = arith.constant 0 : i32
    %sign3A_27 = vector.broadcast %sign3A : i32 to vector<8x128xi32>
    %sign3A_28 = arith.cmpi sgt, %iota3A, %sign3A_27 : vector<8x128xi32>
    %sign3A_29 = arith.extui %sign3A_28 : vector<8x128xi1> to vector<8x128xi32>
    %sign3A_30 = arith.constant 0 : i32
    %sign3A_31 = vector.broadcast %sign3A_30 : i32 to vector<8x128xi32>
    %sign3A_32 = arith.cmpi slt, %iota3A, %sign3A_31 : vector<8x128xi32>
    %sign3A_33 = arith.extui %sign3A_32 : vector<8x128xi1> to vector<8x128xi32>
    %sign3A_34 = arith.subi %sign3A_29, %sign3A_33 : vector<8x128xi32>
    %sign3A_35 = arith.constant 0 : i32
    %sign3A_36 = arith.cmpi sgt, %jit3A, %sign3A_35 : i32
    %sign3A_37 = arith.extui %sign3A_36 : i1 to i32
    %sign3A_38 = arith.constant 0 : i32
    %sign3A_39 = arith.cmpi slt, %jit3A, %sign3A_38 : i32
    %sign3A_40 = arith.extui %sign3A_39 : i1 to i32
    %sign3A_41 = arith.subi %sign3A_37, %sign3A_40 : i32
    %ne3A = vector.broadcast %sign3A_41 : i32 to vector<8x128xi32>
    %ne3A_42 = arith.cmpi ne, %sign3A_34, %ne3A : vector<8x128xi32>
    %rem3A = vector.broadcast %jit3A : i32 to vector<8x128xi32>
    %rem3A_43 = arith.remsi %iota3A, %rem3A : vector<8x128xi32>
    %ne3A_44 = arith.constant 0 : i32
    %ne3A_45 = vector.broadcast %ne3A_44 : i32 to vector<8x128xi32>
    %ne3A_46 = arith.cmpi ne, %rem3A_43, %ne3A_45 : vector<8x128xi32>
    %and3A = arith.andi %ne3A_42, %ne3A_46 : vector<8x128xi1>
    %sub3A = arith.constant 1 : i32
    %sub3A_47 = vector.broadcast %sub3A : i32 to vector<8x128xi32>
    %sub3A_48 = arith.subi %div3A_26, %sub3A_47 : vector<8x128xi32>
    %select_n3A = arith.select %and3A, %sub3A_48, %div3A_26 : vector<8x128xi1>, vector<8x128xi32>
    %iota3A_49 = tpu.iota {dimensions = array<i32: 0>} : vector<8x128xi32>
    %eq3A = arith.cmpi eq, %select_n3A, %iota3A_49 : vector<8x128xi32>
    %convert_element_type3A = arith.extui %eq3A : vector<8x128xi1> to vector<8x128xi32>
    %convert_element_type3A_50 = arith.sitofp %convert_element_type3A : vector<8x128xi32> to vector<8x128xf32>
    %dot_general3A = arith.constant dense<0.000000e+00> : vector<2000x128xf32>
    %dot_general3A_51 = tpu.matmul %div3A_24, %convert_element_type3A_50, %dot_general3A {dimension_numbers = #tpu.dot_dimension_numbers<[1], [0], [0], [1], [0, 0, 1, 1], [], []>, precision = #tpu.contract_precision<fp32>, transpose_lhs_hint = false} : vector<2000x8xf32>, vector<8x128xf32>, vector<2000x128xf32> -> vector<2000x128xf32>
    %get3A_52 = arith.constant 0 : index
    %get3A_53 = arith.constant 0 : index
    %get3A_54 = vector.load %arg2[%get3A_52, %get3A_53] : memref<2000x128xf32, #tpu.memory_space<vmem>>, vector<2000x128xf32>
    %get3A_55 = arith.constant 0 : index
    %get3A_56 = arith.constant 0 : index
    %get3A_57 = vector.load %arg3[%get3A_55, %get3A_56] : memref<128x128xf32, #tpu.memory_space<vmem>>, vector<128x128xf32>
    %dot_general3A_58 = arith.constant dense<0.000000e+00> : vector<2000x128xf32>
    %dot_general3A_59 = tpu.matmul %get3A_54, %get3A_57, %dot_general3A_58 {dimension_numbers = #tpu.dot_dimension_numbers<[1], [1], [0], [0], [0, 0, 1, 0], [], []>, precision = #tpu.contract_precision<fp32>, transpose_lhs_hint = false} : vector<2000x128xf32>, vector<128x128xf32>, vector<2000x128xf32> -> vector<2000x128xf32>
    %mul3A = arith.mulf %add3A, %dot_general3A_51 : vector<2000x128xf32>
    %add3A_60 = arith.addf %mul3A, %dot_general3A_59 : vector<2000x128xf32>
    %get3A_61 = arith.constant 0 : index
    %get3A_62 = arith.constant 0 : index
    %get3A_63 = vector.load %arg4[%get3A_61, %get3A_62] : memref<1x128xf32, #tpu.memory_space<vmem>>, vector<1x128xf32>
    %add3A_64 = vector.broadcast %get3A_63 : vector<1x128xf32> to vector<2000x128xf32>
    %add3A_65 = arith.addf %add3A_60, %add3A_64 : vector<2000x128xf32>
    %gt3A = arith.constant 0.000000e+00 : f32
    %gt3A_66 = vector.broadcast %gt3A : f32 to vector<2000x128xf32>
    %gt3A_67 = arith.cmpf ogt, %add3A_65, %gt3A_66 : vector<2000x128xf32>
    %min3A = arith.constant 0.000000e+00 : f32
    %min3A_68 = vector.broadcast %min3A : f32 to vector<2000x128xf32>
    %min3A_69 = arith.minimumf %add3A_65, %min3A_68 : vector<2000x128xf32>
    %exp3A = math.exp %min3A_69 : vector<2000x128xf32>
    %sub3A_70 = arith.constant 1.000000e+00 : f32
    %sub3A_71 = vector.broadcast %sub3A_70 : f32 to vector<2000x128xf32>
    %sub3A_72 = arith.subf %exp3A, %sub3A_71 : vector<2000x128xf32>
    %select_n3A_73 = arith.select %gt3A_67, %add3A_65, %sub3A_72 : vector<2000x128xi1>, vector<2000x128xf32>
    %swap3A = arith.constant 0 : index
    %swap3A_74 = arith.constant 0 : index
    %swap3A_75 = vector.load %arg5[%swap3A, %swap3A_74] : memref<2000x128xf32, #tpu.memory_space<vmem>>, vector<2000x128xf32>
    tpu.vector_store %arg5[%swap3A, %swap3A_74], %select_n3A_73 {strides = array<i32>} : memref<2000x128xf32, #tpu.memory_space<vmem>>, vector<2000x128xf32>,
    return
  }
  func.func @transform_0(%arg0: i32) -> (i32, i32, i32) {
    %c0_i32 = arith.constant 0 : i32
    %c0_i32_0 = arith.constant 0 : i32
    %c0_i32_1 = arith.constant 0 : i32
    return %c0_i32, %arg0, %c0_i32_0 : i32, i32, i32
  }
  func.func @transform_1(%arg0: i32) -> (i32, i32) {
    %c0_i32 = arith.constant 0 : i32
    %c0_i32_0 = arith.constant 0 : i32
    return %arg0, %c0_i32 : i32, i32
  }
  func.func @transform_2(%arg0: i32) -> (i32, i32) {
    %c0_i32 = arith.constant 0 : i32
    %c0_i32_0 = arith.constant 0 : i32
    %c0_i32_1 = arith.constant 0 : i32
    return %c0_i32, %c0_i32_0 : i32, i32
  }
  func.func @transform_3(%arg0: i32) -> (i32, i32) {
    %c0_i32 = arith.constant 0 : i32
    %c0_i32_0 = arith.constant 0 : i32
    %c0_i32_1 = arith.constant 0 : i32
    return %c0_i32, %c0_i32_0 : i32, i32
  }
  func.func @transform_4(%arg0: i32) -> (i32, i32) {
    %c0_i32 = arith.constant 0 : i32
    %c0_i32_0 = arith.constant 0 : i32
    return %arg0, %c0_i32 : i32, i32
  }
}

</mosaic_0001>

<sc_bundles>
// kernel: kernel.5.cloned.1.call-start
scs
__scs_entry_jumppad:
0x0: {  	(pc) =	sbr.rel $0x88, $3  }
0x1: {  	(tag) =	ssettag $0x0;
	lr =	simm.s32 $0x1  }
0x2: {  	[smem:$0x3F97] =	sst lr;
	_ =	strace $0xD0000000  }
0x3: {  	_ = 	snop  }
0x4: {  	_ = 	snop  }
0x5: {  	_ = 	snop  }
0x6: {  	_ = 	snop  }
0x7: {  	_ = 	snop  }
__scs_overlays_trampoline_lowered:
0x8: {  	[smem:$0x3FA6] =	sst s0  }
0x9: {  	[smem:$0x3FA7] =	sst s1  }
0xa: {  	[smem:$0x3FA8] =	sst s2  }
0xb: {  	[smem:$0x3FA9] =	sst s3  }
0xc: {  	[smem:$0x3FAA] =	sst s4  }
0xd: {  	[smem:$0x3FAB] =	sst s5  }
0xe: {  	[smem:$0x3FAC] =	sst s6  }
0xf: {  	[smem:$0x3FAD] =	sst s7  }
0x10: {  	[smem:$0x3FAE] =	sst s8  }
0x11: {  	[smem:$0x3FAF] =	sst s9;
	s0 =	simm.s32 @!p0 $0x0  }
0x12: {  	s1 =	sld [smem:$0x3F95];
	s0 =	simm.s32 @p0 $0x1  }
0x13: {  	[smem:$0x3FB0] =	sst s0;
	s0 =	simm.s32 @!p1 $0x0  }
0x14: {  	s2 =	sld [smem:$0x3F94];
	s0 =	simm.s32 @p1 $0x1  }
0x15: {  	[smem:$0x3FB1] =	sst s0;
	s0 =	simm.s32 @!p2 $0x0  }
0x16: {  	s3 =	sld [smem:$0x3FDB];
	s0 =	simm.s32 @p2 $0x1  }
0x17: {  	s4 =	simm.s32 $0x1BF5;
	[smem:$0x3FB3] =	sst s0  }
0x18: {  	s0 =	sld [smem:$0x3F96];
	_ =	swait.ge [sflag:s4], $0x0  }
0x19: {  	s7 =	sld [smem:$0x3F97]  }
0x1a: {  	s8 =	sadd.s32 $0xFFFFE003, lr  }
0x1b: {  	s9 =	sadd.s32 $0xFFFFFEF7, lr;
	s5 =	simm.s32 $0xFFFFFFFF;
	p2 =	slt.u32 s8, $0xFFFFF086  }
0x1c: {  	p1 =	slt.u32 s9, $0xF7A;
	s5 =	simm.s32 @!p2 $0x0  }
0x1d: {  	s5 =	simm.s32 @p1 $0x1;
	p0 =	seq.s32 s7, s2  }
0x1e: {  	s7 =	smul.u32 @!p0 $0xF7A, s2;
	p2 =	seq.s32 @!p0 s5, $0x0  }
0x1f: {  	s9 =	smul.u32 $0xF7A, s1;
	s8 =	simm.s32 @!p0 $0x1BF5;
	p2 =	por !p2, p0  }
0x20: {  	[sflag:s8] =	ssyncset.s32 @!p0 $0xFFFFF086;
	s6 =	sadd.s32 @!p0 s3, s7;
	s7 =	simm.s32 @!p0 $0x108  }
0x21: {  	s3 =	sadd.s32 s3, s9;
	s6 =	sadd.s32 @!p0 $0x88, s6;
	s7 =	simm.s32 @p2 $0x1082  }
0x22: {  	[simem:s7], [sflag:s8] =	dma.local @!p0 [hbm:s6], $0xF7A  }
0x23: {  	s9 =	sor.u32 $0xD0000000, s2;
	s6 =	simm.s32 $0x108;
	_ =	swait.ge @!p0 [sflag:s8], $0x0  }
0x24: {  	s3 =	sadd.s32 $0x88, s3;
	s6 =	simm.s32 @!p1 $0x1082;
	[sflag:s4] =	ssyncset.s32 $0xFFFFF086  }
0x25: {  	[simem:s6], [sflag:s4] =	dma.local [hbm:s3], $0xF7A  }
0x26: {  	[smem:$0x3F97] =	sst s1;
	(tag) =	ssettag s2;
	_ =	strace s9  }
0x27: {  	s1 =	sld [smem:$0x3FA7]  }
0x28: {  	s2 =	sld [smem:$0x3FA8]  }
0x29: {  	s4 =	sld [smem:$0x3FAA]  }
0x2a: {  	p0 =	seq.s32 s5, $0x0;
	s5 =	sld [smem:$0x3FAB]  }
0x2b: {  	s6 =	sld [smem:$0x3FAC]  }
0x2c: {  	s7 =	sld [smem:$0x3FAD]  }
0x2d: {  	s3 =	simm.s32 $0x108;
	s8 =	sld [smem:$0x3FAE]  }
0x2e: {  	s3 =	simm.s32 @!p0 $0x1082;
	s9 =	sld [smem:$0x3FAF]  }
0x2f: {  	lr =	sadd.s32 s0, s3;
	s0 =	sld [smem:$0x3FA6]  }
0x30: {  	s3 =	sld [smem:$0x3FA9]  }
0x31: {  	[smem:$0x3FB2] =	sst s10  }
0x32: {  	s10 =	sld [smem:$0x3FB0];
	_ =	sdelay $0x3  }
0x33: {  	p0 =	seq.s32 s10, $0x1;
	s10 =	sld [smem:$0x3FB2];
	_ =	sdelay $0x3  }
0x34: {  	[smem:$0x3FB2] =	sst s10  }
0x35: {  	s10 =	sld [smem:$0x3FB1];
	_ =	sdelay $0x3  }
0x36: {  	p1 =	seq.s32 s10, $0x1;
	s10 =	sld [smem:$0x3FB2];
	_ =	sdelay $0x3  }
0x37: {  	[smem:$0x3FB2] =	sst s10  }
0x38: {  	s10 =	sld [smem:$0x3FB3]  }
0x39: {  	_ = 	snop;
	(pc) =	sbr.ind lr, $3  }
0x3a: {  	_ = 	snop  }
0x3b: {  	_ = 	snop  }
0x3c: {  	p2 =	seq.s32 s10, $0x1;
	s10 =	sld [smem:$0x3FB2]  }
0x3d: {  	_ =	shalt  }
0x3e: {  	_ =	shalt  }
0x3f: {  	_ =	shalt  }
0x40: {  	_ =	shalt  }
0x41: {  	_ =	shalt  }
0x42: {  	_ =	shalt  }
0x43: {  	_ =	shalt  }
0x44: {  	_ =	shalt  }
0x45: {  	_ =	shalt  }
0x46: {  	_ =	shalt  }
0x47: {  	_ =	shalt  }
0x48: {  	_ =	shalt  }
0x49: {  	_ =	shalt  }
0x4a: {  	_ =	shalt  }
0x4b: {  	_ =	shalt  }
0x4c: {  	_ =	shalt  }
0x4d: {  	_ =	shalt  }
0x4e: {  	_ =	shalt  }
0x4f: {  	_ =	shalt  }
0x50: {  	_ =	shalt  }
0x51: {  	_ =	shalt  }
0x52: {  	_ =	shalt  }
0x53: {  	_ =	shalt  }
0x54: {  	_ =	shalt  }
0x55: {  	_ =	shalt  }
0x56: {  	_ =	shalt  }
0x57: {  	_ =	shalt  }
0x58: {  	_ =	shalt  }
0x59: {  	_ =	shalt  }
0x5a: {  	_ =	shalt  }
0x5b: {  	_ =	shalt  }
0x5c: {  	_ =	shalt  }
0x5d: {  	_ =	shalt  }
0x5e: {  	_ =	shalt  }
0x5f: {  	_ =	shalt  }
0x60: {  	_ =	shalt  }
0x61: {  	_ =	shalt  }
0x62: {  	_ =	shalt  }
0x63: {  	_ =	shalt  }
0x64: {  	_ =	shalt  }
0x65: {  	_ =	shalt  }
0x66: {  	_ =	shalt  }
0x67: {  	_ =	shalt  }
0x68: {  	_ =	shalt  }
0x69: {  	_ =	shalt  }
0x6a: {  	_ =	shalt  }
0x6b: {  	_ =	shalt  }
0x6c: {  	_ =	shalt  }
0x6d: {  	_ =	shalt  }
0x6e: {  	_ =	shalt  }
0x6f: {  	_ =	shalt  }
0x70: {  	_ =	shalt  }
0x71: {  	_ =	shalt  }
0x72: {  	_ =	shalt  }
0x73: {  	_ =	shalt  }
0x74: {  	_ =	shalt  }
0x75: {  	_ =	shalt  }
0x76: {  	_ =	shalt  }
0x77: {  	_ =	shalt  }
0x78: {  	_ =	shalt  }
0x79: {  	_ =	shalt  }
0x7a: {  	_ =	shalt  }
0x7b: {  	_ =	shalt  }
0x7c: {  	_ =	shalt  }
0x7d: {  	_ =	shalt  }
0x7e: {  	_ =	shalt  }
0x7f: {  	_ =	shalt  }
0x80: {  	_ =	shalt  }
0x81: {  	_ =	shalt  }
0x82: {  	_ =	shalt  }
0x83: {  	_ =	shalt  }
0x84: {  	_ =	shalt  }
0x85: {  	_ =	shalt  }
0x86: {  	_ =	shalt  }
0x87: {  	_ =	shalt  }
.Lfunc_end0:
.L_simem_size_0:
called_computation_lowered:
.L_overlay_start_0:
0x88: {  	s2 =	sld [smem:$0x3FD9]  }
0x89: {  	s3 =	sld [smem:$0x3FFE];
	_ =	sdelay $0x1  }
0x8a: {  	s1 =	srdreg.scid  }
0x8b: {  	s0 =	sand.u32 $0x1, s1  }
0x8c: {  	s14 =	sshll.u32 s0, $0xA;
	s2 =	sadd.s32 s3, s2  }
0x8d: {  	s2 =	sadd.s32 s2, s14  }
0x8e: {  	[smem:$0x3FBE] =	sst s2  }
0x8f: {  	_ = 	snop  }
0x90: {  	s2 =	sld [smem:$0x3FD0];
	_ =	sdelay $0x2  }
0x91: {  	s15 =	simm.s32 $0xA;
	s4 =	simm.s32 $0x10  }
0x92: {  	[smem:s4], [sflag:s15] =	dma.local [hbm:s2], $0x1  }
0x93: {  	_ =	swait.eq [sflag:s15], $0x1  }
0x94: {  	s16 =	sld [smem:$0x10];
	[sflag:s15] =	ssyncset.done $0x0  }
0x95: {  	s17 =	sld [smem:$0x11];
	[sflag:s15] =	ssyncadd.s32 $0xFFFFFFFF  }
0x96: {  	s18 =	sld [smem:$0x12];
	(tm) =	ssettm $0x1  }
0x97: {  	s5 =	sld [smem:$0x3FFB];
	_ =	sdelay $0x3  }
0x98: {  	_ =	strace s5  }
0x99: {  	s5 =	sld [smem:$0x3FFC];
	_ =	sdelay $0x3  }
0x9a: {  	_ =	strace s5  }
0x9b: {  	s5 =	sld [smem:$0x3FFD];
	_ =	sdelay $0x3  }
0x9c: {  	_ =	strace s5  }
0x9d: {  	_ =	strace $0x8FFFFFFF  }
0x9e: {  	s19 =	sld [smem:$0x3FDB];
	_ =	sdelay $0x1  }
0x9f: {  	s6 =	simm.s32 $_scs_section_size  }
0xa0: {  	s7 =	simm.s32 $_size__tile_overlayer_lowered;
	s8 =	simm.s32 $_tile_overlayer_lowered  }
0xa1: {  	s22 =	simm.s32 $0x1BFF;
	s21 =	sshll.u32 s8, $0x1;
	s5 =	sadd.s32 s6, s19  }
0xa2: {  	s9 =	simm.s32 $0x0;
	s20 =	sshll.u32 s7, $0x1;
	s7 =	sadd.s32 s21, s5  }
0xa3: {  	[timem:s9], [sflag:s22] =	dma.local [hbm:s7], s20  }
0xa4: {  	_ =	swait.ge [sflag:s22], s20  }
0xa5: {  	s6 =	ssub.s32 $0x0, s20;
	[sflag:s22] =	ssyncset.done $0x0  }
0xa6: {  	[sflag:s22] =	ssyncadd.s32 s6;
	_ =	sdelay $0x1  }
0xa7: {  	s23 =	simm.s32 $0x1B8B  }
0xa8: {  	_ =	swait.ge [sflag:s23], $0x1  }
0xa9: {  	[sflag:s23] =	ssyncset.done $0x0  }
0xaa: {  	s25 =	simm.s32 $0x1B8E;
	s24 =	sld [smem:$0x3FFE];
	[sflag:s23] =	ssyncadd.s32 $0xFFFFFFFF  }
0xab: {  	s26 =	simm.s32 $execute0_lowered;
	[smem:$0x3FD2] =	sst s25  }
0xac: {  	s7 =	sshll.u32 s26, $0x1;
	_ =	strace $0x80000046;
	[dreg:$0x1] =	wrdreg $0xFFFFFFFF  }
0xad: {  	s28 =	simm.s32 $_size_execute0_lowered;
	s5 =	sadd.s32 s5, s7;
	[dreg:$0x0] =	wrdreg $0x0  }
0xae: {  	s7 =	sshll.u32 s28, $0x1;
	[dreg:$0x2] =	wrdreg s5  }
0xaf: {  	[dreg:$0x3] =	wrdreg s7  }
0xb0: {  	[dreg:$0x4] =	wrdreg $0xC0  }
0xb1: {  	_ =	task [dreg:s9], $0x5FFFF  }
0xb2: {  	[dreg:$0x1] =	wrdreg $0xFFFFFFFF  }
0xb3: {  	[dreg:$0x0] =	wrdreg $0x60  }
0xb4: {  	[dreg:$0x2] =	wrdreg s16  }
0xb5: {  	[dreg:$0x3] =	wrdreg s18  }
0xb6: {  	[dreg:$0x4] =	wrdreg s24  }
0xb7: {  	[dreg:$0x5] =	wrdreg s17  }
0xb8: {  	[dreg:$0x6] =	wrdreg $0x0  }
0xb9: {  	[dreg:$0x7] =	wrdreg $0x9  }
0xba: {  	_ =	task.clear_ibuf [dreg:s9], $0x8FFFF;
	_ =	strace $0x90000046  }
0xbb: {  	s29 =	simm.s32 $0x9;
	_ =	strace $0x80000048  }
0xbc: {  	_ =	swait.ge [sflag:s29], $0x1  }
0xbd: {  	[sflag:s29] =	ssyncadd.s32 $0xFFFFFFFF  }
0xbe: {  	_ =	strace $0x90000048  }
0xbf: {  	_ =	sfence  }
0xc0: {  	s30 =	sld [smem:$0x0];
	_ =	sdelay $0x2  }
0xc1: {  	s31 =	sshll.u32 s1, $0xD;
	s1 =	sshrl.u32 s1, $0x2  }
0xc2: {  	s3 =	sand.u32 $0x4000, s31;
	s1 =	sadd.s32 s1, s30  }
0xc3: {  	s0 =	sor.u32 s3, s0;
	s1 =	sshll.u32 s1, $0x11  }
0xc4: {  	s0 =	sor.u32 s1, s0  }
0xc5: {  	s0 =	sadd.s32 $0x8F2B, s0  }
0xc6: {  	[sflag:s0] =	ssyncadd.remote.s32 $0x1  }
0xc7: {  	_ =	sfence.sel $0xFFFF  }
0xc8: {  	[dreg:$0x0] =	wrdreg $0xFFFFFFFF;
	(pc) =	sbr.abs _section_cstart, $3  }
0xc9: {  	[dreg:$0x1] =	wrdreg $0xFFFFFFFF  }
0xca: {  	_ =	task.clear_ibuf [dreg:s9], $0x2FFFF;
	_ =	strace $0x9FFFFFFF  }
0xcb: {  	(tm) =	ssettm $0x7FFFFFFF  }
tec
execute0_lowered:
.L_overlay_start_1:
0x0: {  	(tag) =	ssettag $0x1  }
0x1: {  	s0 =	srdreg.scid  }
0x2: {  	s25 =	rddreg [dreg:$0x2];
	s24 =	stileid.u32;
	s3 =	simm.s32 $0x0  }
0x3: {  	s4 =	simm.s32 $0x0;
	s0 =	sand.u32 $0x1, s0;
	[dreg:$0x6] =	wrdreg s3  }
0x4: {  	s2 =	smul.u32 $0x14FC0, s24;
	[smem:$0x7FF] =	sst s4;
	s1 =	ssub.s32 $0x2, s0  }
0x5: {  	s3 =	sadd.s32 $0x13E00, s25;
	s13 =	smul.u32 $0x14FC00, s0;
	s17 =	sshrl.u32 s1, $0x1  }
0x6: {  	s4 =	sadd.s32 $0x1540, s2;
	s5 =	sadd.s32 $0x2A80, s2;
	s6 =	sadd.s32 $0x3FC0, s2  }
0x7: {  	s7 =	sadd.s32 $0x5500, s2;
	s8 =	sadd.s32 $0x6A40, s2;
	s9 =	sadd.s32 $0x7F80, s2  }
0x8: {  	s10 =	sadd.s32 $0x94C0, s2;
	s11 =	sadd.s32 $0xAA00, s2;
	s12 =	sadd.s32 $0xBF40, s2  }
0x9: {  	s1 =	ssub.s32 s1, s17;
	s14 =	sadd.s32 s2, s13;
	s15 =	sadd.s32 s13, s4  }
0xa: {  	s19 =	sadd.s32 s13, s5;
	s20 =	sadd.s32 s13, s6;
	s16 =	sadd.s32 s13, s7  }
0xb: {  	s26 =	sadd.s32 s13, s8;
	s29 =	sadd.s32 s13, s9;
	s31 =	sadd.s32 s13, s10  }
0xc: {  	s14 =	sshrl.u32 s14, $0x3;
	s15 =	sshrl.u32 s15, $0x3;
	s21 =	sshrl.u32 s20, $0x3  }
0xd: {  	s22 =	sshrl.u32 s16, $0x3;
	s17 =	sshrl.u32 s31, $0x3;
	s14 =	sadd.s32 s3, s14  }
0xe: {  	s20 =	sadd.s32 s13, s12;
	s18 =	sadd.s32 s3, s15;
	[dreg:$0x7] =	wrdreg s14  }
0xf: {  	s23 =	sadd.s32 s3, s22;
	s15 =	sshrl.u32 s29, $0x3;
	[dreg:$0x8] =	wrdreg s18  }
0x10: {  	s14 =	sshrl.u32 s19, $0x3;
	[dreg:$0xb] =	wrdreg s23;
	s18 =	sadd.s32 s3, s17  }
0x11: {  	s19 =	sadd.s32 s13, s11;
	s14 =	sadd.s32 s3, s14;
	[dreg:$0xe] =	wrdreg s18  }
0x12: {  	s17 =	sadd.s32 $0xE9C0, s2;
	[dreg:$0x9] =	wrdreg s14;
	s14 =	sadd.s32 s3, s21  }
0x13: {  	s21 =	sshrl.u32 s20, $0x3;
	[dreg:$0xa] =	wrdreg s14;
	s14 =	sshrl.u32 s26, $0x3  }
0x14: {  	s20 =	sadd.s32 $0x12980, s2;
	s26 =	sadd.s32 s13, s17;
	s14 =	sadd.s32 s3, s14  }
0x15: {  	s16 =	sshrl.u32 s26, $0x3;
	[dreg:$0xc] =	wrdreg s14;
	s14 =	sadd.s32 s3, s15  }
0x16: {  	s15 =	sadd.s32 $0xD480, s2;
	[dreg:$0xd] =	wrdreg s14;
	s14 =	sshrl.u32 s19, $0x3  }
0x17: {  	s16 =	sadd.s32 s3, s16;
	s22 =	sadd.s32 s13, s15;
	s14 =	sadd.s32 s3, s14  }
0x18: {  	s23 =	sshrl.u32 s22, $0x3;
	[dreg:$0xf] =	wrdreg s14;
	s14 =	sadd.s32 s3, s21  }
0x19: {  	s19 =	sadd.s32 $0x11440, s2;
	[dreg:$0x10] =	wrdreg s14;
	s14 =	sadd.s32 s3, s23  }
0x1a: {  	s21 =	sadd.s32 s13, s20;
	[dreg:$0x11] =	wrdreg s14;
	s14 =	sadd.s32 $0xFF00, s2  }
0x1b: {  	[dreg:$0x12] =	wrdreg s16;
	s23 =	sshrl.u32 s21, $0x3;
	s18 =	sadd.s32 s13, s14  }
0x1c: {  	s21 =	rddreg [dreg:$0x4];
	s23 =	sadd.s32 s3, s23;
	s29 =	sshrl.u32 s18, $0x3  }
0x1d: {  	s31 =	sadd.s32 s13, s19;
	[dreg:$0x15] =	wrdreg s23;
	s16 =	sadd.s32 s3, s29  }
0x1e: {  	s22 =	sadd.s32 $0x13EC0, s2;
	s18 =	sshrl.u32 s31, $0x3;
	[dreg:$0x13] =	wrdreg s16  }
0x1f: {  	s13 =	sadd.s32 s13, s22;
	s18 =	sadd.s32 s3, s18;
	s16 =	rddreg [dreg:$0x0]  }
0x20: {  	s13 =	sshrl.u32 s13, $0x3;
	[dreg:$0x14] =	wrdreg s18  }
0x21: {  	s3 =	sadd.s32 s3, s13;
	s18 =	rddreg [dreg:$0x1]  }
0x22: {  	s4 =	sadd.s32 s4, s21;
	[dreg:$0x16] =	wrdreg s3  }
0x23: {  	s5 =	sadd.s32 s5, s21;
	_ =	strace $0x80000047;
	[dreg:$0x18] =	wrdreg s4  }
0x24: {  	s6 =	sadd.s32 s6, s21;
	[dreg:$0x19] =	wrdreg s5  }
0x25: {  	s7 =	sadd.s32 s7, s21;
	[dreg:$0x1a] =	wrdreg s6  }
0x26: {  	s8 =	sadd.s32 s8, s21;
	[dreg:$0x1b] =	wrdreg s7  }
0x27: {  	s9 =	sadd.s32 s9, s21;
	[dreg:$0x1c] =	wrdreg s8  }
0x28: {  	s28 =	simm.s32 $0x4;
	s10 =	sadd.s32 s10, s21;
	[dreg:$0x1d] =	wrdreg s9  }
0x29: {  	s0 =	sshll.u32 s0, $0x4;
	s13 =	sadd.s32 s15, s21;
	[dreg:$0x1e] =	wrdreg s10  }
0x2a: {  	s0 =	sor.u32 s24, s0;
	s15 =	sadd.s32 s14, s21;
	[smem:$0x7F3] =	sst s13  }
0x2b: {  	s0 =	smul.u32 $0xFA, s0;
	s19 =	sadd.s32 s19, s21;
	[smem:$0x7F4] =	sst s15  }
0x2c: {  	s30 =	simm.s32 $0x8;
	s24 =	simm.s32 $0x28;
	[smem:$0x7F5] =	sst s19  }
0x2d: {  	s26 =	smax.u32 s1, $0x1;
	s11 =	sadd.s32 s11, s21;
	[smem:$0x7F6] =	sst s0  }
0x2e: {  	s12 =	sadd.s32 s12, s21;
	s29 =	sadd.s32 $0x200, s25;
	[smem:$0x7F7] =	sst s26  }
0x2f: {  	s17 =	sadd.s32 s17, s21;
	s31 =	sadd.s32 $0xA000, s25;
	[smem:$0x7F8] =	sst s29  }
0x30: {  	s20 =	sadd.s32 s20, s21;
	s23 =	sadd.s32 s2, s21;
	[smem:$0x7F9] =	sst s31  }
0x31: {  	s2 =	simm.s32 $0x3;
	s14 =	simm.s32 $0x9;
	[dreg:$0x17] =	wrdreg s23  }
0x32: {  	s9 =	sadd.s32 s22, s21;
	s13 =	simm.s32 $0x1A350;
	[dreg:$0x1f] =	wrdreg s11  }
0x33: {  	s15 =	simm.s32 $0xA;
	s10 =	simm.s32 $0x15F80;
	[smem:$0x7FA] =	sst s12  }
0x34: {  	s4 =	simm.s32 $0x1;
	s5 =	simm.s32 $0x5;
	[smem:$0x7FB] =	sst s17  }
0x35: {  	v1 =	vlaneseq.u32;
	s6 =	simm.s32 $0x2;
	s7 =	simm.s32 $0x6;
	[smem:$0x7FC] =	sst s20  }
0x36: {  	v0 =	vimm.f32 $0.0e+00;
	v1 =	vor.u32 $0x80, v1;
	s8 =	simm.s32 $0x1B890;
	s19 =	simm.s32 $0x7;
	[smem:$0x7FD] =	sst s9  }
.LBB2_1:
0x37: {  	s0 =	simm.s32 $0x0  }
0x38: {  	s1 =	simm.s32 $0x220;
	[tilespmem:s0+$0x1A3C0] =	vst v0  }
.LBB2_2:
0x39: {  	p0 =	sne.s32 s1, $0x52E0;
	[tilespmem:s0+$0x1A3C8] =	vst v0  }
0x3a: {  	[tilespmem:s0+$0x1A350] =	vst v0  }
0x3b: {  	[tilespmem:s0+$0x1A360] =	vst v0  }
0x3c: {  	[tilespmem:s0+$0x1A370] =	vst v0  }
.Ltmp0:
0x3d: {  	[tilespmem:s0+$0x1A380] =	vst v0;
	(pc) =	sbr.rel @p0 .LBB2_2-.Ltmp0, $4  }
0x3e: {  	[tilespmem:s0+$0x1A390] =	vst v0  }
0x3f: {  	[tilespmem:s0+$0x1A3A0] =	vst v0  }
0x40: {  	[tilespmem:s0+$0x1A3B0] =	vst v0;
	s0 =	sshra.s32 s1, $0x2  }
0x41: {  	s1 =	sadd.s32 $0x220, s1;
	[tilespmem:s0+$0x1A3C0] =	vst v0  }
0x42: {  	[tilespmem:s0+$0x1A3C8] =	vst v0  }
0x43: {  	[tilespmem:s0+$0x1A350] =	vst v0  }
0x44: {  	[tilespmem:s0+$0x1A360] =	vst v0  }
0x45: {  	[tilespmem:s0+$0x1A370] =	vst v0  }
0x46: {  	[tilespmem:s0+$0x1A380] =	vst v0  }
0x47: {  	[tilespmem:s0+$0x1A390] =	vst v0  }
0x48: {  	[tilespmem:s0+$0x1A3A0] =	vst v0  }
0x49: {  	[tilespmem:s0+$0x1A3B0] =	vst v0  }
0x4a: {  	[spmem:s23] =	stream.linear.scatter [tilespmem:s13], [sflag:$0x9], $0x1540, $0x38;
	[tilespmem:$0x1CDD0] =	vst v63  }
0x4b: {  	s25 =	rddreg [dreg:$0x18]  }
0x4c: {  	[spmem:s25] =	stream.linear.scatter [tilespmem:s13], [sflag:$0x9], $0x1540, $0x38;
	[tilespmem:$0x1CDD0] =	vst v63  }
0x4d: {  	s26 =	rddreg [dreg:$0x19]  }
0x4e: {  	[spmem:s26] =	stream.linear.scatter [tilespmem:s13], [sflag:$0x9], $0x1540, $0x38;
	[tilespmem:$0x1CDD0] =	vst v63  }
0x4f: {  	s29 =	rddreg [dreg:$0x1a]  }
0x50: {  	[spmem:s29] =	stream.linear.scatter [tilespmem:s13], [sflag:$0x9], $0x1540, $0x38;
	[tilespmem:$0x1CDD0] =	vst v63  }
0x51: {  	s31 =	rddreg [dreg:$0x1b]  }
0x52: {  	[spmem:s31] =	stream.linear.scatter [tilespmem:s13], [sflag:$0x9], $0x1540, $0x38;
	[tilespmem:$0x1CDD0] =	vst v63  }
0x53: {  	s1 =	rddreg [dreg:$0x1c]  }
0x54: {  	[spmem:s1] =	stream.linear.scatter [tilespmem:s13], [sflag:$0x9], $0x1540, $0x38;
	[tilespmem:$0x1CDD0] =	vst v63  }
0x55: {  	s3 =	rddreg [dreg:$0x1d]  }
0x56: {  	[spmem:s3] =	stream.linear.scatter [tilespmem:s13], [sflag:$0x9], $0x1540, $0x38;
	[tilespmem:$0x1CDD0] =	vst v63  }
0x57: {  	s22 =	rddreg [dreg:$0x1e]  }
0x58: {  	[spmem:s22] =	stream.linear.scatter [tilespmem:s13], [sflag:$0x9], $0x1540, $0x38;
	[tilespmem:$0x1CDD0] =	vst v63  }
0x59: {  	_ = 	snop  }
0x5a: {  	[spmem:s11] =	stream.linear.scatter [tilespmem:s13], [sflag:$0x9], $0x1540, $0x38;
	[tilespmem:$0x1CDD0] =	vst v63  }
0x5b: {  	s23 =	sld [smem:$0x7F3]  }
0x5c: {  	[spmem:s12] =	stream.linear.scatter [tilespmem:s13], [sflag:$0x9], $0x1540, $0x38;
	[tilespmem:$0x1CDD0] =	vst v63  }
0x5d: {  	_ = 	snop  }
0x5e: {  	[spmem:s23] =	stream.linear.scatter [tilespmem:s13], [sflag:$0x9], $0x1540, $0x38;
	[tilespmem:$0x1CDD0] =	vst v63  }
0x5f: {  	s25 =	sld [smem:$0x7F4]  }
0x60: {  	[spmem:s17] =	stream.linear.scatter [tilespmem:s13], [sflag:$0x9], $0x1540, $0x38;
	[tilespmem:$0x1CDD0] =	vst v63  }
0x61: {  	s26 =	sld [smem:$0x7F5]  }
0x62: {  	[spmem:s25] =	stream.linear.scatter [tilespmem:s13], [sflag:$0x9], $0x1540, $0x38;
	[tilespmem:$0x1CDD0] =	vst v63  }
0x63: {  	_ = 	snop  }
0x64: {  	[spmem:s26] =	stream.linear.scatter [tilespmem:s13], [sflag:$0x9], $0x1540, $0x38;
	[tilespmem:$0x1CDD0] =	vst v63  }
0x65: {  	_ = 	snop  }
0x66: {  	[spmem:s20] =	stream.linear.scatter [tilespmem:s13], [sflag:$0x9], $0x1540, $0x38;
	[tilespmem:$0x1CDD0] =	vst v63  }
0x67: {  	_ = 	snop  }
0x68: {  	[spmem:s9] =	stream.linear.scatter [tilespmem:s13], [sflag:$0xA], $0x1100, $0x38;
	[tilespmem:$0x1CDD0] =	vst v63  }
0x69: {  	_ =	swait.ge [sflag:s14], $0x1540  }
0x6a: {  	[sflag:s14] =	ssyncset.done $0x0  }
0x6b: {  	[sflag:s14] =	ssyncadd.s32 $0xFFFFEAC0  }
0x6c: {  	_ =	swait.ge [sflag:s14], $0x1540  }
0x6d: {  	[sflag:s14] =	ssyncset.done $0x0  }
0x6e: {  	[sflag:s14] =	ssyncadd.s32 $0xFFFFEAC0  }
0x6f: {  	_ =	swait.ge [sflag:s14], $0x1540  }
0x70: {  	[sflag:s14] =	ssyncset.done $0x0  }
0x71: {  	[sflag:s14] =	ssyncadd.s32 $0xFFFFEAC0  }
0x72: {  	_ =	swait.ge [sflag:s14], $0x1540  }
0x73: {  	[sflag:s14] =	ssyncset.done $0x0  }
0x74: {  	[sflag:s14] =	ssyncadd.s32 $0xFFFFEAC0  }
0x75: {  	_ =	swait.ge [sflag:s14], $0x1540  }
0x76: {  	[sflag:s14] =	ssyncset.done $0x0  }
0x77: {  	[sflag:s14] =	ssyncadd.s32 $0xFFFFEAC0  }
0x78: {  	_ =	swait.ge [sflag:s14], $0x1540  }
0x79: {  	[sflag:s14] =	ssyncset.done $0x0  }
0x7a: {  	[sflag:s14] =	ssyncadd.s32 $0xFFFFEAC0  }
0x7b: {  	_ =	swait.ge [sflag:s14], $0x1540  }
0x7c: {  	[sflag:s14] =	ssyncset.done $0x0  }
0x7d: {  	[sflag:s14] =	ssyncadd.s32 $0xFFFFEAC0  }
0x7e: {  	_ =	swait.ge [sflag:s14], $0x1540  }
0x7f: {  	[sflag:s14] =	ssyncset.done $0x0  }
0x80: {  	[sflag:s14] =	ssyncadd.s32 $0xFFFFEAC0  }
0x81: {  	_ =	swait.ge [sflag:s14], $0x1540  }
0x82: {  	[sflag:s14] =	ssyncset.done $0x0  }
0x83: {  	[sflag:s14] =	ssyncadd.s32 $0xFFFFEAC0  }
0x84: {  	_ =	swait.ge [sflag:s14], $0x1540  }
0x85: {  	[sflag:s14] =	ssyncset.done $0x0  }
0x86: {  	[sflag:s14] =	ssyncadd.s32 $0xFFFFEAC0  }
0x87: {  	_ =	swait.ge [sflag:s14], $0x1540  }
0x88: {  	[sflag:s14] =	ssyncset.done $0x0  }
0x89: {  	[sflag:s14] =	ssyncadd.s32 $0xFFFFEAC0  }
0x8a: {  	_ =	swait.ge [sflag:s14], $0x1540  }
0x8b: {  	[sflag:s14] =	ssyncset.done $0x0  }
0x8c: {  	[sflag:s14] =	ssyncadd.s32 $0xFFFFEAC0  }
0x8d: {  	_ =	swait.ge [sflag:s14], $0x1540  }
0x8e: {  	[sflag:s14] =	ssyncset.done $0x0  }
0x8f: {  	[sflag:s14] =	ssyncadd.s32 $0xFFFFEAC0  }
0x90: {  	_ =	swait.ge [sflag:s14], $0x1540  }
0x91: {  	[sflag:s14] =	ssyncset.done $0x0  }
0x92: {  	[sflag:s14] =	ssyncadd.s32 $0xFFFFEAC0  }
0x93: {  	_ =	swait.ge [sflag:s14], $0x1540  }
0x94: {  	[sflag:s14] =	ssyncset.done $0x0  }
0x95: {  	[sflag:s14] =	ssyncadd.s32 $0xFFFFEAC0  }
0x96: {  	_ =	swait.ge [sflag:s15], $0x1100  }
0x97: {  	[sflag:s15] =	ssyncset.done $0x0  }
0x98: {  	s31 =	simm.s32 $0xB;
	[sflag:s15] =	ssyncadd.s32 $0xFFFFEF00  }
0x99: {  	s1 =	simm.s32 $0x14FC0;
	s3 =	simm.s32 $0x0;
	s29 =	rddreg [dreg:$0x2]  }
0x9a: {  	[tilespmem:s1], [sflag:$0xB] =	stream.linear.gather [hbm4b:s29+s3], $0x20, $0x38;
	[tilespmem:$0x1CDD0] =	vst v63  }
0x9b: {  	_ =	swait.ge [sflag:s31], $0x20  }
0x9c: {  	[sflag:s31] =	ssyncset.done $0x0  }
0x9d: {  	[sflag:s31] =	ssyncadd.s32 $0xFFFFFFE0  }
0x9e: {  	[bflag:$0x0] =	sbarrier.arrive $0xFFFF  }
0x9f: {  	v2 =	vld [tilespmem:$0x14FC0]  }
0xa0: {  	s1 =	simm.s32 $0x0;
	v3 =	vld [tilespmem:$0x14FD0]  }
.LBB2_4:
0xa1: {  	p0 =	seq.s32 s1, $0x0  }
0xa2: {  	s0 =	simm.s32 @!p0 $0x9  }
0xa3: {  	_ =	swait.ge @!p0 [sflag:s0], $0x1540  }
0xa4: {  	s26 =	smul.u32 $0x32, s1;
	[sflag:s0] =	ssyncset.done @!p0 $0x0;
	s3 =	sld [smem:$0x7F6]  }
0xa5: {  	[smem:$0x7F2] =	sst s1;
	[sflag:s0] =	ssyncadd.s32 @!p0 $0xFFFFEAC0;
	s0 =	simm.s32 @!p0 $0xA  }
0xa6: {  	_ =	swait.ge @!p0 [sflag:s0], $0x1540  }
0xa7: {  	s1 =	sadd.s32 s3, s26;
	s29 =	sld [smem:$0x7F8]  }
0xa8: {  	s1 =	smul.u32 $0x5, s1  }
0xa9: {  	s9 =	simm.s32 $0x14FE0;
	s12 =	simm.s32 $0x0;
	[sflag:s0] =	ssyncset.done @!p0 $0x0  }
0xaa: {  	s31 =	simm.s32 $0xB;
	[sflag:s0] =	ssyncadd.s32 @!p0 $0xFFFFEAC0;
	s0 =	sadd.s32 s29, s1  }
0xab: {  	[tilespmem:s9], [sflag:$0xB] =	stream.linear.gather [hbm4b:s0+s12], $0x7D0, $0x38;
	[tilespmem:$0x1CDD0] =	vst v63  }
0xac: {  	_ =	swait.ge [sflag:s31], $0x7D0  }
0xad: {  	[sflag:s31] =	ssyncset.done $0x0  }
0xae: {  	[sflag:s31] =	ssyncadd.s32 $0xFFFFF830  }
0xaf: {  	s17 =	rddreg [dreg:$0x3]  }
0xb0: {  	s11 =	simm.s32 $0x157B0;
	s0 =	sadd.s32 s17, s1  }
0xb1: {  	[tilespmem:s11], [sflag:$0xB] =	stream.linear.gather [hbm4b:s0+s12], $0x7D0, $0x38;
	[tilespmem:$0x1CDD0] =	vst v63  }
0xb2: {  	_ =	swait.ge [sflag:s31], $0x7D0  }
0xb3: {  	s20 =	sld [smem:$0x7F9];
	_ =	sdelay $0x1  }
0xb4: {  	[sflag:s31] =	ssyncset.done $0x0  }
0xb5: {  	[sflag:s31] =	ssyncadd.s32 $0xFFFFF830;
	s0 =	sadd.s32 s20, s1  }
0xb6: {  	[tilespmem:s10], [sflag:$0xB] =	stream.linear.gather [hbm4b:s0+s12], $0x7D0, $0x38;
	[tilespmem:$0x1CDD0] =	vst v63  }
0xb7: {  	_ =	swait.ge [sflag:s31], $0x7D0  }
0xb8: {  	[sflag:s31] =	ssyncset.done $0x0  }
0xb9: {  	s22 =	simm.s32 $0x16750;
	[sflag:s31] =	ssyncadd.s32 $0xFFFFF830  }
0xba: {  	[tilespmem:s22], [sflag:$0x1] =	stream.indirect.gather [hbm4b:s16+s24], $0x50, s9, s24, $0xb8;
	[tilespmem:$0x1CDD0] =	vst v63  }
0xbb: {  	s23 =	simm.s32 $0x19950  }
0xbc: {  	[tilespmem:s23], [sflag:$0x5] =	stream.indirect.gather [hbm4b:s18+s24], $0x10, s11, s24, $0xb8;
	[tilespmem:$0x1CDD0] =	vst v63  }
0xbd: {  	s25 =	simm.s32 $0x15008;
	s26 =	simm.s32 $0x173D0  }
0xbe: {  	[tilespmem:s26], [sflag:$0x2] =	stream.indirect.gather [hbm4b:s16+s24], $0x50, s25, s24, $0xb8;
	[tilespmem:$0x1CDD0] =	vst v63  }
0xbf: {  	s29 =	simm.s32 $0x157D8;
	s12 =	simm.s32 $0x0;
	s31 =	simm.s32 $0x19BD0  }
0xc0: {  	[tilespmem:s31], [sflag:$0x6] =	stream.indirect.gather [hbm4b:s18+s24], $0x10, s29, s24, $0xb8;
	[tilespmem:$0x1CDD0] =	vst v63  }
.LBB2_5:
0xc1: {  	s11 =	sshll.u32 s12, $0x2  }
0xc2: {  	s17 =	sor.u32 $0x2, s11  }
0xc3: {  	s0 =	smul.u32 $0x28, s17;
	_ =	sdelay $0x1  }
0xc4: {  	s3 =	simm.s32 $0x18050;
	s9 =	sshllo.u32 s12, $0x2;
	s1 =	sadd.s32 $0x14FE0, s0  }
0xc5: {  	[tilespmem:s3], [sflag:$0x3] =	stream.indirect.gather [hbm4b:s16+s24], $0x50, s1, s24, $0xb8;
	[tilespmem:$0x1CDD0] =	vst v63  }
0xc6: {  	s26 =	simm.s32 $0x19E50;
	s25 =	smul.u32 $0x28, s9;
	s23 =	sadd.s32 $0x157B0, s0  }
0xc7: {  	[tilespmem:s26], [sflag:$0x7] =	stream.indirect.gather [hbm4b:s18+s24], $0x10, s23, s24, $0xb8;
	[tilespmem:$0x1CDD0] =	vst v63  }
0xc8: {  	s31 =	simm.s32 $0x18CD0;
	s29 =	sadd.s32 $0x14FE0, s25  }
0xc9: {  	[tilespmem:s31], [sflag:$0x4] =	stream.indirect.gather [hbm4b:s16+s24], $0x50, s29, s24, $0xb8;
	[tilespmem:$0x1CDD0] =	vst v63  }
0xca: {  	s22 =	sadd.s32 $0x157B0, s25;
	s1 =	simm.s32 $0x1A0D0  }
0xcb: {  	[tilespmem:s1], [sflag:$0x8] =	stream.indirect.gather [hbm4b:s18+s24], $0x10, s22, s24, $0xb8;
	[tilespmem:$0x1CDD0] =	vst v63  }
0xcc: {  	_ =	swait.ge [sflag:s4], $0xC80  }
0xcd: {  	[sflag:s4] =	ssyncset.done $0x0  }
0xce: {  	[sflag:s4] =	ssyncadd.s32 $0xFFFFF380  }
0xcf: {  	_ =	swait.ge [sflag:s5], $0x280  }
0xd0: {  	[sflag:s5] =	ssyncset.done $0x0  }
0xd1: {  	[sflag:s5] =	ssyncadd.s32 $0xFFFFFD80  }
0xd2: {  	_ =	swait.ge [sflag:s6], $0xC80  }
0xd3: {  	v4 =	vmov s11;
	[sflag:s6] =	ssyncset.done $0x0  }
0xd4: {  	v4 =	vmul.u32 $0x28, v4;
	[sflag:s6] =	ssyncadd.s32 $0xFFFFF380  }
0xd5: {  	s3 =	simm.s32 $0x0;
	_ =	swait.ge [sflag:s7], $0x280  }
0xd6: {  	p0 =	seq.s32 s12, $0x0;
	v4 =	vbroadcast v4, $0x0;
	v5 =	vmov s3;
	[sflag:s7] =	ssyncset.done $0x0  }
0xd7: {  	s20 =	simm.s32 $0x3;
	s0 =	simm.s32 @!p0 $0x9;
	v6 =	vand.u32 $0x38, v5;
	[sflag:s7] =	ssyncadd.s32 $0xFFFFFD80  }
0xd8: {  	v8 =	vmov s20;
	v7 =	vand.u32 $0x4, v5;
	v6 =	vadd.s32 v4, v6;
	_ =	swait.ge @!p0 [sflag:s0], $0x1540  }
0xd9: {  	s25 =	simm.s32 $0x1;
	v6 =	vor.u32 v7, v6;
	v7 =	vand.u32 $0x38, v8;
	[sflag:s0] =	ssyncset.done @!p0 $0x0  }
0xda: {  	v10 =	vand.u32 $0x7, v8;
	v9 =	vmov s25;
	v7 =	vadd.s32 v4, v7;
	[sflag:s0] =	ssyncadd.s32 @!p0 $0xFFFFEAC0;
	s0 =	simm.s32 @!p0 $0xA  }
0xdb: {  	v11 =	vand.u32 $0x38, v9;
	v7 =	vor.u32 v10, v7;
	_ =	swait.ge @!p0 [sflag:s0], $0x1540  }
0xdc: {  	v11 =	vadd.s32 v4, v11;
	s26 =	simm.s32 $0x2;
	v10 =	vand.u32 $0x5, v9;
	[sflag:s0] =	ssyncset.done @!p0 $0x0  }
0xdd: {  	v12 =	vmov s26;
	v10 =	vor.u32 v10, v11;
	[sflag:s0] =	ssyncadd.s32 @!p0 $0xFFFFEAC0  }
0xde: {  	v11 =	vand.u32 $0x38, v12;
	s0 =	simm.s32 $0x167F0;
	v6 =	vld.idx.msk [tilespmem:v6+s10+$0x0], $0xffff  }
0xdf: {  	v13 =	vand.u32 $0x6, v12;
	v11 =	vadd.s32 v4, v11;
	v14 =	vld [tilespmem:s0+$0x90]  }
0xe0: {  	s29 =	simm.s32 $0x19970;
	v11 =	vor.u32 v13, v11;
	v7 =	vld.idx.msk [tilespmem:v7+s10+$0x0], $0xffff  }
0xe1: {  	v13 =	vld [tilespmem:s29+$0x10]  }
0xe2: {  	v10 =	vld.idx.msk [tilespmem:v10+s10+$0x0], $0xffff  }
0xe3: {  	v15 =	vld [tilespmem:s0+$0xFFFFFFA0]  }
0xe4: {  	v16 =	vld [tilespmem:s29+$0xFFFFFFE0]  }
0xe5: {  	v11 =	vld.idx.msk [tilespmem:v11+s10+$0x0], $0xffff  }
0xe6: {  	v17 =	vld [tilespmem:s0+$0xFFFFFFF0];
	v13 =	vadd.f32 v13, v14;
	v7 =	vmul.f32 v7, v2  }
0xe7: {  	v18 =	vld [tilespmem:s0+$0x40]  }
0xe8: {  	v14 =	vld [tilespmem:s29+$0xFFFFFFF0];
	v7 =	vadd.f32 v13, v7  }
0xe9: {  	v13 =	vld [tilespmem:s29+$0x0]  }
0xea: {  	v6 =	vmul.f32 v6, v2;
	v15 =	vadd.f32 v16, v15;
	v16 =	vmul.f32 $2.000000030e-01, v7  }
0xeb: {  	vm0 =	vgt.f32 v7, $0.0e+00  }
0xec: {  	v6 =	vadd.f32 v15, v6;
	v7 =	vsel vm0, v7, v16  }
0xed: {  	v10 =	vmul.f32 v10, v2;
	v14 =	vadd.f32 v14, v17;
	v7 =	vsub.f32 v7, v3  }
0xee: {  	v11 =	vmul.f32 v11, v2;
	v15 =	vmul.f32 $2.000000030e-01, v6;
	v13 =	vadd.f32 v13, v18  }
0xef: {  	vm10 =	vgt.f32 v6, $0.0e+00;
	v10 =	vadd.f32 v14, v10;
	v7 =	vmul.f32 $1.442695020e+00, v7  }
0xf0: {  	v6 =	vsel vm10, v6, v15;
	v11 =	vadd.f32 v13, v11  }
0xf1: {  	v6 =	vsub.f32 v6, v3;
	v13 =	vmul.f32 $2.000000030e-01, v10;
	(erf) = vpow2.f32 v7  }
0xf2: {  	vm11 =	vgt.f32 v10, $0.0e+00;
	v7 =	vmul.f32 $2.000000030e-01, v11  }
0xf3: {  	v6 =	vmul.f32 $1.442695020e+00, v6;
	v10 =	vsel vm11, v10, v13;
	vm12 =	vgt.f32 v11, $0.0e+00  }
0xf4: {  	v8 =	vmul.u32 $0x88, v8;
	v10 =	vsub.f32 v10, v3;
	v7 =	vsel vm12, v11, v7  }
0xf5: {  	(erf) = vpow2.f32 v6;
	v6 =	vsub.f32 v7, v3  }
0xf6: {  	v8 =	vadd.s32 v1, v8;
	v7 =	vmul.f32 $1.442695020e+00, v10  }
0xf7: {  	v6 =	vmul.f32 $1.442695020e+00, v6  }
0xf8: {  	v5 =	vmul.u32 $0x88, v5;
	(erf) = vpow2.f32 v7  }
0xf9: {  	(erf) = vpow2.f32 v6  }
0xfa: {  	v5 =	vadd.s32 v1, v5;
	v11 =	vpop (erf)  }
0xfb: {  	s3 =	simm.s32 $0x5;
	v6 =	vmul.u32 $0x88, v9;
	[tilespmem:v8+s13+$0x0] =	vst.idx.msk $0xff, v11  }
0xfc: {  	s31 =	simm.s32 $0x4;
	v13 =	vmov s3;
	v7 =	vmul.u32 $0x88, v12;
	v8 =	vld [tilespmem:s0+$0x50]  }
0xfd: {  	v17 =	vand.u32 $0x5, v13;
	v10 =	vmov s31;
	v6 =	vadd.s32 v1, v6  }
0xfe: {  	v14 =	vand.u32 $0x38, v10;
	v7 =	vadd.s32 v1, v7;
	v9 =	vpop (erf);
	v18 =	vbroadcast v11, $0x0  }
0xff: {  	v15 =	vand.u32 $0x4, v10;
	v22 =	vbroadcast v11, $0x4;
	v34 =	vbroadcast v11, $0x6;
	[tilespmem:v5+s13+$0x0] =	vst.idx.msk $0xff, v9  }
0x100: {  	v5 =	vadd.s32 v4, v14;
	v14 =	vbroadcast v11, $0x3;
	v19 =	vbroadcast v9, $0x0;
	v16 =	vld [tilespmem:s0+$0xFFFFFF60]  }
0x101: {  	v23 =	vbroadcast v9, $0x4;
	v56 =	vbroadcast v9, $0x3;
	v20 =	vpop (erf);
	v21 =	vshll.u32 v8, $0x10  }
0x102: {  	s20 =	simm.s32 $0x6;
	[tilespmem:v6+s13+$0x0] =	vst.idx.msk $0xff, v20;
	v31 =	vbroadcast v20, $0x5;
	v24 =	vpop (erf);
	v6 =	vand.u32 $0xFFFF0000, v8;
	v8 =	vmul.f32 v21, v18  }
0x103: {  	v12 =	vmov s20;
	s20 =	simm.s32 $0x1A460;
	v25 =	vld [tilespmem:s0+$0xFFFFFFB0];
	v21 =	vbroadcast v9, $0x1;
	[tilespmem:v7+s13+$0x0] =	vst.idx.msk $0xff, v24;
	v6 =	vmul.f32 v6, v22  }
0x104: {  	v28 =	vand.u32 $0x38, v12;
	v7 =	vbroadcast v9, $0x5;
	v22 =	vbroadcast v9, $0x2;
	[tilespmem:s20+$0x88] =	vst v8  }
0x105: {  	v26 =	vshll.u32 v16, $0x10;
	v16 =	vand.u32 $0xFFFF0000, v16;
	v29 =	vbroadcast v24, $0x0;
	v27 =	vld [tilespmem:s0+$0x0];
	[tilespmem:s20+$0xC8] =	vst v6  }
0x106: {  	v5 =	vor.u32 v15, v5;
	v19 =	vmul.f32 v26, v19;
	v16 =	vmul.f32 v16, v23;
	v23 =	vld [tilespmem:s0+$0x60]  }
0x107: {  	v18 =	vand.u32 $0x6, v12;
	v30 =	vbroadcast v24, $0x4;
	v8 =	vbroadcast v20, $0x0  }
0x108: {  	v33 =	vbroadcast v24, $0x6;
	v26 =	vbroadcast v20, $0x4;
	[tilespmem:s20+$0xFFFFFEF0] =	vst v19;
	v15 =	vshll.u32 v25, $0x10  }
0x109: {  	v6 =	vand.u32 $0x38, v13;
	[tilespmem:s20+$0xFFFFFF30] =	vst v16;
	v19 =	vand.u32 $0xFFFF0000, v25;
	v8 =	vmul.f32 v15, v8  }
0x10a: {  	v15 =	vld [tilespmem:s0+$0xFFFFFF70];
	v19 =	vmul.f32 v19, v26;
	v26 =	vbroadcast v11, $0x1;
	v25 =	vshll.u32 v27, $0x10  }
0x10b: {  	v25 =	vmul.f32 v25, v29;
	[tilespmem:s20+$0xFFFFFF78] =	vst v8;
	v29 =	vbroadcast v11, $0x5;
	v8 =	vshll.u32 v23, $0x10  }
0x10c: {  	v6 =	vadd.s32 v4, v6;
	[tilespmem:s20+$0xFFFFFFB8] =	vst v19;
	v19 =	vand.u32 $0xFFFF0000, v23;
	v8 =	vmul.f32 v8, v26  }
0x10d: {  	s1 =	simm.s32 $0x16930;
	v6 =	vor.u32 v17, v6;
	v23 =	vand.u32 $0xFFFF0000, v27;
	[tilespmem:s20+$0x0] =	vst v25;
	v19 =	vmul.f32 v19, v29  }
0x10e: {  	s25 =	simm.s32 $0x7;
	v36 =	vld [tilespmem:s1+$0x90];
	v16 =	vbroadcast v20, $0x1;
	v26 =	vadd.s32 v4, v28;
	v17 =	vmul.f32 v23, v30;
	[tilespmem:s20+$0x98] =	vst v8  }
0x10f: {  	v25 =	vmov s25;
	v28 =	vld.idx.msk [tilespmem:v5+s10+$0x0], $0xffff;
	v23 =	vshll.u32 v15, $0x10;
	v15 =	vand.u32 $0xFFFF0000, v15;
	[tilespmem:s20+$0xD8] =	vst v19  }
0x110: {  	v18 =	vor.u32 v18, v26;
	[tilespmem:s20+$0x40] =	vst v17;
	v7 =	vmul.f32 v15, v7;
	v15 =	vand.u32 $0x38, v25;
	v17 =	vld [tilespmem:s0+$0x70]  }
0x111: {  	v26 =	vand.u32 $0x7, v25;
	v8 =	vld [tilespmem:s0+$0xFFFFFFC0];
	v21 =	vmul.f32 v23, v21;
	v15 =	vadd.s32 v4, v15  }
0x112: {  	v27 =	vbroadcast v20, $0x2;
	v30 =	vbroadcast v9, $0x6;
	v32 =	vld.idx.msk [tilespmem:v6+s10+$0x0], $0xffff;
	v5 =	vor.u32 v26, v15  }
0x113: {  	v6 =	vbroadcast v11, $0x2;
	s25 =	simm.s32 $0x199B0;
	v11 =	vbroadcast v11, $0x7;
	v23 =	vld [tilespmem:s0+$0x10];
	[tilespmem:s20+$0xFFFFFF00] =	vst v21  }
0x114: {  	v55 =	vld [tilespmem:s25+$0xFFFFFFE0];
	v19 =	vbroadcast v24, $0x1;
	v21 =	vbroadcast v24, $0x5;
	[tilespmem:s20+$0xFFFFFF40] =	vst v7  }
0x115: {  	v15 =	vbroadcast v20, $0x6;
	v26 =	vbroadcast v24, $0x2;
	v29 =	vld [tilespmem:s0+$0xFFFFFF80];
	v7 =	vshll.u32 v17, $0x10  }
0x116: {  	v18 =	vld.idx.msk [tilespmem:v18+s10+$0x0], $0xffff;
	v35 =	vshll.u32 v8, $0x10;
	v17 =	vand.u32 $0xFFFF0000, v17;
	v6 =	vmul.f32 v7, v6  }
0x117: {  	v16 =	vmul.f32 v35, v16;
	v7 =	vand.u32 $0xFFFF0000, v8;
	v8 =	vld.idx.msk [tilespmem:v5+s10+$0x0], $0xffff;
	v5 =	vmul.f32 v17, v34  }
0x118: {  	v17 =	vmul.f32 v7, v31;
	v7 =	vshll.u32 v23, $0x10;
	v23 =	vand.u32 $0xFFFF0000, v23;
	v31 =	vld [tilespmem:s25+$0x10];
	[tilespmem:s20+$0xA8] =	vst v6  }
0x119: {  	v19 =	vmul.f32 v7, v19;
	v21 =	vmul.f32 v23, v21;
	v23 =	vld [tilespmem:s1+$0xFFFFFFA0];
	[tilespmem:s20+$0xE8] =	vst v5  }
0x11a: {  	v7 =	vbroadcast v20, $0x3;
	v6 =	vbroadcast v20, $0x7;
	v20 =	vld [tilespmem:s0+$0x80]  }
0x11b: {  	v38 =	vld [tilespmem:s1+$0x40];
	v28 =	vmul.f32 v28, v2;
	v54 =	vshll.u32 v29, $0x10;
	[tilespmem:s20+$0xFFFFFF88] =	vst v16;
	v16 =	vmul.f32 v32, v2  }
0x11c: {  	v37 =	vld [tilespmem:s25+$0xFFFFFFF0];
	v29 =	vand.u32 $0xFFFF0000, v29;
	v5 =	vbroadcast v24, $0x3;
	v22 =	vmul.f32 v54, v22  }
0x11d: {  	v29 =	vmul.f32 v29, v30;
	v30 =	vld [tilespmem:s1+$0xFFFFFFF0];
	v57 =	vmul.f32 v8, v2;
	v31 =	vadd.f32 v31, v36  }
0x11e: {  	v10 =	vmul.u32 $0x88, v10;
	v39 =	vld [tilespmem:s25+$0x0];
	v18 =	vmul.f32 v18, v2;
	v8 =	vbroadcast v24, $0x7  }
0x11f: {  	v23 =	vadd.f32 v55, v23;
	v31 =	vadd.f32 v31, v57;
	v58 =	vshll.u32 v20, $0x10  }
0x120: {  	v24 =	vbroadcast v9, $0x7;
	v20 =	vand.u32 $0xFFFF0000, v20;
	v59 =	vmul.f32 v58, v14  }
0x121: {  	s26 =	simm.s32 $0x8;
	v60 =	vmul.f32 v20, v11;
	v14 =	vadd.f32 v23, v28;
	v11 =	vmul.f32 $2.000000030e-01, v31  }
0x122: {  	v9 =	vmov s26;
	v20 =	vadd.f32 v37, v30;
	vm13 =	vgt.f32 v31, $0.0e+00  }
0x123: {  	[tilespmem:s20+$0xFFFFFFC8] =	vst v17;
	v23 =	vadd.f32 v39, v38;
	v17 =	vmul.f32 $2.000000030e-01, v14;
	v11 =	vsel vm13, v31, v11  }
0x124: {  	[tilespmem:s20+$0x10] =	vst v19;
	v19 =	vld [tilespmem:s0+$0xFFFFFFD0];
	vm14 =	vgt.f32 v14, $0.0e+00;
	v16 =	vadd.f32 v20, v16;
	v11 =	vsub.f32 v11, v3  }
0x125: {  	v20 =	vand.u32 $0x38, v9;
	v14 =	vsel vm14, v14, v17;
	v17 =	vadd.f32 v23, v18  }
0x126: {  	[tilespmem:s20+$0x50] =	vst v21;
	v21 =	vmul.f32 $2.000000030e-01, v16;
	v14 =	vsub.f32 v14, v3;
	v11 =	vmul.f32 $1.442695020e+00, v11  }
0x127: {  	[tilespmem:s20+$0xFFFFFF10] =	vst v22;
	v18 =	vld [tilespmem:s0+$0x20];
	vm15 =	vgt.f32 v16, $0.0e+00;
	vm1 =	vgt.f32 v17, $0.0e+00;
	v22 =	vmul.f32 $2.000000030e-01, v17  }
0x128: {  	(erf) = vpow2.f32 v11;
	v11 =	vmul.f32 $1.442695020e+00, v14;
	v14 =	vsel vm15, v16, v21  }
0x129: {  	[tilespmem:s20+$0xFFFFFF50] =	vst v29;
	v21 =	vshll.u32 v19, $0x10;
	v17 =	vsel vm1, v17, v22;
	v19 =	vand.u32 $0xFFFF0000, v19  }
0x12a: {  	v16 =	vld [tilespmem:s0+$0xFFFFFF90];
	v22 =	vmul.u32 $0x88, v25;
	v14 =	vsub.f32 v14, v3;
	v21 =	vmul.f32 v21, v27  }
0x12b: {  	v17 =	vsub.f32 v17, v3;
	v15 =	vmul.f32 v19, v15;
	(erf) = vpow2.f32 v11  }
0x12c: {  	v11 =	vshll.u32 v18, $0x10;
	v18 =	vand.u32 $0xFFFF0000, v18;
	v14 =	vmul.f32 $1.442695020e+00, v14  }
0x12d: {  	v22 =	vadd.s32 v1, v22;
	v17 =	vmul.f32 $1.442695020e+00, v17;
	v11 =	vmul.f32 v11, v26  }
0x12e: {  	v19 =	vmul.u32 $0x88, v12;
	[tilespmem:s20+$0xFFFFFFD8] =	vst v15;
	v15 =	vmul.f32 v18, v33;
	(erf) = vpow2.f32 v14  }
0x12f: {  	[tilespmem:s20+$0xFFFFFF98] =	vst v21;
	v21 =	vand.u32 $0x4, v9;
	v14 =	vshll.u32 v16, $0x10;
	(erf) = vpow2.f32 v17  }
0x130: {  	s29 =	simm.s32 $0x9;
	v18 =	vld [tilespmem:s0+$0xFFFFFFE0];
	[tilespmem:s20+$0x20] =	vst v11;
	v17 =	vadd.s32 v1, v10;
	v26 =	vmul.f32 v14, v56;
	v14 =	vmul.u32 $0x88, v13  }
0x131: {  	s26 =	simm.s32 $0xA;
	v30 =	vadd.s32 v1, v19;
	v16 =	vand.u32 $0xFFFF0000, v16;
	v11 =	vmov s29;
	[tilespmem:s20+$0x60] =	vst v15;
	v13 =	vpop (erf)  }
0x132: {  	v15 =	vadd.s32 v4, v20;
	v16 =	vmul.f32 v16, v24;
	v10 =	vmov s26;
	[tilespmem:v22+s13+$0x0] =	vst.idx.msk $0xff, v13  }
0x133: {  	v29 =	vand.u32 $0x5, v11;
	v28 =	vand.u32 $0x38, v11;
	v22 =	vadd.s32 v1, v14;
	v27 =	vld [tilespmem:s1+$0x50]  }
0x134: {  	v61 =	vand.u32 $0x6, v10;
	v62 =	vand.u32 $0x38, v10;
	v54 =	vadd.s32 v4, v28;
	[tilespmem:s20+$0xFFFFFF20] =	vst v26;
	v14 =	vpop (erf)  }
0x135: {  	v23 =	vld [tilespmem:s0+$0x30];
	v26 =	vadd.s32 v4, v62;
	v33 =	vor.u32 v29, v54;
	v19 =	vshll.u32 v18, $0x10;
	[tilespmem:v17+s13+$0x0] =	vst.idx.msk $0xff, v14  }
0x136: {  	s31 =	simm.s32 $0xB;
	v18 =	vand.u32 $0xFFFF0000, v18;
	v35 =	vor.u32 v61, v26;
	v12 =	vbroadcast v13, $0x3;
	v31 =	vld [tilespmem:s1+$0xFFFFFF60]  }
0x137: {  	[tilespmem:s20+$0xB8] =	vst v59;
	v26 =	vmov s31;
	v50 =	vbroadcast v13, $0x0;
	v42 =	vbroadcast v13, $0x4;
	v24 =	vpop (erf)  }
0x138: {  	v59 =	vbroadcast v13, $0x5;
	v17 =	vbroadcast v14, $0x0;
	[tilespmem:v22+s13+$0x0] =	vst.idx.msk $0xff, v24;
	v22 =	vpop (erf);
	v41 =	vshll.u32 v27, $0x10  }
0x139: {  	v63 =	vbroadcast v14, $0x4;
	v43 =	vld [tilespmem:s1+$0xFFFFFFB0];
	[tilespmem:v30+s13+$0x0] =	vst.idx.msk $0xff, v22;
	v27 =	vand.u32 $0xFFFF0000, v27;
	v30 =	vmul.f32 v41, v50  }
0x13a: {  	s0 =	simm.s32 $0x1A680;
	v20 =	vshll.u32 v23, $0x10;
	v48 =	vbroadcast v14, $0x1;
	v51 =	vld [tilespmem:s1+$0x0];
	v27 =	vmul.f32 v27, v42  }
0x13b: {  	v49 =	vbroadcast v14, $0x5;
	v25 =	vbroadcast v14, $0x2;
	v53 =	vshll.u32 v31, $0x10;
	[tilespmem:s0+$0x88] =	vst v30  }
0x13c: {  	v40 =	vbroadcast v24, $0x0;
	v30 =	vand.u32 $0xFFFF0000, v31;
	v17 =	vmul.f32 v53, v17;
	[tilespmem:s0+$0xC8] =	vst v27  }
0x13d: {  	[tilespmem:s20+$0xF8] =	vst v60;
	v44 =	vbroadcast v24, $0x4;
	v31 =	vor.u32 v21, v15;
	v21 =	vmul.f32 v30, v63;
	v55 =	vld [tilespmem:s1+$0x60]  }
0x13e: {  	v52 =	vbroadcast v22, $0x0;
	v15 =	vbroadcast v22, $0x4;
	[tilespmem:s0+$0xFFFFFEF0] =	vst v17;
	v17 =	vshll.u32 v43, $0x10  }
0x13f: {  	v56 =	vand.u32 $0xFFFF0000, v43;
	[tilespmem:s0+$0xFFFFFF30] =	vst v21;
	v17 =	vmul.f32 v17, v40;
	v21 =	vshll.u32 v51, $0x10  }
0x140: {  	[tilespmem:s20+$0xFFFFFF60] =	vst v16;
	v36 =	vand.u32 $0xFFFF0000, v51;
	v58 =	vmul.f32 v56, v44;
	v57 =	vld [tilespmem:s1+$0xFFFFFF70];
	v39 =	vmul.f32 v21, v52  }
0x141: {  	v23 =	vand.u32 $0xFFFF0000, v23;
	[tilespmem:s0+$0xFFFFFF78] =	vst v17;
	v17 =	vmul.f32 v36, v15;
	v15 =	vbroadcast v13, $0x1  }
0x142: {  	v28 =	vbroadcast v22, $0x1;
	v32 =	vbroadcast v22, $0x5;
	[tilespmem:s0+$0xFFFFFFB8] =	vst v58;
	v29 =	vshll.u32 v55, $0x10  }
0x143: {  	v27 =	vbroadcast v24, $0x5;
	v36 =	vld [tilespmem:s1+$0xFFFFFFC0];
	v16 =	vand.u32 $0xFFFF0000, v55;
	[tilespmem:s0+$0x0] =	vst v39;
	v29 =	vmul.f32 v29, v15  }
0x144: {  	v30 =	vbroadcast v24, $0x1;
	v63 =	vand.u32 $0x38, v26;
	v60 =	vmul.f32 v16, v59;
	[tilespmem:s0+$0x40] =	vst v17  }
0x145: {  	v41 =	vadd.s32 v4, v63;
	v21 =	vbroadcast v24, $0x2;
	v38 =	vld [tilespmem:s1+$0x10];
	v17 =	vshll.u32 v57, $0x10;
	[tilespmem:s0+$0x98] =	vst v29  }
0x146: {  	v15 =	vbroadcast v24, $0x6;
	v61 =	vand.u32 $0xFFFF0000, v57;
	[tilespmem:s0+$0xD8] =	vst v60;
	v62 =	vmul.f32 v17, v48  }
0x147: {  	v40 =	vand.u32 $0x7, v26;
	v16 =	vbroadcast v22, $0x2;
	v37 =	vmul.f32 v61, v49;
	v34 =	vld [tilespmem:s1+$0x70]  }
0x148: {  	s3 =	simm.s32 $0x16930;
	s26 =	simm.s32 $0xC;
	v29 =	vbroadcast v14, $0x6;
	v17 =	vbroadcast v22, $0x6;
	v39 =	vshll.u32 v36, $0x10;
	[tilespmem:s0+$0xFFFFFF00] =	vst v62  }
.LBB2_6:
0x149: {  	p0 =	slt.u32 s26, $0x24;
	v31 =	vld.idx.msk [tilespmem:v31+s10+$0x0], $0xffff;
	v40 =	vor.u32 v40, v41;
	[tilespmem:s0+$0xFFFFFF40] =	vst v37;
	v36 =	vand.u32 $0xFFFF0000, v36;
	v30 =	vmul.f32 v39, v30  }
0x14a: {  	v37 =	vld [tilespmem:s1+$0xFFFFFF80];
	v27 =	vmul.f32 v36, v27;
	v36 =	vshll.u32 v38, $0x10;
	v38 =	vand.u32 $0xFFFF0000, v38  }
0x14b: {  	v33 =	vld.idx.msk [tilespmem:v33+s10+$0x0], $0xffff;
	[tilespmem:s0+$0xFFFFFF88] =	vst v30;
	v28 =	vmul.f32 v36, v28;
	v30 =	vbroadcast v13, $0x2  }
0x14c: {  	s1 =	sadd.s32 $0x140, s1;
	v36 =	vbroadcast v13, $0x6;
	v35 =	vld.idx.msk [tilespmem:v35+s10+$0x0], $0xffff;
	[tilespmem:s0+$0xFFFFFFC8] =	vst v27;
	v27 =	vmul.f32 v38, v32;
	v32 =	vshll.u32 v34, $0x10  }
0x14d: {  	v39 =	vbroadcast v24, $0x3;
	v38 =	vld [tilespmem:s1+$0x90];
	[tilespmem:s0+$0x10] =	vst v28;
	v28 =	vand.u32 $0xFFFF0000, v34;
	v30 =	vmul.f32 v32, v30  }
0x14e: {  	v24 =	vbroadcast v24, $0x7;
	s25 =	sadd.s32 $0x40, s25;
	v32 =	vld.idx.msk [tilespmem:v40+s10+$0x0], $0xffff;
	[tilespmem:s0+$0x50] =	vst v27;
	v27 =	vmul.f32 v28, v36  }
0x14f: {  	v28 =	vld [tilespmem:s25+$0x10];
	v34 =	vshll.u32 v37, $0x10;
	v36 =	vand.u32 $0xFFFF0000, v37;
	v37 =	vbroadcast v22, $0x3;
	[tilespmem:s0+$0xA8] =	vst v30  }
0x150: {  	v30 =	vld [tilespmem:s1+$0xFFFFFFA0];
	v25 =	vmul.f32 v34, v25;
	v29 =	vmul.f32 v36, v29;
	[tilespmem:s0+$0xE8] =	vst v27  }
0x151: {  	v22 =	vbroadcast v22, $0x7;
	v34 =	vbroadcast v14, $0x3;
	v27 =	vld [tilespmem:s3+$0x80]  }
0x152: {  	v19 =	vmul.f32 v19, v7;
	v7 =	vmov v39;
	v14 =	vbroadcast v14, $0x7;
	v36 =	vld [tilespmem:s25+$0xFFFFFFE0];
	[tilespmem:s0+$0xFFFFFF10] =	vst v25  }
0x153: {  	v18 =	vmul.f32 v18, v6;
	v20 =	vmul.f32 v20, v5;
	v6 =	vmovc v24;
	v5 =	vmovc v37;
	v25 =	vmov s26;
	v39 =	vld [tilespmem:s1+$0xFFFFFFF0];
	[tilespmem:s0+$0xFFFFFF50] =	vst v29  }
0x154: {  	v29 =	vmul.f32 v32, v2;
	v24 =	vld [tilespmem:s25+$0xFFFFFFF0];
	v28 =	vadd.f32 v28, v38;
	[tilespmem:s20+$0xFFFFFFA8] =	vst v19;
	v19 =	vmul.f32 v23, v8  }
0x155: {  	v13 =	vbroadcast v13, $0x7;
	v23 =	vmul.f32 v31, v2;
	v31 =	vmul.u32 $0x88, v9;
	v8 =	vmovc v22;
	v9 =	vmovc v25;
	v32 =	vld [tilespmem:s1+$0x40];
	[tilespmem:s20+$0xFFFFFFE8] =	vst v18  }
0x156: {  	v18 =	vld [tilespmem:s25+$0x0];
	v22 =	vadd.f32 v28, v29;
	v25 =	vshll.u32 v27, $0x10;
	v27 =	vand.u32 $0xFFFF0000, v27;
	[tilespmem:s20+$0x30] =	vst v20  }
0x157: {  	v20 =	vadd.f32 v36, v30;
	v28 =	vld [tilespmem:s3+$0xFFFFFFD0];
	v12 =	vmul.f32 v25, v12;
	v13 =	vmul.f32 v27, v13;
	[tilespmem:s20+$0x70] =	vst v19;
	s20 =	smov.u32 s0  }
0x158: {  	v19 =	vand.u32 $0x38, v9;
	v27 =	vand.u32 $0x4, v9;
	v25 =	vmul.f32 $2.000000030e-01, v22;
	v29 =	vld [tilespmem:s3+$0x20]  }
0x159: {  	vm0 =	vgt.f32 v22, $0.0e+00;
	v20 =	vadd.f32 v20, v23;
	v23 =	vadd.f32 v24, v39;
	v24 =	vld [tilespmem:s3+$0xFFFFFF90];
	[tilespmem:s0+$0xF8] =	vst v13  }
0x15a: {  	v30 =	vmul.f32 v35, v2;
	v13 =	vmul.f32 v33, v2;
	v22 =	vsel vm0, v22, v25;
	[tilespmem:s0+$0xB8] =	vst v12  }
0x15b: {  	v12 =	vmul.f32 $2.000000030e-01, v20;
	v18 =	vadd.f32 v18, v32;
	v22 =	vsub.f32 v22, v3  }
0x15c: {  	vm0 =	vgt.f32 v20, $0.0e+00;
	v13 =	vadd.f32 v23, v13;
	v23 =	vshll.u32 v28, $0x10  }
0x15d: {  	v12 =	vsel vm0, v20, v12;
	v18 =	vadd.f32 v18, v30;
	v20 =	vmul.f32 $1.442695020e+00, v22  }
0x15e: {  	vm0 =	vgt.f32 v13, $0.0e+00;
	v22 =	vmul.f32 $2.000000030e-01, v13;
	v12 =	vsub.f32 v12, v3  }
0x15f: {  	vm1 =	vgt.f32 v18, $0.0e+00;
	v25 =	vmul.f32 $2.000000030e-01, v18;
	(erf) = vpow2.f32 v20  }
0x160: {  	v13 =	vsel vm0, v13, v22;
	v20 =	vand.u32 $0xFFFF0000, v28;
	v12 =	vmul.f32 $1.442695020e+00, v12  }
0x161: {  	v22 =	vshll.u32 v29, $0x10;
	v13 =	vsub.f32 v13, v3;
	v18 =	vsel vm1, v18, v25  }
0x162: {  	v25 =	vmul.u32 $0x88, v26;
	v18 =	vsub.f32 v18, v3;
	(erf) = vpow2.f32 v12  }
0x163: {  	v12 =	vmul.f32 $1.442695020e+00, v13;
	v13 =	vmul.f32 v23, v21;
	v21 =	vand.u32 $0xFFFF0000, v29  }
0x164: {  	v15 =	vmul.f32 v20, v15;
	v23 =	vadd.s32 v1, v25;
	v18 =	vmul.f32 $1.442695020e+00, v18  }
0x165: {  	v22 =	vmul.f32 v22, v16;
	(erf) = vpow2.f32 v12;
	v12 =	vshll.u32 v24, $0x10;
	[tilespmem:s0+$0xFFFFFF98] =	vst v13  }
0x166: {  	v16 =	vand.u32 $0xFFFF0000, v24;
	(erf) = vpow2.f32 v18;
	[tilespmem:s0+$0xFFFFFFD8] =	vst v15;
	v15 =	vmul.f32 v21, v17  }
0x167: {  	s29 =	sadd.s32 $0x1, s26;
	s31 =	sadd.s32 $0x2, s26;
	v16 =	vmul.f32 v16, v14;
	v17 =	vadd.s32 v1, v31;
	v18 =	vmul.f32 v12, v34;
	v20 =	vld [tilespmem:s3+$0xFFFFFFE0];
	[tilespmem:s0+$0x20] =	vst v22  }
0x168: {  	v14 =	vmov s31;
	v21 =	vmul.u32 $0x88, v11;
	v11 =	vmov s29;
	v13 =	vpop (erf);
	[tilespmem:s0+$0x60] =	vst v15  }
0x169: {  	v15 =	vadd.s32 v4, v19;
	v19 =	vmul.u32 $0x88, v10;
	v10 =	vmovc v14;
	[tilespmem:v23+s13+$0x0] =	vst.idx.msk $0xff, v13;
	v12 =	vbroadcast v13, $0x3;
	v23 =	vld [tilespmem:s3+$0x30];
	s3 =	smov.u32 s1  }
0x16a: {  	v26 =	vand.u32 $0x5, v11;
	v21 =	vadd.s32 v1, v21;
	v29 =	vand.u32 $0x6, v10;
	v28 =	vld [tilespmem:s1+$0x50];
	[tilespmem:s0+$0xFFFFFF20] =	vst v18  }
0x16b: {  	v30 =	vand.u32 $0x38, v11;
	v32 =	vand.u32 $0x38, v10;
	v31 =	vadd.s32 v1, v19;
	v14 =	vpop (erf);
	[tilespmem:s0+$0xFFFFFF60] =	vst v16  }
0x16c: {  	[tilespmem:v17+s13+$0x0] =	vst.idx.msk $0xff, v14;
	v16 =	vbroadcast v14, $0x0;
	v17 =	vbroadcast v14, $0x4;
	v19 =	vshll.u32 v20, $0x10  }
0x16d: {  	v34 =	vbroadcast v14, $0x1;
	v37 =	vbroadcast v14, $0x5;
	v18 =	vand.u32 $0xFFFF0000, v20;
	v33 =	vld [tilespmem:s1+$0xFFFFFF60]  }
0x16e: {  	v35 =	vbroadcast v13, $0x0;
	v25 =	vbroadcast v14, $0x2;
	v24 =	vpop (erf);
	v20 =	vshll.u32 v23, $0x10  }
0x16f: {  	v38 =	vbroadcast v13, $0x4;
	[tilespmem:v21+s13+$0x0] =	vst.idx.msk $0xff, v24;
	v21 =	vbroadcast v24, $0x0;
	v36 =	vshll.u32 v28, $0x10;
	v22 =	vpop (erf)  }
0x170: {  	v40 =	vbroadcast v24, $0x4;
	v28 =	vand.u32 $0xFFFF0000, v28;
	v39 =	vld [tilespmem:s1+$0xFFFFFFB0];
	[tilespmem:v31+s13+$0x0] =	vst.idx.msk $0xff, v22;
	v31 =	vmul.f32 v36, v35  }
0x171: {  	s0 =	sadd.s32 $0x220, s0;
	v23 =	vand.u32 $0xFFFF0000, v23;
	v36 =	vbroadcast v22, $0x0;
	v28 =	vmul.f32 v28, v38;
	v35 =	vld [tilespmem:s1+$0x0]  }
0x172: {  	v41 =	vbroadcast v22, $0x4;
	v38 =	vshll.u32 v33, $0x10;
	v33 =	vand.u32 $0xFFFF0000, v33;
	[tilespmem:s0+$0x88] =	vst v31  }
0x173: {  	v31 =	vor.u32 v27, v15;
	v15 =	vmul.f32 v38, v16;
	v16 =	vmul.f32 v33, v17;
	[tilespmem:s0+$0xC8] =	vst v28  }
0x174: {  	v27 =	vbroadcast v24, $0x5;
	v17 =	vadd.s32 v4, v30;
	v30 =	vbroadcast v24, $0x1;
	v38 =	vld [tilespmem:s1+$0x60]  }
0x175: {  	v28 =	vbroadcast v22, $0x1;
	[tilespmem:s0+$0xFFFFFEF0] =	vst v15;
	v15 =	vshll.u32 v39, $0x10;
	v33 =	vand.u32 $0xFFFF0000, v39  }
0x176: {  	[tilespmem:s0+$0xFFFFFF30] =	vst v16;
	v15 =	vmul.f32 v15, v21;
	v16 =	vshll.u32 v35, $0x10;
	v21 =	vand.u32 $0xFFFF0000, v35  }
0x177: {  	v35 =	vadd.s32 v4, v32;
	v32 =	vmul.f32 v33, v40;
	v39 =	vld [tilespmem:s1+$0xFFFFFF70];
	v16 =	vmul.f32 v16, v36  }
0x178: {  	v33 =	vor.u32 v26, v17;
	v17 =	vmul.f32 v21, v41;
	[tilespmem:s0+$0xFFFFFF78] =	vst v15;
	v15 =	vbroadcast v13, $0x1  }
0x179: {  	v40 =	vbroadcast v13, $0x5;
	[tilespmem:s0+$0xFFFFFFB8] =	vst v32;
	v32 =	vbroadcast v22, $0x5;
	v26 =	vshll.u32 v38, $0x10  }
0x17a: {  	v21 =	vbroadcast v24, $0x2;
	v36 =	vld [tilespmem:s1+$0xFFFFFFC0];
	[tilespmem:s0+$0x0] =	vst v16;
	v16 =	vand.u32 $0xFFFF0000, v38;
	v26 =	vmul.f32 v26, v15  }
.Ltmp1:
0x17b: {  	v35 =	vor.u32 v29, v35;
	v15 =	vbroadcast v24, $0x6;
	[tilespmem:s0+$0x40] =	vst v17;
	v17 =	vmul.f32 v16, v40;
	(pc) =	sbr.rel @p0 .LBB2_6-.Ltmp1, $4  }
0x17c: {  	s29 =	sadd.s32 $0x3, s26;
	v16 =	vbroadcast v22, $0x2;
	v29 =	vshll.u32 v39, $0x10;
	v39 =	vand.u32 $0xFFFF0000, v39;
	v38 =	vld [tilespmem:s1+$0x10];
	[tilespmem:s0+$0x98] =	vst v26  }
0x17d: {  	v26 =	vmov s29;
	v42 =	vmul.f32 v29, v34;
	v37 =	vmul.f32 v39, v37;
	[tilespmem:s0+$0xD8] =	vst v17  }
0x17e: {  	v39 =	vand.u32 $0x38, v26;
	v29 =	vbroadcast v14, $0x6;
	v17 =	vbroadcast v22, $0x6;
	v34 =	vld [tilespmem:s1+$0x70]  }
0x17f: {  	s26 =	sadd.s32 $0x4, s26;
	v40 =	vand.u32 $0x7, v26;
	v41 =	vadd.s32 v4, v39;
	[tilespmem:s0+$0xFFFFFF00] =	vst v42;
	v39 =	vshll.u32 v36, $0x10  }
0x180: {  	_ =	sdelay $0x3  }
0x181: {  	v31 =	vld.idx.msk [tilespmem:v31+s10+$0x0], $0xffff  }
0x182: {  	v33 =	vld.idx.msk [tilespmem:v33+s10+$0x0], $0xffff  }
0x183: {  	v4 =	vor.u32 v40, v41;
	s26 =	sadd.s32 $0x140, s1;
	v35 =	vld.idx.msk [tilespmem:v35+s10+$0x0], $0xffff  }
0x184: {  	s25 =	sadd.s32 $0x40, s25;
	v51 =	vld [tilespmem:s26+$0x90]  }
0x185: {  	v52 =	vld [tilespmem:s25+$0x10]  }
0x186: {  	v42 =	vld [tilespmem:s26+$0xFFFFFFA0]  }
0x187: {  	v43 =	vld [tilespmem:s25+$0xFFFFFFE0]  }
0x188: {  	v4 =	vld.idx.msk [tilespmem:v4+s10+$0x0], $0xffff  }
0x189: {  	v53 =	vld [tilespmem:s26+$0xFFFFFFF0]  }
0x18a: {  	v54 =	vld [tilespmem:s25+$0xFFFFFFF0]  }
0x18b: {  	v30 =	vmul.f32 v39, v30;
	v56 =	vld [tilespmem:s26+$0x40]  }
0x18c: {  	v36 =	vand.u32 $0xFFFF0000, v36;
	v58 =	vbroadcast v13, $0x2;
	v61 =	vbroadcast v13, $0x6;
	v57 =	vld [tilespmem:s25+$0x0]  }
0x18d: {  	v7 =	vmul.f32 v19, v7;
	v40 =	vadd.f32 v52, v51;
	v4 =	vmul.f32 v4, v2  }
0x18e: {  	v44 =	vshll.u32 v38, $0x10;
	v27 =	vmul.f32 v36, v27;
	v55 =	vand.u32 $0xFFFF0000, v38  }
0x18f: {  	v31 =	vmul.f32 v31, v2;
	v42 =	vadd.f32 v43, v42;
	v4 =	vadd.f32 v40, v4  }
0x190: {  	v33 =	vmul.f32 v33, v2;
	v35 =	vmul.f32 v35, v2;
	v39 =	vadd.f32 v54, v53  }
0x191: {  	v38 =	vadd.f32 v57, v56;
	v31 =	vadd.f32 v42, v31;
	v60 =	vmul.f32 $2.000000030e-01, v4  }
0x192: {  	v28 =	vmul.f32 v44, v28;
	v33 =	vadd.f32 v39, v33;
	vm0 =	vgt.f32 v4, $0.0e+00  }
0x193: {  	v35 =	vadd.f32 v38, v35;
	v62 =	vmul.f32 $2.000000030e-01, v31;
	v4 =	vsel vm0, v4, v60  }
0x194: {  	[tilespmem:s0+$0xFFFFFF40] =	vst v37;
	vm6 =	vgt.f32 v31, $0.0e+00;
	v42 =	vmul.f32 $2.000000030e-01, v33;
	v4 =	vsub.f32 v4, v3  }
0x195: {  	v63 =	vld [tilespmem:s1+$0xFFFFFF80];
	vm7 =	vgt.f32 v33, $0.0e+00;
	v38 =	vmul.f32 $2.000000030e-01, v35;
	v31 =	vsel vm6, v31, v62  }
0x196: {  	vm1 =	vgt.f32 v35, $0.0e+00;
	v31 =	vsub.f32 v31, v3;
	v4 =	vmul.f32 $1.442695020e+00, v4  }
0x197: {  	[tilespmem:s0+$0xFFFFFF88] =	vst v30;
	v59 =	vshll.u32 v34, $0x10;
	v33 =	vsel vm7, v33, v42;
	v44 =	vsel vm1, v35, v38  }
0x198: {  	[tilespmem:s0+$0xFFFFFFC8] =	vst v27;
	v30 =	vsub.f32 v33, v3;
	(erf) = vpow2.f32 v4;
	v4 =	vmul.f32 $1.442695020e+00, v31  }
0x199: {  	v27 =	vmul.f32 v59, v58;
	[tilespmem:s0+$0x10] =	vst v28;
	v40 =	vand.u32 $0xFFFF0000, v34;
	v28 =	vsub.f32 v44, v3  }
0x19a: {  	v31 =	vshll.u32 v63, $0x10;
	(erf) = vpow2.f32 v4;
	v4 =	vmul.f32 $1.442695020e+00, v30  }
0x19b: {  	[tilespmem:s20+$0xFFFFFFA8] =	vst v7;
	v25 =	vmul.f32 v31, v25;
	v31 =	vand.u32 $0xFFFF0000, v63;
	v30 =	vmul.f32 v40, v61  }
0x19c: {  	v26 =	vmul.u32 $0x88, v26;
	[tilespmem:s0+$0xA8] =	vst v27;
	(erf) = vpow2.f32 v4;
	v4 =	vmul.f32 v31, v29  }
0x19d: {  	v9 =	vmul.u32 $0x88, v9;
	v32 =	vmul.f32 v55, v32;
	v27 =	vmul.f32 $1.442695020e+00, v28;
	[tilespmem:s0+$0xE8] =	vst v30  }
0x19e: {  	v23 =	vmul.f32 v23, v8;
	v26 =	vadd.s32 v1, v26;
	v19 =	vld [tilespmem:s3+$0x80];
	[tilespmem:s0+$0xFFFFFF50] =	vst v4;
	v4 =	vmul.f32 v18, v6  }
0x19f: {  	[tilespmem:s0+$0x50] =	vst v32;
	(erf) = vpow2.f32 v27;
	v18 =	vadd.s32 v1, v9;
	v9 =	vmul.u32 $0x88, v11  }
0x1a0: {  	v7 =	vbroadcast v24, $0x7;
	[tilespmem:s20+$0x70] =	vst v23;
	v6 =	vbroadcast v24, $0x3;
	v24 =	vld [tilespmem:s3+$0x20]  }
0x1a1: {  	v10 =	vmul.u32 $0x88, v10;
	[tilespmem:s0+$0xFFFFFF10] =	vst v25;
	v25 =	vadd.s32 v1, v9  }
0x1a2: {  	v13 =	vbroadcast v13, $0x7;
	v11 =	vmul.f32 v20, v5;
	v20 =	vld [tilespmem:s3+$0xFFFFFFD0];
	[tilespmem:s20+$0xFFFFFFE8] =	vst v4;
	v4 =	vpop (erf)  }
0x1a3: {  	[tilespmem:v26+s13+$0x0] =	vst.idx.msk $0xff, v4;
	v26 =	vadd.s32 v1, v10;
	v10 =	vand.u32 $0xFFFF0000, v19  }
0x1a4: {  	v8 =	vbroadcast v22, $0x7;
	[tilespmem:s20+$0x30] =	vst v11;
	v9 =	vpop (erf);
	v11 =	vld [tilespmem:s26+$0x50];
	v10 =	vmul.f32 v10, v13  }
0x1a5: {  	v5 =	vbroadcast v22, $0x3;
	v22 =	vshll.u32 v24, $0x10;
	[tilespmem:v18+s13+$0x0] =	vst.idx.msk $0xff, v9;
	v18 =	vshll.u32 v19, $0x10;
	v19 =	vpop (erf)  }
0x1a6: {  	v16 =	vmul.f32 v22, v16;
	v13 =	vld [tilespmem:s26+$0xFFFFFF60];
	[tilespmem:v25+s13+$0x0] =	vst.idx.msk $0xff, v19  }
0x1a7: {  	v27 =	vbroadcast v14, $0x3;
	v12 =	vmul.f32 v18, v12;
	v18 =	vshll.u32 v20, $0x10;
	[tilespmem:s0+$0xF8] =	vst v10  }
0x1a8: {  	v18 =	vmul.f32 v18, v21;
	v21 =	vbroadcast v4, $0x0;
	[tilespmem:s0+$0x20] =	vst v16;
	v23 =	vld [tilespmem:s26+$0xFFFFFFB0];
	v10 =	vpop (erf)  }
0x1a9: {  	v28 =	vbroadcast v4, $0x4;
	v20 =	vand.u32 $0xFFFF0000, v20;
	v25 =	vshll.u32 v11, $0x10;
	[tilespmem:v26+s13+$0x0] =	vst.idx.msk $0xff, v10  }
0x1aa: {  	[tilespmem:s0+$0xB8] =	vst v12;
	v12 =	vbroadcast v9, $0x0;
	v11 =	vand.u32 $0xFFFF0000, v11;
	v21 =	vmul.f32 v25, v21;
	v25 =	vld [tilespmem:s26+$0x0]  }
0x1ab: {  	s31 =	sadd.s32 $0x220, s0;
	[tilespmem:s0+$0xFFFFFF98] =	vst v18;
	v18 =	vbroadcast v9, $0x4;
	v11 =	vmul.f32 v11, v28;
	v26 =	vshll.u32 v13, $0x10  }
0x1ac: {  	v29 =	vbroadcast v19, $0x0;
	v13 =	vand.u32 $0xFFFF0000, v13;
	v12 =	vmul.f32 v26, v12;
	[tilespmem:s31+$0x88] =	vst v21  }
0x1ad: {  	v13 =	vmul.f32 v13, v18;
	v21 =	vbroadcast v19, $0x4;
	[tilespmem:s31+$0xC8] =	vst v11;
	v11 =	vshll.u32 v23, $0x10  }
0x1ae: {  	v18 =	vbroadcast v10, $0x0;
	v26 =	vld [tilespmem:s26+$0x60];
	[tilespmem:s31+$0xFFFFFEF0] =	vst v12;
	v12 =	vand.u32 $0xFFFF0000, v23;
	v11 =	vmul.f32 v11, v29  }
0x1af: {  	v23 =	vbroadcast v10, $0x4;
	[tilespmem:s31+$0xFFFFFF30] =	vst v13;
	v12 =	vmul.f32 v12, v21;
	v13 =	vshll.u32 v25, $0x10  }
0x1b0: {  	v15 =	vmul.f32 v20, v15;
	v21 =	vld [tilespmem:s26+$0xFFFFFF70];
	v20 =	vand.u32 $0xFFFF0000, v25;
	[tilespmem:s31+$0xFFFFFF78] =	vst v11;
	v13 =	vmul.f32 v13, v18  }
0x1b1: {  	v14 =	vbroadcast v14, $0x7;
	v24 =	vand.u32 $0xFFFF0000, v24;
	v28 =	vld [tilespmem:s3+$0xFFFFFF90];
	v18 =	vmul.f32 v20, v23;
	[tilespmem:s31+$0xFFFFFFB8] =	vst v12  }
0x1b2: {  	v17 =	vmul.f32 v24, v17;
	v20 =	vbroadcast v4, $0x1;
	v22 =	vld [tilespmem:s26+$0xFFFFFFC0];
	[tilespmem:s31+$0x0] =	vst v13  }
0x1b3: {  	v16 =	vbroadcast v9, $0x5;
	v23 =	vbroadcast v4, $0x5;
	v13 =	vshll.u32 v26, $0x10;
	[tilespmem:s31+$0x40] =	vst v18  }
0x1b4: {  	[tilespmem:s0+$0xFFFFFFD8] =	vst v15;
	v15 =	vbroadcast v9, $0x1;
	v18 =	vand.u32 $0xFFFF0000, v26;
	v13 =	vmul.f32 v13, v20;
	v20 =	vld [tilespmem:s26+$0x10]  }
0x1b5: {  	v24 =	vbroadcast v19, $0x1;
	[tilespmem:s0+$0x60] =	vst v17;
	v18 =	vmul.f32 v18, v23;
	v23 =	vshll.u32 v21, $0x10  }
0x1b6: {  	v12 =	vand.u32 $0xFFFF0000, v28;
	v21 =	vand.u32 $0xFFFF0000, v21;
	[tilespmem:s31+$0x98] =	vst v13;
	v13 =	vmul.f32 v23, v15  }
0x1b7: {  	v16 =	vmul.f32 v21, v16;
	v15 =	vbroadcast v19, $0x5;
	[tilespmem:s31+$0xD8] =	vst v18;
	v18 =	vshll.u32 v22, $0x10  }
0x1b8: {  	v21 =	vbroadcast v10, $0x1;
	v23 =	vld [tilespmem:s26+$0x70];
	[tilespmem:s31+$0xFFFFFF00] =	vst v13;
	v13 =	vand.u32 $0xFFFF0000, v22;
	v18 =	vmul.f32 v18, v24  }
0x1b9: {  	[tilespmem:s31+$0xFFFFFF40] =	vst v16;
	v22 =	vbroadcast v10, $0x5;
	v13 =	vmul.f32 v13, v15;
	v15 =	vshll.u32 v20, $0x10  }
0x1ba: {  	v12 =	vmul.f32 v12, v14;
	v14 =	vld [tilespmem:s26+$0xFFFFFF80];
	v16 =	vand.u32 $0xFFFF0000, v20;
	[tilespmem:s31+$0xFFFFFF88] =	vst v18;
	v15 =	vmul.f32 v15, v21  }
0x1bb: {  	v11 =	vshll.u32 v28, $0x10;
	[tilespmem:s31+$0xFFFFFFC8] =	vst v13;
	v13 =	vmul.f32 v16, v22  }
0x1bc: {  	v11 =	vmul.f32 v11, v27;
	v20 =	vbroadcast v4, $0x2;
	[tilespmem:s31+$0x10] =	vst v15;
	v15 =	vld [tilespmem:s26+$0xFFFFFFD0]  }
0x1bd: {  	v25 =	vbroadcast v10, $0x2;
	v24 =	vbroadcast v4, $0x6;
	v22 =	vshll.u32 v23, $0x10;
	[tilespmem:s31+$0x50] =	vst v13  }
0x1be: {  	[tilespmem:s0+$0xFFFFFF20] =	vst v11;
	v16 =	vbroadcast v9, $0x2;
	v17 =	vand.u32 $0xFFFF0000, v23;
	v20 =	vmul.f32 v22, v20;
	v22 =	vld [tilespmem:s26+$0x20]  }
0x1bf: {  	v11 =	vbroadcast v9, $0x6;
	[tilespmem:s0+$0xFFFFFF60] =	vst v12;
	v17 =	vmul.f32 v17, v24;
	v23 =	vshll.u32 v14, $0x10  }
0x1c0: {  	v21 =	vbroadcast v19, $0x2;
	v24 =	vld [tilespmem:s3+$0xFFFFFFE0];
	v14 =	vand.u32 $0xFFFF0000, v14;
	[tilespmem:s31+$0xA8] =	vst v20;
	v16 =	vmul.f32 v23, v16  }
0x1c1: {  	v13 =	vbroadcast v19, $0x6;
	v11 =	vmul.f32 v14, v11;
	[tilespmem:s31+$0xE8] =	vst v17;
	v14 =	vshll.u32 v15, $0x10  }
0x1c2: {  	v20 =	vbroadcast v10, $0x6;
	v17 =	vld [tilespmem:s3+$0x30];
	[tilespmem:s31+$0xFFFFFF10] =	vst v16;
	v15 =	vand.u32 $0xFFFF0000, v15;
	v14 =	vmul.f32 v14, v21  }
0x1c3: {  	v23 =	vbroadcast v19, $0x3;
	[tilespmem:s31+$0xFFFFFF50] =	vst v11;
	v13 =	vmul.f32 v15, v13;
	v11 =	vshll.u32 v22, $0x10  }
0x1c4: {  	v16 =	vbroadcast v19, $0x7;
	v19 =	vld [tilespmem:s26+$0x80];
	v21 =	vand.u32 $0xFFFF0000, v22;
	[tilespmem:s31+$0xFFFFFF98] =	vst v14;
	v11 =	vmul.f32 v11, v25  }
0x1c5: {  	v14 =	vshll.u32 v24, $0x10;
	[tilespmem:s31+$0xFFFFFFD8] =	vst v13;
	v13 =	vmul.f32 v21, v20  }
0x1c6: {  	v25 =	vld [tilespmem:s26+$0xFFFFFF90];
	v20 =	vand.u32 $0xFFFF0000, v24;
	v6 =	vmul.f32 v14, v6;
	[tilespmem:s31+$0x20] =	vst v11  }
0x1c7: {  	v18 =	vbroadcast v4, $0x3;
	v7 =	vmul.f32 v20, v7;
	v11 =	vshll.u32 v17, $0x10;
	[tilespmem:s31+$0x60] =	vst v13  }
0x1c8: {  	v4 =	vbroadcast v4, $0x7;
	v12 =	vand.u32 $0xFFFF0000, v17;
	v14 =	vld [tilespmem:s26+$0xFFFFFFE0];
	v5 =	vmul.f32 v11, v5;
	[tilespmem:s0+$0xFFFFFFA8] =	vst v6  }
0x1c9: {  	v15 =	vbroadcast v10, $0x3;
	v6 =	vmul.f32 v12, v8;
	v12 =	vand.u32 $0xFFFF0000, v19;
	[tilespmem:s0+$0xFFFFFFE8] =	vst v7  }
0x1ca: {  	v22 =	vbroadcast v9, $0x3;
	v11 =	vld [tilespmem:s26+$0x30];
	v8 =	vshll.u32 v19, $0x10;
	v4 =	vmul.f32 v12, v4;
	[tilespmem:s0+$0x30] =	vst v5  }
0x1cb: {  	v9 =	vbroadcast v9, $0x7;
	v7 =	vmul.f32 v8, v18;
	v8 =	vshll.u32 v25, $0x10;
	[tilespmem:s0+$0x70] =	vst v6  }
0x1cc: {  	s11 =	sor.u32 $0x1, s11;
	v10 =	vbroadcast v10, $0x7;
	v5 =	vand.u32 $0xFFFF0000, v25;
	v8 =	vmul.f32 v8, v22;
	[tilespmem:s31+$0xF8] =	vst v4  }
0x1cd: {  	v12 =	vmov s11;
	v5 =	vmul.f32 v5, v9;
	v6 =	vshll.u32 v14, $0x10;
	[tilespmem:s31+$0xB8] =	vst v7  }
0x1ce: {  	s20 =	simm.s32 $0x0;
	v9 =	vmul.u32 $0x28, v12;
	v12 =	vand.u32 $0xFFFF0000, v14;
	v6 =	vmul.f32 v6, v23;
	[tilespmem:s31+$0xFFFFFF20] =	vst v8  }
0x1cf: {  	v7 =	vmov s20;
	v13 =	vshll.u32 v11, $0x10;
	v8 =	vmul.f32 v12, v16;
	[tilespmem:s31+$0xFFFFFF60] =	vst v5  }
0x1d0: {  	s25 =	simm.s32 $0x3;
	s26 =	smul.u32 $0x280, s12;
	v11 =	vand.u32 $0xFFFF0000, v11;
	v4 =	vbroadcast v9, $0x0;
	v9 =	vmul.f32 v13, v15;
	[tilespmem:s31+$0xFFFFFFA8] =	vst v6  }
0x1d1: {  	v12 =	vand.u32 $0x38, v7;
	v13 =	vmov s25;
	v6 =	vmul.f32 v11, v10;
	[tilespmem:s31+$0xFFFFFFE8] =	vst v8  }
0x1d2: {  	s29 =	simm.s32 $0x1;
	s0 =	sshra.s32 s26, $0x2;
	v5 =	vand.u32 $0x4, v7;
	v12 =	vadd.s32 v4, v12;
	v10 =	vand.u32 $0x38, v13;
	[tilespmem:s31+$0x30] =	vst v9  }
0x1d3: {  	s0 =	sadd.s32 $0x157B0, s0;
	v8 =	vmov s29;
	v11 =	vand.u32 $0x7, v13;
	v10 =	vadd.s32 v4, v10;
	[tilespmem:s31+$0x70] =	vst v6;
	s31 =	simm.s32 $0x2  }
0x1d4: {  	v5 =	vor.u32 v5, v12;
	v9 =	vand.u32 $0x38, v8;
	v10 =	vor.u32 v11, v10;
	[spmem:s21] =	stream.indirect.scatter.add.f32 [tilespmem:s13], [sflag:$0x9], $0x88, s0, s24, $0xb8;
	[tilespmem:$0x1CDD0] =	vst v63  }
0x1d5: {  	v6 =	vand.u32 $0x5, v8;
	v9 =	vadd.s32 v4, v9;
	v12 =	vmov s31;
	s0 =	simm.s32 $0x17470  }
0x1d6: {  	v6 =	vor.u32 v6, v9;
	v9 =	vand.u32 $0x38, v12;
	v14 =	vld [tilespmem:s0+$0x90]  }
0x1d7: {  	s3 =	simm.s32 $0x19BF0;
	v11 =	vand.u32 $0x6, v12;
	v15 =	vld [tilespmem:s0+$0xFFFFFFA0];
	v9 =	vadd.s32 v4, v9  }
0x1d8: {  	v9 =	vor.u32 v11, v9;
	v11 =	vld [tilespmem:s3+$0x10]  }
0x1d9: {  	v10 =	vld.idx.msk [tilespmem:v10+s10+$0x0], $0xffff  }
0x1da: {  	v16 =	vld [tilespmem:s3+$0xFFFFFFE0]  }
0x1db: {  	v17 =	vld [tilespmem:s0+$0xFFFFFFF0]  }
0x1dc: {  	v18 =	vld [tilespmem:s0+$0x40]  }
0x1dd: {  	v5 =	vld.idx.msk [tilespmem:v5+s10+$0x0], $0xffff  }
0x1de: {  	v6 =	vld.idx.msk [tilespmem:v6+s10+$0x0], $0xffff;
	v11 =	vadd.f32 v11, v14;
	v10 =	vmul.f32 v10, v2  }
0x1df: {  	v9 =	vld.idx.msk [tilespmem:v9+s10+$0x0], $0xffff  }
0x1e0: {  	v14 =	vld [tilespmem:s3+$0xFFFFFFF0];
	v10 =	vadd.f32 v11, v10  }
0x1e1: {  	v11 =	vld [tilespmem:s3+$0x0]  }
0x1e2: {  	v15 =	vadd.f32 v16, v15;
	v5 =	vmul.f32 v5, v2;
	v16 =	vmul.f32 $2.000000030e-01, v10  }
0x1e3: {  	vm8 =	vgt.f32 v10, $0.0e+00  }
0x1e4: {  	v5 =	vadd.f32 v15, v5;
	v10 =	vsel vm8, v10, v16  }
0x1e5: {  	v6 =	vmul.f32 v6, v2;
	v14 =	vadd.f32 v14, v17;
	v10 =	vsub.f32 v10, v3  }
0x1e6: {  	v9 =	vmul.f32 v9, v2;
	v15 =	vmul.f32 $2.000000030e-01, v5;
	v11 =	vadd.f32 v11, v18  }
0x1e7: {  	vm9 =	vgt.f32 v5, $0.0e+00;
	v6 =	vadd.f32 v14, v6;
	v10 =	vmul.f32 $1.442695020e+00, v10  }
0x1e8: {  	v5 =	vsel vm9, v5, v15;
	v9 =	vadd.f32 v11, v9  }
0x1e9: {  	v5 =	vsub.f32 v5, v3;
	v11 =	vmul.f32 $2.000000030e-01, v6;
	(erf) = vpow2.f32 v10  }
0x1ea: {  	vm10 =	vgt.f32 v6, $0.0e+00;
	v10 =	vmul.f32 $2.000000030e-01, v9  }
0x1eb: {  	v5 =	vmul.f32 $1.442695020e+00, v5;
	v6 =	vsel vm10, v6, v11;
	vm11 =	vgt.f32 v9, $0.0e+00  }
0x1ec: {  	v6 =	vsub.f32 v6, v3;
	v9 =	vsel vm11, v9, v10;
	v10 =	vmul.u32 $0x88, v13  }
0x1ed: {  	(erf) = vpow2.f32 v5;
	v5 =	vsub.f32 v9, v3  }
0x1ee: {  	v6 =	vmul.f32 $1.442695020e+00, v6;
	v9 =	vadd.s32 v1, v10  }
0x1ef: {  	v5 =	vmul.f32 $1.442695020e+00, v5  }
0x1f0: {  	v7 =	vmul.u32 $0x88, v7;
	(erf) = vpow2.f32 v6  }
0x1f1: {  	(erf) = vpow2.f32 v5  }
0x1f2: {  	v5 =	vadd.s32 v1, v7;
	v11 =	vpop (erf)  }
0x1f3: {  	s25 =	simm.s32 $0x5;
	v6 =	vmul.u32 $0x88, v8;
	[tilespmem:v9+s8+$0x0] =	vst.idx.msk $0xff, v11  }
0x1f4: {  	v13 =	vmov s25;
	v7 =	vmul.u32 $0x88, v12;
	v8 =	vld [tilespmem:s0+$0x50]  }
0x1f5: {  	s20 =	simm.s32 $0x4;
	v17 =	vand.u32 $0x5, v13;
	v6 =	vadd.s32 v1, v6  }
0x1f6: {  	v10 =	vmov s20;
	v7 =	vadd.s32 v1, v7;
	v9 =	vpop (erf);
	v18 =	vbroadcast v11, $0x0  }
0x1f7: {  	v14 =	vand.u32 $0x38, v10;
	v22 =	vbroadcast v11, $0x4;
	v46 =	vbroadcast v11, $0x6;
	[tilespmem:v5+s8+$0x0] =	vst.idx.msk $0xff, v9  }
0x1f8: {  	v15 =	vand.u32 $0x4, v10;
	v19 =	vbroadcast v9, $0x0;
	v23 =	vbroadcast v9, $0x4;
	v16 =	vld [tilespmem:s0+$0xFFFFFF60]  }
0x1f9: {  	v51 =	vbroadcast v9, $0x3;
	v5 =	vadd.s32 v4, v14;
	v20 =	vpop (erf);
	v21 =	vshll.u32 v8, $0x10  }
0x1fa: {  	s26 =	simm.s32 $0x6;
	v14 =	vbroadcast v11, $0x3;
	[tilespmem:v6+s8+$0x0] =	vst.idx.msk $0xff, v20;
	v24 =	vpop (erf);
	v6 =	vand.u32 $0xFFFF0000, v8;
	v8 =	vmul.f32 v21, v18  }
0x1fb: {  	s20 =	simm.s32 $0x1B9A0;
	v12 =	vmov s26;
	v31 =	vbroadcast v20, $0x5;
	v25 =	vld [tilespmem:s0+$0xFFFFFFB0];
	[tilespmem:v7+s8+$0x0] =	vst.idx.msk $0xff, v24;
	v6 =	vmul.f32 v6, v22  }
0x1fc: {  	v28 =	vand.u32 $0x38, v12;
	v21 =	vbroadcast v9, $0x1;
	v7 =	vbroadcast v9, $0x5;
	[tilespmem:s20+$0x88] =	vst v8  }
0x1fd: {  	v22 =	vbroadcast v9, $0x2;
	v26 =	vshll.u32 v16, $0x10;
	v27 =	vld [tilespmem:s0+$0x0];
	v16 =	vand.u32 $0xFFFF0000, v16;
	[tilespmem:s20+$0xC8] =	vst v6  }
0x1fe: {  	v5 =	vor.u32 v15, v5;
	v19 =	vmul.f32 v26, v19;
	v16 =	vmul.f32 v16, v23;
	v23 =	vld [tilespmem:s0+$0x60]  }
0x1ff: {  	v18 =	vand.u32 $0x6, v12;
	v29 =	vbroadcast v24, $0x0;
	v8 =	vbroadcast v20, $0x0  }
0x200: {  	v30 =	vbroadcast v24, $0x4;
	v26 =	vbroadcast v20, $0x4;
	[tilespmem:s20+$0xFFFFFEF0] =	vst v19;
	v15 =	vshll.u32 v25, $0x10  }
0x201: {  	v6 =	vand.u32 $0x38, v13;
	[tilespmem:s20+$0xFFFFFF30] =	vst v16;
	v19 =	vand.u32 $0xFFFF0000, v25;
	v8 =	vmul.f32 v15, v8  }
0x202: {  	v15 =	vld [tilespmem:s0+$0xFFFFFF70];
	v19 =	vmul.f32 v19, v26;
	v26 =	vbroadcast v11, $0x1;
	v25 =	vshll.u32 v27, $0x10  }
0x203: {  	v25 =	vmul.f32 v25, v29;
	[tilespmem:s20+$0xFFFFFF78] =	vst v8;
	v29 =	vbroadcast v11, $0x5;
	v8 =	vshll.u32 v23, $0x10  }
0x204: {  	v6 =	vadd.s32 v4, v6;
	[tilespmem:s20+$0xFFFFFFB8] =	vst v19;
	v19 =	vand.u32 $0xFFFF0000, v23;
	v8 =	vmul.f32 v8, v26  }
0x205: {  	s1 =	simm.s32 $0x175B0;
	v6 =	vor.u32 v17, v6;
	v23 =	vand.u32 $0xFFFF0000, v27;
	[tilespmem:s20+$0x0] =	vst v25;
	v19 =	vmul.f32 v19, v29  }
0x206: {  	s29 =	simm.s32 $0x7;
	v48 =	vld [tilespmem:s1+$0x90];
	v45 =	vbroadcast v24, $0x6;
	v26 =	vadd.s32 v4, v28;
	v17 =	vmul.f32 v23, v30;
	[tilespmem:s20+$0x98] =	vst v8  }
0x207: {  	v25 =	vmov s29;
	v28 =	vld.idx.msk [tilespmem:v5+s10+$0x0], $0xffff;
	v23 =	vshll.u32 v15, $0x10;
	v15 =	vand.u32 $0xFFFF0000, v15;
	[tilespmem:s20+$0xD8] =	vst v19  }
0x208: {  	v18 =	vor.u32 v18, v26;
	[tilespmem:s20+$0x40] =	vst v17;
	v7 =	vmul.f32 v15, v7;
	v15 =	vand.u32 $0x38, v25;
	v17 =	vld [tilespmem:s0+$0x70]  }
0x209: {  	v26 =	vand.u32 $0x7, v25;
	v8 =	vld [tilespmem:s0+$0xFFFFFFC0];
	v21 =	vmul.f32 v23, v21;
	v15 =	vadd.s32 v4, v15  }
0x20a: {  	v16 =	vbroadcast v20, $0x1;
	v27 =	vbroadcast v20, $0x2;
	v32 =	vld.idx.msk [tilespmem:v6+s10+$0x0], $0xffff;
	v5 =	vor.u32 v26, v15  }
0x20b: {  	s25 =	simm.s32 $0x19C30;
	v30 =	vbroadcast v9, $0x6;
	v6 =	vbroadcast v11, $0x2;
	v23 =	vld [tilespmem:s0+$0x10];
	[tilespmem:s20+$0xFFFFFF00] =	vst v21  }
0x20c: {  	v50 =	vld [tilespmem:s25+$0xFFFFFFE0];
	v11 =	vbroadcast v11, $0x7;
	v19 =	vbroadcast v24, $0x1;
	[tilespmem:s20+$0xFFFFFF40] =	vst v7  }
0x20d: {  	v21 =	vbroadcast v24, $0x5;
	v15 =	vbroadcast v20, $0x6;
	v29 =	vld [tilespmem:s0+$0xFFFFFF80];
	v7 =	vshll.u32 v17, $0x10  }
0x20e: {  	v18 =	vld.idx.msk [tilespmem:v18+s10+$0x0], $0xffff;
	v47 =	vshll.u32 v8, $0x10;
	v17 =	vand.u32 $0xFFFF0000, v17;
	v6 =	vmul.f32 v7, v6  }
0x20f: {  	v16 =	vmul.f32 v47, v16;
	v7 =	vand.u32 $0xFFFF0000, v8;
	v8 =	vld.idx.msk [tilespmem:v5+s10+$0x0], $0xffff;
	v5 =	vmul.f32 v17, v46  }
0x210: {  	v17 =	vmul.f32 v7, v31;
	v7 =	vshll.u32 v23, $0x10;
	v23 =	vand.u32 $0xFFFF0000, v23;
	v31 =	vld [tilespmem:s25+$0x10];
	[tilespmem:s20+$0xA8] =	vst v6  }
0x211: {  	v10 =	vmul.u32 $0x88, v10;
	v19 =	vmul.f32 v7, v19;
	v21 =	vmul.f32 v23, v21;
	v23 =	vld [tilespmem:s1+$0xFFFFFFA0];
	[tilespmem:s20+$0xE8] =	vst v5  }
0x212: {  	v12 =	vmul.u32 $0x88, v12;
	v7 =	vbroadcast v20, $0x3;
	v6 =	vbroadcast v20, $0x7;
	v20 =	vld [tilespmem:s0+$0x80]  }
0x213: {  	v54 =	vld [tilespmem:s1+$0x40];
	v26 =	vbroadcast v24, $0x2;
	v28 =	vmul.f32 v28, v2;
	v49 =	vshll.u32 v29, $0x10  }
0x214: {  	v52 =	vld [tilespmem:s25+$0xFFFFFFF0];
	v29 =	vand.u32 $0xFFFF0000, v29;
	[tilespmem:s20+$0xFFFFFF88] =	vst v16;
	v16 =	vmul.f32 v32, v2;
	v5 =	vbroadcast v24, $0x3  }
0x215: {  	v29 =	vmul.f32 v29, v30;
	v30 =	vld [tilespmem:s1+$0xFFFFFFF0];
	v53 =	vmul.f32 v8, v2;
	v31 =	vadd.f32 v31, v48  }
0x216: {  	v55 =	vld [tilespmem:s25+$0x0];
	v13 =	vmul.u32 $0x88, v13;
	v22 =	vmul.f32 v49, v22;
	v18 =	vmul.f32 v18, v2  }
0x217: {  	v23 =	vadd.f32 v50, v23;
	v31 =	vadd.f32 v31, v53;
	v56 =	vshll.u32 v20, $0x10  }
0x218: {  	v8 =	vbroadcast v24, $0x7;
	v20 =	vand.u32 $0xFFFF0000, v20;
	v57 =	vmul.f32 v56, v14  }
0x219: {  	v58 =	vmul.f32 v20, v11;
	v14 =	vadd.f32 v23, v28;
	v11 =	vmul.f32 $2.000000030e-01, v31  }
0x21a: {  	v24 =	vbroadcast v9, $0x7;
	v20 =	vadd.f32 v52, v30;
	vm12 =	vgt.f32 v31, $0.0e+00  }
0x21b: {  	s31 =	simm.s32 $0x8;
	[tilespmem:s20+$0xFFFFFFC8] =	vst v17;
	v23 =	vadd.f32 v55, v54;
	v17 =	vmul.f32 $2.000000030e-01, v14;
	v11 =	vsel vm12, v31, v11  }
0x21c: {  	[tilespmem:s20+$0x10] =	vst v19;
	v19 =	vld [tilespmem:s0+$0xFFFFFFD0];
	v9 =	vmov s31;
	vm13 =	vgt.f32 v14, $0.0e+00;
	v11 =	vsub.f32 v11, v3  }
0x21d: {  	v16 =	vadd.f32 v20, v16;
	v14 =	vsel vm13, v14, v17;
	v17 =	vadd.f32 v23, v18  }
0x21e: {  	[tilespmem:s20+$0x50] =	vst v21;
	v30 =	vadd.s32 v1, v12;
	v14 =	vsub.f32 v14, v3;
	v11 =	vmul.f32 $1.442695020e+00, v11  }
0x21f: {  	[tilespmem:s20+$0xFFFFFF10] =	vst v22;
	v21 =	vmul.f32 $2.000000030e-01, v16;
	vm14 =	vgt.f32 v16, $0.0e+00;
	v22 =	vmul.f32 $2.000000030e-01, v17  }
0x220: {  	[tilespmem:s20+$0xFFFFFF50] =	vst v29;
	v18 =	vld [tilespmem:s0+$0x20];
	vm15 =	vgt.f32 v17, $0.0e+00;
	(erf) = vpow2.f32 v11;
	v11 =	vmul.f32 $1.442695020e+00, v14  }
0x221: {  	v14 =	vsel vm14, v16, v21;
	v16 =	vld [tilespmem:s0+$0xFFFFFF90];
	v21 =	vshll.u32 v19, $0x10;
	v17 =	vsel vm15, v17, v22  }
0x222: {  	v19 =	vand.u32 $0xFFFF0000, v19;
	v22 =	vmul.u32 $0x88, v25;
	v14 =	vsub.f32 v14, v3  }
0x223: {  	v17 =	vsub.f32 v17, v3;
	v21 =	vmul.f32 v21, v27;
	(erf) = vpow2.f32 v11  }
0x224: {  	v20 =	vand.u32 $0x38, v9;
	v15 =	vmul.f32 v19, v15;
	v14 =	vmul.f32 $1.442695020e+00, v14  }
0x225: {  	v11 =	vshll.u32 v18, $0x10;
	v22 =	vadd.s32 v1, v22;
	v17 =	vmul.f32 $1.442695020e+00, v17  }
0x226: {  	(erf) = vpow2.f32 v14;
	v14 =	vshll.u32 v16, $0x10;
	v16 =	vand.u32 $0xFFFF0000, v16  }
0x227: {  	v18 =	vand.u32 $0xFFFF0000, v18;
	[tilespmem:s20+$0xFFFFFF98] =	vst v21;
	v11 =	vmul.f32 v11, v26;
	(erf) = vpow2.f32 v17  }
0x228: {  	v27 =	vadd.s32 v1, v13;
	[tilespmem:s20+$0xFFFFFFD8] =	vst v15;
	v15 =	vmul.f32 v18, v45;
	v17 =	vadd.s32 v1, v10  }
0x229: {  	s26 =	simm.s32 $0x9;
	s29 =	simm.s32 $0xA;
	v21 =	vand.u32 $0x4, v9;
	[tilespmem:s20+$0x20] =	vst v11;
	v23 =	vmul.f32 v14, v51;
	v26 =	vmul.f32 v16, v24;
	v14 =	vld [tilespmem:s0+$0xFFFFFFE0];
	v16 =	vpop (erf)  }
0x22a: {  	v11 =	vmov s26;
	v10 =	vmov s29;
	v24 =	vadd.s32 v4, v20;
	[tilespmem:v22+s8+$0x0] =	vst.idx.msk $0xff, v16  }
0x22b: {  	[tilespmem:s20+$0x60] =	vst v15;
	v31 =	vand.u32 $0x5, v11;
	v29 =	vand.u32 $0x38, v11;
	v59 =	vand.u32 $0x38, v10;
	v28 =	vld [tilespmem:s1+$0x50]  }
0x22c: {  	v34 =	vand.u32 $0x6, v10;
	v55 =	vadd.s32 v4, v29;
	[tilespmem:s20+$0xFFFFFF20] =	vst v23;
	v23 =	vadd.s32 v4, v59;
	v13 =	vpop (erf)  }
0x22d: {  	v34 =	vor.u32 v34, v23;
	v15 =	vbroadcast v16, $0x3;
	v22 =	vld [tilespmem:s0+$0x30];
	v63 =	vbroadcast v16, $0x0;
	[tilespmem:v17+s8+$0x0] =	vst.idx.msk $0xff, v13  }
0x22e: {  	v49 =	vbroadcast v16, $0x4;
	v59 =	vbroadcast v16, $0x5;
	v19 =	vshll.u32 v14, $0x10;
	v61 =	vld [tilespmem:s1+$0xFFFFFF60]  }
0x22f: {  	v18 =	vand.u32 $0xFFFF0000, v14;
	v17 =	vbroadcast v13, $0x0;
	v60 =	vbroadcast v13, $0x4;
	v14 =	vpop (erf)  }
0x230: {  	v62 =	vbroadcast v13, $0x1;
	v39 =	vbroadcast v13, $0x5;
	[tilespmem:v27+s8+$0x0] =	vst.idx.msk $0xff, v14;
	v12 =	vpop (erf);
	v27 =	vshll.u32 v28, $0x10  }
0x231: {  	v25 =	vbroadcast v13, $0x2;
	v50 =	vld [tilespmem:s1+$0xFFFFFFB0];
	[tilespmem:v30+s8+$0x0] =	vst.idx.msk $0xff, v12;
	v28 =	vand.u32 $0xFFFF0000, v28;
	v27 =	vmul.f32 v27, v63  }
0x232: {  	[tilespmem:s20+$0xF8] =	vst v58;
	s0 =	simm.s32 $0x1BBC0;
	v20 =	vshll.u32 v22, $0x10;
	v48 =	vbroadcast v14, $0x0;
	v52 =	vld [tilespmem:s1+$0x0];
	v30 =	vmul.f32 v28, v49  }
0x233: {  	v51 =	vbroadcast v14, $0x4;
	v23 =	vbroadcast v14, $0x6;
	v54 =	vshll.u32 v61, $0x10;
	[tilespmem:s0+$0x88] =	vst v27  }
0x234: {  	v53 =	vbroadcast v12, $0x0;
	v27 =	vand.u32 $0xFFFF0000, v61;
	v17 =	vmul.f32 v54, v17;
	[tilespmem:s0+$0xC8] =	vst v30  }
0x235: {  	[tilespmem:s20+$0xB8] =	vst v57;
	v28 =	vor.u32 v21, v24;
	v24 =	vand.u32 $0xFFFF0000, v22;
	v22 =	vmul.f32 v27, v60;
	v56 =	vld [tilespmem:s1+$0x60]  }
0x236: {  	v29 =	vbroadcast v12, $0x1;
	v21 =	vbroadcast v12, $0x4;
	[tilespmem:s0+$0xFFFFFEF0] =	vst v17;
	v17 =	vshll.u32 v50, $0x10  }
0x237: {  	v57 =	vand.u32 $0xFFFF0000, v50;
	[tilespmem:s0+$0xFFFFFF30] =	vst v22;
	v17 =	vmul.f32 v17, v48;
	v22 =	vshll.u32 v52, $0x10  }
0x238: {  	[tilespmem:s20+$0xFFFFFF60] =	vst v26;
	v36 =	vand.u32 $0xFFFF0000, v52;
	v35 =	vmul.f32 v57, v51;
	v58 =	vld [tilespmem:s1+$0xFFFFFF70];
	v40 =	vmul.f32 v22, v53  }
0x239: {  	v32 =	vor.u32 v31, v55;
	[tilespmem:s0+$0xFFFFFF78] =	vst v17;
	v17 =	vmul.f32 v36, v21;
	v21 =	vbroadcast v16, $0x1  }
0x23a: {  	v33 =	vbroadcast v12, $0x5;
	v30 =	vbroadcast v14, $0x1;
	[tilespmem:s0+$0xFFFFFFB8] =	vst v35;
	v31 =	vshll.u32 v56, $0x10  }
0x23b: {  	v27 =	vbroadcast v14, $0x5;
	v35 =	vld [tilespmem:s1+$0xFFFFFFC0];
	v26 =	vand.u32 $0xFFFF0000, v56;
	[tilespmem:s0+$0x0] =	vst v40;
	v21 =	vmul.f32 v31, v21  }
0x23c: {  	s31 =	simm.s32 $0xB;
	v22 =	vbroadcast v14, $0x2;
	v31 =	vmul.f32 v26, v59;
	[tilespmem:s0+$0x40] =	vst v17  }
0x23d: {  	v17 =	vbroadcast v12, $0x2;
	v26 =	vmov s31;
	v37 =	vld [tilespmem:s1+$0x10];
	v60 =	vshll.u32 v58, $0x10;
	[tilespmem:s0+$0x98] =	vst v21  }
0x23e: {  	v63 =	vand.u32 $0x38, v26;
	v61 =	vand.u32 $0xFFFF0000, v58;
	[tilespmem:s0+$0xD8] =	vst v31;
	v62 =	vmul.f32 v60, v62  }
0x23f: {  	v40 =	vand.u32 $0x7, v26;
	v31 =	vbroadcast v13, $0x6;
	v38 =	vmul.f32 v61, v39;
	v36 =	vld [tilespmem:s1+$0x70]  }
0x240: {  	s3 =	simm.s32 $0x175B0;
	s26 =	simm.s32 $0xC;
	v21 =	vbroadcast v12, $0x6;
	v41 =	vadd.s32 v4, v63;
	v39 =	vshll.u32 v35, $0x10;
	[tilespmem:s0+$0xFFFFFF00] =	vst v62  }
.LBB2_8:
0x241: {  	p0 =	slt.u32 s26, $0x24;
	v28 =	vld.idx.msk [tilespmem:v28+s10+$0x0], $0xffff;
	v40 =	vor.u32 v40, v41;
	[tilespmem:s0+$0xFFFFFF40] =	vst v38;
	v35 =	vand.u32 $0xFFFF0000, v35;
	v30 =	vmul.f32 v39, v30  }
0x242: {  	v38 =	vld [tilespmem:s1+$0xFFFFFF80];
	v27 =	vmul.f32 v35, v27;
	v35 =	vshll.u32 v37, $0x10;
	v37 =	vand.u32 $0xFFFF0000, v37  }
0x243: {  	v32 =	vld.idx.msk [tilespmem:v32+s10+$0x0], $0xffff;
	[tilespmem:s0+$0xFFFFFF88] =	vst v30;
	v29 =	vmul.f32 v35, v29;
	v30 =	vbroadcast v16, $0x2  }
0x244: {  	s1 =	sadd.s32 $0x140, s1;
	v35 =	vbroadcast v16, $0x6;
	v34 =	vld.idx.msk [tilespmem:v34+s10+$0x0], $0xffff;
	[tilespmem:s0+$0xFFFFFFC8] =	vst v27;
	v27 =	vmul.f32 v37, v33;
	v33 =	vshll.u32 v36, $0x10  }
0x245: {  	v39 =	vbroadcast v14, $0x3;
	v37 =	vld [tilespmem:s1+$0x90];
	[tilespmem:s0+$0x10] =	vst v29;
	v29 =	vand.u32 $0xFFFF0000, v36;
	v30 =	vmul.f32 v33, v30  }
0x246: {  	v14 =	vbroadcast v14, $0x7;
	s25 =	sadd.s32 $0x40, s25;
	v33 =	vld.idx.msk [tilespmem:v40+s10+$0x0], $0xffff;
	[tilespmem:s0+$0x50] =	vst v27;
	v27 =	vmul.f32 v29, v35  }
0x247: {  	v29 =	vld [tilespmem:s25+$0x10];
	v35 =	vshll.u32 v38, $0x10;
	v36 =	vand.u32 $0xFFFF0000, v38;
	v38 =	vbroadcast v12, $0x3;
	[tilespmem:s0+$0xA8] =	vst v30  }
0x248: {  	v30 =	vld [tilespmem:s1+$0xFFFFFFA0];
	v25 =	vmul.f32 v35, v25;
	v31 =	vmul.f32 v36, v31;
	[tilespmem:s0+$0xE8] =	vst v27  }
0x249: {  	v12 =	vbroadcast v12, $0x7;
	v35 =	vbroadcast v13, $0x3;
	v27 =	vld [tilespmem:s3+$0x80]  }
0x24a: {  	v19 =	vmul.f32 v19, v7;
	v7 =	vmov v39;
	v13 =	vbroadcast v13, $0x7;
	v36 =	vld [tilespmem:s25+$0xFFFFFFE0];
	[tilespmem:s0+$0xFFFFFF10] =	vst v25  }
0x24b: {  	v18 =	vmul.f32 v18, v6;
	v20 =	vmul.f32 v20, v5;
	v6 =	vmovc v14;
	v5 =	vmovc v38;
	v25 =	vmov s26;
	v39 =	vld [tilespmem:s1+$0xFFFFFFF0];
	[tilespmem:s0+$0xFFFFFF50] =	vst v31  }
0x24c: {  	v31 =	vmul.f32 v33, v2;
	v14 =	vld [tilespmem:s25+$0xFFFFFFF0];
	v29 =	vadd.f32 v29, v37;
	[tilespmem:s20+$0xFFFFFFA8] =	vst v19;
	v19 =	vmul.f32 v24, v8  }
0x24d: {  	v16 =	vbroadcast v16, $0x7;
	v24 =	vmul.f32 v28, v2;
	v28 =	vmul.u32 $0x88, v9;
	v8 =	vmovc v12;
	v9 =	vmovc v25;
	v33 =	vld [tilespmem:s1+$0x40];
	[tilespmem:s20+$0xFFFFFFE8] =	vst v18  }
0x24e: {  	v12 =	vld [tilespmem:s25+$0x0];
	v18 =	vadd.f32 v29, v31;
	v25 =	vshll.u32 v27, $0x10;
	v27 =	vand.u32 $0xFFFF0000, v27;
	[tilespmem:s20+$0x30] =	vst v20  }
0x24f: {  	v20 =	vadd.f32 v36, v30;
	v29 =	vld [tilespmem:s3+$0xFFFFFFD0];
	v15 =	vmul.f32 v25, v15;
	v16 =	vmul.f32 v27, v16;
	[tilespmem:s20+$0x70] =	vst v19;
	s20 =	smov.u32 s0  }
0x250: {  	v19 =	vand.u32 $0x38, v9;
	v27 =	vand.u32 $0x4, v9;
	v25 =	vmul.f32 $2.000000030e-01, v18;
	v30 =	vld [tilespmem:s3+$0x20]  }
0x251: {  	vm0 =	vgt.f32 v18, $0.0e+00;
	v20 =	vadd.f32 v20, v24;
	v14 =	vadd.f32 v14, v39;
	v24 =	vld [tilespmem:s3+$0xFFFFFF90];
	[tilespmem:s0+$0xF8] =	vst v16  }
0x252: {  	v31 =	vmul.f32 v34, v2;
	v16 =	vmul.f32 v32, v2;
	v18 =	vsel vm0, v18, v25;
	[tilespmem:s0+$0xB8] =	vst v15  }
0x253: {  	v15 =	vmul.f32 $2.000000030e-01, v20;
	v12 =	vadd.f32 v12, v33;
	v18 =	vsub.f32 v18, v3  }
0x254: {  	vm0 =	vgt.f32 v20, $0.0e+00;
	v14 =	vadd.f32 v14, v16;
	v16 =	vshll.u32 v29, $0x10  }
0x255: {  	v15 =	vsel vm0, v20, v15;
	v12 =	vadd.f32 v12, v31;
	v18 =	vmul.f32 $1.442695020e+00, v18  }
0x256: {  	vm0 =	vgt.f32 v14, $0.0e+00;
	v20 =	vmul.f32 $2.000000030e-01, v14;
	v15 =	vsub.f32 v15, v3  }
0x257: {  	vm1 =	vgt.f32 v12, $0.0e+00;
	v25 =	vmul.f32 $2.000000030e-01, v12;
	(erf) = vpow2.f32 v18  }
0x258: {  	v14 =	vsel vm0, v14, v20;
	v18 =	vand.u32 $0xFFFF0000, v29;
	v15 =	vmul.f32 $1.442695020e+00, v15  }
0x259: {  	v20 =	vshll.u32 v30, $0x10;
	v14 =	vsub.f32 v14, v3;
	v12 =	vsel vm1, v12, v25  }
0x25a: {  	v25 =	vmul.u32 $0x88, v26;
	v12 =	vsub.f32 v12, v3;
	(erf) = vpow2.f32 v15  }
0x25b: {  	v14 =	vmul.f32 $1.442695020e+00, v14;
	v15 =	vmul.f32 v16, v22;
	v16 =	vand.u32 $0xFFFF0000, v30  }
0x25c: {  	v18 =	vmul.f32 v18, v23;
	v22 =	vadd.s32 v1, v25;
	v12 =	vmul.f32 $1.442695020e+00, v12  }
0x25d: {  	(erf) = vpow2.f32 v14;
	v14 =	vshll.u32 v24, $0x10;
	[tilespmem:s0+$0xFFFFFF98] =	vst v15;
	v15 =	vmul.f32 v20, v17  }
0x25e: {  	v17 =	vmul.f32 v16, v21;
	(erf) = vpow2.f32 v12;
	v12 =	vand.u32 $0xFFFF0000, v24;
	[tilespmem:s0+$0xFFFFFFD8] =	vst v18  }
0x25f: {  	s29 =	sadd.s32 $0x1, s26;
	s31 =	sadd.s32 $0x2, s26;
	v18 =	vadd.s32 v1, v28;
	v14 =	vmul.f32 v14, v35;
	v12 =	vmul.f32 v12, v13;
	v20 =	vld [tilespmem:s3+$0xFFFFFFE0];
	[tilespmem:s0+$0x20] =	vst v15  }
0x260: {  	v21 =	vmul.u32 $0x88, v11;
	v11 =	vmov s29;
	v13 =	vmov s31;
	v16 =	vpop (erf);
	[tilespmem:s0+$0x60] =	vst v17  }
0x261: {  	v17 =	vadd.s32 v4, v19;
	v19 =	vmul.u32 $0x88, v10;
	v10 =	vmovc v13;
	[tilespmem:v22+s8+$0x0] =	vst.idx.msk $0xff, v16;
	v15 =	vbroadcast v16, $0x3;
	v22 =	vld [tilespmem:s3+$0x30];
	s3 =	smov.u32 s1  }
0x262: {  	v23 =	vand.u32 $0x5, v11;
	v21 =	vadd.s32 v1, v21;
	v26 =	vand.u32 $0x6, v10;
	v24 =	vld [tilespmem:s1+$0x50];
	[tilespmem:s0+$0xFFFFFF20] =	vst v14  }
0x263: {  	v29 =	vand.u32 $0x38, v11;
	v31 =	vand.u32 $0x38, v10;
	v28 =	vadd.s32 v1, v19;
	v13 =	vpop (erf);
	[tilespmem:s0+$0xFFFFFF60] =	vst v12  }
0x264: {  	[tilespmem:v18+s8+$0x0] =	vst.idx.msk $0xff, v13;
	v30 =	vbroadcast v13, $0x0;
	v32 =	vbroadcast v13, $0x4;
	v19 =	vshll.u32 v20, $0x10  }
0x265: {  	v36 =	vbroadcast v13, $0x1;
	v38 =	vbroadcast v13, $0x5;
	v18 =	vand.u32 $0xFFFF0000, v20;
	v33 =	vld [tilespmem:s1+$0xFFFFFF60]  }
0x266: {  	v34 =	vbroadcast v16, $0x0;
	v25 =	vbroadcast v13, $0x2;
	v14 =	vpop (erf);
	v20 =	vshll.u32 v22, $0x10  }
0x267: {  	v37 =	vbroadcast v16, $0x4;
	[tilespmem:v21+s8+$0x0] =	vst.idx.msk $0xff, v14;
	v21 =	vbroadcast v14, $0x0;
	v35 =	vshll.u32 v24, $0x10;
	v12 =	vpop (erf)  }
0x268: {  	v40 =	vbroadcast v14, $0x4;
	v24 =	vand.u32 $0xFFFF0000, v24;
	v39 =	vld [tilespmem:s1+$0xFFFFFFB0];
	[tilespmem:v28+s8+$0x0] =	vst.idx.msk $0xff, v12;
	v28 =	vmul.f32 v35, v34  }
0x269: {  	s0 =	sadd.s32 $0x220, s0;
	v35 =	vbroadcast v12, $0x0;
	v37 =	vmul.f32 v24, v37;
	v24 =	vand.u32 $0xFFFF0000, v22;
	v34 =	vld [tilespmem:s1+$0x0]  }
0x26a: {  	v41 =	vbroadcast v12, $0x4;
	v22 =	vshll.u32 v33, $0x10;
	v33 =	vand.u32 $0xFFFF0000, v33;
	[tilespmem:s0+$0x88] =	vst v28  }
0x26b: {  	v28 =	vor.u32 v27, v17;
	v17 =	vmul.f32 v22, v30;
	v22 =	vmul.f32 v33, v32;
	[tilespmem:s0+$0xC8] =	vst v37  }
0x26c: {  	v27 =	vbroadcast v14, $0x5;
	v32 =	vadd.s32 v4, v29;
	v30 =	vbroadcast v14, $0x1;
	v37 =	vld [tilespmem:s1+$0x60]  }
0x26d: {  	v29 =	vbroadcast v12, $0x1;
	[tilespmem:s0+$0xFFFFFEF0] =	vst v17;
	v17 =	vshll.u32 v39, $0x10;
	v33 =	vand.u32 $0xFFFF0000, v39  }
0x26e: {  	[tilespmem:s0+$0xFFFFFF30] =	vst v22;
	v17 =	vmul.f32 v17, v21;
	v21 =	vshll.u32 v34, $0x10;
	v22 =	vand.u32 $0xFFFF0000, v34  }
0x26f: {  	v31 =	vadd.s32 v4, v31;
	v33 =	vmul.f32 v33, v40;
	v39 =	vld [tilespmem:s1+$0xFFFFFF70];
	v21 =	vmul.f32 v21, v35  }
0x270: {  	v32 =	vor.u32 v23, v32;
	v23 =	vbroadcast v16, $0x1;
	[tilespmem:s0+$0xFFFFFF78] =	vst v17;
	v17 =	vmul.f32 v22, v41  }
0x271: {  	v40 =	vbroadcast v16, $0x5;
	[tilespmem:s0+$0xFFFFFFB8] =	vst v33;
	v33 =	vbroadcast v12, $0x5;
	v34 =	vshll.u32 v37, $0x10  }
0x272: {  	v22 =	vbroadcast v14, $0x2;
	v35 =	vld [tilespmem:s1+$0xFFFFFFC0];
	[tilespmem:s0+$0x0] =	vst v21;
	v21 =	vand.u32 $0xFFFF0000, v37;
	v41 =	vmul.f32 v34, v23  }
.Ltmp2:
0x273: {  	v34 =	vor.u32 v26, v31;
	v23 =	vbroadcast v14, $0x6;
	[tilespmem:s0+$0x40] =	vst v17;
	v21 =	vmul.f32 v21, v40;
	(pc) =	sbr.rel @p0 .LBB2_8-.Ltmp2, $4  }
0x274: {  	s29 =	sadd.s32 $0x3, s26;
	v17 =	vbroadcast v12, $0x2;
	v31 =	vshll.u32 v39, $0x10;
	v39 =	vand.u32 $0xFFFF0000, v39;
	v37 =	vld [tilespmem:s1+$0x10];
	[tilespmem:s0+$0x98] =	vst v41  }
0x275: {  	v26 =	vmov s29;
	v42 =	vmul.f32 v31, v36;
	v38 =	vmul.f32 v39, v38;
	[tilespmem:s0+$0xD8] =	vst v21  }
0x276: {  	v39 =	vand.u32 $0x38, v26;
	v31 =	vbroadcast v13, $0x6;
	v21 =	vbroadcast v12, $0x6;
	v36 =	vld [tilespmem:s1+$0x70]  }
0x277: {  	s26 =	sadd.s32 $0x4, s26;
	v40 =	vand.u32 $0x7, v26;
	v41 =	vadd.s32 v4, v39;
	[tilespmem:s0+$0xFFFFFF00] =	vst v42;
	v39 =	vshll.u32 v35, $0x10  }
0x278: {  	_ =	sdelay $0x3  }
0x279: {  	v4 =	vor.u32 v40, v41;
	v28 =	vld.idx.msk [tilespmem:v28+s10+$0x0], $0xffff  }
0x27a: {  	v32 =	vld.idx.msk [tilespmem:v32+s10+$0x0], $0xffff  }
0x27b: {  	s26 =	sadd.s32 $0x140, s1;
	v34 =	vld.idx.msk [tilespmem:v34+s10+$0x0], $0xffff  }
0x27c: {  	s25 =	sadd.s32 $0x40, s25;
	v48 =	vld [tilespmem:s26+$0x90]  }
0x27d: {  	v49 =	vld [tilespmem:s25+$0x10]  }
0x27e: {  	v4 =	vld.idx.msk [tilespmem:v4+s10+$0x0], $0xffff  }
0x27f: {  	v42 =	vld [tilespmem:s26+$0xFFFFFFA0]  }
0x280: {  	v43 =	vld [tilespmem:s25+$0xFFFFFFE0]  }
0x281: {  	v30 =	vmul.f32 v39, v30;
	v50 =	vld [tilespmem:s25+$0xFFFFFFF0]  }
0x282: {  	v35 =	vand.u32 $0xFFFF0000, v35;
	v54 =	vbroadcast v16, $0x2;
	v57 =	vbroadcast v16, $0x6;
	v44 =	vld [tilespmem:s25+$0x0]  }
0x283: {  	v7 =	vmul.f32 v19, v7;
	v53 =	vld [tilespmem:s26+$0xFFFFFFF0];
	v40 =	vadd.f32 v49, v48;
	v4 =	vmul.f32 v4, v2  }
0x284: {  	v6 =	vmul.f32 v18, v6;
	v51 =	vshll.u32 v37, $0x10;
	v27 =	vmul.f32 v35, v27;
	v58 =	vld [tilespmem:s26+$0x40]  }
0x285: {  	v28 =	vmul.f32 v28, v2;
	v56 =	vadd.f32 v43, v42;
	v4 =	vadd.f32 v40, v4  }
0x286: {  	v52 =	vand.u32 $0xFFFF0000, v37;
	v55 =	vshll.u32 v36, $0x10;
	v60 =	vand.u32 $0xFFFF0000, v36  }
0x287: {  	v32 =	vmul.f32 v32, v2;
	v28 =	vadd.f32 v56, v28;
	v61 =	vmul.f32 $2.000000030e-01, v4  }
0x288: {  	v34 =	vmul.f32 v34, v2;
	v37 =	vadd.f32 v50, v53;
	vm0 =	vgt.f32 v4, $0.0e+00  }
0x289: {  	[tilespmem:s0+$0xFFFFFF40] =	vst v38;
	v63 =	vadd.f32 v44, v58;
	v62 =	vmul.f32 $2.000000030e-01, v28;
	v4 =	vsel vm0, v4, v61  }
0x28a: {  	v59 =	vld [tilespmem:s1+$0xFFFFFF80];
	v35 =	vmul.f32 v55, v54;
	vm6 =	vgt.f32 v28, $0.0e+00;
	v4 =	vsub.f32 v4, v3  }
0x28b: {  	v32 =	vadd.f32 v37, v32;
	v34 =	vadd.f32 v63, v34;
	v28 =	vsel vm6, v28, v62  }
0x28c: {  	v36 =	vmul.f32 v60, v57;
	v28 =	vsub.f32 v28, v3;
	v4 =	vmul.f32 $1.442695020e+00, v4  }
0x28d: {  	[tilespmem:s0+$0xFFFFFFC8] =	vst v27;
	v44 =	vmul.f32 $2.000000030e-01, v32;
	v27 =	vmul.f32 $2.000000030e-01, v34  }
0x28e: {  	[tilespmem:s0+$0xFFFFFF88] =	vst v30;
	vm7 =	vgt.f32 v32, $0.0e+00;
	(erf) = vpow2.f32 v4;
	v4 =	vmul.f32 $1.442695020e+00, v28  }
0x28f: {  	[tilespmem:s20+$0xFFFFFFA8] =	vst v7;
	v30 =	vand.u32 $0xFFFF0000, v59;
	vm8 =	vgt.f32 v34, $0.0e+00;
	v28 =	vsel vm7, v32, v44  }
0x290: {  	[tilespmem:s20+$0xFFFFFFE8] =	vst v6;
	v27 =	vsel vm8, v34, v27;
	v28 =	vsub.f32 v28, v3;
	(erf) = vpow2.f32 v4  }
0x291: {  	v26 =	vmul.u32 $0x88, v26;
	[tilespmem:s0+$0xA8] =	vst v35;
	v19 =	vsub.f32 v27, v3;
	v4 =	vmul.f32 v30, v31  }
0x292: {  	v9 =	vmul.u32 $0x88, v9;
	v5 =	vmul.f32 v20, v5;
	[tilespmem:s0+$0xE8] =	vst v36;
	v27 =	vmul.f32 $1.442695020e+00, v28  }
0x293: {  	v29 =	vmul.f32 v51, v29;
	v18 =	vadd.s32 v1, v26;
	v28 =	vld [tilespmem:s3+$0x80];
	[tilespmem:s0+$0xFFFFFF50] =	vst v4;
	v4 =	vmul.f32 $1.442695020e+00, v19  }
0x294: {  	v33 =	vmul.f32 v52, v33;
	[tilespmem:s20+$0x30] =	vst v5;
	(erf) = vpow2.f32 v27  }
0x295: {  	v9 =	vadd.s32 v1, v9;
	v6 =	vmul.f32 v24, v8;
	v5 =	vmul.u32 $0x88, v11;
	[tilespmem:s0+$0x10] =	vst v29;
	v7 =	vld [tilespmem:s3+$0xFFFFFFD0]  }
0x296: {  	[tilespmem:s0+$0x50] =	vst v33;
	v43 =	vshll.u32 v59, $0x10;
	(erf) = vpow2.f32 v4  }
0x297: {  	v8 =	vbroadcast v16, $0x7;
	[tilespmem:s20+$0x70] =	vst v6;
	v25 =	vmul.f32 v43, v25;
	v4 =	vpop (erf)  }
0x298: {  	v6 =	vmul.u32 $0x88, v10;
	v11 =	vshll.u32 v28, $0x10;
	v16 =	vand.u32 $0xFFFF0000, v28;
	[tilespmem:v18+s8+$0x0] =	vst.idx.msk $0xff, v4  }
0x299: {  	v10 =	vadd.s32 v1, v5;
	[tilespmem:s0+$0xFFFFFF10] =	vst v25;
	v8 =	vmul.f32 v16, v8;
	v11 =	vmul.f32 v11, v15;
	v16 =	vld [tilespmem:s26+$0x50];
	v5 =	vpop (erf)  }
0x29a: {  	v15 =	vshll.u32 v7, $0x10;
	[tilespmem:v9+s8+$0x0] =	vst.idx.msk $0xff, v5;
	v9 =	vadd.s32 v1, v6;
	v6 =	vand.u32 $0xFFFF0000, v7  }
0x29b: {  	[tilespmem:s0+$0xF8] =	vst v8;
	v8 =	vmul.f32 v15, v22;
	v15 =	vld [tilespmem:s26+$0xFFFFFF60];
	v6 =	vmul.f32 v6, v23  }
0x29c: {  	[tilespmem:s0+$0xB8] =	vst v11  }
0x29d: {  	v11 =	vld [tilespmem:s3+$0x20];
	[tilespmem:s0+$0xFFFFFF98] =	vst v8;
	v8 =	vbroadcast v4, $0x0;
	v7 =	vpop (erf)  }
0x29e: {  	v18 =	vbroadcast v4, $0x4;
	[tilespmem:v10+s8+$0x0] =	vst.idx.msk $0xff, v7;
	v10 =	vshll.u32 v16, $0x10  }
0x29f: {  	v19 =	vbroadcast v5, $0x0;
	[tilespmem:s0+$0xFFFFFFD8] =	vst v6;
	v20 =	vld [tilespmem:s26+$0xFFFFFFB0];
	v16 =	vand.u32 $0xFFFF0000, v16;
	v6 =	vpop (erf);
	v8 =	vmul.f32 v10, v8  }
0x2a0: {  	s31 =	sadd.s32 $0x220, s0;
	v10 =	vbroadcast v5, $0x4;
	[tilespmem:v9+s8+$0x0] =	vst.idx.msk $0xff, v6;
	v9 =	vmul.f32 v16, v18;
	v16 =	vshll.u32 v15, $0x10  }
0x2a1: {  	v15 =	vand.u32 $0xFFFF0000, v15;
	v18 =	vld [tilespmem:s26+$0x0];
	[tilespmem:s31+$0x88] =	vst v8;
	v8 =	vmul.f32 v16, v19  }
0x2a2: {  	v16 =	vshll.u32 v11, $0x10;
	v10 =	vmul.f32 v15, v10;
	[tilespmem:s31+$0xC8] =	vst v9  }
0x2a3: {  	v15 =	vbroadcast v7, $0x0;
	v9 =	vand.u32 $0xFFFF0000, v11;
	v11 =	vmul.f32 v16, v17;
	v16 =	vld [tilespmem:s26+$0x60];
	[tilespmem:s31+$0xFFFFFEF0] =	vst v8  }
0x2a4: {  	v8 =	vmul.f32 v9, v21;
	v9 =	vbroadcast v7, $0x4;
	v17 =	vshll.u32 v20, $0x10;
	[tilespmem:s31+$0xFFFFFF30] =	vst v10  }
0x2a5: {  	v10 =	vbroadcast v6, $0x0;
	[tilespmem:s0+$0x20] =	vst v11;
	v11 =	vand.u32 $0xFFFF0000, v20;
	v15 =	vmul.f32 v17, v15;
	v17 =	vld [tilespmem:s26+$0xFFFFFF70]  }
0x2a6: {  	[tilespmem:s0+$0x60] =	vst v8;
	v8 =	vbroadcast v6, $0x4;
	v9 =	vmul.f32 v11, v9;
	v19 =	vshll.u32 v18, $0x10  }
0x2a7: {  	v11 =	vld [tilespmem:s3+$0xFFFFFF90];
	v18 =	vand.u32 $0xFFFF0000, v18;
	[tilespmem:s31+$0xFFFFFF78] =	vst v15;
	v15 =	vbroadcast v4, $0x1;
	v10 =	vmul.f32 v19, v10  }
0x2a8: {  	v8 =	vmul.f32 v18, v8;
	[tilespmem:s31+$0xFFFFFFB8] =	vst v9;
	v18 =	vbroadcast v4, $0x5;
	v9 =	vshll.u32 v16, $0x10  }
0x2a9: {  	v19 =	vbroadcast v5, $0x1;
	v20 =	vld [tilespmem:s26+$0xFFFFFFC0];
	[tilespmem:s31+$0x0] =	vst v10;
	v10 =	vand.u32 $0xFFFF0000, v16;
	v9 =	vmul.f32 v9, v15  }
0x2aa: {  	v15 =	vbroadcast v5, $0x5;
	[tilespmem:s31+$0x40] =	vst v8;
	v8 =	vmul.f32 v10, v18;
	v10 =	vshll.u32 v17, $0x10  }
0x2ab: {  	v16 =	vbroadcast v13, $0x3;
	v17 =	vand.u32 $0xFFFF0000, v17;
	v18 =	vld [tilespmem:s26+$0x10];
	[tilespmem:s31+$0x98] =	vst v9;
	v9 =	vmul.f32 v10, v19  }
0x2ac: {  	v10 =	vbroadcast v13, $0x7;
	v13 =	vshll.u32 v11, $0x10;
	v15 =	vmul.f32 v17, v15;
	[tilespmem:s31+$0xD8] =	vst v8  }
0x2ad: {  	v8 =	vand.u32 $0xFFFF0000, v11;
	v11 =	vmul.f32 v13, v16;
	v13 =	vbroadcast v7, $0x1;
	v16 =	vld [tilespmem:s26+$0x70];
	[tilespmem:s31+$0xFFFFFF00] =	vst v9  }
0x2ae: {  	v8 =	vmul.f32 v8, v10;
	v9 =	vbroadcast v7, $0x5;
	v10 =	vshll.u32 v20, $0x10;
	[tilespmem:s31+$0xFFFFFF40] =	vst v15  }
0x2af: {  	v15 =	vand.u32 $0xFFFF0000, v20;
	[tilespmem:s0+$0xFFFFFF20] =	vst v11;
	v11 =	vbroadcast v6, $0x1;
	v10 =	vmul.f32 v10, v13;
	v13 =	vld [tilespmem:s26+$0xFFFFFF80]  }
0x2b0: {  	[tilespmem:s0+$0xFFFFFF60] =	vst v8;
	v8 =	vbroadcast v6, $0x5;
	v9 =	vmul.f32 v15, v9;
	v15 =	vshll.u32 v18, $0x10  }
0x2b1: {  	v17 =	vld [tilespmem:s3+$0xFFFFFFE0];
	v18 =	vand.u32 $0xFFFF0000, v18;
	[tilespmem:s31+$0xFFFFFF88] =	vst v10;
	v10 =	vmul.f32 v15, v11;
	v11 =	vbroadcast v4, $0x2  }
0x2b2: {  	v15 =	vbroadcast v4, $0x6;
	[tilespmem:s31+$0xFFFFFFC8] =	vst v9;
	v8 =	vmul.f32 v18, v8;
	v9 =	vshll.u32 v16, $0x10  }
0x2b3: {  	v18 =	vbroadcast v5, $0x2;
	[tilespmem:s31+$0x10] =	vst v10;
	v10 =	vand.u32 $0xFFFF0000, v16;
	v9 =	vmul.f32 v9, v11;
	v11 =	vld [tilespmem:s26+$0xFFFFFFD0]  }
0x2b4: {  	v16 =	vbroadcast v5, $0x6;
	[tilespmem:s31+$0x50] =	vst v8;
	v8 =	vmul.f32 v10, v15;
	v10 =	vshll.u32 v13, $0x10  }
0x2b5: {  	v15 =	vbroadcast v14, $0x3;
	v13 =	vand.u32 $0xFFFF0000, v13;
	[tilespmem:s31+$0xA8] =	vst v9;
	v9 =	vmul.f32 v10, v18;
	v10 =	vld [tilespmem:s26+$0x20]  }
0x2b6: {  	v14 =	vbroadcast v14, $0x7;
	v13 =	vmul.f32 v13, v16;
	v18 =	vshll.u32 v17, $0x10;
	[tilespmem:s31+$0xE8] =	vst v8  }
0x2b7: {  	v16 =	vand.u32 $0xFFFF0000, v17;
	v8 =	vld [tilespmem:s3+$0x30];
	v17 =	vbroadcast v7, $0x2;
	[tilespmem:s31+$0xFFFFFF10] =	vst v9;
	v9 =	vmul.f32 v18, v15  }
0x2b8: {  	[tilespmem:s31+$0xFFFFFF50] =	vst v13;
	v13 =	vmul.f32 v16, v14;
	v15 =	vbroadcast v7, $0x6;
	v14 =	vshll.u32 v11, $0x10  }
0x2b9: {  	v16 =	vbroadcast v6, $0x2;
	v18 =	vld [tilespmem:s26+$0x80];
	[tilespmem:s0+$0xFFFFFFA8] =	vst v9;
	v9 =	vand.u32 $0xFFFF0000, v11;
	v11 =	vmul.f32 v14, v17  }
0x2ba: {  	[tilespmem:s0+$0xFFFFFFE8] =	vst v13;
	v14 =	vbroadcast v6, $0x6;
	v13 =	vshll.u32 v10, $0x10;
	v9 =	vmul.f32 v9, v15  }
0x2bb: {  	v17 =	vld [tilespmem:s26+$0xFFFFFF90];
	v15 =	vbroadcast v12, $0x3;
	v10 =	vand.u32 $0xFFFF0000, v10;
	[tilespmem:s31+$0xFFFFFF98] =	vst v11;
	v11 =	vmul.f32 v13, v16  }
0x2bc: {  	v12 =	vbroadcast v12, $0x7;
	v13 =	vshll.u32 v8, $0x10;
	[tilespmem:s31+$0xFFFFFFD8] =	vst v9;
	v9 =	vmul.f32 v10, v14  }
0x2bd: {  	v8 =	vand.u32 $0xFFFF0000, v8;
	v10 =	vmul.f32 v13, v15;
	v13 =	vbroadcast v4, $0x7;
	v14 =	vld [tilespmem:s26+$0xFFFFFFE0];
	[tilespmem:s31+$0x20] =	vst v11  }
0x2be: {  	v4 =	vbroadcast v4, $0x3;
	v8 =	vmul.f32 v8, v12;
	v11 =	vand.u32 $0xFFFF0000, v18;
	[tilespmem:s31+$0x60] =	vst v9  }
0x2bf: {  	v12 =	vshll.u32 v18, $0x10;
	v9 =	vbroadcast v5, $0x3;
	[tilespmem:s0+$0x30] =	vst v10;
	v10 =	vmul.f32 v11, v13;
	v11 =	vld [tilespmem:s26+$0x30]  }
0x2c0: {  	v5 =	vbroadcast v5, $0x7;
	v4 =	vmul.f32 v12, v4;
	[tilespmem:s0+$0x70] =	vst v8;
	v8 =	vshll.u32 v17, $0x10  }
0x2c1: {  	v12 =	vbroadcast v7, $0x3;
	[tilespmem:s31+$0xF8] =	vst v10;
	v10 =	vand.u32 $0xFFFF0000, v17;
	v8 =	vmul.f32 v8, v9  }
0x2c2: {  	v7 =	vbroadcast v7, $0x7;
	[tilespmem:s31+$0xB8] =	vst v4;
	v4 =	vmul.f32 v10, v5;
	v5 =	vshll.u32 v14, $0x10  }
0x2c3: {  	v9 =	vbroadcast v6, $0x3;
	[tilespmem:s31+$0xFFFFFF20] =	vst v8;
	v8 =	vand.u32 $0xFFFF0000, v14;
	v5 =	vmul.f32 v5, v12  }
0x2c4: {  	v6 =	vbroadcast v6, $0x7;
	[tilespmem:s31+$0xFFFFFF60] =	vst v4;
	v7 =	vmul.f32 v8, v7;
	v4 =	vshll.u32 v11, $0x10  }
0x2c5: {  	s3 =	smul.u32 $0xA0, s11;
	v8 =	vand.u32 $0xFFFF0000, v11;
	v4 =	vmul.f32 v4, v9;
	[tilespmem:s31+$0xFFFFFFA8] =	vst v5  }
0x2c6: {  	v5 =	vmul.f32 v8, v6;
	[tilespmem:s31+$0xFFFFFFE8] =	vst v7  }
0x2c7: {  	s0 =	sshra.s32 s3, $0x2;
	[tilespmem:s31+$0x30] =	vst v4  }
0x2c8: {  	s1 =	smul.u32 $0xA0, s12;
	s0 =	sadd.s32 $0x157B0, s0;
	[tilespmem:s31+$0x70] =	vst v5  }
0x2c9: {  	[spmem:s21] =	stream.indirect.scatter.add.f32 [tilespmem:s8], [sflag:$0xA], $0x88, s0, s24, $0xb8;
	[tilespmem:$0x1CDD0] =	vst v63  }
0x2ca: {  	s20 =	simm.s32 $0x16750;
	s11 =	sadd.s32 $0x15080, s1  }
0x2cb: {  	[tilespmem:s20], [sflag:$0x1] =	stream.indirect.gather [hbm4b:s16+s24], $0x50, s11, s24, $0xb8;
	[tilespmem:$0x1CDD0] =	vst v63  }
0x2cc: {  	s25 =	sadd.s32 $0x15850, s1;
	s26 =	simm.s32 $0x19950  }
0x2cd: {  	[tilespmem:s26], [sflag:$0x5] =	stream.indirect.gather [hbm4b:s18+s24], $0x10, s25, s24, $0xb8;
	[tilespmem:$0x1CDD0] =	vst v63  }
0x2ce: {  	s29 =	sadd.s32 $0x150A8, s1;
	s31 =	simm.s32 $0x173D0  }
0x2cf: {  	[tilespmem:s31], [sflag:$0x2] =	stream.indirect.gather [hbm4b:s16+s24], $0x50, s29, s24, $0xb8;
	[tilespmem:$0x1CDD0] =	vst v63  }
0x2d0: {  	s3 =	sadd.s32 $0x15878, s1;
	s11 =	simm.s32 $0x19BD0  }
0x2d1: {  	[tilespmem:s11], [sflag:$0x6] =	stream.indirect.gather [hbm4b:s18+s24], $0x10, s3, s24, $0xb8;
	[tilespmem:$0x1CDD0] =	vst v63  }
0x2d2: {  	_ =	swait.ge [sflag:s2], $0xC80  }
0x2d3: {  	[sflag:s2] =	ssyncset.done $0x0  }
0x2d4: {  	[sflag:s2] =	ssyncadd.s32 $0xFFFFF380  }
0x2d5: {  	_ =	swait.ge [sflag:s19], $0x280  }
0x2d6: {  	[sflag:s19] =	ssyncset.done $0x0  }
0x2d7: {  	[sflag:s19] =	ssyncadd.s32 $0xFFFFFD80  }
0x2d8: {  	_ =	swait.ge [sflag:s28], $0xC80  }
0x2d9: {  	v4 =	vmov s17;
	[sflag:s28] =	ssyncset.done $0x0  }
0x2da: {  	v4 =	vmul.u32 $0x28, v4;
	[sflag:s28] =	ssyncadd.s32 $0xFFFFF380  }
0x2db: {  	s20 =	simm.s32 $0x0;
	_ =	swait.ge [sflag:s30], $0x280  }
0x2dc: {  	v4 =	vbroadcast v4, $0x0;
	v5 =	vmov s20;
	[sflag:s30] =	ssyncset.done $0x0  }
0x2dd: {  	v6 =	vand.u32 $0x38, v5;
	s25 =	simm.s32 $0x3;
	[sflag:s30] =	ssyncadd.s32 $0xFFFFFD80  }
0x2de: {  	v7 =	vand.u32 $0x4, v5;
	v6 =	vadd.s32 v4, v6;
	v8 =	vmov s25;
	_ =	swait.ge [sflag:s14], $0x1540  }
0x2df: {  	s26 =	simm.s32 $0x1;
	v6 =	vor.u32 v7, v6;
	v7 =	vand.u32 $0x38, v8;
	[sflag:s14] =	ssyncset.done $0x0  }
0x2e0: {  	v9 =	vmov s26;
	v10 =	vand.u32 $0x7, v8;
	v7 =	vadd.s32 v4, v7;
	[sflag:s14] =	ssyncadd.s32 $0xFFFFEAC0  }
0x2e1: {  	v11 =	vand.u32 $0x38, v9;
	v7 =	vor.u32 v10, v7;
	_ =	swait.ge [sflag:s15], $0x1540  }
0x2e2: {  	s29 =	simm.s32 $0x2;
	v11 =	vadd.s32 v4, v11;
	v10 =	vand.u32 $0x5, v9;
	[sflag:s15] =	ssyncset.done $0x0  }
0x2e3: {  	v12 =	vmov s29;
	v10 =	vor.u32 v10, v11;
	[sflag:s15] =	ssyncadd.s32 $0xFFFFEAC0  }
0x2e4: {  	s0 =	simm.s32 $0x180F0;
	v11 =	vand.u32 $0x38, v12;
	v6 =	vld.idx.msk [tilespmem:v6+s10+$0x0], $0xffff  }
0x2e5: {  	v13 =	vand.u32 $0x6, v12;
	v11 =	vadd.s32 v4, v11;
	v14 =	vld [tilespmem:s0+$0x90]  }
0x2e6: {  	s31 =	simm.s32 $0x19E70;
	v11 =	vor.u32 v13, v11;
	v7 =	vld.idx.msk [tilespmem:v7+s10+$0x0], $0xffff  }
0x2e7: {  	v13 =	vld [tilespmem:s31+$0x10]  }
0x2e8: {  	v10 =	vld.idx.msk [tilespmem:v10+s10+$0x0], $0xffff  }
0x2e9: {  	v15 =	vld [tilespmem:s0+$0xFFFFFFA0]  }
0x2ea: {  	v16 =	vld [tilespmem:s31+$0xFFFFFFE0]  }
0x2eb: {  	v11 =	vld.idx.msk [tilespmem:v11+s10+$0x0], $0xffff  }
0x2ec: {  	v17 =	vld [tilespmem:s0+$0xFFFFFFF0];
	v13 =	vadd.f32 v13, v14;
	v7 =	vmul.f32 v7, v2  }
0x2ed: {  	v18 =	vld [tilespmem:s0+$0x40]  }
0x2ee: {  	v14 =	vld [tilespmem:s31+$0xFFFFFFF0];
	v7 =	vadd.f32 v13, v7  }
0x2ef: {  	v13 =	vld [tilespmem:s31+$0x0]  }
0x2f0: {  	v6 =	vmul.f32 v6, v2;
	v15 =	vadd.f32 v16, v15;
	v16 =	vmul.f32 $2.000000030e-01, v7  }
0x2f1: {  	vm9 =	vgt.f32 v7, $0.0e+00  }
0x2f2: {  	v6 =	vadd.f32 v15, v6;
	v7 =	vsel vm9, v7, v16  }
0x2f3: {  	v10 =	vmul.f32 v10, v2;
	v14 =	vadd.f32 v14, v17;
	v7 =	vsub.f32 v7, v3  }
0x2f4: {  	v11 =	vmul.f32 v11, v2;
	v15 =	vmul.f32 $2.000000030e-01, v6;
	v13 =	vadd.f32 v13, v18  }
0x2f5: {  	vm10 =	vgt.f32 v6, $0.0e+00;
	v10 =	vadd.f32 v14, v10;
	v7 =	vmul.f32 $1.442695020e+00, v7  }
0x2f6: {  	v6 =	vsel vm10, v6, v15;
	v11 =	vadd.f32 v13, v11  }
0x2f7: {  	v6 =	vsub.f32 v6, v3;
	v13 =	vmul.f32 $2.000000030e-01, v10;
	(erf) = vpow2.f32 v7  }
0x2f8: {  	vm11 =	vgt.f32 v10, $0.0e+00;
	v7 =	vmul.f32 $2.000000030e-01, v11  }
0x2f9: {  	v6 =	vmul.f32 $1.442695020e+00, v6;
	v10 =	vsel vm11, v10, v13;
	vm12 =	vgt.f32 v11, $0.0e+00  }
0x2fa: {  	v8 =	vmul.u32 $0x88, v8;
	v10 =	vsub.f32 v10, v3;
	v7 =	vsel vm12, v11, v7  }
0x2fb: {  	(erf) = vpow2.f32 v6;
	v6 =	vsub.f32 v7, v3  }
0x2fc: {  	v8 =	vadd.s32 v1, v8;
	v7 =	vmul.f32 $1.442695020e+00, v10  }
0x2fd: {  	v6 =	vmul.f32 $1.442695020e+00, v6  }
0x2fe: {  	v5 =	vmul.u32 $0x88, v5;
	(erf) = vpow2.f32 v7  }
0x2ff: {  	(erf) = vpow2.f32 v6  }
0x300: {  	v5 =	vadd.s32 v1, v5;
	v11 =	vpop (erf)  }
0x301: {  	v6 =	vmul.u32 $0x88, v9;
	[tilespmem:v8+s13+$0x0] =	vst.idx.msk $0xff, v11  }
0x302: {  	s3 =	simm.s32 $0x4;
	s11 =	simm.s32 $0x5;
	v7 =	vmul.u32 $0x88, v12;
	v8 =	vld [tilespmem:s0+$0x50]  }
0x303: {  	v13 =	vmov s11;
	v10 =	vmov s3;
	v6 =	vadd.s32 v1, v6  }
0x304: {  	v17 =	vand.u32 $0x5, v13;
	v14 =	vand.u32 $0x38, v10;
	v7 =	vadd.s32 v1, v7;
	v9 =	vpop (erf)  }
0x305: {  	v15 =	vand.u32 $0x4, v10;
	v18 =	vbroadcast v11, $0x0;
	v22 =	vbroadcast v11, $0x4;
	[tilespmem:v5+s13+$0x0] =	vst.idx.msk $0xff, v9  }
0x306: {  	v47 =	vbroadcast v11, $0x6;
	v5 =	vadd.s32 v4, v14;
	v14 =	vbroadcast v11, $0x3;
	v16 =	vld [tilespmem:s0+$0xFFFFFF60]  }
0x307: {  	v19 =	vbroadcast v9, $0x0;
	v23 =	vbroadcast v9, $0x4;
	v20 =	vpop (erf);
	v21 =	vshll.u32 v8, $0x10  }
0x308: {  	s17 =	simm.s32 $0x6;
	v52 =	vbroadcast v9, $0x3;
	[tilespmem:v6+s13+$0x0] =	vst.idx.msk $0xff, v20;
	v24 =	vpop (erf);
	v6 =	vand.u32 $0xFFFF0000, v8;
	v8 =	vmul.f32 v21, v18  }
0x309: {  	s11 =	simm.s32 $0x1A460;
	v12 =	vmov s17;
	v31 =	vbroadcast v20, $0x5;
	v25 =	vld [tilespmem:s0+$0xFFFFFFB0];
	[tilespmem:v7+s13+$0x0] =	vst.idx.msk $0xff, v24;
	v6 =	vmul.f32 v6, v22  }
0x30a: {  	v28 =	vand.u32 $0x38, v12;
	v21 =	vbroadcast v9, $0x1;
	v7 =	vbroadcast v9, $0x5;
	[tilespmem:s11+$0x88] =	vst v8  }
0x30b: {  	v22 =	vbroadcast v9, $0x2;
	v26 =	vshll.u32 v16, $0x10;
	v16 =	vand.u32 $0xFFFF0000, v16;
	v27 =	vld [tilespmem:s0+$0x0];
	[tilespmem:s11+$0xC8] =	vst v6  }
0x30c: {  	v5 =	vor.u32 v15, v5;
	v19 =	vmul.f32 v26, v19;
	v16 =	vmul.f32 v16, v23;
	v23 =	vld [tilespmem:s0+$0x60]  }
0x30d: {  	v18 =	vand.u32 $0x6, v12;
	v29 =	vbroadcast v24, $0x0;
	v8 =	vbroadcast v20, $0x0  }
0x30e: {  	v30 =	vbroadcast v24, $0x4;
	v26 =	vbroadcast v20, $0x4;
	[tilespmem:s11+$0xFFFFFEF0] =	vst v19;
	v15 =	vshll.u32 v25, $0x10  }
0x30f: {  	v6 =	vand.u32 $0x38, v13;
	[tilespmem:s11+$0xFFFFFF30] =	vst v16;
	v19 =	vand.u32 $0xFFFF0000, v25;
	v8 =	vmul.f32 v15, v8  }
0x310: {  	v15 =	vld [tilespmem:s0+$0xFFFFFF70];
	v19 =	vmul.f32 v19, v26;
	v26 =	vbroadcast v11, $0x1;
	v25 =	vshll.u32 v27, $0x10  }
0x311: {  	v25 =	vmul.f32 v25, v29;
	[tilespmem:s11+$0xFFFFFF78] =	vst v8;
	v29 =	vbroadcast v11, $0x5;
	v8 =	vshll.u32 v23, $0x10  }
0x312: {  	v6 =	vadd.s32 v4, v6;
	[tilespmem:s11+$0xFFFFFFB8] =	vst v19;
	v19 =	vand.u32 $0xFFFF0000, v23;
	v8 =	vmul.f32 v8, v26  }
0x313: {  	s1 =	simm.s32 $0x18230;
	v6 =	vor.u32 v17, v6;
	v23 =	vand.u32 $0xFFFF0000, v27;
	[tilespmem:s11+$0x0] =	vst v25;
	v19 =	vmul.f32 v19, v29  }
0x314: {  	s20 =	simm.s32 $0x7;
	v49 =	vld [tilespmem:s1+$0x90];
	v46 =	vbroadcast v24, $0x6;
	v26 =	vadd.s32 v4, v28;
	v17 =	vmul.f32 v23, v30;
	[tilespmem:s11+$0x98] =	vst v8  }
0x315: {  	v25 =	vmov s20;
	v28 =	vld.idx.msk [tilespmem:v5+s10+$0x0], $0xffff;
	v23 =	vshll.u32 v15, $0x10;
	v15 =	vand.u32 $0xFFFF0000, v15;
	[tilespmem:s11+$0xD8] =	vst v19  }
0x316: {  	v16 =	vbroadcast v20, $0x1;
	[tilespmem:s11+$0x40] =	vst v17;
	v7 =	vmul.f32 v15, v7;
	v15 =	vand.u32 $0x38, v25;
	v17 =	vld [tilespmem:s0+$0x70]  }
0x317: {  	v18 =	vor.u32 v18, v26;
	v26 =	vand.u32 $0x7, v25;
	v8 =	vld [tilespmem:s0+$0xFFFFFFC0];
	v15 =	vadd.s32 v4, v15  }
0x318: {  	v27 =	vbroadcast v20, $0x2;
	v45 =	vld.idx.msk [tilespmem:v6+s10+$0x0], $0xffff;
	v21 =	vmul.f32 v23, v21;
	v5 =	vor.u32 v26, v15  }
0x319: {  	v30 =	vbroadcast v9, $0x6;
	v6 =	vbroadcast v11, $0x2;
	v23 =	vld [tilespmem:s0+$0x10]  }
0x31a: {  	v55 =	vld [tilespmem:s1+$0x40];
	s17 =	simm.s32 $0x19EB0;
	v11 =	vbroadcast v11, $0x7;
	v19 =	vbroadcast v24, $0x1;
	[tilespmem:s11+$0xFFFFFF00] =	vst v21  }
0x31b: {  	v51 =	vld [tilespmem:s17+$0xFFFFFFE0];
	v21 =	vbroadcast v24, $0x5;
	[tilespmem:s11+$0xFFFFFF40] =	vst v7;
	v15 =	vbroadcast v20, $0x6;
	v7 =	vshll.u32 v17, $0x10  }
0x31c: {  	v29 =	vld [tilespmem:s0+$0xFFFFFF80];
	v48 =	vshll.u32 v8, $0x10;
	v17 =	vand.u32 $0xFFFF0000, v17;
	v6 =	vmul.f32 v7, v6  }
0x31d: {  	v16 =	vmul.f32 v48, v16;
	v7 =	vand.u32 $0xFFFF0000, v8;
	v8 =	vld.idx.msk [tilespmem:v5+s10+$0x0], $0xffff;
	v5 =	vmul.f32 v17, v47  }
0x31e: {  	v17 =	vmul.f32 v7, v31;
	v7 =	vshll.u32 v23, $0x10;
	v23 =	vand.u32 $0xFFFF0000, v23;
	v31 =	vld [tilespmem:s17+$0x10];
	[tilespmem:s11+$0xA8] =	vst v6  }
0x31f: {  	v19 =	vmul.f32 v7, v19;
	v21 =	vmul.f32 v23, v21;
	v23 =	vld [tilespmem:s1+$0xFFFFFFA0];
	[tilespmem:s11+$0xE8] =	vst v5  }
0x320: {  	v7 =	vbroadcast v20, $0x3;
	v6 =	vbroadcast v20, $0x7;
	v20 =	vld [tilespmem:s0+$0x80]  }
0x321: {  	v26 =	vbroadcast v24, $0x2;
	v28 =	vmul.f32 v28, v2;
	v18 =	vld.idx.msk [tilespmem:v18+s10+$0x0], $0xffff  }
0x322: {  	v53 =	vld [tilespmem:s17+$0xFFFFFFF0];
	v50 =	vshll.u32 v29, $0x10;
	v29 =	vand.u32 $0xFFFF0000, v29;
	[tilespmem:s11+$0xFFFFFF88] =	vst v16;
	v16 =	vmul.f32 v45, v2  }
0x323: {  	v29 =	vmul.f32 v29, v30;
	v30 =	vld [tilespmem:s1+$0xFFFFFFF0];
	v54 =	vmul.f32 v8, v2;
	v31 =	vadd.f32 v31, v49  }
0x324: {  	v10 =	vmul.u32 $0x88, v10;
	v56 =	vld [tilespmem:s17+$0x0];
	v5 =	vbroadcast v24, $0x3;
	v22 =	vmul.f32 v50, v22  }
0x325: {  	v23 =	vadd.f32 v51, v23;
	v31 =	vadd.f32 v31, v54;
	v57 =	vshll.u32 v20, $0x10  }
0x326: {  	v18 =	vmul.f32 v18, v2;
	v20 =	vand.u32 $0xFFFF0000, v20;
	v58 =	vmul.f32 v57, v14  }
0x327: {  	v59 =	vmul.f32 v20, v11;
	v14 =	vadd.f32 v23, v28;
	v11 =	vmul.f32 $2.000000030e-01, v31  }
0x328: {  	v8 =	vbroadcast v24, $0x7;
	v20 =	vadd.f32 v53, v30;
	vm13 =	vgt.f32 v31, $0.0e+00  }
0x329: {  	[tilespmem:s11+$0xFFFFFFC8] =	vst v17;
	v23 =	vadd.f32 v56, v55;
	v17 =	vmul.f32 $2.000000030e-01, v14;
	v11 =	vsel vm13, v31, v11  }
0x32a: {  	[tilespmem:s11+$0x10] =	vst v19;
	v19 =	vld [tilespmem:s0+$0xFFFFFFD0];
	v24 =	vbroadcast v9, $0x7;
	vm14 =	vgt.f32 v14, $0.0e+00;
	v11 =	vsub.f32 v11, v3  }
0x32b: {  	s25 =	simm.s32 $0x8;
	v16 =	vadd.f32 v20, v16;
	v14 =	vsel vm14, v14, v17;
	v17 =	vadd.f32 v23, v18  }
0x32c: {  	[tilespmem:s11+$0x50] =	vst v21;
	v9 =	vmov s25;
	v14 =	vsub.f32 v14, v3;
	v11 =	vmul.f32 $1.442695020e+00, v11  }
0x32d: {  	[tilespmem:s11+$0xFFFFFF10] =	vst v22;
	v21 =	vmul.f32 $2.000000030e-01, v16;
	vm15 =	vgt.f32 v16, $0.0e+00;
	v22 =	vmul.f32 $2.000000030e-01, v17  }
0x32e: {  	v18 =	vld [tilespmem:s0+$0x20];
	vm1 =	vgt.f32 v17, $0.0e+00;
	(erf) = vpow2.f32 v11;
	v11 =	vmul.f32 $1.442695020e+00, v14  }
0x32f: {  	[tilespmem:s11+$0xFFFFFF50] =	vst v29;
	v14 =	vsel vm15, v16, v21;
	v21 =	vshll.u32 v19, $0x10;
	v17 =	vsel vm1, v17, v22  }
0x330: {  	v16 =	vld [tilespmem:s0+$0xFFFFFF90];
	v19 =	vand.u32 $0xFFFF0000, v19;
	v22 =	vmul.u32 $0x88, v25;
	v14 =	vsub.f32 v14, v3  }
0x331: {  	v17 =	vsub.f32 v17, v3;
	v21 =	vmul.f32 v21, v27;
	(erf) = vpow2.f32 v11  }
0x332: {  	v15 =	vmul.f32 v19, v15;
	v19 =	vmul.u32 $0x88, v12;
	v14 =	vmul.f32 $1.442695020e+00, v14  }
0x333: {  	v11 =	vshll.u32 v18, $0x10;
	v18 =	vand.u32 $0xFFFF0000, v18;
	v17 =	vmul.f32 $1.442695020e+00, v17  }
0x334: {  	v22 =	vadd.s32 v1, v22;
	v11 =	vmul.f32 v11, v26;
	(erf) = vpow2.f32 v14  }
0x335: {  	[tilespmem:s11+$0xFFFFFFD8] =	vst v15;
	v15 =	vmul.f32 v18, v46;
	v14 =	vshll.u32 v16, $0x10;
	(erf) = vpow2.f32 v17  }
0x336: {  	[tilespmem:s11+$0xFFFFFF98] =	vst v21;
	v17 =	vadd.s32 v1, v10;
	v26 =	vmul.f32 v14, v52;
	v14 =	vmul.u32 $0x88, v13  }
0x337: {  	s26 =	simm.s32 $0x9;
	v20 =	vand.u32 $0x38, v9;
	v21 =	vand.u32 $0x4, v9;
	v18 =	vld [tilespmem:s0+$0xFFFFFFE0];
	[tilespmem:s11+$0x20] =	vst v11  }
0x338: {  	s29 =	simm.s32 $0xA;
	v30 =	vadd.s32 v1, v19;
	v16 =	vand.u32 $0xFFFF0000, v16;
	v11 =	vmov s26;
	[tilespmem:s11+$0x60] =	vst v15;
	v13 =	vpop (erf)  }
0x339: {  	v15 =	vadd.s32 v4, v20;
	v16 =	vmul.f32 v16, v24;
	v10 =	vmov s29;
	[tilespmem:v22+s13+$0x0] =	vst.idx.msk $0xff, v13  }
0x33a: {  	v29 =	vand.u32 $0x5, v11;
	v28 =	vand.u32 $0x38, v11;
	v22 =	vadd.s32 v1, v14;
	v27 =	vld [tilespmem:s1+$0x50];
	v14 =	vpop (erf)  }
0x33b: {  	v34 =	vand.u32 $0x6, v10;
	v60 =	vand.u32 $0x38, v10;
	v55 =	vadd.s32 v4, v28;
	[tilespmem:v17+s13+$0x0] =	vst.idx.msk $0xff, v14  }
0x33c: {  	[tilespmem:s11+$0xFFFFFF20] =	vst v26;
	v26 =	vadd.s32 v4, v60;
	v33 =	vor.u32 v29, v55;
	v19 =	vshll.u32 v18, $0x10;
	v31 =	vld [tilespmem:s1+$0xFFFFFF60]  }
0x33d: {  	s31 =	simm.s32 $0xB;
	v18 =	vand.u32 $0xFFFF0000, v18;
	v34 =	vor.u32 v34, v26;
	v12 =	vbroadcast v13, $0x3  }
0x33e: {  	v26 =	vmov s31;
	v62 =	vbroadcast v13, $0x0;
	v49 =	vbroadcast v13, $0x4;
	v24 =	vpop (erf)  }
0x33f: {  	v23 =	vld [tilespmem:s0+$0x30];
	v60 =	vbroadcast v13, $0x5;
	v17 =	vbroadcast v14, $0x0;
	[tilespmem:v22+s13+$0x0] =	vst.idx.msk $0xff, v24;
	v22 =	vpop (erf);
	v48 =	vshll.u32 v27, $0x10  }
0x340: {  	v61 =	vbroadcast v14, $0x4;
	v50 =	vld [tilespmem:s1+$0xFFFFFFB0];
	[tilespmem:v30+s13+$0x0] =	vst.idx.msk $0xff, v22;
	v27 =	vand.u32 $0xFFFF0000, v27;
	v30 =	vmul.f32 v48, v62  }
0x341: {  	[tilespmem:s11+$0xF8] =	vst v59;
	s0 =	simm.s32 $0x1A680;
	v37 =	vbroadcast v14, $0x1;
	v52 =	vld [tilespmem:s1+$0x0];
	v27 =	vmul.f32 v27, v49;
	v54 =	vshll.u32 v31, $0x10  }
0x342: {  	v38 =	vbroadcast v14, $0x5;
	[tilespmem:s0+$0x88] =	vst v30;
	v30 =	vand.u32 $0xFFFF0000, v31;
	v17 =	vmul.f32 v54, v17  }
0x343: {  	v25 =	vbroadcast v14, $0x2;
	v31 =	vor.u32 v21, v15;
	[tilespmem:s0+$0xC8] =	vst v27;
	v21 =	vmul.f32 v30, v61  }
0x344: {  	v40 =	vand.u32 $0x7, v26;
	v63 =	vbroadcast v24, $0x0;
	v51 =	vbroadcast v24, $0x4;
	v56 =	vld [tilespmem:s1+$0x60];
	[tilespmem:s0+$0xFFFFFEF0] =	vst v17  }
0x345: {  	v53 =	vbroadcast v22, $0x0;
	v15 =	vbroadcast v22, $0x4;
	v17 =	vshll.u32 v50, $0x10;
	[tilespmem:s0+$0xFFFFFF30] =	vst v21  }
0x346: {  	[tilespmem:s11+$0xB8] =	vst v58;
	v57 =	vand.u32 $0xFFFF0000, v50;
	v17 =	vmul.f32 v17, v63;
	v21 =	vshll.u32 v52, $0x10;
	v58 =	vld [tilespmem:s1+$0xFFFFFF70]  }
0x347: {  	[tilespmem:s11+$0xFFFFFF60] =	vst v16;
	v36 =	vand.u32 $0xFFFF0000, v52;
	v59 =	vmul.f32 v57, v51;
	v39 =	vmul.f32 v21, v53  }
0x348: {  	v20 =	vshll.u32 v23, $0x10;
	[tilespmem:s0+$0xFFFFFF78] =	vst v17;
	v17 =	vmul.f32 v36, v15;
	v15 =	vbroadcast v13, $0x1  }
0x349: {  	v28 =	vbroadcast v22, $0x1;
	v32 =	vbroadcast v22, $0x5;
	[tilespmem:s0+$0xFFFFFFB8] =	vst v59;
	v29 =	vshll.u32 v56, $0x10  }
0x34a: {  	v27 =	vbroadcast v24, $0x5;
	v36 =	vld [tilespmem:s1+$0xFFFFFFC0];
	v16 =	vand.u32 $0xFFFF0000, v56;
	[tilespmem:s0+$0x0] =	vst v39;
	v29 =	vmul.f32 v29, v15  }
0x34b: {  	v35 =	vmul.f32 v16, v60;
	[tilespmem:s0+$0x40] =	vst v17;
	v17 =	vshll.u32 v58, $0x10;
	v61 =	vand.u32 $0xFFFF0000, v58  }
0x34c: {  	v23 =	vand.u32 $0xFFFF0000, v23;
	[tilespmem:s0+$0x98] =	vst v29;
	v62 =	vmul.f32 v17, v37;
	v37 =	vmul.f32 v61, v38;
	v38 =	vld [tilespmem:s1+$0x10]  }
0x34d: {  	v30 =	vbroadcast v24, $0x1;
	v63 =	vand.u32 $0x38, v26;
	v21 =	vbroadcast v24, $0x2;
	[tilespmem:s0+$0xD8] =	vst v35  }
0x34e: {  	v41 =	vadd.s32 v4, v63;
	v15 =	vbroadcast v24, $0x6;
	v16 =	vbroadcast v22, $0x2;
	v35 =	vld [tilespmem:s1+$0x70]  }
0x34f: {  	s3 =	simm.s32 $0x18230;
	s20 =	simm.s32 $0xC;
	v29 =	vbroadcast v14, $0x6;
	v17 =	vbroadcast v22, $0x6;
	v39 =	vshll.u32 v36, $0x10;
	[tilespmem:s0+$0xFFFFFF00] =	vst v62  }
.LBB2_10:
0x350: {  	p0 =	slt.u32 s20, $0x24;
	v31 =	vld.idx.msk [tilespmem:v31+s10+$0x0], $0xffff;
	v40 =	vor.u32 v40, v41;
	[tilespmem:s0+$0xFFFFFF40] =	vst v37;
	v36 =	vand.u32 $0xFFFF0000, v36;
	v30 =	vmul.f32 v39, v30  }
0x351: {  	v37 =	vld [tilespmem:s1+$0xFFFFFF80];
	v27 =	vmul.f32 v36, v27;
	v36 =	vshll.u32 v38, $0x10;
	v38 =	vand.u32 $0xFFFF0000, v38  }
0x352: {  	v33 =	vld.idx.msk [tilespmem:v33+s10+$0x0], $0xffff;
	[tilespmem:s0+$0xFFFFFF88] =	vst v30;
	v28 =	vmul.f32 v36, v28;
	v30 =	vbroadcast v13, $0x2  }
0x353: {  	s1 =	sadd.s32 $0x140, s1;
	v36 =	vbroadcast v13, $0x6;
	v34 =	vld.idx.msk [tilespmem:v34+s10+$0x0], $0xffff;
	[tilespmem:s0+$0xFFFFFFC8] =	vst v27;
	v27 =	vmul.f32 v38, v32;
	v32 =	vshll.u32 v35, $0x10  }
0x354: {  	v39 =	vbroadcast v24, $0x3;
	v38 =	vld [tilespmem:s1+$0x90];
	[tilespmem:s0+$0x10] =	vst v28;
	v28 =	vand.u32 $0xFFFF0000, v35;
	v30 =	vmul.f32 v32, v30  }
0x355: {  	v24 =	vbroadcast v24, $0x7;
	s17 =	sadd.s32 $0x40, s17;
	v32 =	vld.idx.msk [tilespmem:v40+s10+$0x0], $0xffff;
	[tilespmem:s0+$0x50] =	vst v27;
	v27 =	vmul.f32 v28, v36  }
0x356: {  	v28 =	vld [tilespmem:s17+$0x10];
	v35 =	vshll.u32 v37, $0x10;
	v36 =	vand.u32 $0xFFFF0000, v37;
	v37 =	vbroadcast v22, $0x3;
	[tilespmem:s0+$0xA8] =	vst v30  }
0x357: {  	v30 =	vld [tilespmem:s1+$0xFFFFFFA0];
	v25 =	vmul.f32 v35, v25;
	v29 =	vmul.f32 v36, v29;
	[tilespmem:s0+$0xE8] =	vst v27  }
0x358: {  	v22 =	vbroadcast v22, $0x7;
	v35 =	vbroadcast v14, $0x3;
	v27 =	vld [tilespmem:s3+$0x80]  }
0x359: {  	v19 =	vmul.f32 v19, v7;
	v7 =	vmov v39;
	v14 =	vbroadcast v14, $0x7;
	v36 =	vld [tilespmem:s17+$0xFFFFFFE0];
	[tilespmem:s0+$0xFFFFFF10] =	vst v25  }
0x35a: {  	v18 =	vmul.f32 v18, v6;
	v20 =	vmul.f32 v20, v5;
	v6 =	vmovc v24;
	v5 =	vmovc v37;
	v25 =	vmov s20;
	v39 =	vld [tilespmem:s1+$0xFFFFFFF0];
	[tilespmem:s0+$0xFFFFFF50] =	vst v29  }
0x35b: {  	v29 =	vmul.f32 v32, v2;
	v24 =	vld [tilespmem:s17+$0xFFFFFFF0];
	v28 =	vadd.f32 v28, v38;
	[tilespmem:s11+$0xFFFFFFA8] =	vst v19;
	v19 =	vmul.f32 v23, v8  }
0x35c: {  	v13 =	vbroadcast v13, $0x7;
	v23 =	vmul.f32 v31, v2;
	v31 =	vmul.u32 $0x88, v9;
	v8 =	vmovc v22;
	v9 =	vmovc v25;
	v32 =	vld [tilespmem:s1+$0x40];
	[tilespmem:s11+$0xFFFFFFE8] =	vst v18  }
0x35d: {  	v18 =	vld [tilespmem:s17+$0x0];
	v22 =	vadd.f32 v28, v29;
	v25 =	vshll.u32 v27, $0x10;
	v27 =	vand.u32 $0xFFFF0000, v27;
	[tilespmem:s11+$0x30] =	vst v20  }
0x35e: {  	v20 =	vadd.f32 v36, v30;
	v28 =	vld [tilespmem:s3+$0xFFFFFFD0];
	v12 =	vmul.f32 v25, v12;
	v13 =	vmul.f32 v27, v13;
	[tilespmem:s11+$0x70] =	vst v19;
	s11 =	smov.u32 s0  }
0x35f: {  	v19 =	vand.u32 $0x38, v9;
	v27 =	vand.u32 $0x4, v9;
	v25 =	vmul.f32 $2.000000030e-01, v22;
	v29 =	vld [tilespmem:s3+$0x20]  }
0x360: {  	vm0 =	vgt.f32 v22, $0.0e+00;
	v20 =	vadd.f32 v20, v23;
	v23 =	vadd.f32 v24, v39;
	v24 =	vld [tilespmem:s3+$0xFFFFFF90];
	[tilespmem:s0+$0xF8] =	vst v13  }
0x361: {  	v30 =	vmul.f32 v34, v2;
	v13 =	vmul.f32 v33, v2;
	v22 =	vsel vm0, v22, v25;
	[tilespmem:s0+$0xB8] =	vst v12  }
0x362: {  	v12 =	vmul.f32 $2.000000030e-01, v20;
	v18 =	vadd.f32 v18, v32;
	v22 =	vsub.f32 v22, v3  }
0x363: {  	vm0 =	vgt.f32 v20, $0.0e+00;
	v13 =	vadd.f32 v23, v13;
	v23 =	vshll.u32 v28, $0x10  }
0x364: {  	v12 =	vsel vm0, v20, v12;
	v18 =	vadd.f32 v18, v30;
	v20 =	vmul.f32 $1.442695020e+00, v22  }
0x365: {  	vm0 =	vgt.f32 v13, $0.0e+00;
	v22 =	vmul.f32 $2.000000030e-01, v13;
	v12 =	vsub.f32 v12, v3  }
0x366: {  	vm1 =	vgt.f32 v18, $0.0e+00;
	v25 =	vmul.f32 $2.000000030e-01, v18;
	(erf) = vpow2.f32 v20  }
0x367: {  	v13 =	vsel vm0, v13, v22;
	v20 =	vand.u32 $0xFFFF0000, v28;
	v12 =	vmul.f32 $1.442695020e+00, v12  }
0x368: {  	v22 =	vshll.u32 v29, $0x10;
	v13 =	vsub.f32 v13, v3;
	v18 =	vsel vm1, v18, v25  }
0x369: {  	v25 =	vmul.u32 $0x88, v26;
	v18 =	vsub.f32 v18, v3;
	(erf) = vpow2.f32 v12  }
0x36a: {  	v12 =	vmul.f32 $1.442695020e+00, v13;
	v13 =	vmul.f32 v23, v21;
	v21 =	vand.u32 $0xFFFF0000, v29  }
0x36b: {  	v15 =	vmul.f32 v20, v15;
	v23 =	vadd.s32 v1, v25;
	v18 =	vmul.f32 $1.442695020e+00, v18  }
0x36c: {  	v22 =	vmul.f32 v22, v16;
	(erf) = vpow2.f32 v12;
	v12 =	vshll.u32 v24, $0x10;
	[tilespmem:s0+$0xFFFFFF98] =	vst v13  }
0x36d: {  	v16 =	vand.u32 $0xFFFF0000, v24;
	(erf) = vpow2.f32 v18;
	[tilespmem:s0+$0xFFFFFFD8] =	vst v15;
	v15 =	vmul.f32 v21, v17  }
0x36e: {  	s25 =	sadd.s32 $0x1, s20;
	s26 =	sadd.s32 $0x2, s20;
	v16 =	vmul.f32 v16, v14;
	v17 =	vadd.s32 v1, v31;
	v18 =	vmul.f32 v12, v35;
	v20 =	vld [tilespmem:s3+$0xFFFFFFE0];
	[tilespmem:s0+$0x20] =	vst v22  }
0x36f: {  	v14 =	vmov s26;
	v21 =	vmul.u32 $0x88, v11;
	v11 =	vmov s25;
	v13 =	vpop (erf);
	[tilespmem:s0+$0x60] =	vst v15  }
0x370: {  	v15 =	vadd.s32 v4, v19;
	v19 =	vmul.u32 $0x88, v10;
	v10 =	vmovc v14;
	[tilespmem:v23+s13+$0x0] =	vst.idx.msk $0xff, v13;
	v12 =	vbroadcast v13, $0x3;
	v23 =	vld [tilespmem:s3+$0x30];
	s3 =	smov.u32 s1  }
0x371: {  	v26 =	vand.u32 $0x5, v11;
	v21 =	vadd.s32 v1, v21;
	v29 =	vand.u32 $0x6, v10;
	v28 =	vld [tilespmem:s1+$0x50];
	[tilespmem:s0+$0xFFFFFF20] =	vst v18  }
0x372: {  	v30 =	vand.u32 $0x38, v11;
	v32 =	vand.u32 $0x38, v10;
	v31 =	vadd.s32 v1, v19;
	v14 =	vpop (erf);
	[tilespmem:s0+$0xFFFFFF60] =	vst v16  }
0x373: {  	[tilespmem:v17+s13+$0x0] =	vst.idx.msk $0xff, v14;
	v16 =	vbroadcast v14, $0x0;
	v17 =	vbroadcast v14, $0x4;
	v19 =	vshll.u32 v20, $0x10  }
0x374: {  	v35 =	vbroadcast v14, $0x1;
	v37 =	vbroadcast v14, $0x5;
	v18 =	vand.u32 $0xFFFF0000, v20;
	v33 =	vld [tilespmem:s1+$0xFFFFFF60]  }
0x375: {  	v34 =	vbroadcast v13, $0x0;
	v25 =	vbroadcast v14, $0x2;
	v24 =	vpop (erf);
	v20 =	vshll.u32 v23, $0x10  }
0x376: {  	v38 =	vbroadcast v13, $0x4;
	[tilespmem:v21+s13+$0x0] =	vst.idx.msk $0xff, v24;
	v21 =	vbroadcast v24, $0x0;
	v36 =	vshll.u32 v28, $0x10;
	v22 =	vpop (erf)  }
0x377: {  	v40 =	vbroadcast v24, $0x4;
	v28 =	vand.u32 $0xFFFF0000, v28;
	v39 =	vld [tilespmem:s1+$0xFFFFFFB0];
	[tilespmem:v31+s13+$0x0] =	vst.idx.msk $0xff, v22;
	v31 =	vmul.f32 v36, v34  }
0x378: {  	s0 =	sadd.s32 $0x220, s0;
	v23 =	vand.u32 $0xFFFF0000, v23;
	v36 =	vbroadcast v22, $0x0;
	v28 =	vmul.f32 v28, v38;
	v34 =	vld [tilespmem:s1+$0x0]  }
0x379: {  	v41 =	vbroadcast v22, $0x4;
	v38 =	vshll.u32 v33, $0x10;
	v33 =	vand.u32 $0xFFFF0000, v33;
	[tilespmem:s0+$0x88] =	vst v31  }
0x37a: {  	v31 =	vor.u32 v27, v15;
	v15 =	vmul.f32 v38, v16;
	v16 =	vmul.f32 v33, v17;
	[tilespmem:s0+$0xC8] =	vst v28  }
0x37b: {  	v27 =	vbroadcast v24, $0x5;
	v17 =	vadd.s32 v4, v30;
	v30 =	vbroadcast v24, $0x1;
	v38 =	vld [tilespmem:s1+$0x60]  }
0x37c: {  	v28 =	vbroadcast v22, $0x1;
	[tilespmem:s0+$0xFFFFFEF0] =	vst v15;
	v15 =	vshll.u32 v39, $0x10;
	v33 =	vand.u32 $0xFFFF0000, v39  }
0x37d: {  	[tilespmem:s0+$0xFFFFFF30] =	vst v16;
	v15 =	vmul.f32 v15, v21;
	v16 =	vshll.u32 v34, $0x10;
	v21 =	vand.u32 $0xFFFF0000, v34  }
0x37e: {  	v34 =	vadd.s32 v4, v32;
	v32 =	vmul.f32 v33, v40;
	v39 =	vld [tilespmem:s1+$0xFFFFFF70];
	v16 =	vmul.f32 v16, v36  }
0x37f: {  	v33 =	vor.u32 v26, v17;
	v17 =	vmul.f32 v21, v41;
	[tilespmem:s0+$0xFFFFFF78] =	vst v15;
	v15 =	vbroadcast v13, $0x1  }
0x380: {  	v40 =	vbroadcast v13, $0x5;
	[tilespmem:s0+$0xFFFFFFB8] =	vst v32;
	v32 =	vbroadcast v22, $0x5;
	v26 =	vshll.u32 v38, $0x10  }
0x381: {  	v21 =	vbroadcast v24, $0x2;
	v36 =	vld [tilespmem:s1+$0xFFFFFFC0];
	[tilespmem:s0+$0x0] =	vst v16;
	v16 =	vand.u32 $0xFFFF0000, v38;
	v26 =	vmul.f32 v26, v15  }
.Ltmp3:
0x382: {  	v34 =	vor.u32 v29, v34;
	v15 =	vbroadcast v24, $0x6;
	[tilespmem:s0+$0x40] =	vst v17;
	v17 =	vmul.f32 v16, v40;
	(pc) =	sbr.rel @p0 .LBB2_10-.Ltmp3, $4  }
0x383: {  	s25 =	sadd.s32 $0x3, s20;
	v16 =	vbroadcast v22, $0x2;
	v29 =	vshll.u32 v39, $0x10;
	v39 =	vand.u32 $0xFFFF0000, v39;
	v38 =	vld [tilespmem:s1+$0x10];
	[tilespmem:s0+$0x98] =	vst v26  }
0x384: {  	v26 =	vmov s25;
	v42 =	vmul.f32 v29, v35;
	v37 =	vmul.f32 v39, v37;
	[tilespmem:s0+$0xD8] =	vst v17  }
0x385: {  	v39 =	vand.u32 $0x38, v26;
	v29 =	vbroadcast v14, $0x6;
	v17 =	vbroadcast v22, $0x6;
	v35 =	vld [tilespmem:s1+$0x70]  }
0x386: {  	s20 =	sadd.s32 $0x4, s20;
	v40 =	vand.u32 $0x7, v26;
	v41 =	vadd.s32 v4, v39;
	[tilespmem:s0+$0xFFFFFF00] =	vst v42;
	v39 =	vshll.u32 v36, $0x10  }
0x387: {  	_ =	sdelay $0x3  }
0x388: {  	v31 =	vld.idx.msk [tilespmem:v31+s10+$0x0], $0xffff  }
0x389: {  	v33 =	vld.idx.msk [tilespmem:v33+s10+$0x0], $0xffff  }
0x38a: {  	v4 =	vor.u32 v40, v41;
	s20 =	sadd.s32 $0x140, s1;
	v34 =	vld.idx.msk [tilespmem:v34+s10+$0x0], $0xffff  }
0x38b: {  	s17 =	sadd.s32 $0x40, s17;
	v51 =	vld [tilespmem:s20+$0x90]  }
0x38c: {  	v52 =	vld [tilespmem:s17+$0x10]  }
0x38d: {  	v42 =	vld [tilespmem:s20+$0xFFFFFFA0]  }
0x38e: {  	v43 =	vld [tilespmem:s17+$0xFFFFFFE0]  }
0x38f: {  	v4 =	vld.idx.msk [tilespmem:v4+s10+$0x0], $0xffff  }
0x390: {  	v44 =	vld [tilespmem:s17+$0xFFFFFFF0]  }
0x391: {  	v45 =	vld [tilespmem:s17+$0x0]  }
0x392: {  	v30 =	vmul.f32 v39, v30;
	v54 =	vld [tilespmem:s20+$0xFFFFFFF0]  }
0x393: {  	v36 =	vand.u32 $0xFFFF0000, v36;
	v58 =	vbroadcast v13, $0x2;
	v61 =	vbroadcast v13, $0x6;
	v56 =	vld [tilespmem:s20+$0x40]  }
0x394: {  	v7 =	vmul.f32 v19, v7;
	v40 =	vadd.f32 v52, v51;
	v4 =	vmul.f32 v4, v2  }
0x395: {  	v53 =	vshll.u32 v38, $0x10;
	v27 =	vmul.f32 v36, v27;
	v55 =	vand.u32 $0xFFFF0000, v38  }
0x396: {  	v31 =	vmul.f32 v31, v2;
	v57 =	vadd.f32 v43, v42;
	v4 =	vadd.f32 v40, v4  }
0x397: {  	v33 =	vmul.f32 v33, v2;
	v34 =	vmul.f32 v34, v2;
	v41 =	vadd.f32 v44, v54  }
0x398: {  	v38 =	vadd.f32 v45, v56;
	v31 =	vadd.f32 v57, v31;
	v60 =	vmul.f32 $2.000000030e-01, v4  }
0x399: {  	v28 =	vmul.f32 v53, v28;
	v33 =	vadd.f32 v41, v33;
	vm0 =	vgt.f32 v4, $0.0e+00  }
0x39a: {  	v34 =	vadd.f32 v38, v34;
	v62 =	vmul.f32 $2.000000030e-01, v31;
	v4 =	vsel vm0, v4, v60  }
0x39b: {  	[tilespmem:s0+$0xFFFFFF40] =	vst v37;
	vm6 =	vgt.f32 v31, $0.0e+00;
	v43 =	vmul.f32 $2.000000030e-01, v33;
	v4 =	vsub.f32 v4, v3  }
0x39c: {  	v63 =	vld [tilespmem:s1+$0xFFFFFF80];
	vm7 =	vgt.f32 v33, $0.0e+00;
	v38 =	vmul.f32 $2.000000030e-01, v34;
	v31 =	vsel vm6, v31, v62  }
0x39d: {  	vm1 =	vgt.f32 v34, $0.0e+00;
	v31 =	vsub.f32 v31, v3;
	v4 =	vmul.f32 $1.442695020e+00, v4  }
0x39e: {  	[tilespmem:s0+$0xFFFFFF88] =	vst v30;
	v59 =	vshll.u32 v35, $0x10;
	v33 =	vsel vm7, v33, v43;
	v44 =	vsel vm1, v34, v38  }
0x39f: {  	[tilespmem:s0+$0xFFFFFFC8] =	vst v27;
	v30 =	vsub.f32 v33, v3;
	(erf) = vpow2.f32 v4;
	v4 =	vmul.f32 $1.442695020e+00, v31  }
0x3a0: {  	v27 =	vmul.f32 v59, v58;
	[tilespmem:s0+$0x10] =	vst v28;
	v42 =	vand.u32 $0xFFFF0000, v35;
	v28 =	vsub.f32 v44, v3  }
0x3a1: {  	v31 =	vshll.u32 v63, $0x10;
	(erf) = vpow2.f32 v4;
	v4 =	vmul.f32 $1.442695020e+00, v30  }
0x3a2: {  	[tilespmem:s11+$0xFFFFFFA8] =	vst v7;
	v25 =	vmul.f32 v31, v25;
	v31 =	vand.u32 $0xFFFF0000, v63;
	v30 =	vmul.f32 v42, v61  }
0x3a3: {  	v26 =	vmul.u32 $0x88, v26;
	[tilespmem:s0+$0xA8] =	vst v27;
	(erf) = vpow2.f32 v4;
	v4 =	vmul.f32 v31, v29  }
0x3a4: {  	v9 =	vmul.u32 $0x88, v9;
	v32 =	vmul.f32 v55, v32;
	v27 =	vmul.f32 $1.442695020e+00, v28;
	[tilespmem:s0+$0xE8] =	vst v30  }
0x3a5: {  	v23 =	vmul.f32 v23, v8;
	v26 =	vadd.s32 v1, v26;
	v19 =	vld [tilespmem:s3+$0x80];
	[tilespmem:s0+$0xFFFFFF50] =	vst v4;
	v4 =	vmul.f32 v18, v6  }
0x3a6: {  	[tilespmem:s0+$0x50] =	vst v32;
	(erf) = vpow2.f32 v27;
	v18 =	vadd.s32 v1, v9;
	v9 =	vmul.u32 $0x88, v11  }
0x3a7: {  	v7 =	vbroadcast v24, $0x7;
	[tilespmem:s11+$0x70] =	vst v23;
	v6 =	vbroadcast v24, $0x3;
	v24 =	vld [tilespmem:s3+$0x20]  }
0x3a8: {  	v10 =	vmul.u32 $0x88, v10;
	[tilespmem:s0+$0xFFFFFF10] =	vst v25;
	v25 =	vadd.s32 v1, v9  }
0x3a9: {  	v13 =	vbroadcast v13, $0x7;
	v11 =	vmul.f32 v20, v5;
	v20 =	vld [tilespmem:s3+$0xFFFFFFD0];
	[tilespmem:s11+$0xFFFFFFE8] =	vst v4;
	v4 =	vpop (erf)  }
0x3aa: {  	[tilespmem:v26+s13+$0x0] =	vst.idx.msk $0xff, v4;
	v26 =	vadd.s32 v1, v10;
	v10 =	vand.u32 $0xFFFF0000, v19  }
0x3ab: {  	v8 =	vbroadcast v22, $0x7;
	[tilespmem:s11+$0x30] =	vst v11;
	v9 =	vpop (erf);
	v11 =	vld [tilespmem:s20+$0x50];
	v10 =	vmul.f32 v10, v13  }
0x3ac: {  	v5 =	vbroadcast v22, $0x3;
	v22 =	vshll.u32 v24, $0x10;
	[tilespmem:v18+s13+$0x0] =	vst.idx.msk $0xff, v9;
	v18 =	vshll.u32 v19, $0x10;
	v19 =	vpop (erf)  }
0x3ad: {  	v27 =	vbroadcast v14, $0x3;
	v16 =	vmul.f32 v22, v16;
	v13 =	vld [tilespmem:s20+$0xFFFFFF60];
	[tilespmem:v25+s13+$0x0] =	vst.idx.msk $0xff, v19  }
0x3ae: {  	v14 =	vbroadcast v14, $0x7;
	v12 =	vmul.f32 v18, v12;
	v18 =	vshll.u32 v20, $0x10;
	[tilespmem:s0+$0xF8] =	vst v10  }
0x3af: {  	v24 =	vand.u32 $0xFFFF0000, v24;
	v18 =	vmul.f32 v18, v21;
	v21 =	vbroadcast v4, $0x0;
	[tilespmem:s0+$0x20] =	vst v16;
	v23 =	vld [tilespmem:s20+$0xFFFFFFB0];
	v10 =	vpop (erf)  }
0x3b0: {  	v28 =	vbroadcast v4, $0x4;
	v20 =	vand.u32 $0xFFFF0000, v20;
	v25 =	vshll.u32 v11, $0x10;
	[tilespmem:v26+s13+$0x0] =	vst.idx.msk $0xff, v10  }
0x3b1: {  	[tilespmem:s0+$0xB8] =	vst v12;
	v12 =	vbroadcast v9, $0x0;
	v11 =	vand.u32 $0xFFFF0000, v11;
	v21 =	vmul.f32 v25, v21;
	v25 =	vld [tilespmem:s20+$0x0]  }
0x3b2: {  	s17 =	sadd.s32 $0x220, s0;
	[tilespmem:s0+$0xFFFFFF98] =	vst v18;
	v18 =	vbroadcast v9, $0x4;
	v11 =	vmul.f32 v11, v28;
	v26 =	vshll.u32 v13, $0x10  }
0x3b3: {  	v29 =	vbroadcast v19, $0x0;
	v13 =	vand.u32 $0xFFFF0000, v13;
	v12 =	vmul.f32 v26, v12;
	[tilespmem:s17+$0x88] =	vst v21  }
0x3b4: {  	v28 =	vld [tilespmem:s3+$0xFFFFFF90];
	v13 =	vmul.f32 v13, v18;
	v21 =	vbroadcast v19, $0x4;
	[tilespmem:s17+$0xC8] =	vst v11;
	v11 =	vshll.u32 v23, $0x10  }
0x3b5: {  	v18 =	vbroadcast v10, $0x0;
	v26 =	vld [tilespmem:s20+$0x60];
	[tilespmem:s17+$0xFFFFFEF0] =	vst v12;
	v12 =	vand.u32 $0xFFFF0000, v23;
	v11 =	vmul.f32 v11, v29  }
0x3b6: {  	v23 =	vbroadcast v10, $0x4;
	[tilespmem:s17+$0xFFFFFF30] =	vst v13;
	v12 =	vmul.f32 v12, v21;
	v13 =	vshll.u32 v25, $0x10  }
0x3b7: {  	v15 =	vmul.f32 v20, v15;
	v21 =	vld [tilespmem:s20+$0xFFFFFF70];
	v20 =	vand.u32 $0xFFFF0000, v25;
	[tilespmem:s17+$0xFFFFFF78] =	vst v11;
	v13 =	vmul.f32 v13, v18  }
0x3b8: {  	v17 =	vmul.f32 v24, v17;
	v18 =	vmul.f32 v20, v23;
	[tilespmem:s17+$0xFFFFFFB8] =	vst v12  }
0x3b9: {  	v16 =	vbroadcast v9, $0x5;
	v11 =	vshll.u32 v28, $0x10;
	v20 =	vbroadcast v4, $0x1;
	v22 =	vld [tilespmem:s20+$0xFFFFFFC0];
	[tilespmem:s17+$0x0] =	vst v13  }
0x3ba: {  	v11 =	vmul.f32 v11, v27;
	v23 =	vbroadcast v4, $0x5;
	v13 =	vshll.u32 v26, $0x10;
	[tilespmem:s17+$0x40] =	vst v18  }
0x3bb: {  	[tilespmem:s0+$0xFFFFFFD8] =	vst v15;
	v15 =	vbroadcast v9, $0x1;
	v18 =	vand.u32 $0xFFFF0000, v26;
	v13 =	vmul.f32 v13, v20;
	v20 =	vld [tilespmem:s20+$0x10]  }
0x3bc: {  	v24 =	vbroadcast v19, $0x1;
	[tilespmem:s0+$0xFFFFFF20] =	vst v11;
	v18 =	vmul.f32 v18, v23;
	v23 =	vshll.u32 v21, $0x10  }
0x3bd: {  	v12 =	vand.u32 $0xFFFF0000, v28;
	v21 =	vand.u32 $0xFFFF0000, v21;
	[tilespmem:s17+$0x98] =	vst v13;
	v13 =	vmul.f32 v23, v15  }
0x3be: {  	v16 =	vmul.f32 v21, v16;
	v15 =	vbroadcast v19, $0x5;
	[tilespmem:s17+$0xD8] =	vst v18;
	v18 =	vshll.u32 v22, $0x10  }
0x3bf: {  	v21 =	vbroadcast v10, $0x1;
	v23 =	vld [tilespmem:s20+$0x70];
	[tilespmem:s17+$0xFFFFFF00] =	vst v13;
	v13 =	vand.u32 $0xFFFF0000, v22;
	v18 =	vmul.f32 v18, v24  }
0x3c0: {  	[tilespmem:s17+$0xFFFFFF40] =	vst v16;
	v22 =	vbroadcast v10, $0x5;
	v13 =	vmul.f32 v13, v15;
	v15 =	vshll.u32 v20, $0x10  }
0x3c1: {  	v12 =	vmul.f32 v12, v14;
	v14 =	vld [tilespmem:s20+$0xFFFFFF80];
	v16 =	vand.u32 $0xFFFF0000, v20;
	[tilespmem:s17+$0xFFFFFF88] =	vst v18;
	v15 =	vmul.f32 v15, v21  }
0x3c2: {  	v25 =	vbroadcast v10, $0x2;
	[tilespmem:s17+$0xFFFFFFC8] =	vst v13;
	v13 =	vmul.f32 v16, v22  }
0x3c3: {  	v11 =	vbroadcast v9, $0x6;
	v20 =	vbroadcast v4, $0x2;
	[tilespmem:s17+$0x10] =	vst v15;
	v15 =	vld [tilespmem:s20+$0xFFFFFFD0]  }
0x3c4: {  	v24 =	vbroadcast v4, $0x6;
	v18 =	vbroadcast v4, $0x3;
	v22 =	vshll.u32 v23, $0x10;
	[tilespmem:s17+$0x50] =	vst v13  }
0x3c5: {  	[tilespmem:s0+$0x60] =	vst v17;
	v16 =	vbroadcast v9, $0x2;
	v17 =	vand.u32 $0xFFFF0000, v23;
	v20 =	vmul.f32 v22, v20;
	v22 =	vld [tilespmem:s20+$0x20]  }
0x3c6: {  	[tilespmem:s0+$0xFFFFFF60] =	vst v12;
	v21 =	vbroadcast v19, $0x2;
	v17 =	vmul.f32 v17, v24;
	v23 =	vshll.u32 v14, $0x10  }
0x3c7: {  	v4 =	vbroadcast v4, $0x7;
	v24 =	vld [tilespmem:s3+$0xFFFFFFE0];
	v14 =	vand.u32 $0xFFFF0000, v14;
	[tilespmem:s17+$0xA8] =	vst v20;
	v16 =	vmul.f32 v23, v16  }
0x3c8: {  	v13 =	vbroadcast v19, $0x6;
	v11 =	vmul.f32 v14, v11;
	[tilespmem:s17+$0xE8] =	vst v17;
	v14 =	vshll.u32 v15, $0x10  }
0x3c9: {  	v20 =	vbroadcast v10, $0x6;
	v17 =	vld [tilespmem:s3+$0x30];
	[tilespmem:s17+$0xFFFFFF10] =	vst v16;
	v15 =	vand.u32 $0xFFFF0000, v15;
	v14 =	vmul.f32 v14, v21  }
0x3ca: {  	v23 =	vbroadcast v19, $0x3;
	[tilespmem:s17+$0xFFFFFF50] =	vst v11;
	v13 =	vmul.f32 v15, v13;
	v11 =	vshll.u32 v22, $0x10  }
0x3cb: {  	v16 =	vbroadcast v19, $0x7;
	v19 =	vld [tilespmem:s20+$0x80];
	v21 =	vand.u32 $0xFFFF0000, v22;
	[tilespmem:s17+$0xFFFFFF98] =	vst v14;
	v11 =	vmul.f32 v11, v25  }
0x3cc: {  	v15 =	vbroadcast v10, $0x3;
	v14 =	vshll.u32 v24, $0x10;
	[tilespmem:s17+$0xFFFFFFD8] =	vst v13;
	v13 =	vmul.f32 v21, v20  }
0x3cd: {  	v10 =	vbroadcast v10, $0x7;
	v25 =	vld [tilespmem:s20+$0xFFFFFF90];
	v20 =	vand.u32 $0xFFFF0000, v24;
	v6 =	vmul.f32 v14, v6;
	[tilespmem:s17+$0x20] =	vst v11  }
0x3ce: {  	v22 =	vbroadcast v9, $0x3;
	v7 =	vmul.f32 v20, v7;
	v14 =	vld [tilespmem:s20+$0xFFFFFFE0];
	v11 =	vshll.u32 v17, $0x10;
	[tilespmem:s17+$0x60] =	vst v13  }
0x3cf: {  	v9 =	vbroadcast v9, $0x7;
	v12 =	vand.u32 $0xFFFF0000, v17;
	v5 =	vmul.f32 v11, v5;
	[tilespmem:s0+$0xFFFFFFA8] =	vst v6  }
0x3d0: {  	v11 =	vld [tilespmem:s20+$0x30];
	v6 =	vmul.f32 v12, v8;
	v8 =	vshll.u32 v19, $0x10;
	v12 =	vand.u32 $0xFFFF0000, v19;
	[tilespmem:s0+$0xFFFFFFE8] =	vst v7  }
0x3d1: {  	v7 =	vmul.f32 v8, v18;
	v4 =	vmul.f32 v12, v4;
	[tilespmem:s0+$0x30] =	vst v5  }
0x3d2: {  	v12 =	vmov s9;
	v8 =	vshll.u32 v25, $0x10;
	v5 =	vand.u32 $0xFFFF0000, v25;
	[tilespmem:s0+$0x70] =	vst v6  }
0x3d3: {  	s20 =	simm.s32 $0x0;
	v8 =	vmul.f32 v8, v22;
	v5 =	vmul.f32 v5, v9;
	v6 =	vshll.u32 v14, $0x10;
	[tilespmem:s17+$0xF8] =	vst v4  }
0x3d4: {  	v9 =	vmul.u32 $0x28, v12;
	v12 =	vand.u32 $0xFFFF0000, v14;
	[tilespmem:s17+$0xB8] =	vst v7;
	v7 =	vmov s20  }
0x3d5: {  	v6 =	vmul.f32 v6, v23;
	v13 =	vshll.u32 v11, $0x10;
	v11 =	vand.u32 $0xFFFF0000, v11;
	[tilespmem:s17+$0xFFFFFF20] =	vst v8  }
0x3d6: {  	s25 =	simm.s32 $0x3;
	v4 =	vbroadcast v9, $0x0;
	v8 =	vmul.f32 v12, v16;
	v12 =	vand.u32 $0x38, v7;
	[tilespmem:s17+$0xFFFFFF60] =	vst v5  }
0x3d7: {  	v5 =	vand.u32 $0x4, v7;
	v9 =	vmul.f32 v13, v15;
	v13 =	vmov s25;
	[tilespmem:s17+$0xFFFFFFA8] =	vst v6  }
0x3d8: {  	s26 =	simm.s32 $0x1;
	v6 =	vmul.f32 v11, v10;
	v12 =	vadd.s32 v4, v12;
	v10 =	vand.u32 $0x38, v13;
	[tilespmem:s17+$0xFFFFFFE8] =	vst v8  }
0x3d9: {  	v8 =	vmov s26;
	v11 =	vand.u32 $0x7, v13;
	v10 =	vadd.s32 v4, v10;
	[tilespmem:s17+$0x30] =	vst v9  }
0x3da: {  	s29 =	simm.s32 $0x2;
	s31 =	simm.s32 $0x18D70;
	v5 =	vor.u32 v5, v12;
	v9 =	vand.u32 $0x38, v8;
	[tilespmem:s17+$0x70] =	vst v6;
	v10 =	vor.u32 v11, v10  }
0x3db: {  	v6 =	vand.u32 $0x5, v8;
	v12 =	vmov s29;
	v9 =	vadd.s32 v4, v9;
	[spmem:s21] =	stream.indirect.scatter.add.f32 [tilespmem:s13], [sflag:$0x9], $0x88, s23, s24, $0xb8;
	[tilespmem:$0x1CDD0] =	vst v63  }
0x3dc: {  	v6 =	vor.u32 v6, v9;
	v9 =	vand.u32 $0x38, v12;
	v14 =	vld [tilespmem:s31+$0x90]  }
0x3dd: {  	s9 =	simm.s32 $0x1A0F0;
	v11 =	vand.u32 $0x6, v12;
	v15 =	vld [tilespmem:s31+$0xFFFFFFA0];
	v9 =	vadd.s32 v4, v9  }
0x3de: {  	v9 =	vor.u32 v11, v9;
	v11 =	vld [tilespmem:s9+$0x10]  }
0x3df: {  	v10 =	vld.idx.msk [tilespmem:v10+s10+$0x0], $0xffff  }
0x3e0: {  	v16 =	vld [tilespmem:s9+$0xFFFFFFE0]  }
0x3e1: {  	v17 =	vld [tilespmem:s31+$0xFFFFFFF0]  }
0x3e2: {  	v18 =	vld [tilespmem:s31+$0x40]  }
0x3e3: {  	v5 =	vld.idx.msk [tilespmem:v5+s10+$0x0], $0xffff  }
0x3e4: {  	v6 =	vld.idx.msk [tilespmem:v6+s10+$0x0], $0xffff;
	v11 =	vadd.f32 v11, v14;
	v10 =	vmul.f32 v10, v2  }
0x3e5: {  	v9 =	vld.idx.msk [tilespmem:v9+s10+$0x0], $0xffff  }
0x3e6: {  	v14 =	vld [tilespmem:s9+$0xFFFFFFF0];
	v10 =	vadd.f32 v11, v10  }
0x3e7: {  	v11 =	vld [tilespmem:s9+$0x0]  }
0x3e8: {  	v15 =	vadd.f32 v16, v15;
	v5 =	vmul.f32 v5, v2;
	v16 =	vmul.f32 $2.000000030e-01, v10  }
0x3e9: {  	vm8 =	vgt.f32 v10, $0.0e+00  }
0x3ea: {  	v5 =	vadd.f32 v15, v5;
	v10 =	vsel vm8, v10, v16  }
0x3eb: {  	v6 =	vmul.f32 v6, v2;
	v14 =	vadd.f32 v14, v17;
	v10 =	vsub.f32 v10, v3  }
0x3ec: {  	v9 =	vmul.f32 v9, v2;
	v15 =	vmul.f32 $2.000000030e-01, v5;
	v11 =	vadd.f32 v11, v18  }
0x3ed: {  	vm9 =	vgt.f32 v5, $0.0e+00;
	v6 =	vadd.f32 v14, v6;
	v10 =	vmul.f32 $1.442695020e+00, v10  }
0x3ee: {  	v5 =	vsel vm9, v5, v15;
	v9 =	vadd.f32 v11, v9  }
0x3ef: {  	v5 =	vsub.f32 v5, v3;
	v11 =	vmul.f32 $2.000000030e-01, v6;
	(erf) = vpow2.f32 v10  }
0x3f0: {  	vm10 =	vgt.f32 v6, $0.0e+00;
	v10 =	vmul.f32 $2.000000030e-01, v9  }
0x3f1: {  	v5 =	vmul.f32 $1.442695020e+00, v5;
	v6 =	vsel vm10, v6, v11;
	vm11 =	vgt.f32 v9, $0.0e+00  }
0x3f2: {  	v6 =	vsub.f32 v6, v3;
	v9 =	vsel vm11, v9, v10;
	v10 =	vmul.u32 $0x88, v13  }
0x3f3: {  	(erf) = vpow2.f32 v5;
	v5 =	vsub.f32 v9, v3  }
0x3f4: {  	v6 =	vmul.f32 $1.442695020e+00, v6;
	v9 =	vadd.s32 v1, v10  }
0x3f5: {  	v5 =	vmul.f32 $1.442695020e+00, v5  }
0x3f6: {  	v7 =	vmul.u32 $0x88, v7;
	(erf) = vpow2.f32 v6  }
0x3f7: {  	(erf) = vpow2.f32 v5  }
0x3f8: {  	v5 =	vadd.s32 v1, v7;
	v11 =	vpop (erf)  }
0x3f9: {  	s17 =	simm.s32 $0x5;
	v6 =	vmul.u32 $0x88, v8;
	[tilespmem:v9+s8+$0x0] =	vst.idx.msk $0xff, v11  }
0x3fa: {  	v13 =	vmov s17;
	v7 =	vmul.u32 $0x88, v12;
	v8 =	vld [tilespmem:s31+$0x50]  }
0x3fb: {  	s11 =	simm.s32 $0x4;
	v17 =	vand.u32 $0x5, v13;
	v6 =	vadd.s32 v1, v6  }
0x3fc: {  	v10 =	vmov s11;
	v7 =	vadd.s32 v1, v7;
	v9 =	vpop (erf);
	v18 =	vbroadcast v11, $0x0  }
0x3fd: {  	v14 =	vand.u32 $0x38, v10;
	v22 =	vbroadcast v11, $0x4;
	v46 =	vbroadcast v11, $0x6;
	[tilespmem:v5+s8+$0x0] =	vst.idx.msk $0xff, v9  }
0x3fe: {  	v15 =	vand.u32 $0x4, v10;
	v19 =	vbroadcast v9, $0x0;
	v23 =	vbroadcast v9, $0x4;
	v16 =	vld [tilespmem:s31+$0xFFFFFF60]  }
0x3ff: {  	v51 =	vbroadcast v9, $0x3;
	v5 =	vadd.s32 v4, v14;
	v20 =	vpop (erf);
	v21 =	vshll.u32 v8, $0x10  }
0x400: {  	s20 =	simm.s32 $0x6;
	v14 =	vbroadcast v11, $0x3;
	[tilespmem:v6+s8+$0x0] =	vst.idx.msk $0xff, v20;
	v24 =	vpop (erf);
	v6 =	vand.u32 $0xFFFF0000, v8;
	v8 =	vmul.f32 v21, v18  }
0x401: {  	s9 =	simm.s32 $0x1B9A0;
	v12 =	vmov s20;
	v31 =	vbroadcast v20, $0x5;
	v25 =	vld [tilespmem:s31+$0xFFFFFFB0];
	[tilespmem:v7+s8+$0x0] =	vst.idx.msk $0xff, v24;
	v6 =	vmul.f32 v6, v22  }
0x402: {  	v28 =	vand.u32 $0x38, v12;
	v21 =	vbroadcast v9, $0x1;
	v7 =	vbroadcast v9, $0x5;
	[tilespmem:s9+$0x88] =	vst v8  }
0x403: {  	v22 =	vbroadcast v9, $0x2;
	v26 =	vshll.u32 v16, $0x10;
	v27 =	vld [tilespmem:s31+$0x0];
	v16 =	vand.u32 $0xFFFF0000, v16;
	[tilespmem:s9+$0xC8] =	vst v6  }
0x404: {  	v5 =	vor.u32 v15, v5;
	v19 =	vmul.f32 v26, v19;
	v16 =	vmul.f32 v16, v23;
	v23 =	vld [tilespmem:s31+$0x60]  }
0x405: {  	v18 =	vand.u32 $0x6, v12;
	v29 =	vbroadcast v24, $0x0;
	v8 =	vbroadcast v20, $0x0  }
0x406: {  	v30 =	vbroadcast v24, $0x4;
	v26 =	vbroadcast v20, $0x4;
	[tilespmem:s9+$0xFFFFFEF0] =	vst v19;
	v15 =	vshll.u32 v25, $0x10  }
0x407: {  	v6 =	vand.u32 $0x38, v13;
	[tilespmem:s9+$0xFFFFFF30] =	vst v16;
	v19 =	vand.u32 $0xFFFF0000, v25;
	v8 =	vmul.f32 v15, v8  }
0x408: {  	v15 =	vld [tilespmem:s31+$0xFFFFFF70];
	v19 =	vmul.f32 v19, v26;
	v26 =	vbroadcast v11, $0x1;
	v25 =	vshll.u32 v27, $0x10  }
0x409: {  	v25 =	vmul.f32 v25, v29;
	[tilespmem:s9+$0xFFFFFF78] =	vst v8;
	v29 =	vbroadcast v11, $0x5;
	v8 =	vshll.u32 v23, $0x10  }
0x40a: {  	v6 =	vadd.s32 v4, v6;
	[tilespmem:s9+$0xFFFFFFB8] =	vst v19;
	v19 =	vand.u32 $0xFFFF0000, v23;
	v8 =	vmul.f32 v8, v26  }
0x40b: {  	s1 =	simm.s32 $0x18EB0;
	v6 =	vor.u32 v17, v6;
	v23 =	vand.u32 $0xFFFF0000, v27;
	[tilespmem:s9+$0x0] =	vst v25;
	v19 =	vmul.f32 v19, v29  }
0x40c: {  	s23 =	simm.s32 $0x7;
	v48 =	vld [tilespmem:s1+$0x90];
	v45 =	vbroadcast v24, $0x6;
	v26 =	vadd.s32 v4, v28;
	v17 =	vmul.f32 v23, v30;
	[tilespmem:s9+$0x98] =	vst v8  }
0x40d: {  	v25 =	vmov s23;
	v28 =	vld.idx.msk [tilespmem:v5+s10+$0x0], $0xffff;
	v23 =	vshll.u32 v15, $0x10;
	v15 =	vand.u32 $0xFFFF0000, v15;
	[tilespmem:s9+$0xD8] =	vst v19  }
0x40e: {  	v18 =	vor.u32 v18, v26;
	[tilespmem:s9+$0x40] =	vst v17;
	v7 =	vmul.f32 v15, v7;
	v15 =	vand.u32 $0x38, v25;
	v17 =	vld [tilespmem:s31+$0x70]  }
0x40f: {  	v26 =	vand.u32 $0x7, v25;
	v8 =	vld [tilespmem:s31+$0xFFFFFFC0];
	v21 =	vmul.f32 v23, v21;
	v15 =	vadd.s32 v4, v15  }
0x410: {  	v16 =	vbroadcast v20, $0x1;
	v27 =	vbroadcast v20, $0x2;
	v32 =	vld.idx.msk [tilespmem:v6+s10+$0x0], $0xffff;
	v5 =	vor.u32 v26, v15  }
0x411: {  	s11 =	simm.s32 $0x1A130;
	v30 =	vbroadcast v9, $0x6;
	v6 =	vbroadcast v11, $0x2;
	v23 =	vld [tilespmem:s31+$0x10];
	[tilespmem:s9+$0xFFFFFF00] =	vst v21  }
0x412: {  	v50 =	vld [tilespmem:s11+$0xFFFFFFE0];
	v11 =	vbroadcast v11, $0x7;
	v19 =	vbroadcast v24, $0x1;
	[tilespmem:s9+$0xFFFFFF40] =	vst v7  }
0x413: {  	v21 =	vbroadcast v24, $0x5;
	v15 =	vbroadcast v20, $0x6;
	v29 =	vld [tilespmem:s31+$0xFFFFFF80];
	v7 =	vshll.u32 v17, $0x10  }
0x414: {  	v18 =	vld.idx.msk [tilespmem:v18+s10+$0x0], $0xffff;
	v47 =	vshll.u32 v8, $0x10;
	v17 =	vand.u32 $0xFFFF0000, v17;
	v6 =	vmul.f32 v7, v6  }
0x415: {  	v16 =	vmul.f32 v47, v16;
	v7 =	vand.u32 $0xFFFF0000, v8;
	v8 =	vld.idx.msk [tilespmem:v5+s10+$0x0], $0xffff;
	v5 =	vmul.f32 v17, v46  }
0x416: {  	v17 =	vmul.f32 v7, v31;
	v7 =	vshll.u32 v23, $0x10;
	v23 =	vand.u32 $0xFFFF0000, v23;
	v31 =	vld [tilespmem:s11+$0x10];
	[tilespmem:s9+$0xA8] =	vst v6  }
0x417: {  	v10 =	vmul.u32 $0x88, v10;
	v19 =	vmul.f32 v7, v19;
	v21 =	vmul.f32 v23, v21;
	v23 =	vld [tilespmem:s1+$0xFFFFFFA0];
	[tilespmem:s9+$0xE8] =	vst v5  }
0x418: {  	v12 =	vmul.u32 $0x88, v12;
	v7 =	vbroadcast v20, $0x3;
	v6 =	vbroadcast v20, $0x7;
	v20 =	vld [tilespmem:s31+$0x80]  }
0x419: {  	v54 =	vld [tilespmem:s1+$0x40];
	v26 =	vbroadcast v24, $0x2;
	v28 =	vmul.f32 v28, v2;
	v49 =	vshll.u32 v29, $0x10  }
0x41a: {  	v52 =	vld [tilespmem:s11+$0xFFFFFFF0];
	v29 =	vand.u32 $0xFFFF0000, v29;
	[tilespmem:s9+$0xFFFFFF88] =	vst v16;
	v16 =	vmul.f32 v32, v2;
	v5 =	vbroadcast v24, $0x3  }
0x41b: {  	v29 =	vmul.f32 v29, v30;
	v30 =	vld [tilespmem:s1+$0xFFFFFFF0];
	v53 =	vmul.f32 v8, v2;
	v31 =	vadd.f32 v31, v48  }
0x41c: {  	v55 =	vld [tilespmem:s11+$0x0];
	v13 =	vmul.u32 $0x88, v13;
	v22 =	vmul.f32 v49, v22;
	v18 =	vmul.f32 v18, v2  }
0x41d: {  	v23 =	vadd.f32 v50, v23;
	v31 =	vadd.f32 v31, v53;
	v56 =	vshll.u32 v20, $0x10  }
0x41e: {  	[tilespmem:s9+$0xFFFFFF50] =	vst v29;
	v29 =	vadd.s32 v1, v12;
	v20 =	vand.u32 $0xFFFF0000, v20;
	v57 =	vmul.f32 v56, v14  }
0x41f: {  	v58 =	vmul.f32 v20, v11;
	v14 =	vadd.f32 v23, v28;
	v11 =	vmul.f32 $2.000000030e-01, v31  }
0x420: {  	v8 =	vbroadcast v24, $0x7;
	v20 =	vadd.f32 v52, v30;
	vm12 =	vgt.f32 v31, $0.0e+00  }
0x421: {  	[tilespmem:s9+$0xFFFFFFC8] =	vst v17;
	v23 =	vadd.f32 v55, v54;
	v17 =	vmul.f32 $2.000000030e-01, v14;
	v11 =	vsel vm12, v31, v11  }
0x422: {  	[tilespmem:s9+$0x10] =	vst v19;
	v19 =	vld [tilespmem:s31+$0xFFFFFFD0];
	v24 =	vbroadcast v9, $0x7;
	vm13 =	vgt.f32 v14, $0.0e+00;
	v11 =	vsub.f32 v11, v3  }
0x423: {  	s25 =	simm.s32 $0x8;
	v16 =	vadd.f32 v20, v16;
	v14 =	vsel vm13, v14, v17;
	v17 =	vadd.f32 v23, v18  }
0x424: {  	[tilespmem:s9+$0x50] =	vst v21;
	v9 =	vmov s25;
	v14 =	vsub.f32 v14, v3;
	v11 =	vmul.f32 $1.442695020e+00, v11  }
0x425: {  	[tilespmem:s9+$0xFFFFFF10] =	vst v22;
	v21 =	vmul.f32 $2.000000030e-01, v16;
	vm14 =	vgt.f32 v16, $0.0e+00;
	v22 =	vmul.f32 $2.000000030e-01, v17  }
0x426: {  	v18 =	vld [tilespmem:s31+$0x20];
	vm15 =	vgt.f32 v17, $0.0e+00;
	(erf) = vpow2.f32 v11;
	v11 =	vmul.f32 $1.442695020e+00, v14  }
0x427: {  	v14 =	vsel vm14, v16, v21;
	v16 =	vld [tilespmem:s31+$0xFFFFFF90];
	v21 =	vshll.u32 v19, $0x10;
	v17 =	vsel vm15, v17, v22  }
0x428: {  	v19 =	vand.u32 $0xFFFF0000, v19;
	v22 =	vmul.u32 $0x88, v25;
	v14 =	vsub.f32 v14, v3  }
0x429: {  	v17 =	vsub.f32 v17, v3;
	v21 =	vmul.f32 v21, v27;
	(erf) = vpow2.f32 v11  }
0x42a: {  	v20 =	vand.u32 $0x38, v9;
	v15 =	vmul.f32 v19, v15;
	v14 =	vmul.f32 $1.442695020e+00, v14  }
0x42b: {  	v11 =	vshll.u32 v18, $0x10;
	v22 =	vadd.s32 v1, v22;
	v17 =	vmul.f32 $1.442695020e+00, v17  }
0x42c: {  	(erf) = vpow2.f32 v14;
	v14 =	vshll.u32 v16, $0x10;
	v16 =	vand.u32 $0xFFFF0000, v16  }
0x42d: {  	v18 =	vand.u32 $0xFFFF0000, v18;
	[tilespmem:s9+$0xFFFFFF98] =	vst v21;
	v11 =	vmul.f32 v11, v26;
	(erf) = vpow2.f32 v17  }
0x42e: {  	v27 =	vadd.s32 v1, v13;
	[tilespmem:s9+$0xFFFFFFD8] =	vst v15;
	v15 =	vmul.f32 v18, v45;
	v17 =	vadd.s32 v1, v10  }
0x42f: {  	s26 =	simm.s32 $0x9;
	s29 =	simm.s32 $0xA;
	v21 =	vand.u32 $0x4, v9;
	[tilespmem:s9+$0x20] =	vst v11;
	v23 =	vmul.f32 v14, v51;
	v26 =	vmul.f32 v16, v24;
	v14 =	vld [tilespmem:s31+$0xFFFFFFE0];
	v16 =	vpop (erf)  }
0x430: {  	v11 =	vmov s26;
	v10 =	vmov s29;
	v24 =	vadd.s32 v4, v20;
	[tilespmem:v22+s8+$0x0] =	vst.idx.msk $0xff, v16  }
0x431: {  	[tilespmem:s9+$0x60] =	vst v15;
	v31 =	vand.u32 $0x5, v11;
	v30 =	vand.u32 $0x38, v11;
	v59 =	vand.u32 $0x38, v10;
	v28 =	vld [tilespmem:s1+$0x50]  }
0x432: {  	v34 =	vand.u32 $0x6, v10;
	v54 =	vadd.s32 v4, v30;
	[tilespmem:s9+$0xFFFFFF20] =	vst v23;
	v23 =	vadd.s32 v4, v59;
	v13 =	vpop (erf)  }
0x433: {  	v34 =	vor.u32 v34, v23;
	v15 =	vbroadcast v16, $0x3;
	v22 =	vld [tilespmem:s31+$0x30];
	v62 =	vbroadcast v16, $0x0;
	[tilespmem:v17+s8+$0x0] =	vst.idx.msk $0xff, v13  }
0x434: {  	v48 =	vbroadcast v16, $0x4;
	v59 =	vbroadcast v16, $0x5;
	v19 =	vshll.u32 v14, $0x10;
	v61 =	vld [tilespmem:s1+$0xFFFFFF60]  }
0x435: {  	v18 =	vand.u32 $0xFFFF0000, v14;
	v17 =	vbroadcast v13, $0x0;
	v60 =	vbroadcast v13, $0x4;
	v14 =	vpop (erf)  }
0x436: {  	v38 =	vbroadcast v13, $0x1;
	v39 =	vbroadcast v13, $0x5;
	[tilespmem:v27+s8+$0x0] =	vst.idx.msk $0xff, v14;
	v12 =	vpop (erf);
	v27 =	vshll.u32 v28, $0x10  }
0x437: {  	v25 =	vbroadcast v13, $0x2;
	v49 =	vld [tilespmem:s1+$0xFFFFFFB0];
	[tilespmem:v29+s8+$0x0] =	vst.idx.msk $0xff, v12;
	v28 =	vand.u32 $0xFFFF0000, v28;
	v27 =	vmul.f32 v27, v62  }
0x438: {  	s0 =	simm.s32 $0x1BBC0;
	[tilespmem:s9+$0xF8] =	vst v58;
	v20 =	vshll.u32 v22, $0x10;
	v63 =	vbroadcast v14, $0x0;
	v51 =	vld [tilespmem:s1+$0x0];
	v28 =	vmul.f32 v28, v48  }
0x439: {  	v50 =	vbroadcast v14, $0x4;
	v30 =	vbroadcast v14, $0x1;
	v53 =	vshll.u32 v61, $0x10;
	[tilespmem:s0+$0x88] =	vst v27  }
0x43a: {  	v23 =	vbroadcast v14, $0x6;
	v27 =	vand.u32 $0xFFFF0000, v61;
	v17 =	vmul.f32 v53, v17;
	[tilespmem:s0+$0xC8] =	vst v28  }
0x43b: {  	[tilespmem:s9+$0xB8] =	vst v57;
	v29 =	vor.u32 v21, v24;
	v24 =	vand.u32 $0xFFFF0000, v22;
	v22 =	vmul.f32 v27, v60;
	v55 =	vld [tilespmem:s1+$0x60]  }
0x43c: {  	v52 =	vbroadcast v12, $0x0;
	v21 =	vbroadcast v12, $0x4;
	[tilespmem:s0+$0xFFFFFEF0] =	vst v17;
	v17 =	vshll.u32 v49, $0x10  }
0x43d: {  	v56 =	vand.u32 $0xFFFF0000, v49;
	[tilespmem:s0+$0xFFFFFF30] =	vst v22;
	v17 =	vmul.f32 v17, v63;
	v22 =	vshll.u32 v51, $0x10  }
0x43e: {  	[tilespmem:s9+$0xFFFFFF60] =	vst v26;
	v36 =	vand.u32 $0xFFFF0000, v51;
	v58 =	vmul.f32 v56, v50;
	v57 =	vld [tilespmem:s1+$0xFFFFFF70];
	v40 =	vmul.f32 v22, v52  }
0x43f: {  	v33 =	vor.u32 v31, v54;
	[tilespmem:s0+$0xFFFFFF78] =	vst v17;
	v17 =	vmul.f32 v36, v21;
	v21 =	vbroadcast v16, $0x1  }
0x440: {  	v32 =	vbroadcast v12, $0x5;
	v28 =	vbroadcast v12, $0x1;
	[tilespmem:s0+$0xFFFFFFB8] =	vst v58;
	v31 =	vshll.u32 v55, $0x10  }
0x441: {  	v27 =	vbroadcast v14, $0x5;
	v35 =	vld [tilespmem:s1+$0xFFFFFFC0];
	v26 =	vand.u32 $0xFFFF0000, v55;
	[tilespmem:s0+$0x0] =	vst v40;
	v21 =	vmul.f32 v31, v21  }
0x442: {  	s31 =	simm.s32 $0xB;
	v22 =	vbroadcast v14, $0x2;
	v31 =	vmul.f32 v26, v59;
	[tilespmem:s0+$0x40] =	vst v17  }
0x443: {  	v17 =	vbroadcast v12, $0x2;
	v26 =	vmov s31;
	v37 =	vld [tilespmem:s1+$0x10];
	v60 =	vshll.u32 v57, $0x10;
	[tilespmem:s0+$0x98] =	vst v21  }
0x444: {  	v63 =	vand.u32 $0x38, v26;
	v61 =	vand.u32 $0xFFFF0000, v57;
	[tilespmem:s0+$0xD8] =	vst v31;
	v62 =	vmul.f32 v60, v38  }
0x445: {  	v40 =	vand.u32 $0x7, v26;
	v31 =	vbroadcast v13, $0x6;
	v38 =	vmul.f32 v61, v39;
	v36 =	vld [tilespmem:s1+$0x70]  }
0x446: {  	s3 =	simm.s32 $0x18EB0;
	s17 =	simm.s32 $0xC;
	v21 =	vbroadcast v12, $0x6;
	v41 =	vadd.s32 v4, v63;
	v39 =	vshll.u32 v35, $0x10;
	[tilespmem:s0+$0xFFFFFF00] =	vst v62  }
.LBB2_12:
0x447: {  	p0 =	slt.u32 s17, $0x24;
	v29 =	vld.idx.msk [tilespmem:v29+s10+$0x0], $0xffff;
	v40 =	vor.u32 v40, v41;
	[tilespmem:s0+$0xFFFFFF40] =	vst v38;
	v35 =	vand.u32 $0xFFFF0000, v35;
	v30 =	vmul.f32 v39, v30  }
0x448: {  	v38 =	vld [tilespmem:s1+$0xFFFFFF80];
	v27 =	vmul.f32 v35, v27;
	v35 =	vshll.u32 v37, $0x10;
	v37 =	vand.u32 $0xFFFF0000, v37  }
0x449: {  	v33 =	vld.idx.msk [tilespmem:v33+s10+$0x0], $0xffff;
	[tilespmem:s0+$0xFFFFFF88] =	vst v30;
	v28 =	vmul.f32 v35, v28;
	v30 =	vbroadcast v16, $0x2  }
0x44a: {  	s1 =	sadd.s32 $0x140, s1;
	v35 =	vbroadcast v16, $0x6;
	v34 =	vld.idx.msk [tilespmem:v34+s10+$0x0], $0xffff;
	[tilespmem:s0+$0xFFFFFFC8] =	vst v27;
	v27 =	vmul.f32 v37, v32;
	v32 =	vshll.u32 v36, $0x10  }
0x44b: {  	v39 =	vbroadcast v14, $0x3;
	v37 =	vld [tilespmem:s1+$0x90];
	[tilespmem:s0+$0x10] =	vst v28;
	v28 =	vand.u32 $0xFFFF0000, v36;
	v30 =	vmul.f32 v32, v30  }
0x44c: {  	v14 =	vbroadcast v14, $0x7;
	s11 =	sadd.s32 $0x40, s11;
	v32 =	vld.idx.msk [tilespmem:v40+s10+$0x0], $0xffff;
	[tilespmem:s0+$0x50] =	vst v27;
	v27 =	vmul.f32 v28, v35  }
0x44d: {  	v28 =	vld [tilespmem:s11+$0x10];
	v35 =	vshll.u32 v38, $0x10;
	v36 =	vand.u32 $0xFFFF0000, v38;
	v38 =	vbroadcast v12, $0x3;
	[tilespmem:s0+$0xA8] =	vst v30  }
0x44e: {  	v30 =	vld [tilespmem:s1+$0xFFFFFFA0];
	v25 =	vmul.f32 v35, v25;
	v31 =	vmul.f32 v36, v31;
	[tilespmem:s0+$0xE8] =	vst v27  }
0x44f: {  	v12 =	vbroadcast v12, $0x7;
	v35 =	vbroadcast v13, $0x3;
	v27 =	vld [tilespmem:s3+$0x80]  }
0x450: {  	v19 =	vmul.f32 v19, v7;
	v7 =	vmov v39;
	v13 =	vbroadcast v13, $0x7;
	v36 =	vld [tilespmem:s11+$0xFFFFFFE0];
	[tilespmem:s0+$0xFFFFFF10] =	vst v25  }
0x451: {  	v18 =	vmul.f32 v18, v6;
	v20 =	vmul.f32 v20, v5;
	v6 =	vmovc v14;
	v5 =	vmovc v38;
	v25 =	vmov s17;
	v39 =	vld [tilespmem:s1+$0xFFFFFFF0];
	[tilespmem:s0+$0xFFFFFF50] =	vst v31  }
0x452: {  	v31 =	vmul.f32 v32, v2;
	v14 =	vld [tilespmem:s11+$0xFFFFFFF0];
	v28 =	vadd.f32 v28, v37;
	[tilespmem:s9+$0xFFFFFFA8] =	vst v19;
	v19 =	vmul.f32 v24, v8  }
0x453: {  	v16 =	vbroadcast v16, $0x7;
	v24 =	vmul.f32 v29, v2;
	v29 =	vmul.u32 $0x88, v9;
	v8 =	vmovc v12;
	v9 =	vmovc v25;
	v32 =	vld [tilespmem:s1+$0x40];
	[tilespmem:s9+$0xFFFFFFE8] =	vst v18  }
0x454: {  	v12 =	vld [tilespmem:s11+$0x0];
	v18 =	vadd.f32 v28, v31;
	v25 =	vshll.u32 v27, $0x10;
	v27 =	vand.u32 $0xFFFF0000, v27;
	[tilespmem:s9+$0x30] =	vst v20  }
0x455: {  	v20 =	vadd.f32 v36, v30;
	v28 =	vld [tilespmem:s3+$0xFFFFFFD0];
	v15 =	vmul.f32 v25, v15;
	v16 =	vmul.f32 v27, v16;
	[tilespmem:s9+$0x70] =	vst v19;
	s9 =	smov.u32 s0  }
0x456: {  	v19 =	vand.u32 $0x38, v9;
	v27 =	vand.u32 $0x4, v9;
	v25 =	vmul.f32 $2.000000030e-01, v18;
	v30 =	vld [tilespmem:s3+$0x20]  }
0x457: {  	vm0 =	vgt.f32 v18, $0.0e+00;
	v20 =	vadd.f32 v20, v24;
	v14 =	vadd.f32 v14, v39;
	v24 =	vld [tilespmem:s3+$0xFFFFFF90];
	[tilespmem:s0+$0xF8] =	vst v16  }
0x458: {  	v31 =	vmul.f32 v34, v2;
	v16 =	vmul.f32 v33, v2;
	v18 =	vsel vm0, v18, v25;
	[tilespmem:s0+$0xB8] =	vst v15  }
0x459: {  	v15 =	vmul.f32 $2.000000030e-01, v20;
	v12 =	vadd.f32 v12, v32;
	v18 =	vsub.f32 v18, v3  }
0x45a: {  	vm0 =	vgt.f32 v20, $0.0e+00;
	v14 =	vadd.f32 v14, v16;
	v16 =	vshll.u32 v28, $0x10  }
0x45b: {  	v15 =	vsel vm0, v20, v15;
	v12 =	vadd.f32 v12, v31;
	v18 =	vmul.f32 $1.442695020e+00, v18  }
0x45c: {  	vm0 =	vgt.f32 v14, $0.0e+00;
	v20 =	vmul.f32 $2.000000030e-01, v14;
	v15 =	vsub.f32 v15, v3  }
0x45d: {  	vm1 =	vgt.f32 v12, $0.0e+00;
	v25 =	vmul.f32 $2.000000030e-01, v12;
	(erf) = vpow2.f32 v18  }
0x45e: {  	v14 =	vsel vm0, v14, v20;
	v18 =	vand.u32 $0xFFFF0000, v28;
	v15 =	vmul.f32 $1.442695020e+00, v15  }
0x45f: {  	v20 =	vshll.u32 v30, $0x10;
	v14 =	vsub.f32 v14, v3;
	v12 =	vsel vm1, v12, v25  }
0x460: {  	v25 =	vmul.u32 $0x88, v26;
	v12 =	vsub.f32 v12, v3;
	(erf) = vpow2.f32 v15  }
0x461: {  	v14 =	vmul.f32 $1.442695020e+00, v14;
	v15 =	vmul.f32 v16, v22;
	v16 =	vand.u32 $0xFFFF0000, v30  }
0x462: {  	v18 =	vmul.f32 v18, v23;
	v22 =	vadd.s32 v1, v25;
	v12 =	vmul.f32 $1.442695020e+00, v12  }
0x463: {  	(erf) = vpow2.f32 v14;
	v14 =	vshll.u32 v24, $0x10;
	[tilespmem:s0+$0xFFFFFF98] =	vst v15;
	v15 =	vmul.f32 v20, v17  }
0x464: {  	v17 =	vmul.f32 v16, v21;
	(erf) = vpow2.f32 v12;
	v12 =	vand.u32 $0xFFFF0000, v24;
	[tilespmem:s0+$0xFFFFFFD8] =	vst v18  }
0x465: {  	s20 =	sadd.s32 $0x1, s17;
	s23 =	sadd.s32 $0x2, s17;
	v18 =	vadd.s32 v1, v29;
	v14 =	vmul.f32 v14, v35;
	v12 =	vmul.f32 v12, v13;
	v20 =	vld [tilespmem:s3+$0xFFFFFFE0];
	[tilespmem:s0+$0x20] =	vst v15  }
0x466: {  	v21 =	vmul.u32 $0x88, v11;
	v11 =	vmov s20;
	v13 =	vmov s23;
	v16 =	vpop (erf);
	[tilespmem:s0+$0x60] =	vst v17  }
0x467: {  	v17 =	vadd.s32 v4, v19;
	v19 =	vmul.u32 $0x88, v10;
	v10 =	vmovc v13;
	[tilespmem:v22+s8+$0x0] =	vst.idx.msk $0xff, v16;
	v15 =	vbroadcast v16, $0x3;
	v22 =	vld [tilespmem:s3+$0x30];
	s3 =	smov.u32 s1  }
0x468: {  	v23 =	vand.u32 $0x5, v11;
	v21 =	vadd.s32 v1, v21;
	v26 =	vand.u32 $0x6, v10;
	v24 =	vld [tilespmem:s1+$0x50];
	[tilespmem:s0+$0xFFFFFF20] =	vst v14  }
0x469: {  	v28 =	vand.u32 $0x38, v11;
	v31 =	vand.u32 $0x38, v10;
	v29 =	vadd.s32 v1, v19;
	v13 =	vpop (erf);
	[tilespmem:s0+$0xFFFFFF60] =	vst v12  }
0x46a: {  	[tilespmem:v18+s8+$0x0] =	vst.idx.msk $0xff, v13;
	v30 =	vbroadcast v13, $0x0;
	v32 =	vbroadcast v13, $0x4;
	v19 =	vshll.u32 v20, $0x10  }
0x46b: {  	v36 =	vbroadcast v13, $0x1;
	v38 =	vbroadcast v13, $0x5;
	v18 =	vand.u32 $0xFFFF0000, v20;
	v33 =	vld [tilespmem:s1+$0xFFFFFF60]  }
0x46c: {  	v34 =	vbroadcast v16, $0x0;
	v25 =	vbroadcast v13, $0x2;
	v14 =	vpop (erf);
	v20 =	vshll.u32 v22, $0x10  }
0x46d: {  	v37 =	vbroadcast v16, $0x4;
	[tilespmem:v21+s8+$0x0] =	vst.idx.msk $0xff, v14;
	v21 =	vbroadcast v14, $0x0;
	v35 =	vshll.u32 v24, $0x10;
	v12 =	vpop (erf)  }
0x46e: {  	v40 =	vbroadcast v14, $0x4;
	v24 =	vand.u32 $0xFFFF0000, v24;
	v39 =	vld [tilespmem:s1+$0xFFFFFFB0];
	[tilespmem:v29+s8+$0x0] =	vst.idx.msk $0xff, v12;
	v29 =	vmul.f32 v35, v34  }
0x46f: {  	s0 =	sadd.s32 $0x220, s0;
	v35 =	vbroadcast v12, $0x0;
	v37 =	vmul.f32 v24, v37;
	v24 =	vand.u32 $0xFFFF0000, v22;
	v34 =	vld [tilespmem:s1+$0x0]  }
0x470: {  	v41 =	vbroadcast v12, $0x4;
	v22 =	vshll.u32 v33, $0x10;
	v33 =	vand.u32 $0xFFFF0000, v33;
	[tilespmem:s0+$0x88] =	vst v29  }
0x471: {  	v29 =	vor.u32 v27, v17;
	v17 =	vmul.f32 v22, v30;
	v22 =	vmul.f32 v33, v32;
	[tilespmem:s0+$0xC8] =	vst v37  }
0x472: {  	v27 =	vbroadcast v14, $0x5;
	v32 =	vadd.s32 v4, v28;
	v30 =	vbroadcast v14, $0x1;
	v37 =	vld [tilespmem:s1+$0x60]  }
0x473: {  	v28 =	vbroadcast v12, $0x1;
	[tilespmem:s0+$0xFFFFFEF0] =	vst v17;
	v17 =	vshll.u32 v39, $0x10;
	v33 =	vand.u32 $0xFFFF0000, v39  }
0x474: {  	[tilespmem:s0+$0xFFFFFF30] =	vst v22;
	v17 =	vmul.f32 v17, v21;
	v21 =	vshll.u32 v34, $0x10;
	v22 =	vand.u32 $0xFFFF0000, v34  }
0x475: {  	v31 =	vadd.s32 v4, v31;
	v34 =	vmul.f32 v33, v40;
	v39 =	vld [tilespmem:s1+$0xFFFFFF70];
	v21 =	vmul.f32 v21, v35  }
0x476: {  	v33 =	vor.u32 v23, v32;
	v23 =	vbroadcast v16, $0x1;
	[tilespmem:s0+$0xFFFFFF78] =	vst v17;
	v17 =	vmul.f32 v22, v41  }
0x477: {  	v32 =	vbroadcast v12, $0x5;
	v40 =	vbroadcast v16, $0x5;
	[tilespmem:s0+$0xFFFFFFB8] =	vst v34;
	v34 =	vshll.u32 v37, $0x10  }
0x478: {  	v22 =	vbroadcast v14, $0x2;
	v35 =	vld [tilespmem:s1+$0xFFFFFFC0];
	[tilespmem:s0+$0x0] =	vst v21;
	v21 =	vand.u32 $0xFFFF0000, v37;
	v41 =	vmul.f32 v34, v23  }
.Ltmp4:
0x479: {  	v34 =	vor.u32 v26, v31;
	v23 =	vbroadcast v14, $0x6;
	[tilespmem:s0+$0x40] =	vst v17;
	v21 =	vmul.f32 v21, v40;
	(pc) =	sbr.rel @p0 .LBB2_12-.Ltmp4, $4  }
0x47a: {  	s20 =	sadd.s32 $0x3, s17;
	v17 =	vbroadcast v12, $0x2;
	v31 =	vshll.u32 v39, $0x10;
	v39 =	vand.u32 $0xFFFF0000, v39;
	v37 =	vld [tilespmem:s1+$0x10];
	[tilespmem:s0+$0x98] =	vst v41  }
0x47b: {  	v26 =	vmov s20;
	v42 =	vmul.f32 v31, v36;
	v38 =	vmul.f32 v39, v38;
	[tilespmem:s0+$0xD8] =	vst v21  }
0x47c: {  	v39 =	vand.u32 $0x38, v26;
	v31 =	vbroadcast v13, $0x6;
	v21 =	vbroadcast v12, $0x6;
	v36 =	vld [tilespmem:s1+$0x70]  }
0x47d: {  	s17 =	sadd.s32 $0x4, s17;
	v40 =	vand.u32 $0x7, v26;
	v41 =	vadd.s32 v4, v39;
	[tilespmem:s0+$0xFFFFFF00] =	vst v42;
	v39 =	vshll.u32 v35, $0x10  }
0x47e: {  	_ =	sdelay $0x3  }
0x47f: {  	v4 =	vor.u32 v40, v41;
	v29 =	vld.idx.msk [tilespmem:v29+s10+$0x0], $0xffff  }
0x480: {  	s17 =	sadd.s32 $0x140, s1;
	v33 =	vld.idx.msk [tilespmem:v33+s10+$0x0], $0xffff  }
0x481: {  	s11 =	sadd.s32 $0x40, s11;
	v61 =	vld [tilespmem:s17+$0x90]  }
0x482: {  	v62 =	vld [tilespmem:s11+$0x10]  }
0x483: {  	v42 =	vld [tilespmem:s17+$0xFFFFFFA0]  }
0x484: {  	v4 =	vld.idx.msk [tilespmem:v4+s10+$0x0], $0xffff  }
0x485: {  	v43 =	vld [tilespmem:s11+$0xFFFFFFE0]  }
0x486: {  	v30 =	vmul.f32 v39, v30;
	v50 =	vbroadcast v16, $0x2;
	v63 =	vld [tilespmem:s11+$0xFFFFFFF0]  }
0x487: {  	v52 =	vbroadcast v16, $0x6;
	v7 =	vmul.f32 v19, v7;
	v48 =	vld [tilespmem:s17+$0xFFFFFFF0]  }
0x488: {  	v35 =	vand.u32 $0xFFFF0000, v35;
	v34 =	vld.idx.msk [tilespmem:v34+s10+$0x0], $0xffff;
	v6 =	vmul.f32 v18, v6;
	v5 =	vmul.f32 v20, v5  }
0x489: {  	v44 =	vld [tilespmem:s11+$0x0];
	v46 =	vshll.u32 v37, $0x10;
	v40 =	vadd.f32 v62, v61;
	v4 =	vmul.f32 v4, v2  }
0x48a: {  	v27 =	vmul.f32 v35, v27;
	v47 =	vand.u32 $0xFFFF0000, v37;
	v51 =	vld [tilespmem:s17+$0x40];
	v28 =	vmul.f32 v46, v28  }
0x48b: {  	v29 =	vmul.f32 v29, v2;
	v49 =	vadd.f32 v43, v42;
	v4 =	vadd.f32 v40, v4  }
0x48c: {  	v32 =	vmul.f32 v47, v32;
	v33 =	vmul.f32 v33, v2;
	v37 =	vadd.f32 v63, v48  }
0x48d: {  	v55 =	vshll.u32 v36, $0x10;
	v29 =	vadd.f32 v49, v29;
	v53 =	vmul.f32 $2.000000030e-01, v4  }
0x48e: {  	v34 =	vmul.f32 v34, v2;
	v33 =	vadd.f32 v37, v33;
	vm0 =	vgt.f32 v4, $0.0e+00  }
0x48f: {  	[tilespmem:s0+$0xFFFFFF40] =	vst v38;
	v35 =	vadd.f32 v44, v51;
	v57 =	vmul.f32 $2.000000030e-01, v29;
	v4 =	vsel vm0, v4, v53  }
0x490: {  	v54 =	vld [tilespmem:s1+$0xFFFFFF80];
	vm13 =	vgt.f32 v29, $0.0e+00;
	v60 =	vmul.f32 $2.000000030e-01, v33;
	v4 =	vsub.f32 v4, v3  }
0x491: {  	[tilespmem:s0+$0xFFFFFF88] =	vst v30;
	v34 =	vadd.f32 v35, v34;
	vm14 =	vgt.f32 v33, $0.0e+00;
	v29 =	vsel vm13, v29, v57  }
0x492: {  	[tilespmem:s9+$0xFFFFFFA8] =	vst v7;
	v62 =	vsel vm14, v33, v60;
	v29 =	vsub.f32 v29, v3;
	v4 =	vmul.f32 $1.442695020e+00, v4  }
0x493: {  	v56 =	vand.u32 $0xFFFF0000, v36;
	[tilespmem:s0+$0x10] =	vst v28;
	v61 =	vmul.f32 $2.000000030e-01, v34;
	v28 =	vsub.f32 v62, v3  }
0x494: {  	[tilespmem:s0+$0x50] =	vst v32;
	vm15 =	vgt.f32 v34, $0.0e+00;
	(erf) = vpow2.f32 v4;
	v4 =	vmul.f32 $1.442695020e+00, v29  }
0x495: {  	[tilespmem:s0+$0xFFFFFFC8] =	vst v27;
	v59 =	vand.u32 $0xFFFF0000, v54;
	v48 =	vld [tilespmem:s3+$0x20];
	v27 =	vsel vm15, v34, v61;
	v32 =	vmul.f32 $1.442695020e+00, v28  }
0x496: {  	[tilespmem:s9+$0xFFFFFFE8] =	vst v6;
	v63 =	vsub.f32 v27, v3;
	(erf) = vpow2.f32 v4;
	v4 =	vmul.f32 v59, v31  }
0x497: {  	v26 =	vmul.u32 $0x88, v26;
	[tilespmem:s9+$0x30] =	vst v5;
	v41 =	vmul.f32 v55, v50;
	v36 =	vmul.f32 v56, v52;
	v35 =	vld [tilespmem:s3+$0xFFFFFFD0]  }
0x498: {  	v9 =	vmul.u32 $0x88, v9;
	(erf) = vpow2.f32 v32;
	[tilespmem:s0+$0xFFFFFF50] =	vst v4;
	v4 =	vmul.f32 $1.442695020e+00, v63  }
0x499: {  	v58 =	vshll.u32 v54, $0x10;
	[tilespmem:s0+$0xE8] =	vst v36;
	v36 =	vmul.f32 v24, v8;
	v34 =	vadd.s32 v1, v26  }
0x49a: {  	[tilespmem:s0+$0xA8] =	vst v41;
	v25 =	vmul.f32 v58, v25;
	v60 =	vand.u32 $0xFFFF0000, v48;
	(erf) = vpow2.f32 v4  }
0x49b: {  	v9 =	vadd.s32 v1, v9;
	v5 =	vmul.u32 $0x88, v11;
	[tilespmem:s9+$0x70] =	vst v36;
	v33 =	vld [tilespmem:s3+$0x80];
	v24 =	vmul.f32 v60, v21  }
0x49c: {  	[tilespmem:s0+$0xFFFFFF10] =	vst v25;
	v43 =	vshll.u32 v35, $0x10  }
0x49d: {  	v41 =	vadd.s32 v1, v5;
	v40 =	vmul.u32 $0x88, v10;
	v44 =	vmul.f32 v43, v22;
	[tilespmem:s0+$0x60] =	vst v24;
	v4 =	vpop (erf)  }
0x49e: {  	v47 =	vand.u32 $0xFFFF0000, v35;
	[tilespmem:v34+s8+$0x0] =	vst.idx.msk $0xff, v4  }
0x49f: {  	v37 =	vbroadcast v16, $0x7;
	v45 =	vadd.s32 v1, v40;
	v6 =	vmul.f32 v47, v23;
	[tilespmem:s0+$0xFFFFFF98] =	vst v44;
	v42 =	vld [tilespmem:s17+$0x50];
	v5 =	vpop (erf)  }
0x4a0: {  	v39 =	vand.u32 $0xFFFF0000, v33;
	[tilespmem:v9+s8+$0x0] =	vst.idx.msk $0xff, v5  }
0x4a1: {  	[tilespmem:s0+$0xFFFFFFD8] =	vst v6;
	v8 =	vmul.f32 v39, v37;
	v7 =	vpop (erf);
	v46 =	vld [tilespmem:s17+$0xFFFFFF60]  }
0x4a2: {  	v38 =	vshll.u32 v33, $0x10;
	[tilespmem:v41+s8+$0x0] =	vst.idx.msk $0xff, v7  }
0x4a3: {  	v11 =	vmul.f32 v38, v15;
	[tilespmem:s0+$0xF8] =	vst v8;
	v59 =	vshll.u32 v48, $0x10;
	v49 =	vbroadcast v4, $0x0;
	v53 =	vld [tilespmem:s17+$0xFFFFFFB0];
	v6 =	vpop (erf)  }
0x4a4: {  	v61 =	vmul.f32 v59, v17;
	v51 =	vbroadcast v4, $0x4;
	v50 =	vshll.u32 v42, $0x10;
	[tilespmem:v45+s8+$0x0] =	vst.idx.msk $0xff, v6  }
0x4a5: {  	[tilespmem:s0+$0xB8] =	vst v11;
	v52 =	vbroadcast v5, $0x0;
	v16 =	vand.u32 $0xFFFF0000, v42;
	v8 =	vmul.f32 v50, v49;
	v57 =	vld [tilespmem:s17+$0x0]  }
0x4a6: {  	s31 =	sadd.s32 $0x220, s0;
	[tilespmem:s0+$0x20] =	vst v61;
	v54 =	vbroadcast v5, $0x4;
	v55 =	vmul.f32 v16, v51;
	v56 =	vshll.u32 v46, $0x10  }
0x4a7: {  	v32 =	vld [tilespmem:s3+$0xFFFFFF90];
	v62 =	vbroadcast v7, $0x0;
	v15 =	vand.u32 $0xFFFF0000, v46;
	[tilespmem:s31+$0x88] =	vst v8;
	v58 =	vmul.f32 v56, v52  }
0x4a8: {  	v25 =	vbroadcast v7, $0x4;
	v10 =	vmul.f32 v15, v54;
	[tilespmem:s31+$0xC8] =	vst v55;
	v26 =	vshll.u32 v53, $0x10  }
0x4a9: {  	v27 =	vbroadcast v6, $0x0;
	v28 =	vand.u32 $0xFFFF0000, v53;
	v63 =	vld [tilespmem:s17+$0x60];
	v15 =	vmul.f32 v26, v62;
	[tilespmem:s31+$0xFFFFFEF0] =	vst v58  }
0x4aa: {  	v30 =	vbroadcast v6, $0x4;
	v9 =	vmul.f32 v28, v25;
	[tilespmem:s31+$0xFFFFFF30] =	vst v10;
	v31 =	vshll.u32 v57, $0x10  }
0x4ab: {  	v42 =	vbroadcast v13, $0x3;
	v29 =	vld [tilespmem:s17+$0xFFFFFF70];
	v18 =	vand.u32 $0xFFFF0000, v57;
	[tilespmem:s31+$0xFFFFFF78] =	vst v15;
	v10 =	vmul.f32 v31, v27  }
0x4ac: {  	v45 =	vbroadcast v13, $0x7;
	v46 =	vshll.u32 v32, $0x10;
	[tilespmem:s31+$0xFFFFFFB8] =	vst v9;
	v8 =	vmul.f32 v18, v30  }
0x4ad: {  	v33 =	vbroadcast v4, $0x1;
	v47 =	vand.u32 $0xFFFF0000, v32;
	v48 =	vmul.f32 v46, v42;
	v37 =	vld [tilespmem:s17+$0xFFFFFFC0];
	[tilespmem:s31+$0x0] =	vst v10  }
0x4ae: {  	v35 =	vbroadcast v4, $0x5;
	v34 =	vshll.u32 v63, $0x10;
	[tilespmem:s31+$0x40] =	vst v8;
	v8 =	vmul.f32 v47, v45  }
0x4af: {  	v36 =	vbroadcast v5, $0x1;
	[tilespmem:s0+$0xFFFFFF20] =	vst v48;
	v38 =	vand.u32 $0xFFFF0000, v63;
	v9 =	vmul.f32 v34, v33;
	v43 =	vld [tilespmem:s17+$0x10]  }
0x4b0: {  	v39 =	vbroadcast v5, $0x5;
	v40 =	vmul.f32 v38, v35;
	v41 =	vshll.u32 v29, $0x10;
	[tilespmem:s0+$0xFFFFFF60] =	vst v8  }
0x4b1: {  	v49 =	vbroadcast v7, $0x1;
	v58 =	vld [tilespmem:s3+$0xFFFFFFE0];
	v17 =	vand.u32 $0xFFFF0000, v29;
	[tilespmem:s31+$0x98] =	vst v9;
	v44 =	vmul.f32 v41, v36  }
0x4b2: {  	v51 =	vbroadcast v7, $0x5;
	v15 =	vmul.f32 v17, v39;
	[tilespmem:s31+$0xD8] =	vst v40;
	v52 =	vshll.u32 v37, $0x10  }
0x4b3: {  	v53 =	vbroadcast v6, $0x1;
	v54 =	vand.u32 $0xFFFF0000, v37;
	v50 =	vld [tilespmem:s17+$0x70];
	v10 =	vmul.f32 v52, v49;
	[tilespmem:s31+$0xFFFFFF00] =	vst v44  }
0x4b4: {  	v56 =	vbroadcast v6, $0x5;
	v9 =	vmul.f32 v54, v51;
	[tilespmem:s31+$0xFFFFFF40] =	vst v15;
	v57 =	vshll.u32 v43, $0x10  }
0x4b5: {  	v26 =	vbroadcast v14, $0x3;
	v55 =	vld [tilespmem:s17+$0xFFFFFF80];
	v18 =	vand.u32 $0xFFFF0000, v43;
	[tilespmem:s31+$0xFFFFFF88] =	vst v10;
	v59 =	vmul.f32 v57, v53  }
0x4b6: {  	v30 =	vshll.u32 v58, $0x10;
	v29 =	vbroadcast v14, $0x7;
	[tilespmem:s31+$0xFFFFFFC8] =	vst v9;
	v8 =	vmul.f32 v18, v56  }
0x4b7: {  	v60 =	vbroadcast v4, $0x2;
	v32 =	vand.u32 $0xFFFF0000, v58;
	v34 =	vmul.f32 v30, v26;
	v22 =	vld [tilespmem:s17+$0xFFFFFFD0];
	[tilespmem:s31+$0x10] =	vst v59  }
0x4b8: {  	v62 =	vbroadcast v4, $0x6;
	v36 =	vmul.f32 v32, v29;
	v61 =	vshll.u32 v50, $0x10;
	[tilespmem:s31+$0x50] =	vst v8  }
0x4b9: {  	v63 =	vbroadcast v5, $0x2;
	[tilespmem:s0+$0xFFFFFFA8] =	vst v34;
	v21 =	vand.u32 $0xFFFF0000, v50;
	v9 =	vmul.f32 v61, v60;
	v28 =	vld [tilespmem:s17+$0x20]  }
0x4ba: {  	v23 =	vbroadcast v5, $0x6;
	[tilespmem:s0+$0xFFFFFFE8] =	vst v36;
	v24 =	vmul.f32 v21, v62;
	v25 =	vshll.u32 v55, $0x10  }
0x4bb: {  	v31 =	vld [tilespmem:s3+$0x30];
	v33 =	vbroadcast v7, $0x2;
	v13 =	vand.u32 $0xFFFF0000, v55;
	[tilespmem:s31+$0xA8] =	vst v9;
	v27 =	vmul.f32 v25, v63  }
0x4bc: {  	v35 =	vbroadcast v7, $0x6;
	v13 =	vmul.f32 v13, v23;
	[tilespmem:s31+$0xE8] =	vst v24;
	v37 =	vshll.u32 v22, $0x10  }
0x4bd: {  	v38 =	vbroadcast v6, $0x2;
	v40 =	vand.u32 $0xFFFF0000, v22;
	v39 =	vld [tilespmem:s17+$0x80];
	v41 =	vmul.f32 v37, v33;
	[tilespmem:s31+$0xFFFFFF10] =	vst v27  }
0x4be: {  	v42 =	vbroadcast v6, $0x6;
	v9 =	vmul.f32 v40, v35;
	[tilespmem:s31+$0xFFFFFF50] =	vst v13;
	v43 =	vshll.u32 v28, $0x10  }
0x4bf: {  	v44 =	vbroadcast v12, $0x3;
	v45 =	vld [tilespmem:s17+$0xFFFFFF90];
	v10 =	vand.u32 $0xFFFF0000, v28;
	[tilespmem:s31+$0xFFFFFF98] =	vst v41;
	v46 =	vmul.f32 v43, v38  }
0x4c0: {  	v47 =	vbroadcast v12, $0x7;
	v48 =	vshll.u32 v31, $0x10;
	[tilespmem:s31+$0xFFFFFFD8] =	vst v9;
	v49 =	vmul.f32 v10, v42  }
0x4c1: {  	v51 =	vbroadcast v4, $0x7;
	v8 =	vand.u32 $0xFFFF0000, v31;
	v50 =	vmul.f32 v48, v44;
	v52 =	vld [tilespmem:s17+$0xFFFFFFE0];
	[tilespmem:s31+$0x20] =	vst v46  }
0x4c2: {  	v4 =	vbroadcast v4, $0x3;
	v8 =	vmul.f32 v8, v47;
	v53 =	vand.u32 $0xFFFF0000, v39;
	[tilespmem:s31+$0x60] =	vst v49  }
0x4c3: {  	v54 =	vbroadcast v5, $0x3;
	[tilespmem:s0+$0x30] =	vst v50;
	v55 =	vshll.u32 v39, $0x10;
	v56 =	vmul.f32 v53, v51;
	v57 =	vld [tilespmem:s17+$0x30]  }
0x4c4: {  	v5 =	vbroadcast v5, $0x7;
	[tilespmem:s0+$0x70] =	vst v8;
	v4 =	vmul.f32 v55, v4;
	v58 =	vshll.u32 v45, $0x10  }
0x4c5: {  	v59 =	vbroadcast v7, $0x3;
	v60 =	vand.u32 $0xFFFF0000, v45;
	[tilespmem:s31+$0xF8] =	vst v56;
	v8 =	vmul.f32 v58, v54  }
0x4c6: {  	v7 =	vbroadcast v7, $0x7;
	[tilespmem:s31+$0xB8] =	vst v4;
	v4 =	vmul.f32 v60, v5;
	v5 =	vshll.u32 v52, $0x10  }
0x4c7: {  	s12 =	sadd.s32 $0x1, s12;
	v61 =	vbroadcast v6, $0x3;
	v62 =	vand.u32 $0xFFFF0000, v52;
	v5 =	vmul.f32 v5, v59;
	[tilespmem:s31+$0xFFFFFF20] =	vst v8  }
0x4c8: {  	p0 =	sne.s32 s12, $0xC;
	v6 =	vbroadcast v6, $0x7;
	v7 =	vmul.f32 v62, v7;
	[tilespmem:s31+$0xFFFFFF60] =	vst v4;
	v4 =	vshll.u32 v57, $0x10  }
.Ltmp5:
0x4c9: {  	v63 =	vand.u32 $0xFFFF0000, v57;
	[tilespmem:s31+$0xFFFFFFA8] =	vst v5;
	v4 =	vmul.f32 v4, v61;
	(pc) =	sbr.rel @p0 .LBB2_5-.Ltmp5, $4  }
0x4ca: {  	[tilespmem:s31+$0xFFFFFFE8] =	vst v7;
	v5 =	vmul.f32 v63, v6  }
0x4cb: {  	[tilespmem:s31+$0x30] =	vst v4  }
0x4cc: {  	[tilespmem:s31+$0x70] =	vst v5  }
0x4cd: {  	[spmem:s21] =	stream.indirect.scatter.add.f32 [tilespmem:s8], [sflag:$0xA], $0x88, s22, s24, $0xb8;
	[tilespmem:$0x1CDD0] =	vst v63  }
0x4ce: {  	_ =	swait.ge [sflag:s4], $0xC80  }
0x4cf: {  	[sflag:s4] =	ssyncset.done $0x0  }
0x4d0: {  	[sflag:s4] =	ssyncadd.s32 $0xFFFFF380  }
0x4d1: {  	_ =	swait.ge [sflag:s5], $0x280  }
0x4d2: {  	[sflag:s5] =	ssyncset.done $0x0  }
0x4d3: {  	[sflag:s5] =	ssyncadd.s32 $0xFFFFFD80  }
0x4d4: {  	_ =	swait.ge [sflag:s6], $0xC80  }
0x4d5: {  	[sflag:s6] =	ssyncset.done $0x0  }
0x4d6: {  	[sflag:s6] =	ssyncadd.s32 $0xFFFFF380  }
0x4d7: {  	_ =	swait.ge [sflag:s7], $0x280  }
0x4d8: {  	[sflag:s7] =	ssyncset.done $0x0  }
0x4d9: {  	s0 =	simm.s32 $0x0;
	[sflag:s7] =	ssyncadd.s32 $0xFFFFFD80  }
0x4da: {  	s25 =	simm.s32 $0x1;
	v4 =	vmov s0;
	_ =	swait.ge [sflag:s14], $0x1540  }
0x4db: {  	s26 =	simm.s32 $0x2;
	v6 =	vmov s25;
	v5 =	vor.u32 $0x780, v4;
	[sflag:s14] =	ssyncset.done $0x0  }
0x4dc: {  	v7 =	vmov s26;
	v8 =	vor.u32 $0x780, v6;
	[sflag:s14] =	ssyncadd.s32 $0xFFFFEAC0  }
0x4dd: {  	s29 =	simm.s32 $0x3;
	v9 =	vor.u32 $0x780, v7;
	_ =	swait.ge [sflag:s15], $0x1540  }
0x4de: {  	v10 =	vmov s29;
	[sflag:s15] =	ssyncset.done $0x0  }
0x4df: {  	v11 =	vor.u32 $0x780, v10;
	[sflag:s15] =	ssyncadd.s32 $0xFFFFEAC0  }
0x4e0: {  	v5 =	vld.idx.msk [tilespmem:v5+s10+$0x0], $0xffff  }
0x4e1: {  	v8 =	vld.idx.msk [tilespmem:v8+s10+$0x0], $0xffff  }
0x4e2: {  	s31 =	simm.s32 $0x167F0;
	v9 =	vld.idx.msk [tilespmem:v9+s10+$0x0], $0xffff  }
0x4e3: {  	v12 =	vld [tilespmem:s31+$0x90]  }
0x4e4: {  	s1 =	simm.s32 $0x19970;
	v11 =	vld.idx.msk [tilespmem:v11+s10+$0x0], $0xffff  }
0x4e5: {  	v13 =	vld [tilespmem:s1+$0x10]  }
0x4e6: {  	v14 =	vld [tilespmem:s31+$0xFFFFFFA0]  }
0x4e7: {  	v15 =	vld [tilespmem:s1+$0xFFFFFFE0]  }
0x4e8: {  	v16 =	vld [tilespmem:s31+$0xFFFFFFF0]  }
0x4e9: {  	v17 =	vld [tilespmem:s1+$0xFFFFFFF0]  }
0x4ea: {  	v18 =	vld [tilespmem:s31+$0x40]  }
0x4eb: {  	v12 =	vadd.f32 v13, v12;
	v11 =	vmul.f32 v11, v2;
	v13 =	vld [tilespmem:s1+$0x0];
	_ =	sdelay $0x1  }
0x4ec: {  	v11 =	vadd.f32 v12, v11  }
0x4ed: {  	v5 =	vmul.f32 v5, v2;
	v8 =	vmul.f32 v8, v2;
	v12 =	vadd.f32 v17, v16  }
0x4ee: {  	v9 =	vmul.f32 v9, v2;
	v14 =	vadd.f32 v15, v14;
	v15 =	vmul.f32 $2.000000030e-01, v11  }
0x4ef: {  	vm0 =	vgt.f32 v11, $0.0e+00;
	v8 =	vadd.f32 v12, v8;
	v12 =	vadd.f32 v13, v18  }
0x4f0: {  	v5 =	vadd.f32 v14, v5;
	v11 =	vsel vm0, v11, v15  }
0x4f1: {  	v13 =	vmul.f32 $2.000000030e-01, v8;
	v11 =	vsub.f32 v11, v3;
	v9 =	vadd.f32 v12, v9  }
0x4f2: {  	vm1 =	vgt.f32 v5, $0.0e+00;
	vm10 =	vgt.f32 v8, $0.0e+00;
	v12 =	vmul.f32 $2.000000030e-01, v5  }
0x4f3: {  	v8 =	vsel vm10, v8, v13;
	v11 =	vmul.f32 $1.442695020e+00, v11;
	v13 =	vmul.f32 $2.000000030e-01, v9  }
0x4f4: {  	v5 =	vsel vm1, v5, v12;
	vm11 =	vgt.f32 v9, $0.0e+00;
	v8 =	vsub.f32 v8, v3  }
0x4f5: {  	s17 =	simm.s32 $0x4;
	v5 =	vsub.f32 v5, v3;
	v9 =	vsel vm11, v9, v13;
	(erf) = vpow2.f32 v11  }
0x4f6: {  	s20 =	simm.s32 $0x5;
	v8 =	vmul.f32 $1.442695020e+00, v8;
	v13 =	vmov s17;
	v9 =	vsub.f32 v9, v3  }
0x4f7: {  	v15 =	vmov s20;
	v5 =	vmul.f32 $1.442695020e+00, v5;
	v11 =	vor.u32 $0x780, v13  }
0x4f8: {  	s22 =	simm.s32 $0x6;
	(erf) = vpow2.f32 v8;
	v8 =	vmul.u32 $0x88, v10;
	v9 =	vmul.f32 $1.442695020e+00, v9  }
0x4f9: {  	v14 =	vmov s22;
	(erf) = vpow2.f32 v5;
	v5 =	vor.u32 $0x780, v15  }
0x4fa: {  	v8 =	vadd.s32 v1, v8;
	(erf) = vpow2.f32 v9;
	v9 =	vor.u32 $0x780, v14;
	_ =	sdelay $0x1  }
0x4fb: {  	v6 =	vmul.u32 $0x88, v6  }
0x4fc: {  	v10 =	vld.idx.msk [tilespmem:v11+s10+$0x0], $0xffff  }
0x4fd: {  	v7 =	vmul.u32 $0x88, v7;
	v6 =	vadd.s32 v1, v6;
	v5 =	vld.idx.msk [tilespmem:v5+s10+$0x0], $0xffff;
	v17 =	vpop (erf)  }
0x4fe: {  	v9 =	vld.idx.msk [tilespmem:v9+s10+$0x0], $0xffff;
	[tilespmem:v8+s13+$0x0] =	vst.idx.msk $0xff, v17  }
0x4ff: {  	v4 =	vmul.u32 $0x88, v4;
	v7 =	vadd.s32 v1, v7;
	v8 =	vld [tilespmem:s31+$0x50];
	_ =	sdelay $0x1  }
0x500: {  	v4 =	vadd.s32 v1, v4;
	v16 =	vbroadcast v17, $0x3;
	v18 =	vpop (erf)  }
0x501: {  	v27 =	vbroadcast v17, $0x5;
	v21 =	vmul.f32 v10, v2;
	[tilespmem:v6+s13+$0x0] =	vst.idx.msk $0xff, v18;
	v19 =	vpop (erf)  }
0x502: {  	v6 =	vld [tilespmem:s31+$0xFFFFFFB0];
	v22 =	vmul.f32 v5, v2;
	v5 =	vbroadcast v17, $0x0;
	v20 =	vpop (erf)  }
0x503: {  	v10 =	vbroadcast v17, $0x4;
	[tilespmem:v7+s13+$0x0] =	vst.idx.msk $0xff, v20;
	v23 =	vmul.f32 v9, v2;
	v9 =	vshll.u32 v8, $0x10  }
0x504: {  	v11 =	vbroadcast v18, $0x0;
	v7 =	vld [tilespmem:s31+$0x0];
	v8 =	vand.u32 $0xFFFF0000, v8;
	v5 =	vmul.f32 v9, v5  }
0x505: {  	s9 =	simm.s32 $0x1A460;
	v30 =	vbroadcast v18, $0x2;
	[tilespmem:v4+s13+$0x0] =	vst.idx.msk $0xff, v19;
	v8 =	vmul.f32 v8, v10  }
0x506: {  	v31 =	vbroadcast v18, $0x6;
	v4 =	vbroadcast v18, $0x4;
	[tilespmem:s9+$0x88] =	vst v5  }
0x507: {  	v35 =	vbroadcast v19, $0x2;
	v12 =	vbroadcast v20, $0x0;
	v10 =	vld [tilespmem:s31+$0xFFFFFF60];
	v9 =	vshll.u32 v6, $0x10;
	[tilespmem:s9+$0xC8] =	vst v8  }
0x508: {  	v5 =	vand.u32 $0xFFFF0000, v6;
	v6 =	vmul.f32 v9, v11;
	v9 =	vbroadcast v20, $0x4;
	v8 =	vld [tilespmem:s31+$0x60]  }
0x509: {  	s23 =	simm.s32 $0x7;
	v4 =	vmul.f32 v5, v4;
	v5 =	vshll.u32 v7, $0x10;
	v7 =	vand.u32 $0xFFFF0000, v7  }
0x50a: {  	v24 =	vmov s23;
	[tilespmem:s9+$0xFFFFFF78] =	vst v6;
	v6 =	vbroadcast v19, $0x0;
	v7 =	vmul.f32 v7, v9  }
0x50b: {  	s3 =	simm.s32 $0x16930;
	v5 =	vmul.f32 v5, v12;
	[tilespmem:s9+$0xFFFFFFB8] =	vst v4;
	v4 =	vor.u32 $0x780, v24;
	v9 =	vbroadcast v19, $0x4  }
0x50c: {  	v28 =	vld [tilespmem:s3+$0x90];
	v25 =	vshll.u32 v10, $0x10;
	[tilespmem:s9+$0x40] =	vst v7;
	v7 =	vand.u32 $0xFFFF0000, v10;
	v10 =	vbroadcast v17, $0x1  }
0x50d: {  	v26 =	vld [tilespmem:s31+$0xFFFFFFC0];
	v6 =	vmul.f32 v25, v6;
	[tilespmem:s9+$0x0] =	vst v5;
	v7 =	vmul.f32 v7, v9;
	v9 =	vshll.u32 v8, $0x10  }
0x50e: {  	s11 =	simm.s32 $0x199B0;
	v36 =	vbroadcast v19, $0x6;
	v25 =	vld [tilespmem:s31+$0x10];
	v8 =	vand.u32 $0xFFFF0000, v8;
	v9 =	vmul.f32 v9, v10  }
0x50f: {  	v29 =	vbroadcast v20, $0x5;
	v24 =	vmul.u32 $0x88, v24;
	[tilespmem:s9+$0xFFFFFEF0] =	vst v6;
	v6 =	vmul.f32 v8, v27;
	v8 =	vld [tilespmem:s11+$0x10]  }
0x510: {  	v15 =	vmul.u32 $0x88, v15;
	v32 =	vbroadcast v20, $0x2;
	v11 =	vbroadcast v18, $0x1;
	v4 =	vld.idx.msk [tilespmem:v4+s10+$0x0], $0xffff;
	[tilespmem:s9+$0x98] =	vst v9  }
0x511: {  	v12 =	vbroadcast v20, $0x1;
	v5 =	vbroadcast v18, $0x5;
	v24 =	vadd.s32 v1, v24;
	[tilespmem:s9+$0xD8] =	vst v6  }
0x512: {  	v10 =	vbroadcast v19, $0x1;
	v27 =	vbroadcast v19, $0x5;
	[tilespmem:s9+$0xFFFFFF30] =	vst v7;
	v6 =	vshll.u32 v26, $0x10;
	v9 =	vld [tilespmem:s31+$0x70]  }
0x513: {  	v7 =	vand.u32 $0xFFFF0000, v26;
	v26 =	vbroadcast v20, $0x6;
	v33 =	vmul.f32 v6, v11;
	v11 =	vld [tilespmem:s31+$0xFFFFFF70]  }
0x514: {  	v34 =	vmul.f32 v7, v5;
	v5 =	vshll.u32 v25, $0x10;
	v7 =	vadd.f32 v8, v28  }
0x515: {  	s25 =	simm.s32 $0x8;
	v37 =	vld [tilespmem:s3+$0xFFFFFFF0];
	v8 =	vand.u32 $0xFFFF0000, v25;
	v28 =	vmul.f32 v5, v12;
	v4 =	vmul.f32 v4, v2  }
0x516: {  	v38 =	vld [tilespmem:s11+$0xFFFFFFF0];
	v6 =	vmov s25;
	v12 =	vbroadcast v17, $0x6;
	v29 =	vmul.f32 v8, v29  }
0x517: {  	v39 =	vld [tilespmem:s11+$0xFFFFFFE0];
	v4 =	vadd.f32 v7, v4;
	v7 =	vbroadcast v17, $0x2;
	v8 =	vshll.u32 v9, $0x10  }
0x518: {  	v5 =	vld [tilespmem:s3+$0xFFFFFFA0];
	v40 =	vshll.u32 v11, $0x10;
	v9 =	vand.u32 $0xFFFF0000, v9;
	v17 =	vbroadcast v17, $0x7  }
0x519: {  	s26 =	simm.s32 $0x9;
	v42 =	vld [tilespmem:s3+$0x40];
	v25 =	vor.u32 $0x780, v6;
	v40 =	vmul.f32 v40, v10;
	v43 =	vmul.f32 v9, v12  }
0x51a: {  	v44 =	vld [tilespmem:s11+$0x0];
	v12 =	vmov s26;
	v10 =	vbroadcast v18, $0x7;
	v41 =	vmul.f32 $2.000000030e-01, v4  }
0x51b: {  	v9 =	vbroadcast v20, $0x3;
	v7 =	vmul.f32 v8, v7;
	vm12 =	vgt.f32 v4, $0.0e+00  }
0x51c: {  	v8 =	vand.u32 $0xFFFF0000, v11;
	v41 =	vsel vm12, v4, v41;
	v4 =	vadd.f32 v38, v37  }
0x51d: {  	v11 =	vbroadcast v18, $0x3;
	v18 =	vadd.f32 v39, v5;
	v48 =	vor.u32 $0x780, v12  }
0x51e: {  	v5 =	vbroadcast v19, $0x3;
	[tilespmem:s9+$0xA8] =	vst v7;
	v7 =	vbroadcast v20, $0x7;
	v20 =	vadd.f32 v4, v22  }
0x51f: {  	s29 =	simm.s32 $0xA;
	[tilespmem:s9+$0xFFFFFF88] =	vst v33;
	v4 =	vbroadcast v19, $0x7;
	v19 =	vadd.f32 v44, v42;
	v22 =	vsub.f32 v41, v3  }
0x520: {  	v27 =	vmul.f32 v8, v27;
	v8 =	vmov s29;
	[tilespmem:s9+$0xE8] =	vst v43;
	v18 =	vadd.f32 v18, v21  }
0x521: {  	[tilespmem:s9+$0xFFFFFFC8] =	vst v34;
	v49 =	vld [tilespmem:s31+$0x80];
	v21 =	vmul.f32 $2.000000030e-01, v20;
	v19 =	vadd.f32 v19, v23;
	v22 =	vmul.f32 $1.442695020e+00, v22  }
0x522: {  	[tilespmem:s9+$0x10] =	vst v28;
	v28 =	vmul.f32 $2.000000030e-01, v18;
	vm14 =	vgt.f32 v18, $0.0e+00;
	vm13 =	vgt.f32 v20, $0.0e+00  }
0x523: {  	[tilespmem:s9+$0x50] =	vst v29;
	v23 =	vld [tilespmem:s31+$0xFFFFFFD0];
	v20 =	vsel vm13, v20, v21;
	v21 =	vmul.f32 $2.000000030e-01, v19;
	(erf) = vpow2.f32 v22  }
0x524: {  	v18 =	vsel vm14, v18, v28;
	v22 =	vld [tilespmem:s31+$0x20];
	vm15 =	vgt.f32 v19, $0.0e+00;
	v20 =	vsub.f32 v20, v3  }
0x525: {  	v50 =	vor.u32 $0x780, v8;
	v18 =	vsub.f32 v18, v3;
	v19 =	vsel vm15, v19, v21  }
0x526: {  	[tilespmem:s9+$0xFFFFFF40] =	vst v27;
	v27 =	vand.u32 $0xFFFF0000, v49;
	v20 =	vmul.f32 $1.442695020e+00, v20;
	v19 =	vsub.f32 v19, v3  }
0x527: {  	[tilespmem:s9+$0xFFFFFF00] =	vst v40;
	v28 =	vshll.u32 v49, $0x10;
	v17 =	vmul.f32 v27, v17;
	v18 =	vmul.f32 $1.442695020e+00, v18  }
0x528: {  	v21 =	vld [tilespmem:s31+$0xFFFFFF80];
	v27 =	vshll.u32 v23, $0x10;
	v19 =	vmul.f32 $1.442695020e+00, v19;
	(erf) = vpow2.f32 v20  }
0x529: {  	v20 =	vand.u32 $0xFFFF0000, v23;
	v23 =	vshll.u32 v22, $0x10;
	(erf) = vpow2.f32 v18  }
0x52a: {  	v18 =	vand.u32 $0xFFFF0000, v22;
	v22 =	vld.idx.msk [tilespmem:v25+s10+$0x0], $0xffff;
	v25 =	vmul.f32 v27, v30;
	(erf) = vpow2.f32 v19  }
0x52b: {  	v13 =	vmul.u32 $0x88, v13;
	v15 =	vadd.s32 v1, v15;
	v28 =	vmul.f32 v28, v16;
	v27 =	vld.idx.msk [tilespmem:v48+s10+$0x0], $0xffff  }
0x52c: {  	v14 =	vmul.u32 $0x88, v14;
	v29 =	vmul.f32 v20, v31;
	v30 =	vld.idx.msk [tilespmem:v50+s10+$0x0], $0xffff;
	v23 =	vmul.f32 v23, v32;
	[tilespmem:s9+$0xFFFFFF98] =	vst v25;
	v20 =	vpop (erf)  }
0x52d: {  	v19 =	vshll.u32 v21, $0x10;
	v21 =	vand.u32 $0xFFFF0000, v21;
	v18 =	vmul.f32 v18, v26;
	[tilespmem:v24+s13+$0x0] =	vst.idx.msk $0xff, v20  }
0x52e: {  	v19 =	vmul.f32 v19, v35;
	[tilespmem:s9+$0xFFFFFFD8] =	vst v29;
	v26 =	vmul.f32 v21, v36;
	v24 =	vadd.s32 v1, v13;
	v25 =	vld [tilespmem:s3+$0x50]  }
0x52f: {  	[tilespmem:s9+$0x20] =	vst v23;
	v29 =	vadd.s32 v1, v14;
	v13 =	vbroadcast v20, $0x3;
	v52 =	vbroadcast v20, $0x4  }
0x530: {  	[tilespmem:s9+$0x60] =	vst v18;
	v63 =	vbroadcast v20, $0x5;
	v22 =	vmul.f32 v22, v2  }
0x531: {  	[tilespmem:s9+$0xFFFFFF10] =	vst v19;
	v23 =	vmul.f32 v27, v2;
	v21 =	vmul.f32 v30, v2;
	v16 =	vpop (erf)  }
0x532: {  	v31 =	vld [tilespmem:s31+$0xFFFFFFE0];
	v27 =	vbroadcast v20, $0x0;
	[tilespmem:v15+s13+$0x0] =	vst.idx.msk $0xff, v16;
	v19 =	vbroadcast v16, $0x0;
	v14 =	vpop (erf)  }
0x533: {  	v51 =	vbroadcast v16, $0x4;
	v33 =	vbroadcast v16, $0x1;
	[tilespmem:v24+s13+$0x0] =	vst.idx.msk $0xff, v14;
	v30 =	vld [tilespmem:s3+$0xFFFFFFB0];
	v24 =	vshll.u32 v25, $0x10;
	v15 =	vpop (erf)  }
0x534: {  	v18 =	vld [tilespmem:s31+$0x30];
	v35 =	vbroadcast v16, $0x5;
	v25 =	vand.u32 $0xFFFF0000, v25;
	[tilespmem:v29+s13+$0x0] =	vst.idx.msk $0xff, v15;
	v27 =	vmul.f32 v24, v27  }
0x535: {  	s12 =	simm.s32 $0x1A680;
	[tilespmem:s9+$0xFFFFFF50] =	vst v26;
	v57 =	vbroadcast v14, $0x0;
	v56 =	vmul.f32 v25, v52;
	v54 =	vld [tilespmem:s3+$0x0]  }
0x536: {  	v58 =	vbroadcast v14, $0x4;
	v37 =	vbroadcast v14, $0x1;
	[tilespmem:s12+$0x88] =	vst v27  }
0x537: {  	v26 =	vand.u32 $0xFFFF0000, v31;
	v36 =	vbroadcast v14, $0x5;
	v53 =	vld [tilespmem:s3+$0xFFFFFF60];
	v29 =	vbroadcast v15, $0x0;
	[tilespmem:s12+$0xC8] =	vst v56  }
0x538: {  	v24 =	vshll.u32 v31, $0x10;
	v55 =	vbroadcast v15, $0x4;
	v60 =	vld [tilespmem:s3+$0x60];
	v59 =	vshll.u32 v30, $0x10  }
0x539: {  	[tilespmem:s9+$0xF8] =	vst v17;
	v25 =	vshll.u32 v18, $0x10;
	v30 =	vand.u32 $0xFFFF0000, v30;
	v17 =	vmul.f32 v59, v19  }
0x53a: {  	[tilespmem:s9+$0xB8] =	vst v28;
	v18 =	vand.u32 $0xFFFF0000, v18;
	v19 =	vmul.f32 v30, v51;
	v28 =	vshll.u32 v54, $0x10  }
0x53b: {  	v31 =	vbroadcast v15, $0x1;
	v27 =	vld [tilespmem:s31+$0xFFFFFF90];
	v30 =	vand.u32 $0xFFFF0000, v54;
	[tilespmem:s12+$0xFFFFFF78] =	vst v17;
	v28 =	vmul.f32 v28, v29  }
0x53c: {  	v61 =	vshll.u32 v53, $0x10;
	v29 =	vmul.f32 v30, v55;
	[tilespmem:s12+$0xFFFFFFB8] =	vst v19;
	v19 =	vbroadcast v20, $0x1  }
0x53d: {  	v38 =	vbroadcast v15, $0x5;
	v30 =	vmul.f32 v61, v57;
	v34 =	vld [tilespmem:s3+$0xFFFFFFC0];
	[tilespmem:s12+$0x0] =	vst v28;
	v28 =	vshll.u32 v60, $0x10  }
0x53e: {  	s31 =	simm.s32 $0xB;
	v62 =	vand.u32 $0xFFFF0000, v53;
	[tilespmem:s12+$0x40] =	vst v29;
	v29 =	vand.u32 $0xFFFF0000, v60;
	v28 =	vmul.f32 v28, v19  }
0x53f: {  	v32 =	vmul.f32 v62, v58;
	[tilespmem:s12+$0xFFFFFEF0] =	vst v30;
	v30 =	vmov s31;
	v41 =	vmul.f32 v29, v63;
	v39 =	vld [tilespmem:s3+$0x10]  }
0x540: {  	v17 =	vshll.u32 v27, $0x10;
	v29 =	vbroadcast v16, $0x2;
	v40 =	vor.u32 $0x780, v30;
	[tilespmem:s12+$0x98] =	vst v28  }
0x541: {  	s0 =	simm.s32 $0x1A680;
	s1 =	simm.s32 $0x16930;
	s17 =	simm.s32 $0xC;
	v19 =	vand.u32 $0xFFFF0000, v27;
	v27 =	vbroadcast v15, $0x2;
	v28 =	vbroadcast v16, $0x6;
	[tilespmem:s12+$0xD8] =	vst v41  }
.LBB2_15:
0x542: {  	p0 =	slt.u32 s17, $0x24;
	[tilespmem:s12+$0xFFFFFF30] =	vst v32;
	v41 =	vshll.u32 v34, $0x10;
	v42 =	vand.u32 $0xFFFF0000, v34;
	v32 =	vbroadcast v15, $0x6;
	v43 =	vld [tilespmem:s3+$0x70]  }
0x543: {  	v34 =	vmov s17;
	s3 =	sadd.s32 $0x140, s3;
	v44 =	vld [tilespmem:s1+$0xFFFFFF70];
	v41 =	vmul.f32 v41, v33;
	v42 =	vmul.f32 v42, v35  }
0x544: {  	v33 =	vbroadcast v14, $0x2;
	v45 =	vld [tilespmem:s3+$0x90];
	v35 =	vshll.u32 v39, $0x10;
	v39 =	vand.u32 $0xFFFF0000, v39  }
0x545: {  	s20 =	sadd.s32 $0x1, s17;
	s11 =	sadd.s32 $0x40, s11;
	v46 =	vor.u32 $0x780, v34;
	v40 =	vld.idx.msk [tilespmem:v40+s10+$0x0], $0xffff;
	[tilespmem:s12+$0xFFFFFF88] =	vst v41;
	v41 =	vmul.f32 v35, v31;
	v38 =	vmul.f32 v39, v38  }
0x546: {  	v31 =	vmov s20;
	v35 =	vbroadcast v14, $0x6;
	v39 =	vld [tilespmem:s11+$0x10];
	[tilespmem:s12+$0xFFFFFFC8] =	vst v42;
	v42 =	vbroadcast v20, $0x2  }
0x547: {  	v48 =	vbroadcast v16, $0x3;
	v49 =	vbroadcast v20, $0x6;
	v47 =	vld [tilespmem:s3+$0xFFFFFFA0];
	[tilespmem:s12+$0x10] =	vst v41;
	v41 =	vshll.u32 v43, $0x10  }
0x548: {  	v50 =	vld [tilespmem:s11+$0xFFFFFFE0];
	v51 =	vshll.u32 v44, $0x10;
	[tilespmem:s12+$0x50] =	vst v38;
	v38 =	vand.u32 $0xFFFF0000, v43;
	v41 =	vmul.f32 v41, v42  }
0x549: {  	s20 =	sadd.s32 $0x2, s17;
	v43 =	vand.u32 $0xFFFF0000, v44;
	v42 =	vld [tilespmem:s3+$0xFFFFFFF0];
	v44 =	vmul.f32 v51, v37;
	v38 =	vmul.f32 v38, v49  }
0x54a: {  	v16 =	vbroadcast v16, $0x7;
	v37 =	vmov s20;
	v36 =	vmul.f32 v43, v36;
	v49 =	vld [tilespmem:s11+$0xFFFFFFF0];
	[tilespmem:s12+$0xA8] =	vst v41  }
0x54b: {  	v43 =	vbroadcast v15, $0x3;
	v40 =	vmul.f32 v40, v2;
	v41 =	vld [tilespmem:s3+$0x40];
	v39 =	vadd.f32 v39, v45;
	[tilespmem:s12+$0xE8] =	vst v38  }
0x54c: {  	v15 =	vbroadcast v15, $0x7;
	v38 =	vor.u32 $0x780, v31;
	[tilespmem:s12+$0xFFFFFF00] =	vst v44;
	v44 =	vbroadcast v14, $0x3;
	v45 =	vld [tilespmem:s1+$0x80]  }
0x54d: {  	v14 =	vbroadcast v14, $0x7;
	v47 =	vadd.f32 v50, v47;
	v50 =	vld [tilespmem:s11+$0x0];
	v39 =	vadd.f32 v39, v40;
	[tilespmem:s12+$0xFFFFFF40] =	vst v36  }
0x54e: {  	v24 =	vmul.f32 v24, v11;
	v26 =	vmul.f32 v26, v10;
	v11 =	vmovc v48;
	v10 =	vmovc v16;
	v36 =	vor.u32 $0x780, v37;
	v40 =	vld [tilespmem:s1+$0xFFFFFFD0]  }
0x54f: {  	v16 =	vadd.f32 v47, v22;
	v22 =	vadd.f32 v49, v42;
	v42 =	vmul.f32 $2.000000030e-01, v39;
	v47 =	vld [tilespmem:s1+$0x20]  }
0x550: {  	v20 =	vbroadcast v20, $0x7;
	vm0 =	vgt.f32 v39, $0.0e+00;
	v48 =	vld [tilespmem:s1+$0xFFFFFF80];
	[tilespmem:s9+$0xFFFFFFA8] =	vst v24;
	v24 =	vmul.f32 v25, v9;
	v9 =	vmovc v43  }
0x551: {  	v22 =	vadd.f32 v22, v23;
	v23 =	vsel vm0, v39, v42;
	v25 =	vand.u32 $0xFFFF0000, v45;
	[tilespmem:s9+$0xFFFFFFE8] =	vst v26  }
0x552: {  	v26 =	vadd.f32 v50, v41;
	v23 =	vsub.f32 v23, v3;
	v20 =	vmul.f32 v25, v20;
	[tilespmem:s9+$0x30] =	vst v24  }
0x553: {  	v24 =	vmul.f32 $2.000000030e-01, v16;
	vm0 =	vgt.f32 v22, $0.0e+00;
	v25 =	vmul.f32 $2.000000030e-01, v22  }
0x554: {  	vm1 =	vgt.f32 v16, $0.0e+00;
	v21 =	vadd.f32 v26, v21;
	v23 =	vmul.f32 $1.442695020e+00, v23;
	[tilespmem:s12+$0xF8] =	vst v20  }
0x555: {  	v16 =	vsel vm1, v16, v24;
	v20 =	vsel vm0, v22, v25;
	v22 =	vshll.u32 v40, $0x10  }
0x556: {  	vm0 =	vgt.f32 v21, $0.0e+00;
	v24 =	vmul.f32 $2.000000030e-01, v21;
	(erf) = vpow2.f32 v23  }
0x557: {  	v16 =	vsub.f32 v16, v3;
	v20 =	vsub.f32 v20, v3;
	v23 =	vand.u32 $0xFFFF0000, v40  }
0x558: {  	v25 =	vand.u32 $0xFFFF0000, v47;
	v21 =	vsel vm0, v21, v24;
	v24 =	vshll.u32 v47, $0x10  }
0x559: {  	v26 =	vmul.u32 $0x88, v30;
	v20 =	vmul.f32 $1.442695020e+00, v20;
	v21 =	vsub.f32 v21, v3  }
0x55a: {  	v30 =	vshll.u32 v48, $0x10;
	v39 =	vand.u32 $0xFFFF0000, v48;
	v16 =	vmul.f32 $1.442695020e+00, v16  }
0x55b: {  	v26 =	vadd.s32 v1, v26;
	v21 =	vmul.f32 $1.442695020e+00, v21;
	(erf) = vpow2.f32 v20  }
0x55c: {  	v40 =	vld.idx.msk [tilespmem:v46+s10+$0x0], $0xffff;
	(erf) = vpow2.f32 v16;
	v16 =	vmul.f32 v22, v29;
	v22 =	vshll.u32 v45, $0x10  }
0x55d: {  	v29 =	vld.idx.msk [tilespmem:v38+s10+$0x0], $0xffff;
	v38 =	vmul.u32 $0x88, v6;
	(erf) = vpow2.f32 v21;
	v21 =	vmul.f32 v23, v28;
	v6 =	vmovc v34  }
0x55e: {  	v12 =	vmul.u32 $0x88, v12;
	v23 =	vmul.f32 v25, v32;
	v28 =	vld.idx.msk [tilespmem:v36+s10+$0x0], $0xffff;
	[tilespmem:s12+$0xFFFFFF98] =	vst v16;
	v16 =	vmul.f32 v24, v27  }
0x55f: {  	v25 =	vmul.f32 v39, v35;
	v36 =	vmul.u32 $0x88, v8;
	v24 =	vmul.f32 v30, v33;
	v20 =	vpop (erf);
	[tilespmem:s12+$0xFFFFFFD8] =	vst v21  }
0x560: {  	v18 =	vmul.f32 v18, v7;
	v27 =	vadd.s32 v1, v12;
	[tilespmem:v26+s13+$0x0] =	vst.idx.msk $0xff, v20;
	v21 =	vbroadcast v20, $0x3;
	v26 =	vld [tilespmem:s1+$0xFFFFFFE0]  }
0x561: {  	v17 =	vmul.f32 v17, v5;
	v34 =	vmul.f32 v22, v13;
	v30 =	vadd.s32 v1, v38;
	v32 =	vld [tilespmem:s3+$0x50];
	[tilespmem:s12+$0x20] =	vst v16  }
0x562: {  	v19 =	vmul.f32 v19, v4;
	v12 =	vmovc v31;
	v8 =	vmov v37;
	v33 =	vadd.s32 v1, v36;
	[tilespmem:s12+$0x60] =	vst v23  }
0x563: {  	v7 =	vmovc v15;
	v5 =	vmovc v44;
	v4 =	vmov v14;
	v22 =	vmul.f32 v40, v2;
	v13 =	vmov v21;
	[tilespmem:s12+$0xFFFFFF10] =	vst v24;
	v31 =	vld [tilespmem:s1+$0x30]  }
0x564: {  	v23 =	vmul.f32 v29, v2;
	v21 =	vmul.f32 v28, v2;
	v16 =	vpop (erf);
	[tilespmem:s12+$0xFFFFFF50] =	vst v25  }
0x565: {  	v25 =	vbroadcast v20, $0x0;
	[tilespmem:v27+s13+$0x0] =	vst.idx.msk $0xff, v16;
	v27 =	vbroadcast v16, $0x0;
	v14 =	vpop (erf);
	v28 =	vld [tilespmem:s1+$0xFFFFFF90];
	v24 =	vshll.u32 v26, $0x10;
	s1 =	smov.u32 s3  }
0x566: {  	v36 =	vbroadcast v20, $0x4;
	[tilespmem:v30+s13+$0x0] =	vst.idx.msk $0xff, v14;
	v29 =	vld [tilespmem:s3+$0xFFFFFFB0];
	v30 =	vbroadcast v16, $0x4;
	v35 =	vshll.u32 v32, $0x10;
	v15 =	vpop (erf)  }
0x567: {  	v32 =	vand.u32 $0xFFFF0000, v32;
	v37 =	vld [tilespmem:s3+$0xFFFFFF60];
	[tilespmem:v33+s13+$0x0] =	vst.idx.msk $0xff, v15;
	v38 =	vbroadcast v15, $0x0;
	v25 =	vmul.f32 v35, v25  }
0x568: {  	s12 =	sadd.s32 $0x220, s12;
	v26 =	vand.u32 $0xFFFF0000, v26;
	v40 =	vbroadcast v15, $0x4;
	v32 =	vmul.f32 v32, v36;
	v39 =	vld [tilespmem:s3+$0x0];
	[tilespmem:s9+$0x70] =	vst v18  }
0x569: {  	v41 =	vbroadcast v14, $0x4;
	v36 =	vbroadcast v14, $0x0;
	[tilespmem:s12+$0x88] =	vst v25;
	v25 =	vshll.u32 v31, $0x10  }
0x56a: {  	v33 =	vbroadcast v16, $0x1;
	v35 =	vbroadcast v16, $0x5;
	v18 =	vand.u32 $0xFFFF0000, v31;
	[tilespmem:s12+$0xC8] =	vst v32  }
0x56b: {  	v31 =	vbroadcast v15, $0x1;
	v32 =	vshll.u32 v29, $0x10;
	v29 =	vand.u32 $0xFFFF0000, v29;
	v42 =	vld [tilespmem:s3+$0x60];
	[tilespmem:s0+$0xB8] =	vst v34  }
0x56c: {  	v34 =	vshll.u32 v37, $0x10;
	v37 =	vand.u32 $0xFFFF0000, v37;
	v27 =	vmul.f32 v32, v27;
	[tilespmem:s9+$0xFFFFFF20] =	vst v17  }
0x56d: {  	v29 =	vmul.f32 v29, v30;
	v17 =	vshll.u32 v39, $0x10;
	v30 =	vand.u32 $0xFFFF0000, v39;
	[tilespmem:s9+$0xFFFFFF60] =	vst v19;
	s9 =	smov.u32 s0;
	s0 =	smov.u32 s12  }
0x56e: {  	[tilespmem:s12+$0xFFFFFF78] =	vst v27;
	v27 =	vmul.f32 v17, v38;
	v30 =	vmul.f32 v30, v40;
	v17 =	vshll.u32 v28, $0x10  }
0x56f: {  	v36 =	vmul.f32 v34, v36;
	v19 =	vand.u32 $0xFFFF0000, v28;
	[tilespmem:s12+$0xFFFFFFB8] =	vst v29;
	v29 =	vbroadcast v20, $0x1  }
.Ltmp6:
0x570: {  	v32 =	vmul.f32 v37, v41;
	v28 =	vbroadcast v20, $0x5;
	v34 =	vld [tilespmem:s3+$0xFFFFFFC0];
	[tilespmem:s12+$0x0] =	vst v27;
	v27 =	vshll.u32 v42, $0x10;
	(pc) =	sbr.rel @p0 .LBB2_15-.Ltmp6, $4  }
0x571: {  	s20 =	sadd.s32 $0x3, s17;
	v38 =	vbroadcast v15, $0x5;
	v40 =	vand.u32 $0xFFFF0000, v42;
	[tilespmem:s12+$0x40] =	vst v30;
	v27 =	vmul.f32 v27, v29  }
0x572: {  	v37 =	vbroadcast v14, $0x1;
	v30 =	vmov s20;
	v41 =	vmul.f32 v40, v28;
	[tilespmem:s12+$0xFFFFFEF0] =	vst v36;
	v39 =	vld [tilespmem:s3+$0x10]  }
0x573: {  	v29 =	vbroadcast v16, $0x2;
	v40 =	vor.u32 $0x780, v30;
	v36 =	vbroadcast v14, $0x5;
	[tilespmem:s12+$0x98] =	vst v27  }
0x574: {  	s17 =	sadd.s32 $0x4, s17;
	v28 =	vbroadcast v16, $0x6;
	v27 =	vbroadcast v15, $0x2;
	[tilespmem:s12+$0xD8] =	vst v41  }
0x575: {  	_ =	sdelay $0x3  }
0x576: {  	s17 =	sadd.s32 $0x140, s3;
	v40 =	vld.idx.msk [tilespmem:v40+s10+$0x0], $0xffff  }
0x577: {  	s11 =	sadd.s32 $0x40, s11;
	v41 =	vld [tilespmem:s17+$0x90]  }
0x578: {  	v42 =	vld [tilespmem:s11+$0x10];
	_ =	sdelay $0x4  }
0x579: {  	v40 =	vmul.f32 v40, v2;
	v41 =	vadd.f32 v42, v41;
	_ =	sdelay $0x1  }
0x57a: {  	v43 =	vld [tilespmem:s17+$0xFFFFFFF0];
	v40 =	vadd.f32 v41, v40  }
0x57b: {  	v53 =	vld [tilespmem:s11+$0xFFFFFFF0]  }
0x57c: {  	v52 =	vld [tilespmem:s3+$0x70];
	v54 =	vshll.u32 v34, $0x10;
	v55 =	vand.u32 $0xFFFF0000, v34;
	v45 =	vmul.f32 $2.000000030e-01, v40  }
0x57d: {  	v46 =	vbroadcast v15, $0x6;
	v61 =	vbroadcast v20, $0x2;
	v47 =	vld [tilespmem:s17+$0xFFFFFFA0];
	vm0 =	vgt.f32 v40, $0.0e+00  }
0x57e: {  	v48 =	vbroadcast v20, $0x6;
	v30 =	vmul.u32 $0x88, v30;
	v56 =	vld [tilespmem:s11+$0xFFFFFFE0];
	v40 =	vsel vm0, v40, v45  }
0x57f: {  	v11 =	vmul.f32 v24, v11;
	v20 =	vbroadcast v20, $0x7;
	v59 =	vld [tilespmem:s17+$0x40];
	v40 =	vsub.f32 v40, v3  }
0x580: {  	[tilespmem:s12+$0xFFFFFF30] =	vst v32;
	v9 =	vmul.f32 v25, v9;
	v33 =	vmul.f32 v54, v33;
	v60 =	vld [tilespmem:s11+$0x0];
	v32 =	vadd.f32 v53, v43  }
0x581: {  	v12 =	vmul.u32 $0x88, v12;
	v34 =	vmul.f32 v55, v35;
	v40 =	vmul.f32 $1.442695020e+00, v40  }
0x582: {  	v57 =	vshll.u32 v39, $0x10;
	v58 =	vand.u32 $0xFFFF0000, v39;
	v23 =	vadd.f32 v32, v23  }
0x583: {  	v44 =	vld [tilespmem:s1+$0xFFFFFF70];
	v62 =	vshll.u32 v52, $0x10;
	v42 =	vand.u32 $0xFFFF0000, v52;
	(erf) = vpow2.f32 v40  }
0x584: {  	[tilespmem:s9+$0xFFFFFFA8] =	vst v11;
	v35 =	vadd.f32 v56, v47;
	v51 =	vmul.f32 v42, v48;
	v50 =	vmul.f32 $2.000000030e-01, v23  }
0x585: {  	[tilespmem:s12+$0xFFFFFF88] =	vst v33;
	v39 =	vadd.f32 v60, v59;
	v41 =	vmul.f32 v62, v61;
	vm6 =	vgt.f32 v23, $0.0e+00  }
0x586: {  	v30 =	vadd.s32 v1, v30;
	v22 =	vadd.f32 v35, v22;
	[tilespmem:s12+$0xE8] =	vst v51;
	v23 =	vsel vm6, v23, v50  }
0x587: {  	v31 =	vmul.f32 v57, v31;
	v21 =	vadd.f32 v39, v21;
	[tilespmem:s12+$0xA8] =	vst v41;
	v23 =	vsub.f32 v23, v3  }
0x588: {  	v38 =	vmul.f32 v58, v38;
	[tilespmem:s12+$0xFFFFFFC8] =	vst v34;
	v49 =	vand.u32 $0xFFFF0000, v44;
	v35 =	vmul.f32 $2.000000030e-01, v22;
	v53 =	vld [tilespmem:s1+$0x80]  }
0x589: {  	v55 =	vld [tilespmem:s1+$0xFFFFFFD0];
	[tilespmem:s12+$0x10] =	vst v31;
	vm7 =	vgt.f32 v22, $0.0e+00;
	v54 =	vmul.f32 $2.000000030e-01, v21;
	v23 =	vmul.f32 $1.442695020e+00, v23  }
0x58a: {  	[tilespmem:s12+$0x50] =	vst v38;
	v52 =	vmul.f32 v49, v36;
	vm8 =	vgt.f32 v21, $0.0e+00;
	v22 =	vsel vm7, v22, v35  }
0x58b: {  	[tilespmem:s9+$0x30] =	vst v9;
	v24 =	vld [tilespmem:s1+$0x20];
	v21 =	vsel vm8, v21, v54;
	v22 =	vsub.f32 v22, v3;
	(erf) = vpow2.f32 v23  }
0x58c: {  	v63 =	vshll.u32 v44, $0x10;
	[tilespmem:s12+$0xFFFFFF40] =	vst v52;
	v21 =	vsub.f32 v21, v3;
	v23 =	vmul.f32 v26, v10;
	v10 =	vpop (erf)  }
0x58d: {  	v32 =	vmul.f32 v63, v37;
	v22 =	vmul.f32 $1.442695020e+00, v22;
	v25 =	vand.u32 $0xFFFF0000, v53;
	[tilespmem:v30+s13+$0x0] =	vst.idx.msk $0xff, v10  }
0x58e: {  	v11 =	vmul.f32 v25, v20;
	v20 =	vmul.f32 $1.442695020e+00, v21;
	[tilespmem:s9+$0xFFFFFFE8] =	vst v23;
	v23 =	vshll.u32 v55, $0x10;
	v21 =	vld [tilespmem:s17+$0x50]  }
0x58f: {  	[tilespmem:s12+$0xFFFFFF00] =	vst v32;
	v9 =	vmul.f32 v23, v29;
	(erf) = vpow2.f32 v22  }
0x590: {  	v12 =	vadd.s32 v1, v12;
	[tilespmem:s12+$0xF8] =	vst v11;
	v11 =	vshll.u32 v24, $0x10;
	(erf) = vpow2.f32 v20  }
0x591: {  	v7 =	vmul.f32 v18, v7;
	v25 =	vand.u32 $0xFFFF0000, v55;
	[tilespmem:s12+$0xFFFFFF98] =	vst v9;
	v9 =	vmul.f32 v11, v27;
	v22 =	vld [tilespmem:s1+$0xFFFFFF80]  }
0x592: {  	v6 =	vmul.u32 $0x88, v6;
	v23 =	vmul.f32 v25, v28;
	v26 =	vbroadcast v10, $0x4  }
0x593: {  	v25 =	vmul.u32 $0x88, v8;
	[tilespmem:s12+$0x20] =	vst v9;
	v11 =	vbroadcast v10, $0x0;
	v9 =	vand.u32 $0xFFFF0000, v21  }
0x594: {  	v24 =	vand.u32 $0xFFFF0000, v24;
	[tilespmem:s12+$0xFFFFFFD8] =	vst v23;
	v8 =	vpop (erf);
	v23 =	vshll.u32 v21, $0x10;
	v9 =	vmul.f32 v9, v26  }
0x595: {  	s31 =	sadd.s32 $0x220, s12;
	v20 =	vbroadcast v14, $0x2;
	[tilespmem:v12+s13+$0x0] =	vst.idx.msk $0xff, v8;
	v21 =	vadd.s32 v1, v25;
	v11 =	vmul.f32 v23, v11  }
0x596: {  	v12 =	vshll.u32 v22, $0x10;
	v23 =	vmul.f32 v24, v46;
	v24 =	vld [tilespmem:s17+$0xFFFFFFB0];
	[tilespmem:s31+$0xC8] =	vst v9;
	v9 =	vand.u32 $0xFFFF0000, v22  }
0x597: {  	v12 =	vmul.f32 v12, v20;
	v20 =	vadd.s32 v1, v6;
	[tilespmem:s31+$0x88] =	vst v11;
	v11 =	vbroadcast v14, $0x6  }
0x598: {  	[tilespmem:s9+$0x70] =	vst v7;
	v6 =	vpop (erf);
	v22 =	vld [tilespmem:s17+$0x60]  }
0x599: {  	[tilespmem:s12+$0xFFFFFF10] =	vst v12;
	v11 =	vmul.f32 v9, v11;
	v9 =	vpop (erf)  }
0x59a: {  	v12 =	vbroadcast v8, $0x0;
	[tilespmem:v21+s13+$0x0] =	vst.idx.msk $0xff, v9  }
0x59b: {  	[tilespmem:s12+$0xFFFFFF50] =	vst v11;
	v11 =	vbroadcast v8, $0x4;
	v21 =	vshll.u32 v24, $0x10;
	v18 =	vld [tilespmem:s17+$0x0]  }
0x59c: {  	[tilespmem:v20+s13+$0x0] =	vst.idx.msk $0xff, v6;
	v20 =	vand.u32 $0xFFFF0000, v24;
	v12 =	vmul.f32 v21, v12;
	v21 =	vbroadcast v10, $0x1  }
0x59d: {  	[tilespmem:s12+$0x60] =	vst v23;
	v23 =	vld [tilespmem:s17+$0xFFFFFF60];
	v7 =	vmul.f32 v20, v11;
	v11 =	vshll.u32 v22, $0x10;
	v20 =	vbroadcast v10, $0x5  }
0x59e: {  	[tilespmem:s31+$0xFFFFFF78] =	vst v12;
	v12 =	vand.u32 $0xFFFF0000, v22;
	v11 =	vmul.f32 v11, v21  }
0x59f: {  	v21 =	vshll.u32 v53, $0x10;
	v22 =	vbroadcast v9, $0x0;
	[tilespmem:s31+$0xFFFFFFB8] =	vst v7;
	v7 =	vmul.f32 v12, v20  }
0x5a0: {  	v12 =	vmul.f32 v21, v13;
	v13 =	vbroadcast v9, $0x4;
	[tilespmem:s31+$0x98] =	vst v11;
	v20 =	vshll.u32 v18, $0x10  }
0x5a1: {  	v11 =	vbroadcast v6, $0x0;
	v21 =	vld [tilespmem:s17+$0xFFFFFFC0];
	v18 =	vand.u32 $0xFFFF0000, v18;
	[tilespmem:s31+$0xD8] =	vst v7;
	v20 =	vmul.f32 v20, v22  }
0x5a2: {  	v7 =	vbroadcast v6, $0x4;
	[tilespmem:s0+$0xB8] =	vst v12;
	v12 =	vshll.u32 v23, $0x10;
	v13 =	vmul.f32 v18, v13;
	v18 =	vld [tilespmem:s17+$0x70]  }
0x5a3: {  	v22 =	vand.u32 $0xFFFF0000, v23;
	v11 =	vmul.f32 v12, v11;
	[tilespmem:s31+$0x0] =	vst v20  }
0x5a4: {  	v7 =	vmul.f32 v22, v7;
	[tilespmem:s31+$0x40] =	vst v13  }
0x5a5: {  	v5 =	vmul.f32 v17, v5;
	v12 =	vbroadcast v8, $0x1;
	[tilespmem:s31+$0xFFFFFEF0] =	vst v11;
	v11 =	vld [tilespmem:s17+$0x10]  }
0x5a6: {  	v4 =	vmul.f32 v19, v4;
	v13 =	vbroadcast v10, $0x2;
	[tilespmem:s31+$0xFFFFFF30] =	vst v7;
	v7 =	vshll.u32 v21, $0x10  }
0x5a7: {  	[tilespmem:s9+$0xFFFFFF20] =	vst v5;
	v17 =	vbroadcast v10, $0x6;
	v5 =	vld [tilespmem:s17+$0xFFFFFF70];
	v7 =	vmul.f32 v7, v12;
	v12 =	vshll.u32 v18, $0x10  }
0x5a8: {  	[tilespmem:s9+$0xFFFFFF60] =	vst v4;
	v19 =	vbroadcast v8, $0x5;
	v4 =	vand.u32 $0xFFFF0000, v18;
	v12 =	vmul.f32 v12, v13  }
0x5a9: {  	v20 =	vand.u32 $0xFFFF0000, v21;
	v18 =	vbroadcast v9, $0x1;
	v13 =	vld [tilespmem:s1+$0xFFFFFFE0];
	[tilespmem:s31+$0xFFFFFF88] =	vst v7;
	v4 =	vmul.f32 v4, v17  }
0x5aa: {  	v7 =	vbroadcast v9, $0x5;
	v17 =	vmul.f32 v20, v19;
	v19 =	vshll.u32 v11, $0x10;
	[tilespmem:s31+$0xA8] =	vst v12  }
0x5ab: {  	v20 =	vbroadcast v6, $0x1;
	v12 =	vld [tilespmem:s1+$0x30];
	v11 =	vand.u32 $0xFFFF0000, v11;
	[tilespmem:s31+$0xE8] =	vst v4;
	v18 =	vmul.f32 v19, v18  }
0x5ac: {  	v4 =	vbroadcast v6, $0x5;
	[tilespmem:s31+$0xFFFFFFC8] =	vst v17;
	v7 =	vmul.f32 v11, v7;
	v11 =	vshll.u32 v5, $0x10;
	v17 =	vld [tilespmem:s17+$0x80]  }
0x5ad: {  	v19 =	vbroadcast v16, $0x3;
	v5 =	vand.u32 $0xFFFF0000, v5;
	v11 =	vmul.f32 v11, v20;
	[tilespmem:s31+$0x10] =	vst v18;
	v18 =	vld [tilespmem:s17+$0xFFFFFFD0]  }
0x5ae: {  	v16 =	vbroadcast v16, $0x7;
	v4 =	vmul.f32 v5, v4;
	v20 =	vshll.u32 v13, $0x10;
	[tilespmem:s31+$0x50] =	vst v7  }
0x5af: {  	v5 =	vbroadcast v15, $0x3;
	v7 =	vand.u32 $0xFFFF0000, v13;
	[tilespmem:s31+$0xFFFFFF00] =	vst v11;
	v11 =	vmul.f32 v20, v19;
	v13 =	vld [tilespmem:s17+$0x20]  }
0x5b0: {  	[tilespmem:s31+$0xFFFFFF40] =	vst v4;
	v4 =	vmul.f32 v7, v16;
	v7 =	vbroadcast v10, $0x7;
	v19 =	vshll.u32 v12, $0x10  }
0x5b1: {  	v16 =	vbroadcast v8, $0x2;
	v20 =	vld [tilespmem:s17+$0xFFFFFF80];
	[tilespmem:s0+$0xFFFFFFA8] =	vst v11;
	v5 =	vmul.f32 v19, v5;
	v11 =	vand.u32 $0xFFFF0000, v17  }
0x5b2: {  	v19 =	vbroadcast v8, $0x6;
	[tilespmem:s0+$0xFFFFFFE8] =	vst v4;
	v4 =	vmul.f32 v11, v7;
	v7 =	vshll.u32 v18, $0x10  }
0x5b3: {  	v11 =	vbroadcast v9, $0x2;
	[tilespmem:s0+$0x30] =	vst v5;
	v5 =	vand.u32 $0xFFFF0000, v18;
	v7 =	vmul.f32 v7, v16  }
0x5b4: {  	v16 =	vbroadcast v9, $0x6;
	[tilespmem:s31+$0xF8] =	vst v4;
	v4 =	vshll.u32 v13, $0x10;
	v5 =	vmul.f32 v5, v19  }
0x5b5: {  	v18 =	vld [tilespmem:s1+$0xFFFFFF90];
	v19 =	vbroadcast v6, $0x2;
	v13 =	vand.u32 $0xFFFF0000, v13;
	v4 =	vmul.f32 v4, v11;
	[tilespmem:s31+$0xFFFFFF98] =	vst v7  }
0x5b6: {  	v11 =	vshll.u32 v20, $0x10;
	v7 =	vbroadcast v6, $0x6;
	v13 =	vmul.f32 v13, v16;
	[tilespmem:s31+$0xFFFFFFD8] =	vst v5  }
0x5b7: {  	v5 =	vbroadcast v15, $0x7;
	v15 =	vand.u32 $0xFFFF0000, v20;
	v11 =	vmul.f32 v11, v19;
	v16 =	vld [tilespmem:s17+$0xFFFFFFE0];
	[tilespmem:s31+$0x20] =	vst v4  }
0x5b8: {  	v4 =	vbroadcast v10, $0x3;
	v10 =	vand.u32 $0xFFFF0000, v12;
	v7 =	vmul.f32 v15, v7;
	[tilespmem:s31+$0x60] =	vst v13  }
0x5b9: {  	v12 =	vbroadcast v14, $0x3;
	v13 =	vshll.u32 v17, $0x10;
	v5 =	vmul.f32 v10, v5;
	[tilespmem:s31+$0xFFFFFF10] =	vst v11;
	v10 =	vld [tilespmem:s17+$0x30]  }
0x5ba: {  	v11 =	vbroadcast v14, $0x7;
	v14 =	vshll.u32 v18, $0x10;
	v4 =	vmul.f32 v13, v4;
	[tilespmem:s31+$0xFFFFFF50] =	vst v7  }
0x5bb: {  	v13 =	vbroadcast v8, $0x3;
	v12 =	vmul.f32 v14, v12;
	v7 =	vand.u32 $0xFFFF0000, v18;
	[tilespmem:s0+$0x70] =	vst v5;
	v14 =	vld [tilespmem:s17+$0xFFFFFF90]  }
0x5bc: {  	v5 =	vbroadcast v8, $0x7;
	v7 =	vmul.f32 v7, v11;
	[tilespmem:s31+$0xB8] =	vst v4;
	v8 =	vshll.u32 v16, $0x10  }
0x5bd: {  	v4 =	vbroadcast v9, $0x3;
	[tilespmem:s0+$0xFFFFFF20] =	vst v12;
	v11 =	vand.u32 $0xFFFF0000, v16;
	v8 =	vmul.f32 v8, v13  }
0x5be: {  	v9 =	vbroadcast v9, $0x7;
	[tilespmem:s0+$0xFFFFFF60] =	vst v7;
	v5 =	vmul.f32 v11, v5;
	v12 =	vshll.u32 v10, $0x10  }
0x5bf: {  	v7 =	vbroadcast v6, $0x3;
	v10 =	vand.u32 $0xFFFF0000, v10;
	[tilespmem:s31+$0xFFFFFFA8] =	vst v8;
	v4 =	vmul.f32 v12, v4  }
0x5c0: {  	[tilespmem:s31+$0xFFFFFFE8] =	vst v5;
	v5 =	vmul.f32 v10, v9;
	v8 =	vshll.u32 v14, $0x10  }
0x5c1: {  	s11 =	simm.s32 $0x1;
	v6 =	vbroadcast v6, $0x7;
	[tilespmem:s31+$0x30] =	vst v4;
	v4 =	vmul.f32 v8, v7  }
0x5c2: {  	v9 =	vand.u32 $0xFFFF0000, v14;
	[tilespmem:s31+$0x70] =	vst v5;
	v5 =	vmov s11  }
0x5c3: {  	v6 =	vmul.f32 v9, v6;
	[tilespmem:s31+$0xFFFFFF20] =	vst v4;
	v4 =	vand.u32 $0x3D, v5  }
0x5c4: {  	v4 =	vadd.s32 $0x7A8, v4  }
0x5c5: {  	s20 =	simm.s32 $0x2;
	s12 =	simm.s32 $0x15F30;
	s17 =	simm.s32 $0x19BF0;
	[tilespmem:s31+$0xFFFFFF60] =	vst v6  }
0x5c6: {  	[spmem:s21] =	stream.indirect.scatter.add.f32 [tilespmem:s13], [sflag:$0x9], $0x88, s12, s24, $0xb8;
	[tilespmem:$0x1CDD0] =	vst v63  }
0x5c7: {  	s9 =	simm.s32 $0x17470;
	v6 =	vmov s20;
	v7 =	vld [tilespmem:s17+$0xFFFFFFF0]  }
0x5c8: {  	v8 =	vand.u32 $0x3E, v6;
	v9 =	vld [tilespmem:s9+$0xFFFFFFF0]  }
0x5c9: {  	v8 =	vadd.s32 $0x7A8, v8;
	v4 =	vld.idx.msk [tilespmem:v4+s10+$0x0], $0xffff  }
0x5ca: {  	s22 =	simm.s32 $0x3  }
0x5cb: {  	v11 =	vmov s22  }
0x5cc: {  	v13 =	vand.u32 $0x3F, v11;
	v10 =	vld [tilespmem:s9+$0x40]  }
0x5cd: {  	v12 =	vld [tilespmem:s17+$0x0];
	v7 =	vadd.f32 v7, v9;
	v9 =	vadd.s32 $0x7A8, v13  }
0x5ce: {  	v8 =	vld.idx.msk [tilespmem:v8+s10+$0x0], $0xffff;
	v4 =	vmul.f32 v4, v2;
	_ =	sdelay $0x1  }
0x5cf: {  	v4 =	vadd.f32 v7, v4  }
0x5d0: {  	v14 =	vld [tilespmem:s9+$0x90]  }
0x5d1: {  	v9 =	vld.idx.msk [tilespmem:v9+s10+$0x0], $0xffff;
	v13 =	vmul.f32 $2.000000030e-01, v4  }
0x5d2: {  	v10 =	vadd.f32 v12, v10;
	v8 =	vmul.f32 v8, v2;
	v7 =	vld [tilespmem:s17+$0x10];
	vm9 =	vgt.f32 v4, $0.0e+00  }
0x5d3: {  	v4 =	vsel vm9, v4, v13  }
0x5d4: {  	v8 =	vadd.f32 v10, v8;
	v4 =	vsub.f32 v4, v3;
	_ =	sdelay $0x1  }
0x5d5: {  	v10 =	vmul.f32 $2.000000030e-01, v8;
	v4 =	vmul.f32 $1.442695020e+00, v4  }
0x5d6: {  	vm10 =	vgt.f32 v8, $0.0e+00;
	v9 =	vmul.f32 v9, v2;
	v7 =	vadd.f32 v7, v14  }
0x5d7: {  	v8 =	vsel vm10, v8, v10;
	(erf) = vpow2.f32 v4  }
0x5d8: {  	v7 =	vadd.f32 v7, v9;
	v4 =	vsub.f32 v8, v3  }
0x5d9: {  	v5 =	vmul.u32 $0x88, v5  }
0x5da: {  	v8 =	vmul.f32 $2.000000030e-01, v7;
	v4 =	vmul.f32 $1.442695020e+00, v4  }
0x5db: {  	s23 =	simm.s32 $0x0;
	v5 =	vadd.s32 v1, v5;
	vm11 =	vgt.f32 v7, $0.0e+00  }
0x5dc: {  	(erf) = vpow2.f32 v4;
	v4 =	vsel vm11, v7, v8;
	v7 =	vmov s23  }
0x5dd: {  	v8 =	vmul.u32 $0x88, v6;
	v6 =	vand.u32 $0x3C, v7  }
0x5de: {  	v4 =	vsub.f32 v4, v3;
	_ =	sdelay $0x1  }
0x5df: {  	s1 =	simm.s32 $0x19C30;
	v9 =	vadd.s32 $0x7A8, v6;
	v4 =	vmul.f32 $1.442695020e+00, v4;
	v6 =	vpop (erf)  }
0x5e0: {  	v20 =	vld [tilespmem:s1+$0x10];
	[tilespmem:v5+s8+$0x0] =	vst.idx.msk $0xff, v6  }
0x5e1: {  	v8 =	vadd.s32 v1, v8;
	(erf) = vpow2.f32 v4;
	v5 =	vld [tilespmem:s9+$0xFFFFFFB0]  }
0x5e2: {  	v13 =	vld [tilespmem:s9+$0xFFFFFFA0]  }
0x5e3: {  	v4 =	vld [tilespmem:s17+$0xFFFFFFE0]  }
0x5e4: {  	s11 =	simm.s32 $0x175B0;
	v10 =	vmul.u32 $0x88, v11;
	v9 =	vld.idx.msk [tilespmem:v9+s10+$0x0], $0xffff  }
0x5e5: {  	v23 =	vld [tilespmem:s11+$0x90];
	v12 =	vbroadcast v6, $0x4;
	v11 =	vpop (erf)  }
0x5e6: {  	v10 =	vadd.s32 v1, v10;
	[tilespmem:v8+s8+$0x0] =	vst.idx.msk $0xff, v11;
	v8 =	vbroadcast v6, $0x0;
	v15 =	vand.u32 $0xFFFF0000, v5  }
0x5e7: {  	v5 =	vshll.u32 v5, $0x10;
	v12 =	vmul.f32 v15, v12  }
0x5e8: {  	s0 =	simm.s32 $0x1B9A0;
	v14 =	vld [tilespmem:s9+$0x0];
	v5 =	vmul.f32 v5, v8  }
0x5e9: {  	v7 =	vmul.u32 $0x88, v7;
	v13 =	vadd.f32 v4, v13;
	v9 =	vmul.f32 v9, v2;
	[tilespmem:s0+$0xFFFFFFB8] =	vst v12  }
0x5ea: {  	s25 =	simm.s32 $0x5;
	v20 =	vadd.f32 v20, v23;
	v4 =	vpop (erf);
	[tilespmem:s0+$0xFFFFFF78] =	vst v5  }
0x5eb: {  	v7 =	vadd.s32 v1, v7;
	v9 =	vadd.f32 v13, v9;
	[tilespmem:v10+s8+$0x0] =	vst.idx.msk $0xff, v4;
	v10 =	vmov s25  }
0x5ec: {  	v12 =	vbroadcast v11, $0x0;
	v5 =	vbroadcast v11, $0x4;
	v16 =	vld [tilespmem:s9+$0xFFFFFFC0];
	v17 =	vand.u32 $0x3D, v10  }
0x5ed: {  	s26 =	simm.s32 $0x6;
	v15 =	vshll.u32 v14, $0x10;
	v14 =	vand.u32 $0xFFFF0000, v14;
	v17 =	vadd.s32 $0x7A8, v17  }
0x5ee: {  	v18 =	vld [tilespmem:s11+$0x40];
	v19 =	vmul.f32 $2.000000030e-01, v9;
	v12 =	vmul.f32 v15, v12;
	v15 =	vmov s26  }
0x5ef: {  	v26 =	vld [tilespmem:s11+$0xFFFFFFF0];
	vm12 =	vgt.f32 v9, $0.0e+00;
	v5 =	vmul.f32 v14, v5;
	v22 =	vand.u32 $0x3E, v15  }
0x5f0: {  	v13 =	vld [tilespmem:s9+$0x50];
	v14 =	vbroadcast v6, $0x5;
	v9 =	vsel vm12, v9, v19;
	v22 =	vadd.s32 $0x7A8, v22  }
0x5f1: {  	v21 =	vbroadcast v6, $0x1;
	v19 =	vld [tilespmem:s1+$0xFFFFFFF0];
	[tilespmem:s0+$0x40] =	vst v5;
	v9 =	vsub.f32 v9, v3;
	v25 =	vand.u32 $0xFFFF0000, v16  }
0x5f2: {  	v24 =	vbroadcast v11, $0x1;
	[tilespmem:s0+$0x0] =	vst v12;
	v12 =	vshll.u32 v16, $0x10;
	v14 =	vmul.f32 v25, v14;
	v16 =	vld.idx.msk [tilespmem:v17+s10+$0x0], $0xffff  }
0x5f3: {  	s29 =	simm.s32 $0x7;
	v57 =	vbroadcast v11, $0x6;
	v10 =	vmul.u32 $0x88, v10;
	v9 =	vmul.f32 $1.442695020e+00, v9;
	v17 =	vld [tilespmem:s9+$0x10]  }
0x5f4: {  	v8 =	vbroadcast v11, $0x5;
	v12 =	vmul.f32 v12, v21;
	v21 =	vmov s29;
	[tilespmem:s0+$0xFFFFFFC8] =	vst v14;
	v14 =	vld [tilespmem:s1+$0x0]  }
0x5f5: {  	v10 =	vadd.s32 v1, v10;
	v27 =	vand.u32 $0x3F, v21;
	(erf) = vpow2.f32 v9;
	v22 =	vld.idx.msk [tilespmem:v22+s10+$0x0], $0xffff  }
0x5f6: {  	v9 =	vbroadcast v4, $0x4;
	[tilespmem:s0+$0xFFFFFF88] =	vst v12;
	v12 =	vbroadcast v4, $0x0;
	v27 =	vadd.s32 $0x7A8, v27  }
0x5f7: {  	v5 =	vbroadcast v11, $0x7;
	v25 =	vshll.u32 v13, $0x10;
	v13 =	vand.u32 $0xFFFF0000, v13;
	v56 =	vld [tilespmem:s9+$0xFFFFFFD0]  }
0x5f8: {  	v9 =	vmul.f32 v13, v9;
	v13 =	vadd.f32 v19, v26;
	v12 =	vmul.f32 v25, v12  }
0x5f9: {  	v19 =	vshll.u32 v17, $0x10;
	v17 =	vand.u32 $0xFFFF0000, v17;
	v16 =	vmul.f32 v16, v2  }
0x5fa: {  	[tilespmem:s0+$0xC8] =	vst v9;
	v8 =	vmul.f32 v17, v8;
	v9 =	vadd.f32 v14, v18;
	v14 =	vmul.f32 v22, v2  }
0x5fb: {  	v25 =	vbroadcast v6, $0x2;
	[tilespmem:s0+$0x88] =	vst v12;
	v17 =	vld.idx.msk [tilespmem:v27+s10+$0x0], $0xffff;
	v12 =	vadd.f32 v13, v16;
	v16 =	vmul.f32 v19, v24  }
0x5fc: {  	v18 =	vld [tilespmem:s9+$0x60];
	v13 =	vshll.u32 v56, $0x10;
	[tilespmem:s0+$0x50] =	vst v8;
	v8 =	vbroadcast v11, $0x2;
	v9 =	vadd.f32 v9, v14  }
0x5fd: {  	v22 =	vand.u32 $0xFFFF0000, v56;
	v14 =	vbroadcast v6, $0x6;
	v19 =	vmul.f32 $2.000000030e-01, v12  }
0x5fe: {  	[tilespmem:s0+$0x10] =	vst v16;
	v16 =	vbroadcast v4, $0x1;
	vm13 =	vgt.f32 v12, $0.0e+00;
	v23 =	vpop (erf);
	v24 =	vmul.f32 $2.000000030e-01, v9  }
0x5ff: {  	[tilespmem:v7+s8+$0x0] =	vst.idx.msk $0xff, v23;
	v7 =	vmul.f32 v13, v25;
	v13 =	vld [tilespmem:s9+$0x20];
	v12 =	vsel vm13, v12, v19;
	vm14 =	vgt.f32 v9, $0.0e+00  }
0x600: {  	v14 =	vmul.f32 v22, v14;
	v17 =	vmul.f32 v17, v2;
	v12 =	vsub.f32 v12, v3  }
0x601: {  	v19 =	vld [tilespmem:s9+$0xFFFFFF60];
	v24 =	vsel vm14, v9, v24;
	v9 =	vbroadcast v11, $0x3;
	v11 =	vshll.u32 v18, $0x10;
	[tilespmem:s0+$0xFFFFFF98] =	vst v7  }
0x602: {  	v18 =	vand.u32 $0xFFFF0000, v18;
	[tilespmem:s0+$0xFFFFFFD8] =	vst v14;
	v14 =	vbroadcast v23, $0x0;
	v7 =	vmul.f32 $1.442695020e+00, v12  }
0x603: {  	v11 =	vmul.f32 v11, v16;
	v12 =	vadd.f32 v20, v17;
	v22 =	vsub.f32 v24, v3  }
0x604: {  	v16 =	vbroadcast v23, $0x4;
	v20 =	vand.u32 $0xFFFF0000, v13;
	(erf) = vpow2.f32 v7  }
0x605: {  	vm15 =	vgt.f32 v12, $0.0e+00;
	v24 =	vmul.f32 $2.000000030e-01, v12;
	v22 =	vmul.f32 $1.442695020e+00, v22  }
0x606: {  	v13 =	vshll.u32 v13, $0x10;
	[tilespmem:s0+$0x98] =	vst v11;
	v11 =	vbroadcast v6, $0x3;
	v7 =	vshll.u32 v19, $0x10  }
0x607: {  	v17 =	vld [tilespmem:s9+$0xFFFFFFE0];
	v6 =	vbroadcast v6, $0x7;
	v19 =	vand.u32 $0xFFFF0000, v19;
	v7 =	vmul.f32 v7, v14  }
0x608: {  	v12 =	vsel vm15, v12, v24;
	v14 =	vmul.f32 v19, v16;
	(erf) = vpow2.f32 v22  }
0x609: {  	s31 =	simm.s32 $0x4;
	v8 =	vmul.f32 v13, v8;
	v19 =	vbroadcast v4, $0x5;
	v12 =	vsub.f32 v12, v3;
	[tilespmem:s0+$0xFFFFFEF0] =	vst v7  }
0x60a: {  	v13 =	vmul.u32 $0x88, v15;
	[tilespmem:s0+$0xFFFFFF30] =	vst v14;
	v14 =	vmul.f32 v20, v57;
	v20 =	vmov s31  }
0x60b: {  	[tilespmem:s0+$0x20] =	vst v8;
	v16 =	vld [tilespmem:s9+$0xFFFFFF70];
	v22 =	vmul.f32 $1.442695020e+00, v12;
	v8 =	vand.u32 $0x3C, v20;
	v12 =	vmul.f32 v18, v19  }
0x60c: {  	v15 =	vand.u32 $0xFFFF0000, v17;
	v7 =	vbroadcast v4, $0x7;
	[tilespmem:s0+$0x60] =	vst v14;
	v14 =	vadd.s32 $0x7A8, v8  }
0x60d: {  	v13 =	vadd.s32 v1, v13;
	v15 =	vmul.f32 v15, v6;
	v18 =	vbroadcast v4, $0x6;
	[tilespmem:s0+$0xD8] =	vst v12  }
0x60e: {  	v19 =	vbroadcast v23, $0x5;
	v8 =	vshll.u32 v17, $0x10;
	v17 =	vbroadcast v23, $0x1;
	v25 =	vld [tilespmem:s9+$0x70];
	v6 =	vpop (erf)  }
0x60f: {  	v24 =	vmul.f32 v8, v11;
	(erf) = vpow2.f32 v22;
	v22 =	vld [tilespmem:s11+$0xFFFFFFA0];
	[tilespmem:v10+s8+$0x0] =	vst.idx.msk $0xff, v6  }
0x610: {  	v10 =	vshll.u32 v16, $0x10;
	v12 =	vand.u32 $0xFFFF0000, v16;
	v58 =	vbroadcast v6, $0x0;
	v26 =	vld [tilespmem:s11+$0xFFFFFFB0]  }
0x611: {  	v10 =	vmul.f32 v10, v17;
	v11 =	vmul.f32 v12, v19;
	v12 =	vmul.u32 $0x88, v20;
	v8 =	vpop (erf);
	v20 =	vld.idx.msk [tilespmem:v14+s10+$0x0], $0xffff  }
0x612: {  	v59 =	vbroadcast v6, $0x4;
	v19 =	vmul.u32 $0x88, v21;
	v21 =	vld [tilespmem:s1+$0xFFFFFFE0];
	v14 =	vbroadcast v4, $0x2;
	[tilespmem:v13+s8+$0x0] =	vst.idx.msk $0xff, v8  }
0x613: {  	v17 =	vbroadcast v23, $0x6;
	v60 =	vbroadcast v8, $0x0;
	v13 =	vld [tilespmem:s11+$0x0];
	[tilespmem:s0+$0xFFFFFF00] =	vst v10;
	v10 =	vshll.u32 v25, $0x10  }
0x614: {  	v27 =	vld [tilespmem:s9+$0x30];
	[tilespmem:s0+$0xFFFFFF40] =	vst v11;
	v11 =	vbroadcast v8, $0x5;
	v25 =	vand.u32 $0xFFFF0000, v25;
	v10 =	vmul.f32 v10, v14  }
0x615: {  	[tilespmem:s0+$0xFFFFFFE8] =	vst v15;
	v18 =	vmul.f32 v25, v18;
	v14 =	vbroadcast v23, $0x7;
	v61 =	vshll.u32 v26, $0x10  }
0x616: {  	v32 =	vld [tilespmem:s9+$0xFFFFFF80];
	v15 =	vand.u32 $0xFFFF0000, v26;
	v26 =	vadd.s32 v1, v19;
	[tilespmem:s0+$0xA8] =	vst v10;
	v20 =	vmul.f32 v20, v2  }
0x617: {  	v10 =	vadd.f32 v21, v22;
	v22 =	vbroadcast v8, $0x4;
	[tilespmem:s0+$0xE8] =	vst v18;
	v18 =	vbroadcast v6, $0x5  }
0x618: {  	v19 =	vmul.f32 v15, v59;
	v62 =	vshll.u32 v13, $0x10;
	v13 =	vand.u32 $0xFFFF0000, v13  }
0x619: {  	s3 =	simm.s32 $0x1BBC0;
	[tilespmem:s0+$0xFFFFFFA8] =	vst v24;
	v16 =	vshll.u32 v27, $0x10;
	v25 =	vmul.f32 v61, v58;
	v15 =	vbroadcast v23, $0x3  }
0x61a: {  	v23 =	vbroadcast v23, $0x2;
	v21 =	vadd.f32 v10, v20;
	[tilespmem:s3+$0xFFFFFFB8] =	vst v19;
	v24 =	vmul.f32 v13, v22  }
0x61b: {  	v10 =	vld [tilespmem:s9+$0x80];
	v63 =	vshll.u32 v32, $0x10;
	[tilespmem:s3+$0xFFFFFF78] =	vst v25;
	v22 =	vmul.f32 v62, v60;
	v25 =	vand.u32 $0xFFFF0000, v32;
	v13 =	vpop (erf)  }
0x61c: {  	s12 =	simm.s32 $0x8;
	s17 =	simm.s32 $0x176F0;
	v19 =	vbroadcast v6, $0x1;
	v20 =	vld [tilespmem:s11+$0xFFFFFFC0];
	[tilespmem:v26+s8+$0x0] =	vst.idx.msk $0xff, v13;
	v26 =	vmul.f32 v63, v23;
	v23 =	vand.u32 $0xFFFF0000, v27  }
.LBB2_17:
0x61d: {  	s20 =	sadd.s32 $0x1, s12;
	s22 =	sadd.s32 $0x2, s12;
	s23 =	sadd.s32 $0x3, s12;
	vm0 =	vgt.f32 v21, $0.0e+00;
	[tilespmem:s3+$0x40] =	vst v24;
	v24 =	vbroadcast v8, $0x1;
	v27 =	vld [tilespmem:s11+$0x50];
	v25 =	vmul.f32 v25, v17  }
0x61e: {  	p0 =	slt.u32 s12, $0x24;
	v30 =	vmul.f32 $2.000000030e-01, v21;
	v28 =	vmov s20;
	v17 =	vmov s22;
	v29 =	vld [tilespmem:s17+$0x40];
	[tilespmem:s0+$0xFFFFFF10] =	vst v26;
	s20 =	smov.u32 s12;
	s12 =	sadd.s32 $0x4, s12  }
0x61f: {  	v23 =	vmul.f32 v23, v5;
	v26 =	vand.u32 $0x3D, v28;
	v31 =	vand.u32 $0x3E, v17;
	[tilespmem:s0+$0xFFFFFF50] =	vst v25  }
0x620: {  	s1 =	sadd.s32 $0x40, s1;
	v9 =	vmul.f32 v16, v9;
	v25 =	vadd.s32 $0x7A8, v26;
	v26 =	vadd.s32 $0x7A8, v31;
	[tilespmem:s3+$0x0] =	vst v22;
	v22 =	vld [tilespmem:s9+$0xFFFFFF90];
	s9 =	smov.u32 s11;
	s11 =	smov.u32 s17  }
0x621: {  	v5 =	vbroadcast v8, $0x7;
	v16 =	vmul.u32 $0x88, v28;
	v28 =	vld [tilespmem:s1+$0x10];
	v31 =	vshll.u32 v20, $0x10;
	[tilespmem:s0+$0x70] =	vst v23  }
0x622: {  	v21 =	vsel vm0, v21, v30;
	v23 =	vmov s23;
	v20 =	vand.u32 $0xFFFF0000, v20;
	v32 =	vld [tilespmem:s17+$0x90];
	[tilespmem:s0+$0x30] =	vst v9  }
0x623: {  	v16 =	vadd.s32 v1, v16;
	v18 =	vmul.f32 v20, v18;
	v20 =	vshll.u32 v27, $0x10;
	v9 =	vld [tilespmem:s1+$0xFFFFFFF0]  }
0x624: {  	v21 =	vsub.f32 v21, v3;
	v19 =	vmul.f32 v31, v19;
	v31 =	vbroadcast v4, $0x3;
	v4 =	vmovc v13;
	v30 =	vld [tilespmem:s17+$0xFFFFFFF0]  }
0x625: {  	v35 =	vand.u32 $0xFFFF0000, v10;
	v33 =	vbroadcast v4, $0x4;
	v25 =	vld.idx.msk [tilespmem:v25+s10+$0x0], $0xffff;
	v34 =	vshll.u32 v22, $0x10  }
0x626: {  	v13 =	vmul.u32 $0x88, v23;
	v21 =	vmul.f32 $1.442695020e+00, v21;
	v22 =	vand.u32 $0xFFFF0000, v22;
	[tilespmem:s3+$0xFFFFFFC8] =	vst v18;
	v18 =	vld [tilespmem:s9+$0x10]  }
0x627: {  	v23 =	vand.u32 $0x3F, v23;
	v15 =	vmul.f32 v34, v15;
	v36 =	vld [tilespmem:s1+$0x0];
	[tilespmem:s3+$0xFFFFFF88] =	vst v19;
	v19 =	vbroadcast v4, $0x0  }
0x628: {  	v23 =	vadd.s32 $0x7A8, v23;
	v14 =	vmul.f32 v22, v14;
	v26 =	vld.idx.msk [tilespmem:v26+s10+$0x0], $0xffff;
	(erf) = vpow2.f32 v21  }
0x629: {  	v27 =	vand.u32 $0xFFFF0000, v27;
	v22 =	vbroadcast v8, $0x6;
	v21 =	vld [tilespmem:s9+$0xFFFFFFD0];
	v19 =	vmul.f32 v20, v19  }
0x62a: {  	v12 =	vadd.s32 v1, v12;
	v27 =	vmul.f32 v27, v33;
	v20 =	vbroadcast v6, $0x2;
	[tilespmem:s0+$0xFFFFFF20] =	vst v15  }
0x62b: {  	v9 =	vadd.f32 v9, v30;
	v15 =	vshll.u32 v18, $0x10;
	v18 =	vand.u32 $0xFFFF0000, v18;
	[tilespmem:s0+$0xFFFFFF60] =	vst v14  }
0x62c: {  	v10 =	vshll.u32 v10, $0x10;
	v14 =	vadd.f32 v28, v32;
	v11 =	vmul.f32 v18, v11;
	[tilespmem:s3+$0xC8] =	vst v27  }
0x62d: {  	v7 =	vmul.f32 v35, v7;
	v18 =	vmul.f32 v25, v2;
	v23 =	vld.idx.msk [tilespmem:v23+s10+$0x0], $0xffff;
	[tilespmem:s3+$0x88] =	vst v19  }
0x62e: {  	v19 =	vadd.f32 v36, v29;
	v25 =	vmul.f32 v26, v2;
	v26 =	vmul.f32 v10, v31;
	[tilespmem:s3+$0x50] =	vst v11  }
0x62f: {  	v15 =	vmul.f32 v15, v24;
	v9 =	vadd.f32 v9, v18;
	v11 =	vshll.u32 v21, $0x10;
	[tilespmem:s0+$0xF8] =	vst v7  }
0x630: {  	v18 =	vbroadcast v6, $0x6;
	v7 =	vadd.f32 v19, v25;
	v19 =	vbroadcast v8, $0x2;
	v24 =	vld [tilespmem:s9+$0x60];
	[tilespmem:s0+$0xB8] =	vst v26;
	s0 =	smov.u32 s3  }
0x631: {  	v21 =	vand.u32 $0xFFFF0000, v21;
	v25 =	vmul.f32 $2.000000030e-01, v9;
	[tilespmem:s3+$0x10] =	vst v15;
	v15 =	vbroadcast v4, $0x1;
	v10 =	vpop (erf)  }
0x632: {  	v11 =	vmul.f32 v11, v20;
	vm0 =	vgt.f32 v9, $0.0e+00;
	v26 =	vmul.f32 $2.000000030e-01, v7;
	[tilespmem:v12+s8+$0x0] =	vst.idx.msk $0xff, v10;
	v12 =	vld [tilespmem:s9+$0x20]  }
0x633: {  	v9 =	vsel vm0, v9, v25;
	vm0 =	vgt.f32 v7, $0.0e+00;
	v20 =	vmul.f32 v23, v2;
	v23 =	vld [tilespmem:s9+$0xFFFFFF60]  }
0x634: {  	v18 =	vmul.f32 v21, v18;
	v25 =	vsub.f32 v9, v3;
	v7 =	vsel vm0, v7, v26  }
0x635: {  	v9 =	vbroadcast v8, $0x3;
	[tilespmem:s3+$0xFFFFFF98] =	vst v11;
	v8 =	vshll.u32 v24, $0x10;
	v11 =	vand.u32 $0xFFFF0000, v24  }
0x636: {  	v14 =	vadd.f32 v14, v20;
	v21 =	vmul.f32 $1.442695020e+00, v25;
	[tilespmem:s3+$0xFFFFFFD8] =	vst v18;
	v8 =	vmul.f32 v8, v15  }
0x637: {  	v15 =	vbroadcast v10, $0x0;
	v18 =	vbroadcast v10, $0x4;
	v20 =	vld [tilespmem:s9+$0xFFFFFFE0];
	v24 =	vand.u32 $0xFFFF0000, v12  }
0x638: {  	v7 =	vsub.f32 v7, v3;
	(erf) = vpow2.f32 v21;
	v21 =	vshll.u32 v23, $0x10;
	[tilespmem:s3+$0x98] =	vst v8  }
0x639: {  	vm0 =	vgt.f32 v14, $0.0e+00;
	v8 =	vmul.f32 $2.000000030e-01, v14;
	v23 =	vand.u32 $0xFFFF0000, v23  }
0x63a: {  	v7 =	vmul.f32 $1.442695020e+00, v7;
	v12 =	vshll.u32 v12, $0x10;
	v15 =	vmul.f32 v21, v15  }
0x63b: {  	v12 =	vmul.f32 v12, v19;
	v8 =	vsel vm0, v14, v8;
	v14 =	vmul.f32 v23, v18  }
0x63c: {  	v17 =	vmul.u32 $0x88, v17;
	(erf) = vpow2.f32 v7;
	[tilespmem:s3+$0xFFFFFEF0] =	vst v15;
	v15 =	vand.u32 $0xFFFF0000, v20  }
0x63d: {  	v8 =	vsub.f32 v8, v3;
	v7 =	vbroadcast v4, $0x7;
	[tilespmem:s3+$0xFFFFFF30] =	vst v14;
	v14 =	vmul.f32 v24, v22  }
0x63e: {  	v17 =	vadd.s32 v1, v17;
	v19 =	vbroadcast v6, $0x3;
	v18 =	vld [tilespmem:s9+$0xFFFFFF70];
	[tilespmem:s3+$0x20] =	vst v12;
	v12 =	vbroadcast v4, $0x5  }
0x63f: {  	v21 =	vmov s20;
	v22 =	vmul.f32 $1.442695020e+00, v8;
	v8 =	vbroadcast v6, $0x7;
	[tilespmem:s3+$0x60] =	vst v14  }
0x640: {  	v24 =	vand.u32 $0x3C, v21;
	v14 =	vshll.u32 v20, $0x10;
	v23 =	vld [tilespmem:s9+$0x30];
	v11 =	vmul.f32 v11, v12  }
0x641: {  	v20 =	vadd.s32 $0x7A8, v24;
	v15 =	vmul.f32 v15, v8;
	v24 =	vbroadcast v4, $0x6;
	v6 =	vpop (erf)  }
0x642: {  	v28 =	vbroadcast v10, $0x1;
	v12 =	vmul.u32 $0x88, v21;
	v21 =	vbroadcast v10, $0x5;
	[tilespmem:s3+$0xD8] =	vst v11  }
0x643: {  	v14 =	vmul.f32 v14, v19;
	[tilespmem:v16+s8+$0x0] =	vst.idx.msk $0xff, v6;
	v11 =	vshll.u32 v18, $0x10;
	v16 =	vand.u32 $0xFFFF0000, v18;
	v18 =	vld [tilespmem:s9+$0x70]  }
0x644: {  	v19 =	vld [tilespmem:s17+$0xFFFFFFB0];
	v25 =	vmul.f32 v11, v28;
	v11 =	vmul.f32 v16, v21  }
0x645: {  	v26 =	vbroadcast v6, $0x0;
	v27 =	vbroadcast v6, $0x4;
	v21 =	vld [tilespmem:s1+$0xFFFFFFE0];
	v8 =	vpop (erf);
	[tilespmem:s3+$0xFFFFFFE8] =	vst v15;
	v16 =	vshll.u32 v23, $0x10  }
0x646: {  	v28 =	vadd.s32 v1, v13;
	v13 =	vbroadcast v4, $0x2;
	v20 =	vld.idx.msk [tilespmem:v20+s10+$0x0], $0xffff;
	(erf) = vpow2.f32 v22;
	[tilespmem:s3+$0xFFFFFF40] =	vst v11  }
0x647: {  	v11 =	vbroadcast v8, $0x5;
	v22 =	vld [tilespmem:s17+$0xFFFFFFA0];
	[tilespmem:v17+s8+$0x0] =	vst.idx.msk $0xff, v8;
	v17 =	vbroadcast v10, $0x6  }
0x648: {  	v30 =	vbroadcast v8, $0x0;
	s3 =	sadd.s32 $0x220, s3;
	v29 =	vld [tilespmem:s17+$0x0];
	[tilespmem:s0+$0xFFFFFF00] =	vst v25;
	v15 =	vshll.u32 v18, $0x10;
	v18 =	vand.u32 $0xFFFF0000, v18  }
0x649: {  	v25 =	vshll.u32 v19, $0x10;
	v31 =	vld [tilespmem:s9+$0xFFFFFF80];
	[tilespmem:s0+$0xFFFFFFA8] =	vst v14;
	v13 =	vmul.f32 v15, v13;
	v18 =	vmul.f32 v18, v24  }
0x64a: {  	v15 =	vand.u32 $0xFFFF0000, v19;
	v14 =	vbroadcast v10, $0x7;
	v19 =	vmul.f32 v25, v26  }
0x64b: {  	v24 =	vmul.f32 v15, v27;
	v15 =	vbroadcast v10, $0x3;
	[tilespmem:s0+$0xA8] =	vst v13  }
.Ltmp7:
0x64c: {  	v20 =	vmul.f32 v20, v2;
	v32 =	vadd.f32 v21, v22;
	v22 =	vbroadcast v8, $0x4;
	[tilespmem:s0+$0xE8] =	vst v18;
	(pc) =	sbr.rel @p0 .LBB2_17-.Ltmp7, $4  }
0x64d: {  	v26 =	vbroadcast v10, $0x2;
	[tilespmem:s3+$0xFFFFFFB8] =	vst v24;
	v25 =	vshll.u32 v29, $0x10;
	v18 =	vand.u32 $0xFFFF0000, v29;
	v10 =	vld [tilespmem:s9+$0x80]  }
0x64e: {  	v21 =	vadd.f32 v32, v20;
	[tilespmem:s3+$0xFFFFFF78] =	vst v19;
	v24 =	vmul.f32 v18, v22;
	v27 =	vshll.u32 v31, $0x10  }
0x64f: {  	v18 =	vbroadcast v6, $0x5;
	v22 =	vmul.f32 v25, v30;
	v25 =	vand.u32 $0xFFFF0000, v31;
	v13 =	vpop (erf)  }
0x650: {  	v23 =	vand.u32 $0xFFFF0000, v23;
	s17 =	sadd.s32 $0x140, s17;
	v19 =	vbroadcast v6, $0x1;
	v26 =	vmul.f32 v27, v26;
	v20 =	vld [tilespmem:s11+$0xFFFFFFC0];
	[tilespmem:v28+s8+$0x0] =	vst.idx.msk $0xff, v13  }
0x651: {  	v27 =	vmul.f32 $2.000000030e-01, v21  }
0x652: {  	vm0 =	vgt.f32 v21, $0.0e+00  }
0x653: {  	v21 =	vsel vm0, v21, v27  }
0x654: {  	v21 =	vsub.f32 v21, v3;
	_ =	sdelay $0x1  }
0x655: {  	v21 =	vmul.f32 $1.442695020e+00, v21;
	_ =	sdelay $0x1  }
0x656: {  	(erf) = vpow2.f32 v21;
	_ =	sdelay $0x4  }
0x657: {  	v44 =	vadd.s32 v1, v12;
	_ =	sdelay $0x3  }
0x658: {  	v45 =	vld [tilespmem:s11+$0x50];
	v12 =	vpop (erf)  }
0x659: {  	[tilespmem:v44+s8+$0x0] =	vst.idx.msk $0xff, v12  }
0x65a: {  	v21 =	vld [tilespmem:s11+$0xFFFFFF60];
	_ =	sdelay $0x1  }
0x65b: {  	[tilespmem:s3+$0x40] =	vst v24;
	v17 =	vmul.f32 v25, v17;
	v49 =	vbroadcast v13, $0x4  }
0x65c: {  	[tilespmem:s3+$0x0] =	vst v22;
	v50 =	vbroadcast v13, $0x0;
	v5 =	vmul.f32 v23, v5;
	v51 =	vand.u32 $0xFFFF0000, v45  }
0x65d: {  	[tilespmem:s0+$0xFFFFFF50] =	vst v17;
	v52 =	vshll.u32 v45, $0x10;
	v17 =	vmul.f32 v51, v49;
	v46 =	vbroadcast v12, $0x0  }
0x65e: {  	v53 =	vld [tilespmem:s11+$0x10];
	[tilespmem:s0+$0x70] =	vst v5;
	v22 =	vmul.f32 v52, v50;
	v47 =	vbroadcast v12, $0x4;
	v48 =	vshll.u32 v21, $0x10  }
0x65f: {  	[tilespmem:s3+$0xC8] =	vst v17;
	v21 =	vand.u32 $0xFFFF0000, v21;
	v24 =	vmul.f32 v48, v46  }
0x660: {  	v55 =	vand.u32 $0xFFFF0000, v20;
	[tilespmem:s3+$0x88] =	vst v22;
	v21 =	vmul.f32 v21, v47  }
0x661: {  	v5 =	vmul.f32 v55, v18;
	v57 =	vld [tilespmem:s11+$0x60];
	[tilespmem:s3+$0xFFFFFEF0] =	vst v24  }
0x662: {  	v58 =	vbroadcast v8, $0x1;
	v56 =	vshll.u32 v20, $0x10;
	[tilespmem:s3+$0xFFFFFF30] =	vst v21  }
0x663: {  	v59 =	vmul.f32 v56, v19;
	[tilespmem:s3+$0xFFFFFFC8] =	vst v5;
	v5 =	vshll.u32 v53, $0x10;
	v54 =	vld [tilespmem:s11+$0xFFFFFF70]  }
0x664: {  	[tilespmem:s0+$0xFFFFFF10] =	vst v26;
	v60 =	vand.u32 $0xFFFF0000, v53;
	v5 =	vmul.f32 v5, v58  }
0x665: {  	v26 =	vbroadcast v13, $0x1;
	v11 =	vmul.f32 v60, v11;
	[tilespmem:s3+$0xFFFFFF88] =	vst v59  }
0x666: {  	v9 =	vmul.f32 v16, v9;
	v27 =	vbroadcast v13, $0x5;
	v61 =	vld [tilespmem:s9+$0xFFFFFF90];
	[tilespmem:s3+$0x10] =	vst v5;
	v5 =	vshll.u32 v57, $0x10  }
0x667: {  	v25 =	vld [tilespmem:s11+$0xFFFFFFD0];
	[tilespmem:s3+$0x50] =	vst v11;
	v16 =	vand.u32 $0xFFFF0000, v57;
	v5 =	vmul.f32 v5, v26;
	v62 =	vbroadcast v12, $0x5  }
0x668: {  	[tilespmem:s0+$0x30] =	vst v9;
	v28 =	vld [tilespmem:s11+$0x20];
	v16 =	vmul.f32 v16, v27;
	v63 =	vbroadcast v12, $0x1;
	v24 =	vand.u32 $0xFFFF0000, v54  }
0x669: {  	[tilespmem:s3+$0x98] =	vst v5;
	v17 =	vshll.u32 v54, $0x10;
	v18 =	vmul.f32 v24, v62  }
0x66a: {  	[tilespmem:s3+$0xD8] =	vst v16;
	v9 =	vmul.f32 v17, v63  }
0x66b: {  	v31 =	vbroadcast v6, $0x2;
	v33 =	vbroadcast v6, $0x6;
	v29 =	vshll.u32 v61, $0x10;
	v36 =	vld [tilespmem:s11+$0x70];
	[tilespmem:s3+$0xFFFFFF40] =	vst v18  }
0x66c: {  	v34 =	vbroadcast v8, $0x2;
	v11 =	vmul.f32 v29, v15;
	v35 =	vand.u32 $0xFFFF0000, v25;
	[tilespmem:s3+$0xFFFFFF00] =	vst v9  }
0x66d: {  	v37 =	vbroadcast v8, $0x6;
	v38 =	vmul.f32 v35, v33;
	v39 =	vshll.u32 v28, $0x10;
	v5 =	vld [tilespmem:s11+$0xFFFFFF80]  }
0x66e: {  	v30 =	vand.u32 $0xFFFF0000, v61;
	[tilespmem:s0+$0xFFFFFF20] =	vst v11;
	v40 =	vand.u32 $0xFFFF0000, v28;
	v11 =	vmul.f32 v39, v34  }
0x66f: {  	v32 =	vshll.u32 v25, $0x10;
	[tilespmem:s3+$0xFFFFFFD8] =	vst v38;
	v42 =	vmul.f32 v40, v37;
	v46 =	vbroadcast v13, $0x2  }
0x670: {  	[tilespmem:s3+$0x20] =	vst v11;
	v48 =	vshll.u32 v36, $0x10;
	v9 =	vmul.f32 v30, v14;
	v14 =	vmul.f32 v32, v31  }
0x671: {  	v41 =	vbroadcast v12, $0x2;
	[tilespmem:s3+$0x60] =	vst v42;
	v11 =	vmul.f32 v48, v46  }
0x672: {  	v43 =	vbroadcast v12, $0x6;
	[tilespmem:s3+$0xFFFFFF98] =	vst v14;
	v44 =	vshll.u32 v5, $0x10  }
0x673: {  	v47 =	vbroadcast v13, $0x6;
	[tilespmem:s3+$0xA8] =	vst v11;
	v45 =	vld [tilespmem:s11+$0xFFFFFFE0];
	v5 =	vand.u32 $0xFFFF0000, v5;
	v16 =	vmul.f32 v44, v41  }
0x674: {  	v49 =	vld [tilespmem:s11+$0x30];
	v15 =	vand.u32 $0xFFFF0000, v36;
	[tilespmem:s0+$0xFFFFFF60] =	vst v9;
	v5 =	vmul.f32 v5, v43  }
0x675: {  	v9 =	vmul.f32 v15, v47;
	[tilespmem:s3+$0xFFFFFF10] =	vst v16  }
0x676: {  	v4 =	vbroadcast v4, $0x3;
	v50 =	vand.u32 $0xFFFF0000, v10;
	[tilespmem:s3+$0xFFFFFF50] =	vst v5  }
0x677: {  	v51 =	vbroadcast v6, $0x7;
	v7 =	vmul.f32 v50, v7;
	[tilespmem:s3+$0xE8] =	vst v9;
	v5 =	vshll.u32 v10, $0x10;
	v52 =	vld [tilespmem:s11+$0xFFFFFF90]  }
0x678: {  	v54 =	vbroadcast v8, $0x7;
	v56 =	vld [tilespmem:s11+$0x80];
	v4 =	vmul.f32 v5, v4;
	v5 =	vand.u32 $0xFFFF0000, v45  }
0x679: {  	v53 =	vbroadcast v6, $0x3;
	[tilespmem:s0+$0xF8] =	vst v7;
	v57 =	vand.u32 $0xFFFF0000, v49;
	v5 =	vmul.f32 v5, v51  }
0x67a: {  	v7 =	vmul.f32 v57, v54;
	v55 =	vshll.u32 v45, $0x10;
	[tilespmem:s0+$0xB8] =	vst v4;
	v4 =	vbroadcast v8, $0x3  }
0x67b: {  	v58 =	vbroadcast v12, $0x3;
	v6 =	vmul.f32 v55, v53;
	[tilespmem:s3+$0xFFFFFFE8] =	vst v5;
	v5 =	vshll.u32 v49, $0x10  }
0x67c: {  	v60 =	vbroadcast v13, $0x7;
	[tilespmem:s3+$0x70] =	vst v7;
	v4 =	vmul.f32 v5, v4;
	v5 =	vshll.u32 v52, $0x10  }
0x67d: {  	v59 =	vbroadcast v12, $0x7;
	v62 =	vand.u32 $0xFFFF0000, v56;
	[tilespmem:s3+$0xFFFFFFA8] =	vst v6;
	v5 =	vmul.f32 v5, v58  }
0x67e: {  	v63 =	vmul.f32 v62, v60;
	v61 =	vand.u32 $0xFFFF0000, v52;
	[tilespmem:s3+$0x30] =	vst v4;
	v4 =	vbroadcast v13, $0x3  }
0x67f: {  	v6 =	vmul.f32 v61, v59;
	[tilespmem:s3+$0xFFFFFF20] =	vst v5;
	v5 =	vshll.u32 v56, $0x10  }
0x680: {  	[tilespmem:s3+$0xF8] =	vst v63;
	v4 =	vmul.f32 v5, v4  }
0x681: {  	[tilespmem:s3+$0xFFFFFF60] =	vst v6  }
0x682: {  	[tilespmem:s3+$0xB8] =	vst v4  }
0x683: {  	s1 =	sld [smem:$0x7F2];
	_ =	sdelay $0x2  }
0x684: {  	s1 =	sadd.s32 $0x1, s1  }
0x685: {  	p0 =	sne.s32 s1, $0x5  }
.Ltmp8:
0x686: {  	_ = 	snop;
	(pc) =	sbr.rel @p0 .LBB2_4-.Ltmp8, $3  }
0x687: {  	_ =	sdelay $0x1  }
0x688: {  	s31 =	simm.s32 $0x15F58  }
0x689: {  	[spmem:s21] =	stream.indirect.scatter.add.f32 [tilespmem:s8], [sflag:$0xA], $0x88, s31, s24, $0xb8;
	[tilespmem:$0x1CDD0] =	vst v63  }
0x68a: {  	_ =	swait.ge [sflag:s14], $0x1540  }
0x68b: {  	[sflag:s14] =	ssyncset.done $0x0  }
0x68c: {  	[sflag:s14] =	ssyncadd.s32 $0xFFFFEAC0  }
0x68d: {  	_ =	swait.ge [sflag:s15], $0x1540  }
0x68e: {  	[sflag:s15] =	ssyncset.done $0x0  }
0x68f: {  	[sflag:s15] =	ssyncadd.s32 $0xFFFFEAC0  }
0x690: {  	s0 =	stileid.u32;
	[bflag:$0x0] =	sbarrier.arrive $0xFFFF  }
0x691: {  	s0 =	sshll.u32 s0, $0x6;
	s23 =	rddreg [dreg:$0x17]  }
0x692: {  	s1 =	sor.u32 $0x1C09, s0;
	s9 =	rddreg [dreg:$0x7];
	s3 =	sshrl.u32 s23, $0x3  }
0x693: {  	[hbm:s9], [sflag:s1] =	dma.local [spmem:s3], $0x2A8  }
0x694: {  	s3 =	rddreg [dreg:$0x18]  }
0x695: {  	s9 =	rddreg [dreg:$0x8];
	s3 =	sshrl.u32 s3, $0x3  }
0x696: {  	[hbm:s9], [sflag:s1] =	dma.local [spmem:s3], $0x2A8  }
0x697: {  	s3 =	rddreg [dreg:$0x19]  }
0x698: {  	s9 =	rddreg [dreg:$0x9];
	s3 =	sshrl.u32 s3, $0x3  }
0x699: {  	[hbm:s9], [sflag:s1] =	dma.local [spmem:s3], $0x2A8  }
0x69a: {  	s3 =	rddreg [dreg:$0x1a]  }
0x69b: {  	s9 =	rddreg [dreg:$0xa];
	s3 =	sshrl.u32 s3, $0x3  }
0x69c: {  	[hbm:s9], [sflag:s1] =	dma.local [spmem:s3], $0x2A8  }
0x69d: {  	s3 =	rddreg [dreg:$0x1b]  }
0x69e: {  	s9 =	rddreg [dreg:$0xb];
	s3 =	sshrl.u32 s3, $0x3  }
0x69f: {  	[hbm:s9], [sflag:s1] =	dma.local [spmem:s3], $0x2A8  }
0x6a0: {  	s3 =	rddreg [dreg:$0x1c]  }
0x6a1: {  	s9 =	rddreg [dreg:$0xc];
	s3 =	sshrl.u32 s3, $0x3  }
0x6a2: {  	[hbm:s9], [sflag:s1] =	dma.local [spmem:s3], $0x2A8  }
0x6a3: {  	s3 =	rddreg [dreg:$0x1d]  }
0x6a4: {  	s9 =	rddreg [dreg:$0xd];
	s3 =	sshrl.u32 s3, $0x3  }
0x6a5: {  	[hbm:s9], [sflag:s1] =	dma.local [spmem:s3], $0x2A8  }
0x6a6: {  	s3 =	rddreg [dreg:$0x1e]  }
0x6a7: {  	s9 =	rddreg [dreg:$0xe];
	s3 =	sshrl.u32 s3, $0x3  }
0x6a8: {  	[hbm:s9], [sflag:s1] =	dma.local [spmem:s3], $0x2A8  }
0x6a9: {  	s11 =	rddreg [dreg:$0x1f]  }
0x6aa: {  	s9 =	rddreg [dreg:$0xf];
	s17 =	sshrl.u32 s11, $0x3  }
0x6ab: {  	[hbm:s9], [sflag:s1] =	dma.local [spmem:s17], $0x2A8  }
0x6ac: {  	s12 =	sld [smem:$0x7FA];
	_ =	sdelay $0x2  }
0x6ad: {  	s9 =	rddreg [dreg:$0x10];
	s20 =	sshrl.u32 s12, $0x3  }
0x6ae: {  	[hbm:s9], [sflag:s1] =	dma.local [spmem:s20], $0x2A8  }
0x6af: {  	s3 =	sld [smem:$0x7F3];
	_ =	sdelay $0x2  }
0x6b0: {  	s9 =	rddreg [dreg:$0x11];
	s3 =	sshrl.u32 s3, $0x3  }
0x6b1: {  	[hbm:s9], [sflag:s1] =	dma.local [spmem:s3], $0x2A8  }
0x6b2: {  	s17 =	sld [smem:$0x7FB];
	_ =	sdelay $0x2  }
0x6b3: {  	s9 =	rddreg [dreg:$0x12];
	s22 =	sshrl.u32 s17, $0x3  }
0x6b4: {  	[hbm:s9], [sflag:s1] =	dma.local [spmem:s22], $0x2A8  }
0x6b5: {  	s3 =	sld [smem:$0x7F4];
	_ =	sdelay $0x2  }
0x6b6: {  	s9 =	rddreg [dreg:$0x13];
	s3 =	sshrl.u32 s3, $0x3  }
0x6b7: {  	[hbm:s9], [sflag:s1] =	dma.local [spmem:s3], $0x2A8  }
0x6b8: {  	s3 =	sld [smem:$0x7F5];
	_ =	sdelay $0x2  }
0x6b9: {  	s9 =	rddreg [dreg:$0x14];
	s3 =	sshrl.u32 s3, $0x3  }
0x6ba: {  	[hbm:s9], [sflag:s1] =	dma.local [spmem:s3], $0x2A8  }
0x6bb: {  	s20 =	sld [smem:$0x7FC];
	_ =	sdelay $0x2  }
0x6bc: {  	s9 =	rddreg [dreg:$0x15];
	s25 =	sshrl.u32 s20, $0x3  }
0x6bd: {  	[hbm:s9], [sflag:s1] =	dma.local [spmem:s25], $0x2A8  }
0x6be: {  	s9 =	sld [smem:$0x7FD];
	_ =	sdelay $0x2  }
0x6bf: {  	s0 =	sor.u32 $0x1C0A, s0;
	s3 =	rddreg [dreg:$0x16];
	s26 =	sshrl.u32 s9, $0x3  }
0x6c0: {  	[hbm:s3], [sflag:s0] =	dma.local [spmem:s26], $0x220  }
0x6c1: {  	_ =	swait.ge [sflag:s14], $0x2A8  }
0x6c2: {  	[sflag:s14] =	ssyncset.done $0x0  }
0x6c3: {  	[sflag:s14] =	ssyncadd.s32 $0xFFFFFD58  }
0x6c4: {  	_ =	swait.ge [sflag:s14], $0x2A8  }
0x6c5: {  	[sflag:s14] =	ssyncset.done $0x0  }
0x6c6: {  	[sflag:s14] =	ssyncadd.s32 $0xFFFFFD58  }
0x6c7: {  	_ =	swait.ge [sflag:s14], $0x2A8  }
0x6c8: {  	[sflag:s14] =	ssyncset.done $0x0  }
0x6c9: {  	[sflag:s14] =	ssyncadd.s32 $0xFFFFFD58  }
0x6ca: {  	_ =	swait.ge [sflag:s14], $0x2A8  }
0x6cb: {  	[sflag:s14] =	ssyncset.done $0x0  }
0x6cc: {  	[sflag:s14] =	ssyncadd.s32 $0xFFFFFD58  }
0x6cd: {  	_ =	swait.ge [sflag:s14], $0x2A8  }
0x6ce: {  	[sflag:s14] =	ssyncset.done $0x0  }
0x6cf: {  	[sflag:s14] =	ssyncadd.s32 $0xFFFFFD58  }
0x6d0: {  	_ =	swait.ge [sflag:s14], $0x2A8  }
0x6d1: {  	[sflag:s14] =	ssyncset.done $0x0  }
0x6d2: {  	[sflag:s14] =	ssyncadd.s32 $0xFFFFFD58  }
0x6d3: {  	_ =	swait.ge [sflag:s14], $0x2A8  }
0x6d4: {  	[sflag:s14] =	ssyncset.done $0x0  }
0x6d5: {  	[sflag:s14] =	ssyncadd.s32 $0xFFFFFD58  }
0x6d6: {  	_ =	swait.ge [sflag:s14], $0x2A8  }
0x6d7: {  	[sflag:s14] =	ssyncset.done $0x0  }
0x6d8: {  	[sflag:s14] =	ssyncadd.s32 $0xFFFFFD58  }
0x6d9: {  	_ =	swait.ge [sflag:s14], $0x2A8  }
0x6da: {  	[sflag:s14] =	ssyncset.done $0x0  }
0x6db: {  	[sflag:s14] =	ssyncadd.s32 $0xFFFFFD58  }
0x6dc: {  	_ =	swait.ge [sflag:s14], $0x2A8  }
0x6dd: {  	[sflag:s14] =	ssyncset.done $0x0  }
0x6de: {  	[sflag:s14] =	ssyncadd.s32 $0xFFFFFD58  }
0x6df: {  	_ =	swait.ge [sflag:s14], $0x2A8  }
0x6e0: {  	[sflag:s14] =	ssyncset.done $0x0  }
0x6e1: {  	[sflag:s14] =	ssyncadd.s32 $0xFFFFFD58  }
0x6e2: {  	_ =	swait.ge [sflag:s14], $0x2A8  }
0x6e3: {  	[sflag:s14] =	ssyncset.done $0x0  }
0x6e4: {  	[sflag:s14] =	ssyncadd.s32 $0xFFFFFD58  }
0x6e5: {  	_ =	swait.ge [sflag:s14], $0x2A8  }
0x6e6: {  	[sflag:s14] =	ssyncset.done $0x0  }
0x6e7: {  	[sflag:s14] =	ssyncadd.s32 $0xFFFFFD58  }
0x6e8: {  	_ =	swait.ge [sflag:s14], $0x2A8  }
0x6e9: {  	[sflag:s14] =	ssyncset.done $0x0  }
0x6ea: {  	[sflag:s14] =	ssyncadd.s32 $0xFFFFFD58  }
0x6eb: {  	_ =	swait.ge [sflag:s14], $0x2A8  }
0x6ec: {  	[sflag:s14] =	ssyncset.done $0x0  }
0x6ed: {  	[sflag:s14] =	ssyncadd.s32 $0xFFFFFD58  }
0x6ee: {  	_ =	swait.ge [sflag:s15], $0x220  }
0x6ef: {  	s31 =	sld [smem:$0x7F7]  }
0x6f0: {  	s29 =	rddreg [dreg:$0x6]  }
0x6f1: {  	s0 =	sadd.s32 $0x1, s29  }
0x6f2: {  	p0 =	sne.s32 s0, s31  }
.Ltmp9:
0x6f3: {  	_ = 	snop;
	(pc) =	sbr.rel @p0 .LBB2_1-.Ltmp9, $3  }
0x6f4: {  	_ =	sdelay $0x1  }
0x6f5: {  	[sflag:s15] =	ssyncset.done $0x0  }
0x6f6: {  	[sflag:s15] =	ssyncadd.s32 $0xFFFFFDE0;
	[dreg:$0x6] =	wrdreg s0  }
0x6f7: {  	_ =	sfence.sel $0x180000  }
0x6f8: {  	[bflag:$0x0] =	sbarrier.arrive $0xFFFF  }
0x6f9: {  	_ =	strace $0x90000047  }
0x6fa: {  	s0 =	stileid.u32;
	[bflag:$0x2] =	sbarrier.arrive $0xFFFF  }
0x6fb: {  	p0 =	sne.s32 s0, $0x0;
	s0 =	rddreg [dreg:$0x5]  }
0x6fc: {  	s0 =	sadd.s32 @!p0 $0x100000, s0  }
0x6fd: {  	[sflag:s0] =	ssyncadd.tile.s32 @!p0 $0x1;
	_ =	shalt  }
.Lfunc_end2:
_tile_overlayer_lowered:
.L_overlay_start_2:
0x6fe: {  	(tag) =	ssettag $0x2  }
0x6ff: {  	s0 =	rddreg [dreg:$0x0];
	s2 =	stileid.u32  }
0x700: {  	s1 =	rddreg [dreg:$0x1];
	p0 =	sne.s32 s2, $0x0  }
0x701: {  	s3 =	rddreg [dreg:$0x2];
	[bflag:$0x3] =	sbarrier.arrive $0xFFFF;
	s2 =	simm.s32 @!p0 $0x1C0B  }
0x702: {  	[timem:s3], [sflag:s2] =	dma.local @!p0 [hbm:s0], s1  }
0x703: {  	s0 =	simm.s32 @!p0 $0xB  }
0x704: {  	_ =	swait.ge @!p0 [sflag:s0], s1  }
0x705: {  	s1 =	ssub.s32 @!p0 $0x0, s1;
	[sflag:s0] =	ssyncset.done @!p0 $0x0  }
0x706: {  	[sflag:s0] =	ssyncadd.s32 @!p0 s1  }
0x707: {  	[bflag:$0x3] =	sbarrier.arrive $0xFFFF  }
0x708: {  	_ =	shalt  }

</sc_bundles>
